<compile_context>
chip_gen: v7x
topology: tpu7x:2x2x1
jax: 0.10.2.dev20260603
libtpu: 0.0.44.dev20260713+nightly
codegen_flags: <defaults>
</compile_context>

<pallas_src>
import dataclasses
import functools

import jax
import jax.numpy as jnp
from jax import lax
from jax.experimental import pallas as pl
from jax.experimental.pallas import tpu as pltpu
from jax.experimental.pallas import tpu_sc as plsc

NN = 50000
FF = 128
HH = 128
LL = 64
EE = 800000
ZF = 1000000
AL = 0.1
IT = 10

NSUB = 16
HALF = LL // 2
QROWS = NN // 4
QFLAT = QROWS * FF

F_ROWS = 8192
E_ROWS = 6400
F_CHUNKS = F_ROWS // 16
FKT = F_CHUNKS // NSUB
CH = 320
E_CHUNKS = E_ROWS * 128 // CH
KTILE = E_CHUNKS // NSUB

BR = 200
BZ = 100


def _sc_mesh():
    return plsc.VectorSubcoreMesh(core_axis_name="c", subcore_axis_name="s")


def _sc_params():
    cp = pltpu.CompilerParams()
    if "needs_layout_passes" in pltpu.CompilerParams.__dataclass_fields__:
        cp = dataclasses.replace(cp, needs_layout_passes=False)
    if "use_tc_tiling_on_sc" in pltpu.CompilerParams.__dataclass_fields__:
        cp = dataclasses.replace(cp, use_tc_tiling_on_sc=False)
    return cp


def _densify(frow, fcol, fval):
    @functools.partial(
        pl.kernel,
        out_type=jax.ShapeDtypeStruct((NN * FF,), jnp.float32),
        mesh=_sc_mesh(),
        scratch_types=[
            pltpu.VMEM((16, 128), jnp.int32),
            pltpu.VMEM((16, 128), jnp.int32),
            pltpu.VMEM((16, 128), jnp.float32),
            pltpu.VMEM((16, 128), jnp.int32),
            pltpu.VMEM((16, 128), jnp.int32),
            pltpu.VMEM((16, 128), jnp.float32),
            pltpu.VMEM((5000,), jnp.float32),
            pltpu.VMEM((5000,), jnp.float32),
            pltpu.VMEM_SHARED((QFLAT + 128,), jnp.float32),
            pltpu.SemaphoreType.DMA,
            pltpu.SemaphoreType.DMA,
            pltpu.SemaphoreType.DMA,
            pltpu.SemaphoreType.DMA,
        ],
    )
    def k(frow_hbm, fcol_hbm, fval_hbm, x_hbm,
          rb0, cb0, vb0, rb1, cb1, vb1, stage, stage2, acc,
          ds0, ds1, sc0, sc1):
        c = lax.axis_index("c")
        s = lax.axis_index("s")

        @pl.loop(0, 5000, step=16)
        def _zstage(i):
            stage[pl.ds(i, 16)] = jnp.zeros((16,), jnp.float32)

        def load(j, rbx, cbx, vbx, dsx):
            roff = j * 16
            pltpu.async_copy(frow_hbm.at[pl.ds(roff, 16)], rbx, dsx)
            pltpu.async_copy(fcol_hbm.at[pl.ds(roff, 16)], cbx, dsx)
            pltpu.async_copy(fval_hbm.at[pl.ds(roff, 16)], vbx, dsx)

        def wait_load(rbx, cbx, vbx, dsx):
            pltpu.make_async_copy(
                frow_hbm.at[pl.ds(0, 16)], rbx, dsx).wait()
            pltpu.make_async_copy(
                fcol_hbm.at[pl.ds(0, 16)], cbx, dsx).wait()
            pltpu.make_async_copy(
                fval_hbm.at[pl.ds(0, 16)], vbx, dsx).wait()

        def compute_idx(rbx, cbx, base):
            @pl.loop(0, 16)
            def _row(i):
                @pl.loop(0, 128, step=16)
                def _lane(l):
                    r = rbx[i, pl.ds(l, 16)]
                    cc = cbx[i, pl.ds(l, 16)]
                    rel = r - base
                    ok = (rel >= 0) & (rel < QROWS)
                    rbx[i, pl.ds(l, 16)] = jnp.where(
                        ok, rel * FF + cc, QFLAT + cc)

        def fire_scatter(rbx, vbx, scx):
            for t in range(16):
                pltpu.async_copy(vbx.at[t], acc.at[rbx.at[t]], scx, add=True)

        def drain_scatter(rbx, vbx, scx):
            for t in range(16):
                pltpu.make_async_copy(
                    vbx.at[t], acc.at[rbx.at[t]], scx).wait()

        @pl.loop(0, 2)
        def _pass(p):
            q = 2 * c + p
            base = q * QROWS
            kt = s * FKT

            @pl.loop(0, 20)
            def _z(i):
                pltpu.sync_copy(
                    stage, acc.at[pl.ds(s * 100000 + i * 5000, 5000)])

            plsc.subcore_barrier()

            load(kt, rb0, cb0, vb0, ds0)
            load(kt + 1, rb1, cb1, vb1, ds1)

            @pl.loop(0, FKT // 2)
            def _pairf(g):
                c0 = kt + 2 * g
                wait_load(rb0, cb0, vb0, ds0)
                compute_idx(rb0, cb0, base)
                fire_scatter(rb0, vb0, sc0)
                wait_load(rb1, cb1, vb1, ds1)
                compute_idx(rb1, cb1, base)
                fire_scatter(rb1, vb1, sc1)

                @pl.when(g < FKT // 2 - 1)
                def _prepf():
                    drain_scatter(rb0, vb0, sc0)
                    load(c0 + 2, rb0, cb0, vb0, ds0)
                    drain_scatter(rb1, vb1, sc1)
                    load(c0 + 3, rb1, cb1, vb1, ds1)

            drain_scatter(rb0, vb0, sc0)
            drain_scatter(rb1, vb1, sc1)

            plsc.subcore_barrier()

            @pl.loop(0, 20)
            def _out(i):
                off = s * 100000 + i * 5000
                pltpu.sync_copy(acc.at[pl.ds(off, 5000)], stage2)
                pltpu.sync_copy(stage2,
                                x_hbm.at[pl.ds(q * QFLAT + off, 5000)])

    return k(frow, fcol, fval)


def _mlp(x, w1, b1, w2, b2):
    bm = 2000
    grid = (NN // bm,)

    def body(x_ref, w1_ref, b1_ref, w2_ref, b2_ref, z0_ref, z1_ref):
        h = lax.dot_general(
            x_ref[...].astype(jnp.float32), w1_ref[...],
            (((1,), (0,)), ((), ())),
            precision=lax.Precision.HIGHEST,
            preferred_element_type=jnp.float32)
        h = jnp.maximum(h + b1_ref[...], 0.0)
        z = lax.dot_general(
            h, w2_ref[...], (((1,), (0,)), ((), ())),
            precision=lax.Precision.HIGHEST,
            preferred_element_type=jnp.float32) + b2_ref[...]
        z0_ref[...] = z[:, :HALF].astype(jnp.bfloat16)
        z1_ref[...] = z[:, HALF:].astype(jnp.bfloat16)

    return pl.pallas_call(
        body,
        grid=grid,
        in_specs=[
            pl.BlockSpec((bm, FF), lambda i: (i, 0)),
            pl.BlockSpec((FF, HH), lambda i: (0, 0)),
            pl.BlockSpec((1, HH), lambda i: (0, 0)),
            pl.BlockSpec((HH, LL), lambda i: (0, 0)),
            pl.BlockSpec((1, LL), lambda i: (0, 0)),
        ],
        out_specs=[
            pl.BlockSpec((bm, HALF), lambda i: (i, 0)),
            pl.BlockSpec((bm, HALF), lambda i: (i, 0)),
        ],
        out_shape=[
            jax.ShapeDtypeStruct((NN, HALF), jnp.bfloat16),
            jax.ShapeDtypeStruct((NN, HALF), jnp.bfloat16),
        ],
    )(x, w1, b1, w2, b2)


def _propagate(z0, z1, src, dst, w):
    @functools.partial(
        pl.kernel,
        out_type=(
            jax.ShapeDtypeStruct((NN, HALF), jnp.bfloat16),
            jax.ShapeDtypeStruct((NN, HALF), jnp.bfloat16),
        ),
        mesh=_sc_mesh(),
        compiler_params=_sc_params(),
        scratch_types=[
            pltpu.VMEM((CH,), jnp.int32),
            pltpu.VMEM((CH,), jnp.int32),
            pltpu.VMEM((CH, HALF), jnp.bfloat16),
            pltpu.VMEM((CH,), jnp.int32),
            pltpu.VMEM((CH,), jnp.int32),
            pltpu.VMEM((CH, HALF), jnp.bfloat16),
            pltpu.VMEM((CH, HALF), jnp.bfloat16),
            pltpu.VMEM((CH, HALF), jnp.bfloat16),
            pltpu.VMEM((CH,), jnp.int32),
            pltpu.VMEM((CH,), jnp.int32),
            pltpu.VMEM((BR, HALF), jnp.bfloat16),
            pltpu.VMEM((BR, HALF), jnp.bfloat16),
            pltpu.VMEM((BZ, HALF), jnp.bfloat16),
            pltpu.VMEM_SHARED((NN, HALF), jnp.bfloat16),
            pltpu.VMEM_SHARED((NN, HALF), jnp.bfloat16),
            pltpu.SemaphoreType.DMA,
            pltpu.SemaphoreType.DMA,
            pltpu.SemaphoreType.DMA,
            pltpu.SemaphoreType.DMA,
            pltpu.SemaphoreType.DMA,
            pltpu.SemaphoreType.DMA,
            pltpu.SemaphoreType.DMA,
            pltpu.SemaphoreType.DMA,
        ],
    )
    def k(z0_hbm, z1_hbm, src_hbm, dst_hbm, w_hbm, l0_hbm, l1_hbm,
          sb0, db0, wb0, sb1, db1, wb1, rows0, rows1, dbf0, dbf1,
          ba, bb, zb, acc, loc,
          gs0, gs1, ss0, ss1, ws0, ws1, is0, is1):
        c = lax.axis_index("c")
        s = lax.axis_index("s")
        base = s * KTILE

        @pl.loop(0, BZ)
        def _zzb(r):
            zb[r, :] = jnp.zeros((HALF,), jnp.bfloat16)

        def zero_acc(r0):
            pltpu.sync_copy(zb, acc.at[pl.ds(r0, BZ)])
            pltpu.sync_copy(zb, acc.at[pl.ds(r0 + BZ, BZ)])

        def load_idx(cidx, sbx, dbx, wbx, wsx, isx):
            eoff = cidx * CH
            pltpu.async_copy(w_hbm.at[pl.ds(eoff, CH)], wbx, wsx)
            pltpu.async_copy(src_hbm.at[pl.ds(eoff, CH)], sbx, isx)
            pltpu.async_copy(dst_hbm.at[pl.ds(eoff, CH)], dbx, isx)

        def wait_w(wbx, wsx):
            pltpu.make_async_copy(
                w_hbm.at[pl.ds(0, CH)], wbx, wsx).wait()

        def wait_idx(sbx, dbx, isx):
            pltpu.make_async_copy(
                src_hbm.at[pl.ds(0, CH)], sbx, isx).wait()
            pltpu.make_async_copy(
                dst_hbm.at[pl.ds(0, CH)], dbx, isx).wait()

        def cpidx(srcb, dstb):
            @pl.loop(0, CH, step=16)
            def _c(i):
                dstb[pl.ds(i, 16)] = srcb[pl.ds(i, 16)]

        def fire_gathers(sbx, rowsx, gsx):
            pltpu.async_copy(loc.at[sbx], rowsx, gsx)

        def fire_scatters(rowsx, dbx, ssx):
            pltpu.async_copy(rowsx, acc.at[dbx], ssx, add=True)

        def drain(z_ref, bufx, semx):
            pltpu.make_async_copy(z_ref.at[pl.ds(0, CH)], bufx, semx).wait()

        def scale(rowsx, wbx):
            @pl.loop(0, CH, step=8)
            def _scale(e0):
                for i in range(8):
                    rowsx[e0 + i, :] = rowsx[e0 + i, :] * wbx[e0 + i, :]

        def work(z_ref, l_ref):
            @pl.loop(s, NN // BR, step=NSUB)
            def _pro(kk):
                r0 = kk * BR
                pltpu.sync_copy(z_ref.at[pl.ds(r0, BR)], loc.at[pl.ds(r0, BR)])
                zero_acc(r0)

            plsc.subcore_barrier()

            @pl.loop(0, IT)
            def _iter(it):
                load_idx(base, sb0, db0, wb0, ws0, is0)
                wait_idx(sb0, db0, is0)
                cpidx(db0, dbf0)
                fire_gathers(sb0, rows0, gs0)
                load_idx(base + 1, sb1, db1, wb1, ws1, is1)
                wait_idx(sb1, db1, is1)
                cpidx(db1, dbf1)
                fire_gathers(sb1, rows1, gs1)

                @pl.loop(0, KTILE // 2)
                def _pair(g):
                    c0 = base + 2 * g
                    drain(z_ref, rows0, gs0)
                    wait_w(wb0, ws0)
                    scale(rows0, wb0)
                    fire_scatters(rows0, dbf0, ss0)

                    @pl.when(g < KTILE // 2 - 1)
                    def _pf0():
                        load_idx(c0 + 2, sb0, db0, wb0, ws0, is0)

                    drain(z_ref, rows1, gs1)
                    wait_w(wb1, ws1)
                    scale(rows1, wb1)
                    fire_scatters(rows1, dbf1, ss1)

                    @pl.when(g < KTILE // 2 - 1)
                    def _pf1():
                        load_idx(c0 + 3, sb1, db1, wb1, ws1, is1)

                    @pl.when(g < KTILE // 2 - 1)
                    def _prep():
                        drain(z_ref, rows0, ss0)
                        wait_idx(sb0, db0, is0)
                        cpidx(db0, dbf0)
                        fire_gathers(sb0, rows0, gs0)
                        drain(z_ref, rows1, ss1)
                        wait_idx(sb1, db1, is1)
                        cpidx(db1, dbf1)
                        fire_gathers(sb1, rows1, gs1)

                drain(z_ref, rows0, ss0)
                drain(z_ref, rows1, ss1)

                plsc.subcore_barrier()

                @pl.loop(s, NN // BR, step=NSUB)
                def _blend(kk):
                    r0 = kk * BR
                    pltpu.sync_copy(acc.at[pl.ds(r0, BR)], ba)
                    pltpu.sync_copy(z_ref.at[pl.ds(r0, BR)], bb)

                    @pl.loop(0, BR)
                    def _rowb(r):
                        ba[r, :] = (1.0 - AL) * ba[r, :] + AL * bb[r, :]

                    pltpu.sync_copy(ba, loc.at[pl.ds(r0, BR)])
                    zero_acc(r0)

                    @pl.when(it == IT - 1)
                    def _emit():
                        pltpu.sync_copy(ba, l_ref.at[pl.ds(r0, BR)])

                plsc.subcore_barrier()

        @pl.when(c == 0)
        def _():
            work(z0_hbm, l0_hbm)

        @pl.when(c == 1)
        def _():
            work(z1_hbm, l1_hbm)

    return k(z0, z1, src, dst, w)


def _log_softmax(l0, l1):
    bm = 2000
    grid = (NN // bm,)

    def body(l0_ref, l1_ref, o_ref):
        x = jnp.concatenate(
            [l0_ref[...], l1_ref[...]], axis=1).astype(jnp.float32)
        m = jnp.max(x, axis=1, keepdims=True)
        xm = x - m
        lse = jnp.log(jnp.sum(jnp.exp(xm), axis=1, keepdims=True))
        o_ref[...] = xm - lse

    return pl.pallas_call(
        body,
        grid=grid,
        in_specs=[
            pl.BlockSpec((bm, HALF), lambda i: (i, 0)),
            pl.BlockSpec((bm, HALF), lambda i: (i, 0)),
        ],
        out_specs=pl.BlockSpec((bm, LL), lambda i: (i, 0)),
        out_shape=jax.ShapeDtypeStruct((NN, LL), jnp.float32),
    )(l0, l1)


def kernel(feature_indices, feature_values, edge_indices, edge_weights,
           W1, b1, W2, b2):
    frow = feature_indices[0].astype(jnp.int32)
    fcol = feature_indices[1].astype(jnp.int32)
    fval = feature_values.astype(jnp.float32)
    fpad = F_ROWS * 128 - ZF
    frow = jnp.concatenate([frow, jnp.zeros((fpad,), jnp.int32)]).reshape(
        F_ROWS, 128)
    fcol = jnp.concatenate([fcol, jnp.zeros((fpad,), jnp.int32)]).reshape(
        F_ROWS, 128)
    fval = jnp.concatenate([fval, jnp.zeros((fpad,), jnp.float32)]).reshape(
        F_ROWS, 128)

    src = edge_indices[1].astype(jnp.int32)
    dst = edge_indices[0].astype(jnp.int32)
    wgt = edge_weights.astype(jnp.float32)
    epad = E_ROWS * 128 - EE
    src = jnp.concatenate([src, jnp.zeros((epad,), jnp.int32)])
    dst = jnp.concatenate([dst, jnp.zeros((epad,), jnp.int32)])
    wgt = jnp.concatenate([wgt, jnp.zeros((epad,), jnp.float32)])
    wgt = jnp.broadcast_to(
        wgt.astype(jnp.bfloat16)[:, None], (E_ROWS * 128, HALF))

    x = _densify(frow, fcol, fval).reshape(NN, FF)
    z0, z1 = _mlp(x, W1, b1.reshape(1, HH), W2, b2.reshape(1, LL))
    l0, l1 = _propagate(z0, z1, src, dst, wgt)
    return _log_softmax(l0, l1)

# --- scband reference (transcript-rebuilt; emitter-appended) ---
"""Pipeline reference for scband-appnpmodel-24318104830502 (READ-ONLY COPY).

The authoritative reference and input builder live on the scoring server;
editing this copy changes nothing except your own understanding.
"""

import jax, jax.numpy as jnp
import numpy as np

N = 50000      # number of nodes
F = 128        # number_of_features
H = 128        # hidden (args.layers[0] == args.layers[1])
L = 64         # number_of_labels
E = 800000     # number of (directed) edges in normalized propagator
NNZ = 1000000  # nonzeros in sparse feature matrix
ALPHA = 0.1
ITERS = 10


def setup_inputs(seed: int = 0) -> dict:
    key = jax.random.key(seed)
    ks = jax.random.split(key, 10)
    # sparse feature matrix (N x F) in COO form
    feat_rows = jax.random.randint(ks[0], (NNZ,), 0, N)
    feat_cols = jax.random.randint(ks[1], (NNZ,), 0, F)
    feature_indices = jnp.stack([feat_rows, feat_cols]).astype(jnp.int64)
    feature_values = jax.random.uniform(ks[2], (NNZ,), dtype=jnp.float32)
    # normalized adjacency (propagator) in COO form
    src = jax.random.randint(ks[3], (E,), 0, N)
    dst = jax.random.randint(ks[4], (E,), 0, N)
    edge_indices = jnp.stack([src, dst]).astype(jnp.int64)
    # values of D^-1/2 (A+I) D^-1/2 are ~ 1/deg; avg_degree = 16
    edge_weights = jax.random.uniform(ks[5], (E,), dtype=jnp.float32) * (2.0 / 16.0)
    # layer 1 (SparseFullyConnected): xavier_uniform weight, uniform bias
    limit1 = float(np.sqrt(6.0 / (F + H)))
    W1 = jax.random.uniform(ks[6], (F, H), minval=-limit1, maxval=limit1, dtype=jnp.float32)
    b1 = jax.random.uniform(ks[7], (H,), minval=-1.0 / np.sqrt(H), maxval=1.0 / np.sqrt(H), dtype=jnp.float32)
    # layer 2 (DenseFullyConnected)
    limit2 = float(np.sqrt(6.0 / (H + L)))
    W2 = jax.random.uniform(ks[8], (H, L), minval=-limit2, maxval=limit2, dtype=jnp.float32)
    b2 = jax.random.uniform(ks[9], (L,), minval=-1.0 / np.sqrt(L), maxval=1.0 / np.sqrt(L), dtype=jnp.float32)
    return {
        "feature_indices": feature_indices,
        "feature_values": feature_values,
        "edge_indices": edge_indices,
        "edge_weights": edge_weights,
        "W1": W1,
        "b1": b1,
        "W2": W2,
        "b2": b2,
    }


def _spmm(index, value, num_rows, matrix):
    # out[r] = sum_{k: index[0,k]==r} value[k] * matrix[index[1,k]]
    gathered = jnp.take(matrix, index[1], axis=0) * value[:, None]
    return jax.ops.segment_sum(gathered, index[0], num_segments=num_rows)


def reference(feature_indices, feature_values, edge_indices, edge_weights, W1, b1, W2, b2):
    # eval mode: dropout disabled
    # layer 1: sparse features @ W1 + b1
    h = _spmm(feature_indices, feature_values, N, W1) + b1
    h = jax.nn.relu(h)
    # layer 2: dense
    z = jnp.dot(h, W2) + b2
    # approximate personalized PageRank propagation (APPNP power iteration)
    local = z
    for _ in range(ITERS):
        new = _spmm(edge_indices, edge_weights, N, local)
        local = (1.0 - ALPHA) * new + ALPHA * z
    return jax.nn.log_softmax(local, axis=1)

if __name__ == "__main__":
    import jax
    _d = setup_inputs()
    print(jax.jit(kernel)(*tuple(_d.values())))

</pallas_src>

<mosaic_0001>
#map = affine_map<(d0, d1) -> (0, 0)>
#map1 = affine_map<(d0, d1) -> (0)>
module attributes {stable_mosaic.version = 14 : i64} {
  func.func @k(%arg0: i32, %arg1: i32, %arg2: memref<8192x128xi32, #tpu.memory_space<hbm>>, %arg3: memref<8192x128xi32, #tpu.memory_space<hbm>>, %arg4: memref<8192x128xf32, #tpu.memory_space<hbm>>, %arg5: memref<6400000xf32, #tpu.memory_space<hbm>>, %arg6: memref<16x128xi32, #tpu.memory_space<vmem>>, %arg7: memref<16x128xi32, #tpu.memory_space<vmem>>, %arg8: memref<16x128xf32, #tpu.memory_space<vmem>>, %arg9: memref<16x128xi32, #tpu.memory_space<vmem>>, %arg10: memref<16x128xi32, #tpu.memory_space<vmem>>, %arg11: memref<16x128xf32, #tpu.memory_space<vmem>>, %arg12: memref<5000xf32, #tpu.memory_space<vmem>>, %arg13: memref<5000xf32, #tpu.memory_space<vmem>>, %arg14: memref<1600128xf32, #tpu.memory_space<vmem_shared>>, %arg15: memref<!tpu.dma_semaphore, #tpu.memory_space<semaphore_mem>>, %arg16: memref<!tpu.dma_semaphore, #tpu.memory_space<semaphore_mem>>, %arg17: memref<!tpu.dma_semaphore, #tpu.memory_space<semaphore_mem>>, %arg18: memref<!tpu.dma_semaphore, #tpu.memory_space<semaphore_mem>>) attributes {dimension_semantics = [#tpu.dimension_semantics<core_parallel>, #tpu.dimension_semantics<subcore_parallel>], iteration_bounds = array<i64: 2, 16>, scalar_prefetch = 0 : i64, scratch_operands = 13 : i64, tpu.core_type = #tpu.core_type<sc_vector_subcore>, window_params = [{transform_indices = #map}, {transform_indices = #map}, {transform_indices = #map}, {transform_indices = #map1}]} {
    %scan3A = arith.constant 0 : i32
    %scan3A_0 = arith.constant 313 : i32
    %scan3A_1 = arith.addi %scan3A, %scan3A_0 : i32
    %scan3A_2 = arith.constant 1 : i32
    scf.for %scan3A_9 = %scan3A to %scan3A_1 step %scan3A_2  : i32 {
      %mul3A = arith.constant 16 : i32
      %mul3A_10 = arith.muli %scan3A_9, %mul3A : i32
      %add3A = arith.constant 0 : i32
      %add3A_11 = arith.addi %add3A, %mul3A_10 : i32
      %broadcast_in_dim3A = arith.constant 0.000000e+00 : f32
      %broadcast_in_dim3A_12 = vector.broadcast %broadcast_in_dim3A : f32 to vector<16xf32>
      %swap3A = arith.index_cast %add3A_11 : i32 to index
      %swap3A_13 = tpu.vector_load %arg12[%swap3A] {strides = array<i32>} : memref<5000xf32, #tpu.memory_space<vmem>>, vector<16xf32>,
      %swap3A_14 = vector.shape_cast %swap3A_13 : vector<16xf32> to vector<16xf32>
      %swap3A_15 = vector.shape_cast %broadcast_in_dim3A_12 : vector<16xf32> to vector<16xf32>
      tpu.vector_store %arg12[%swap3A], %swap3A_15 {strides = array<i32>} : memref<5000xf32, #tpu.memory_space<vmem>>, vector<16xf32>,
    }
    %scan3A_3 = arith.constant 313 : i32
    %scan3A_4 = arith.constant 0 : i32
    %scan3A_5 = arith.constant 2 : i32
    %scan3A_6 = arith.addi %scan3A_4, %scan3A_5 : i32
    %scan3A_7 = arith.constant 1 : i32
    scf.for %scan3A_9 = %scan3A_4 to %scan3A_6 step %scan3A_7  : i32 {
      %mul3A = arith.constant 1 : i32
      %mul3A_10 = arith.muli %scan3A_9, %mul3A : i32
      %add3A = arith.constant 0 : i32
      %add3A_11 = arith.addi %add3A, %mul3A_10 : i32
      %mul3A_12 = arith.constant 2 : i32
      %mul3A_13 = arith.muli %mul3A_12, %arg0 : i32
      %add3A_14 = arith.addi %mul3A_13, %add3A_11 : i32
      %mul3A_15 = arith.constant 12500 : i32
      %mul3A_16 = arith.muli %add3A_14, %mul3A_15 : i32
      %mul3A_17 = arith.constant 32 : i32
      %mul3A_18 = arith.muli %arg1, %mul3A_17 : i32
      %scan3A_19 = arith.constant 0 : i32
      %scan3A_20 = arith.constant 20 : i32
      %scan3A_21 = arith.addi %scan3A_19, %scan3A_20 : i32
      %scan3A_22 = arith.constant 1 : i32
      scf.for %scan3A_383 = %scan3A_19 to %scan3A_21 step %scan3A_22  : i32 {
        %mul3A_384 = arith.constant 1 : i32
        %mul3A_385 = arith.muli %scan3A_383, %mul3A_384 : i32
        %add3A_386 = arith.constant 0 : i32
        %add3A_387 = arith.addi %add3A_386, %mul3A_385 : i32
        %mul3A_388 = arith.constant 100000 : i32
        %mul3A_389 = arith.muli %arg1, %mul3A_388 : i32
        %mul3A_390 = arith.constant 5000 : i32
        %mul3A_391 = arith.muli %add3A_387, %mul3A_390 : i32
        %add3A_392 = arith.addi %mul3A_389, %mul3A_391 : i32
        "tpu.region"() ({
          %run_scoped3A = tpu.sem_alloc : memref<!tpu.dma_semaphore, #tpu.memory_space<semaphore_mem>>
          %dma_start3A_393 = tpu.memref_slice %arg14[%add3A_392] : memref<1600128xf32, #tpu.memory_space<vmem_shared>> -> memref<5000xf32, #tpu.memory_space<vmem_shared>>
          %dma_start3A_394 = tpu.memref_slice %arg14[%add3A_392] : memref<1600128xf32, #tpu.memory_space<vmem_shared>> -> memref<5000xf32, #tpu.memory_space<vmem_shared>>
          tpu.enqueue_dma source(%arg12 : memref<5000xf32, #tpu.memory_space<vmem>>) target(%dma_start3A_394 : memref<5000xf32, #tpu.memory_space<vmem_shared>>) target_semaphore(%run_scoped3A : memref<!tpu.dma_semaphore, #tpu.memory_space<semaphore_mem>>)
          %dma_wait3A_395 = tpu.memref_slice %arg14[%add3A_392] : memref<1600128xf32, #tpu.memory_space<vmem_shared>> -> memref<5000xf32, #tpu.memory_space<vmem_shared>>
          %dma_wait3A_396 = tpu.memref_slice %arg14[%add3A_392] : memref<1600128xf32, #tpu.memory_space<vmem_shared>> -> memref<5000xf32, #tpu.memory_space<vmem_shared>>
          tpu.wait_dma2 semaphore(%run_scoped3A : memref<!tpu.dma_semaphore, #tpu.memory_space<semaphore_mem>>) src(%arg12 : memref<5000xf32, #tpu.memory_space<vmem>>) dst(%dma_wait3A_396 : memref<5000xf32, #tpu.memory_space<vmem_shared>>)
          tpu.yield
        }) : () -> ()
      }
      %scan3A_23 = arith.constant 20 : i32
      %barrier3A = arith.constant 0 : index
      tpu.barrier barrier_id(%barrier3A)
      %mul3A_24 = arith.constant 16 : i32
      %mul3A_25 = arith.muli %mul3A_18, %mul3A_24 : i32
      %dma_start3A = arith.constant 0 : i32
      %dma_start3A_26 = tpu.memref_slice %arg2[%mul3A_25, %dma_start3A] : memref<8192x128xi32, #tpu.memory_space<hbm>> -> memref<16x128xi32, #tpu.memory_space<hbm>>
      %dma_start3A_27 = arith.constant 0 : i32
      %dma_start3A_28 = tpu.memref_slice %arg2[%mul3A_25, %dma_start3A_27] : memref<8192x128xi32, #tpu.memory_space<hbm>> -> memref<16x128xi32, #tpu.memory_space<hbm>>
      tpu.enqueue_dma source(%dma_start3A_28 : memref<16x128xi32, #tpu.memory_space<hbm>>) target(%arg6 : memref<16x128xi32, #tpu.memory_space<vmem>>) target_semaphore(%arg15 : memref<!tpu.dma_semaphore, #tpu.memory_space<semaphore_mem>>)
      %dma_start3A_29 = arith.constant 0 : i32
      %dma_start3A_30 = tpu.memref_slice %arg3[%mul3A_25, %dma_start3A_29] : memref<8192x128xi32, #tpu.memory_space<hbm>> -> memref<16x128xi32, #tpu.memory_space<hbm>>
      %dma_start3A_31 = arith.constant 0 : i32
      %dma_start3A_32 = tpu.memref_slice %arg3[%mul3A_25, %dma_start3A_31] : memref<8192x128xi32, #tpu.memory_space<hbm>> -> memref<16x128xi32, #tpu.memory_space<hbm>>
      tpu.enqueue_dma source(%dma_start3A_32 : memref<16x128xi32, #tpu.memory_space<hbm>>) target(%arg7 : memref<16x128xi32, #tpu.memory_space<vmem>>) target_semaphore(%arg15 : memref<!tpu.dma_semaphore, #tpu.memory_space<semaphore_mem>>)
      %dma_start3A_33 = arith.constant 0 : i32
      %dma_start3A_34 = tpu.memref_slice %arg4[%mul3A_25, %dma_start3A_33] : memref<8192x128xf32, #tpu.memory_space<hbm>> -> memref<16x128xf32, #tpu.memory_space<hbm>>
      %dma_start3A_35 = arith.constant 0 : i32
      %dma_start3A_36 = tpu.memref_slice %arg4[%mul3A_25, %dma_start3A_35] : memref<8192x128xf32, #tpu.memory_space<hbm>> -> memref<16x128xf32, #tpu.memory_space<hbm>>
      tpu.enqueue_dma source(%dma_start3A_36 : memref<16x128xf32, #tpu.memory_space<hbm>>) target(%arg8 : memref<16x128xf32, #tpu.memory_space<vmem>>) target_semaphore(%arg15 : memref<!tpu.dma_semaphore, #tpu.memory_space<semaphore_mem>>)
      %add3A_37 = arith.constant 1 : i32
      %add3A_38 = arith.addi %mul3A_18, %add3A_37 : i32
      %mul3A_39 = arith.constant 16 : i32
      %mul3A_40 = arith.muli %add3A_38, %mul3A_39 : i32
      %dma_start3A_41 = arith.constant 0 : i32
      %dma_start3A_42 = tpu.memref_slice %arg2[%mul3A_40, %dma_start3A_41] : memref<8192x128xi32, #tpu.memory_space<hbm>> -> memref<16x128xi32, #tpu.memory_space<hbm>>
      %dma_start3A_43 = arith.constant 0 : i32
      %dma_start3A_44 = tpu.memref_slice %arg2[%mul3A_40, %dma_start3A_43] : memref<8192x128xi32, #tpu.memory_space<hbm>> -> memref<16x128xi32, #tpu.memory_space<hbm>>
      tpu.enqueue_dma source(%dma_start3A_44 : memref<16x128xi32, #tpu.memory_space<hbm>>) target(%arg9 : memref<16x128xi32, #tpu.memory_space<vmem>>) target_semaphore(%arg16 : memref<!tpu.dma_semaphore, #tpu.memory_space<semaphore_mem>>)
      %dma_start3A_45 = arith.constant 0 : i32
      %dma_start3A_46 = tpu.memref_slice %arg3[%mul3A_40, %dma_start3A_45] : memref<8192x128xi32, #tpu.memory_space<hbm>> -> memref<16x128xi32, #tpu.memory_space<hbm>>
      %dma_start3A_47 = arith.constant 0 : i32
      %dma_start3A_48 = tpu.memref_slice %arg3[%mul3A_40, %dma_start3A_47] : memref<8192x128xi32, #tpu.memory_space<hbm>> -> memref<16x128xi32, #tpu.memory_space<hbm>>
      tpu.enqueue_dma source(%dma_start3A_48 : memref<16x128xi32, #tpu.memory_space<hbm>>) target(%arg10 : memref<16x128xi32, #tpu.memory_space<vmem>>) target_semaphore(%arg16 : memref<!tpu.dma_semaphore, #tpu.memory_space<semaphore_mem>>)
      %dma_start3A_49 = arith.constant 0 : i32
      %dma_start3A_50 = tpu.memref_slice %arg4[%mul3A_40, %dma_start3A_49] : memref<8192x128xf32, #tpu.memory_space<hbm>> -> memref<16x128xf32, #tpu.memory_space<hbm>>
      %dma_start3A_51 = arith.constant 0 : i32
      %dma_start3A_52 = tpu.memref_slice %arg4[%mul3A_40, %dma_start3A_51] : memref<8192x128xf32, #tpu.memory_space<hbm>> -> memref<16x128xf32, #tpu.memory_space<hbm>>
      tpu.enqueue_dma source(%dma_start3A_52 : memref<16x128xf32, #tpu.memory_space<hbm>>) target(%arg11 : memref<16x128xf32, #tpu.memory_space<vmem>>) target_semaphore(%arg16 : memref<!tpu.dma_semaphore, #tpu.memory_space<semaphore_mem>>)
      %scan3A_53 = arith.constant 0 : i32
      %scan3A_54 = arith.constant 16 : i32
      %scan3A_55 = arith.addi %scan3A_53, %scan3A_54 : i32
      %scan3A_56 = arith.constant 1 : i32
      scf.for %scan3A_383 = %scan3A_53 to %scan3A_55 step %scan3A_56  : i32 {
        %mul3A_384 = arith.constant 1 : i32
        %mul3A_385 = arith.muli %scan3A_383, %mul3A_384 : i32
        %add3A_386 = arith.constant 0 : i32
        %add3A_387 = arith.addi %add3A_386, %mul3A_385 : i32
        %mul3A_388 = arith.constant 2 : i32
        %mul3A_389 = arith.muli %mul3A_388, %add3A_387 : i32
        %add3A_390 = arith.addi %mul3A_18, %mul3A_389 : i32
        %dma_wait3A_391 = arith.constant 0 : i32
        %dma_wait3A_392 = arith.constant 0 : i32
        %dma_wait3A_393 = tpu.memref_slice %arg2[%dma_wait3A_391, %dma_wait3A_392] : memref<8192x128xi32, #tpu.memory_space<hbm>> -> memref<16x128xi32, #tpu.memory_space<hbm>>
        %dma_wait3A_394 = arith.constant 0 : i32
        %dma_wait3A_395 = arith.constant 0 : i32
        %dma_wait3A_396 = tpu.memref_slice %arg2[%dma_wait3A_394, %dma_wait3A_395] : memref<8192x128xi32, #tpu.memory_space<hbm>> -> memref<16x128xi32, #tpu.memory_space<hbm>>
        tpu.wait_dma2 semaphore(%arg15 : memref<!tpu.dma_semaphore, #tpu.memory_space<semaphore_mem>>) src(%dma_wait3A_396 : memref<16x128xi32, #tpu.memory_space<hbm>>) dst(%arg6 : memref<16x128xi32, #tpu.memory_space<vmem>>)
        %dma_wait3A_397 = arith.constant 0 : i32
        %dma_wait3A_398 = arith.constant 0 : i32
        %dma_wait3A_399 = tpu.memref_slice %arg3[%dma_wait3A_397, %dma_wait3A_398] : memref<8192x128xi32, #tpu.memory_space<hbm>> -> memref<16x128xi32, #tpu.memory_space<hbm>>
        %dma_wait3A_400 = arith.constant 0 : i32
        %dma_wait3A_401 = arith.constant 0 : i32
        %dma_wait3A_402 = tpu.memref_slice %arg3[%dma_wait3A_400, %dma_wait3A_401] : memref<8192x128xi32, #tpu.memory_space<hbm>> -> memref<16x128xi32, #tpu.memory_space<hbm>>
        tpu.wait_dma2 semaphore(%arg15 : memref<!tpu.dma_semaphore, #tpu.memory_space<semaphore_mem>>) src(%dma_wait3A_402 : memref<16x128xi32, #tpu.memory_space<hbm>>) dst(%arg7 : memref<16x128xi32, #tpu.memory_space<vmem>>)
        %dma_wait3A_403 = arith.constant 0 : i32
        %dma_wait3A_404 = arith.constant 0 : i32
        %dma_wait3A_405 = tpu.memref_slice %arg4[%dma_wait3A_403, %dma_wait3A_404] : memref<8192x128xf32, #tpu.memory_space<hbm>> -> memref<16x128xf32, #tpu.memory_space<hbm>>
        %dma_wait3A_406 = arith.constant 0 : i32
        %dma_wait3A_407 = arith.constant 0 : i32
        %dma_wait3A_408 = tpu.memref_slice %arg4[%dma_wait3A_406, %dma_wait3A_407] : memref<8192x128xf32, #tpu.memory_space<hbm>> -> memref<16x128xf32, #tpu.memory_space<hbm>>
        tpu.wait_dma2 semaphore(%arg15 : memref<!tpu.dma_semaphore, #tpu.memory_space<semaphore_mem>>) src(%dma_wait3A_408 : memref<16x128xf32, #tpu.memory_space<hbm>>) dst(%arg8 : memref<16x128xf32, #tpu.memory_space<vmem>>)
        %scan3A_409 = arith.constant 0 : i32
        %scan3A_410 = arith.constant 16 : i32
        %scan3A_411 = arith.addi %scan3A_409, %scan3A_410 : i32
        %scan3A_412 = arith.constant 1 : i32
        scf.for %scan3A_759 = %scan3A_409 to %scan3A_411 step %scan3A_412  : i32 {
          %mul3A_760 = arith.constant 1 : i32
          %mul3A_761 = arith.muli %scan3A_759, %mul3A_760 : i32
          %add3A_762 = arith.constant 0 : i32
          %add3A_763 = arith.addi %add3A_762, %mul3A_761 : i32
          %scan3A_764 = arith.constant 0 : i32
          %scan3A_765 = arith.constant 8 : i32
          %scan3A_766 = arith.addi %scan3A_764, %scan3A_765 : i32
          %scan3A_767 = arith.constant 1 : i32
          scf.for %scan3A_769 = %scan3A_764 to %scan3A_766 step %scan3A_767  : i32 {
            %mul3A_770 = arith.constant 16 : i32
            %mul3A_771 = arith.muli %scan3A_769, %mul3A_770 : i32
            %add3A_772 = arith.constant 0 : i32
            %add3A_773 = arith.addi %add3A_772, %mul3A_771 : i32
            %get3A = arith.index_cast %add3A_763 : i32 to index
            %get3A_774 = arith.index_cast %add3A_773 : i32 to index
            %get3A_775 = tpu.vector_load %arg6[%get3A, %get3A_774] {strides = array<i32>} : memref<16x128xi32, #tpu.memory_space<vmem>>, vector<1x16xi32>,
            %get3A_776 = vector.shape_cast %get3A_775 : vector<1x16xi32> to vector<16xi32>
            %get3A_777 = arith.index_cast %add3A_763 : i32 to index
            %get3A_778 = arith.index_cast %add3A_773 : i32 to index
            %get3A_779 = tpu.vector_load %arg7[%get3A_777, %get3A_778] {strides = array<i32>} : memref<16x128xi32, #tpu.memory_space<vmem>>, vector<1x16xi32>,
            %get3A_780 = vector.shape_cast %get3A_779 : vector<1x16xi32> to vector<16xi32>
            %sub3A = vector.broadcast %mul3A_16 : i32 to vector<16xi32>
            %sub3A_781 = arith.subi %get3A_776, %sub3A : vector<16xi32>
            %ge3A = arith.constant 0 : i32
            %ge3A_782 = vector.broadcast %ge3A : i32 to vector<16xi32>
            %ge3A_783 = arith.cmpi sge, %sub3A_781, %ge3A_782 : vector<16xi32>
            %lt3A_784 = arith.constant 12500 : i32
            %lt3A_785 = vector.broadcast %lt3A_784 : i32 to vector<16xi32>
            %lt3A_786 = arith.cmpi slt, %sub3A_781, %lt3A_785 : vector<16xi32>
            %and3A = arith.andi %ge3A_783, %lt3A_786 : vector<16xi1>
            %mul3A_787 = arith.constant 128 : i32
            %mul3A_788 = vector.broadcast %mul3A_787 : i32 to vector<16xi32>
            %mul3A_789 = arith.muli %sub3A_781, %mul3A_788 : vector<16xi32>
            %add3A_790 = arith.addi %mul3A_789, %get3A_780 : vector<16xi32>
            %add3A_791 = arith.constant 1600000 : i32
            %add3A_792 = vector.broadcast %add3A_791 : i32 to vector<16xi32>
            %add3A_793 = arith.addi %add3A_792, %get3A_780 : vector<16xi32>
            %select_n3A = arith.select %and3A, %add3A_790, %add3A_793 : vector<16xi1>, vector<16xi32>
            %swap3A = arith.index_cast %add3A_763 : i32 to index
            %swap3A_794 = arith.index_cast %add3A_773 : i32 to index
            %swap3A_795 = tpu.vector_load %arg6[%swap3A, %swap3A_794] {strides = array<i32>} : memref<16x128xi32, #tpu.memory_space<vmem>>, vector<1x16xi32>,
            %swap3A_796 = vector.shape_cast %swap3A_795 : vector<1x16xi32> to vector<16xi32>
            %swap3A_797 = vector.shape_cast %select_n3A : vector<16xi32> to vector<1x16xi32>
            tpu.vector_store %arg6[%swap3A, %swap3A_794], %swap3A_797 {strides = array<i32>} : memref<16x128xi32, #tpu.memory_space<vmem>>, vector<1x16xi32>,
          }
          %scan3A_768 = arith.constant 8 : i32
        }
        %scan3A_413 = arith.constant 16 : i32
        %dma_start3A_414 = arith.constant 0 : i32
        %dma_start3A_415 = arith.constant 0 : i32
        %dma_start3A_416 = arith.constant 0 : i32
        %dma_start3A_417 = tpu.memref_slice %arg8[%dma_start3A_414, %dma_start3A_416] : memref<16x128xf32, #tpu.memory_space<vmem>> -> memref<1x128xf32, #tpu.memory_space<vmem>>
        %dma_start3A_418 = tpu.memref_squeeze %dma_start3A_417 : memref<1x128xf32, #tpu.memory_space<vmem>> -> memref<128xf32, #tpu.memory_space<vmem>>
        %dma_start3A_419 = arith.constant 0 : i32
        %dma_start3A_420 = tpu.memref_slice %arg6[%dma_start3A_415, %dma_start3A_419] : memref<16x128xi32, #tpu.memory_space<vmem>> -> memref<1x128xi32, #tpu.memory_space<vmem>>
        %dma_start3A_421 = tpu.memref_squeeze %dma_start3A_420 : memref<1x128xi32, #tpu.memory_space<vmem>> -> memref<128xi32, #tpu.memory_space<vmem>>
        %dma_start3A_422 = arith.constant 0 : i32
        %dma_start3A_423 = tpu.memref_slice %arg14[%dma_start3A_422] : memref<1600128xf32, #tpu.memory_space<vmem_shared>> -> memref<1600128xf32, #tpu.memory_space<vmem_shared>>
        tpu.enqueue_indirect_dma source(%dma_start3A_418 : memref<128xf32, #tpu.memory_space<vmem>>) target(%dma_start3A_423 : memref<1600128xf32, #tpu.memory_space<vmem_shared>>) offsets(%dma_start3A_421 : memref<128xi32, #tpu.memory_space<vmem>>) semaphore(%arg17 : memref<!tpu.dma_semaphore, #tpu.memory_space<semaphore_mem>>) {add = true}
        %dma_start3A_424 = arith.constant 1 : i32
        %dma_start3A_425 = arith.constant 1 : i32
        %dma_start3A_426 = arith.constant 0 : i32
        %dma_start3A_427 = tpu.memref_slice %arg8[%dma_start3A_424, %dma_start3A_426] : memref<16x128xf32, #tpu.memory_space<vmem>> -> memref<1x128xf32, #tpu.memory_space<vmem>>
        %dma_start3A_428 = tpu.memref_squeeze %dma_start3A_427 : memref<1x128xf32, #tpu.memory_space<vmem>> -> memref<128xf32, #tpu.memory_space<vmem>>
        %dma_start3A_429 = arith.constant 0 : i32
        %dma_start3A_430 = tpu.memref_slice %arg6[%dma_start3A_425, %dma_start3A_429] : memref<16x128xi32, #tpu.memory_space<vmem>> -> memref<1x128xi32, #tpu.memory_space<vmem>>
        %dma_start3A_431 = tpu.memref_squeeze %dma_start3A_430 : memref<1x128xi32, #tpu.memory_space<vmem>> -> memref<128xi32, #tpu.memory_space<vmem>>
        %dma_start3A_432 = arith.constant 0 : i32
        %dma_start3A_433 = tpu.memref_slice %arg14[%dma_start3A_432] : memref<1600128xf32, #tpu.memory_space<vmem_shared>> -> memref<1600128xf32, #tpu.memory_space<vmem_shared>>
        tpu.enqueue_indirect_dma source(%dma_start3A_428 : memref<128xf32, #tpu.memory_space<vmem>>) target(%dma_start3A_433 : memref<1600128xf32, #tpu.memory_space<vmem_shared>>) offsets(%dma_start3A_431 : memref<128xi32, #tpu.memory_space<vmem>>) semaphore(%arg17 : memref<!tpu.dma_semaphore, #tpu.memory_space<semaphore_mem>>) {add = true}
        %dma_start3A_434 = arith.constant 2 : i32
        %dma_start3A_435 = arith.constant 2 : i32
        %dma_start3A_436 = arith.constant 0 : i32
        %dma_start3A_437 = tpu.memref_slice %arg8[%dma_start3A_434, %dma_start3A_436] : memref<16x128xf32, #tpu.memory_space<vmem>> -> memref<1x128xf32, #tpu.memory_space<vmem>>
        %dma_start3A_438 = tpu.memref_squeeze %dma_start3A_437 : memref<1x128xf32, #tpu.memory_space<vmem>> -> memref<128xf32, #tpu.memory_space<vmem>>
        %dma_start3A_439 = arith.constant 0 : i32
        %dma_start3A_440 = tpu.memref_slice %arg6[%dma_start3A_435, %dma_start3A_439] : memref<16x128xi32, #tpu.memory_space<vmem>> -> memref<1x128xi32, #tpu.memory_space<vmem>>
        %dma_start3A_441 = tpu.memref_squeeze %dma_start3A_440 : memref<1x128xi32, #tpu.memory_space<vmem>> -> memref<128xi32, #tpu.memory_space<vmem>>
        %dma_start3A_442 = arith.constant 0 : i32
        %dma_start3A_443 = tpu.memref_slice %arg14[%dma_start3A_442] : memref<1600128xf32, #tpu.memory_space<vmem_shared>> -> memref<1600128xf32, #tpu.memory_space<vmem_shared>>
        tpu.enqueue_indirect_dma source(%dma_start3A_438 : memref<128xf32, #tpu.memory_space<vmem>>) target(%dma_start3A_443 : memref<1600128xf32, #tpu.memory_space<vmem_shared>>) offsets(%dma_start3A_441 : memref<128xi32, #tpu.memory_space<vmem>>) semaphore(%arg17 : memref<!tpu.dma_semaphore, #tpu.memory_space<semaphore_mem>>) {add = true}
        %dma_start3A_444 = arith.constant 3 : i32
        %dma_start3A_445 = arith.constant 3 : i32
        %dma_start3A_446 = arith.constant 0 : i32
        %dma_start3A_447 = tpu.memref_slice %arg8[%dma_start3A_444, %dma_start3A_446] : memref<16x128xf32, #tpu.memory_space<vmem>> -> memref<1x128xf32, #tpu.memory_space<vmem>>
        %dma_start3A_448 = tpu.memref_squeeze %dma_start3A_447 : memref<1x128xf32, #tpu.memory_space<vmem>> -> memref<128xf32, #tpu.memory_space<vmem>>
        %dma_start3A_449 = arith.constant 0 : i32
        %dma_start3A_450 = tpu.memref_slice %arg6[%dma_start3A_445, %dma_start3A_449] : memref<16x128xi32, #tpu.memory_space<vmem>> -> memref<1x128xi32, #tpu.memory_space<vmem>>
        %dma_start3A_451 = tpu.memref_squeeze %dma_start3A_450 : memref<1x128xi32, #tpu.memory_space<vmem>> -> memref<128xi32, #tpu.memory_space<vmem>>
        %dma_start3A_452 = arith.constant 0 : i32
        %dma_start3A_453 = tpu.memref_slice %arg14[%dma_start3A_452] : memref<1600128xf32, #tpu.memory_space<vmem_shared>> -> memref<1600128xf32, #tpu.memory_space<vmem_shared>>
        tpu.enqueue_indirect_dma source(%dma_start3A_448 : memref<128xf32, #tpu.memory_space<vmem>>) target(%dma_start3A_453 : memref<1600128xf32, #tpu.memory_space<vmem_shared>>) offsets(%dma_start3A_451 : memref<128xi32, #tpu.memory_space<vmem>>) semaphore(%arg17 : memref<!tpu.dma_semaphore, #tpu.memory_space<semaphore_mem>>) {add = true}
        %dma_start3A_454 = arith.constant 4 : i32
        %dma_start3A_455 = arith.constant 4 : i32
        %dma_start3A_456 = arith.constant 0 : i32
        %dma_start3A_457 = tpu.memref_slice %arg8[%dma_start3A_454, %dma_start3A_456] : memref<16x128xf32, #tpu.memory_space<vmem>> -> memref<1x128xf32, #tpu.memory_space<vmem>>
        %dma_start3A_458 = tpu.memref_squeeze %dma_start3A_457 : memref<1x128xf32, #tpu.memory_space<vmem>> -> memref<128xf32, #tpu.memory_space<vmem>>
        %dma_start3A_459 = arith.constant 0 : i32
        %dma_start3A_460 = tpu.memref_slice %arg6[%dma_start3A_455, %dma_start3A_459] : memref<16x128xi32, #tpu.memory_space<vmem>> -> memref<1x128xi32, #tpu.memory_space<vmem>>
        %dma_start3A_461 = tpu.memref_squeeze %dma_start3A_460 : memref<1x128xi32, #tpu.memory_space<vmem>> -> memref<128xi32, #tpu.memory_space<vmem>>
        %dma_start3A_462 = arith.constant 0 : i32
        %dma_start3A_463 = tpu.memref_slice %arg14[%dma_start3A_462] : memref<1600128xf32, #tpu.memory_space<vmem_shared>> -> memref<1600128xf32, #tpu.memory_space<vmem_shared>>
        tpu.enqueue_indirect_dma source(%dma_start3A_458 : memref<128xf32, #tpu.memory_space<vmem>>) target(%dma_start3A_463 : memref<1600128xf32, #tpu.memory_space<vmem_shared>>) offsets(%dma_start3A_461 : memref<128xi32, #tpu.memory_space<vmem>>) semaphore(%arg17 : memref<!tpu.dma_semaphore, #tpu.memory_space<semaphore_mem>>) {add = true}
        %dma_start3A_464 = arith.constant 5 : i32
        %dma_start3A_465 = arith.constant 5 : i32
        %dma_start3A_466 = arith.constant 0 : i32
        %dma_start3A_467 = tpu.memref_slice %arg8[%dma_start3A_464, %dma_start3A_466] : memref<16x128xf32, #tpu.memory_space<vmem>> -> memref<1x128xf32, #tpu.memory_space<vmem>>
        %dma_start3A_468 = tpu.memref_squeeze %dma_start3A_467 : memref<1x128xf32, #tpu.memory_space<vmem>> -> memref<128xf32, #tpu.memory_space<vmem>>
        %dma_start3A_469 = arith.constant 0 : i32
        %dma_start3A_470 = tpu.memref_slice %arg6[%dma_start3A_465, %dma_start3A_469] : memref<16x128xi32, #tpu.memory_space<vmem>> -> memref<1x128xi32, #tpu.memory_space<vmem>>
        %dma_start3A_471 = tpu.memref_squeeze %dma_start3A_470 : memref<1x128xi32, #tpu.memory_space<vmem>> -> memref<128xi32, #tpu.memory_space<vmem>>
        %dma_start3A_472 = arith.constant 0 : i32
        %dma_start3A_473 = tpu.memref_slice %arg14[%dma_start3A_472] : memref<1600128xf32, #tpu.memory_space<vmem_shared>> -> memref<1600128xf32, #tpu.memory_space<vmem_shared>>
        tpu.enqueue_indirect_dma source(%dma_start3A_468 : memref<128xf32, #tpu.memory_space<vmem>>) target(%dma_start3A_473 : memref<1600128xf32, #tpu.memory_space<vmem_shared>>) offsets(%dma_start3A_471 : memref<128xi32, #tpu.memory_space<vmem>>) semaphore(%arg17 : memref<!tpu.dma_semaphore, #tpu.memory_space<semaphore_mem>>) {add = true}
        %dma_start3A_474 = arith.constant 6 : i32
        %dma_start3A_475 = arith.constant 6 : i32
        %dma_start3A_476 = arith.constant 0 : i32
        %dma_start3A_477 = tpu.memref_slice %arg8[%dma_start3A_474, %dma_start3A_476] : memref<16x128xf32, #tpu.memory_space<vmem>> -> memref<1x128xf32, #tpu.memory_space<vmem>>
        %dma_start3A_478 = tpu.memref_squeeze %dma_start3A_477 : memref<1x128xf32, #tpu.memory_space<vmem>> -> memref<128xf32, #tpu.memory_space<vmem>>
        %dma_start3A_479 = arith.constant 0 : i32
        %dma_start3A_480 = tpu.memref_slice %arg6[%dma_start3A_475, %dma_start3A_479] : memref<16x128xi32, #tpu.memory_space<vmem>> -> memref<1x128xi32, #tpu.memory_space<vmem>>
        %dma_start3A_481 = tpu.memref_squeeze %dma_start3A_480 : memref<1x128xi32, #tpu.memory_space<vmem>> -> memref<128xi32, #tpu.memory_space<vmem>>
        %dma_start3A_482 = arith.constant 0 : i32
        %dma_start3A_483 = tpu.memref_slice %arg14[%dma_start3A_482] : memref<1600128xf32, #tpu.memory_space<vmem_shared>> -> memref<1600128xf32, #tpu.memory_space<vmem_shared>>
        tpu.enqueue_indirect_dma source(%dma_start3A_478 : memref<128xf32, #tpu.memory_space<vmem>>) target(%dma_start3A_483 : memref<1600128xf32, #tpu.memory_space<vmem_shared>>) offsets(%dma_start3A_481 : memref<128xi32, #tpu.memory_space<vmem>>) semaphore(%arg17 : memref<!tpu.dma_semaphore, #tpu.memory_space<semaphore_mem>>) {add = true}
        %dma_start3A_484 = arith.constant 7 : i32
        %dma_start3A_485 = arith.constant 7 : i32
        %dma_start3A_486 = arith.constant 0 : i32
        %dma_start3A_487 = tpu.memref_slice %arg8[%dma_start3A_484, %dma_start3A_486] : memref<16x128xf32, #tpu.memory_space<vmem>> -> memref<1x128xf32, #tpu.memory_space<vmem>>
        %dma_start3A_488 = tpu.memref_squeeze %dma_start3A_487 : memref<1x128xf32, #tpu.memory_space<vmem>> -> memref<128xf32, #tpu.memory_space<vmem>>
        %dma_start3A_489 = arith.constant 0 : i32
        %dma_start3A_490 = tpu.memref_slice %arg6[%dma_start3A_485, %dma_start3A_489] : memref<16x128xi32, #tpu.memory_space<vmem>> -> memref<1x128xi32, #tpu.memory_space<vmem>>
        %dma_start3A_491 = tpu.memref_squeeze %dma_start3A_490 : memref<1x128xi32, #tpu.memory_space<vmem>> -> memref<128xi32, #tpu.memory_space<vmem>>
        %dma_start3A_492 = arith.constant 0 : i32
        %dma_start3A_493 = tpu.memref_slice %arg14[%dma_start3A_492] : memref<1600128xf32, #tpu.memory_space<vmem_shared>> -> memref<1600128xf32, #tpu.memory_space<vmem_shared>>
        tpu.enqueue_indirect_dma source(%dma_start3A_488 : memref<128xf32, #tpu.memory_space<vmem>>) target(%dma_start3A_493 : memref<1600128xf32, #tpu.memory_space<vmem_shared>>) offsets(%dma_start3A_491 : memref<128xi32, #tpu.memory_space<vmem>>) semaphore(%arg17 : memref<!tpu.dma_semaphore, #tpu.memory_space<semaphore_mem>>) {add = true}
        %dma_start3A_494 = arith.constant 8 : i32
        %dma_start3A_495 = arith.constant 8 : i32
        %dma_start3A_496 = arith.constant 0 : i32
        %dma_start3A_497 = tpu.memref_slice %arg8[%dma_start3A_494, %dma_start3A_496] : memref<16x128xf32, #tpu.memory_space<vmem>> -> memref<1x128xf32, #tpu.memory_space<vmem>>
        %dma_start3A_498 = tpu.memref_squeeze %dma_start3A_497 : memref<1x128xf32, #tpu.memory_space<vmem>> -> memref<128xf32, #tpu.memory_space<vmem>>
        %dma_start3A_499 = arith.constant 0 : i32
        %dma_start3A_500 = tpu.memref_slice %arg6[%dma_start3A_495, %dma_start3A_499] : memref<16x128xi32, #tpu.memory_space<vmem>> -> memref<1x128xi32, #tpu.memory_space<vmem>>
        %dma_start3A_501 = tpu.memref_squeeze %dma_start3A_500 : memref<1x128xi32, #tpu.memory_space<vmem>> -> memref<128xi32, #tpu.memory_space<vmem>>
        %dma_start3A_502 = arith.constant 0 : i32
        %dma_start3A_503 = tpu.memref_slice %arg14[%dma_start3A_502] : memref<1600128xf32, #tpu.memory_space<vmem_shared>> -> memref<1600128xf32, #tpu.memory_space<vmem_shared>>
        tpu.enqueue_indirect_dma source(%dma_start3A_498 : memref<128xf32, #tpu.memory_space<vmem>>) target(%dma_start3A_503 : memref<1600128xf32, #tpu.memory_space<vmem_shared>>) offsets(%dma_start3A_501 : memref<128xi32, #tpu.memory_space<vmem>>) semaphore(%arg17 : memref<!tpu.dma_semaphore, #tpu.memory_space<semaphore_mem>>) {add = true}
        %dma_start3A_504 = arith.constant 9 : i32
        %dma_start3A_505 = arith.constant 9 : i32
        %dma_start3A_506 = arith.constant 0 : i32
        %dma_start3A_507 = tpu.memref_slice %arg8[%dma_start3A_504, %dma_start3A_506] : memref<16x128xf32, #tpu.memory_space<vmem>> -> memref<1x128xf32, #tpu.memory_space<vmem>>
        %dma_start3A_508 = tpu.memref_squeeze %dma_start3A_507 : memref<1x128xf32, #tpu.memory_space<vmem>> -> memref<128xf32, #tpu.memory_space<vmem>>
        %dma_start3A_509 = arith.constant 0 : i32
        %dma_start3A_510 = tpu.memref_slice %arg6[%dma_start3A_505, %dma_start3A_509] : memref<16x128xi32, #tpu.memory_space<vmem>> -> memref<1x128xi32, #tpu.memory_space<vmem>>
        %dma_start3A_511 = tpu.memref_squeeze %dma_start3A_510 : memref<1x128xi32, #tpu.memory_space<vmem>> -> memref<128xi32, #tpu.memory_space<vmem>>
        %dma_start3A_512 = arith.constant 0 : i32
        %dma_start3A_513 = tpu.memref_slice %arg14[%dma_start3A_512] : memref<1600128xf32, #tpu.memory_space<vmem_shared>> -> memref<1600128xf32, #tpu.memory_space<vmem_shared>>
        tpu.enqueue_indirect_dma source(%dma_start3A_508 : memref<128xf32, #tpu.memory_space<vmem>>) target(%dma_start3A_513 : memref<1600128xf32, #tpu.memory_space<vmem_shared>>) offsets(%dma_start3A_511 : memref<128xi32, #tpu.memory_space<vmem>>) semaphore(%arg17 : memref<!tpu.dma_semaphore, #tpu.memory_space<semaphore_mem>>) {add = true}
        %dma_start3A_514 = arith.constant 10 : i32
        %dma_start3A_515 = arith.constant 10 : i32
        %dma_start3A_516 = arith.constant 0 : i32
        %dma_start3A_517 = tpu.memref_slice %arg8[%dma_start3A_514, %dma_start3A_516] : memref<16x128xf32, #tpu.memory_space<vmem>> -> memref<1x128xf32, #tpu.memory_space<vmem>>
        %dma_start3A_518 = tpu.memref_squeeze %dma_start3A_517 : memref<1x128xf32, #tpu.memory_space<vmem>> -> memref<128xf32, #tpu.memory_space<vmem>>
        %dma_start3A_519 = arith.constant 0 : i32
        %dma_start3A_520 = tpu.memref_slice %arg6[%dma_start3A_515, %dma_start3A_519] : memref<16x128xi32, #tpu.memory_space<vmem>> -> memref<1x128xi32, #tpu.memory_space<vmem>>
        %dma_start3A_521 = tpu.memref_squeeze %dma_start3A_520 : memref<1x128xi32, #tpu.memory_space<vmem>> -> memref<128xi32, #tpu.memory_space<vmem>>
        %dma_start3A_522 = arith.constant 0 : i32
        %dma_start3A_523 = tpu.memref_slice %arg14[%dma_start3A_522] : memref<1600128xf32, #tpu.memory_space<vmem_shared>> -> memref<1600128xf32, #tpu.memory_space<vmem_shared>>
        tpu.enqueue_indirect_dma source(%dma_start3A_518 : memref<128xf32, #tpu.memory_space<vmem>>) target(%dma_start3A_523 : memref<1600128xf32, #tpu.memory_space<vmem_shared>>) offsets(%dma_start3A_521 : memref<128xi32, #tpu.memory_space<vmem>>) semaphore(%arg17 : memref<!tpu.dma_semaphore, #tpu.memory_space<semaphore_mem>>) {add = true}
        %dma_start3A_524 = arith.constant 11 : i32
        %dma_start3A_525 = arith.constant 11 : i32
        %dma_start3A_526 = arith.constant 0 : i32
        %dma_start3A_527 = tpu.memref_slice %arg8[%dma_start3A_524, %dma_start3A_526] : memref<16x128xf32, #tpu.memory_space<vmem>> -> memref<1x128xf32, #tpu.memory_space<vmem>>
        %dma_start3A_528 = tpu.memref_squeeze %dma_start3A_527 : memref<1x128xf32, #tpu.memory_space<vmem>> -> memref<128xf32, #tpu.memory_space<vmem>>
        %dma_start3A_529 = arith.constant 0 : i32
        %dma_start3A_530 = tpu.memref_slice %arg6[%dma_start3A_525, %dma_start3A_529] : memref<16x128xi32, #tpu.memory_space<vmem>> -> memref<1x128xi32, #tpu.memory_space<vmem>>
        %dma_start3A_531 = tpu.memref_squeeze %dma_start3A_530 : memref<1x128xi32, #tpu.memory_space<vmem>> -> memref<128xi32, #tpu.memory_space<vmem>>
        %dma_start3A_532 = arith.constant 0 : i32
        %dma_start3A_533 = tpu.memref_slice %arg14[%dma_start3A_532] : memref<1600128xf32, #tpu.memory_space<vmem_shared>> -> memref<1600128xf32, #tpu.memory_space<vmem_shared>>
        tpu.enqueue_indirect_dma source(%dma_start3A_528 : memref<128xf32, #tpu.memory_space<vmem>>) target(%dma_start3A_533 : memref<1600128xf32, #tpu.memory_space<vmem_shared>>) offsets(%dma_start3A_531 : memref<128xi32, #tpu.memory_space<vmem>>) semaphore(%arg17 : memref<!tpu.dma_semaphore, #tpu.memory_space<semaphore_mem>>) {add = true}
        %dma_start3A_534 = arith.constant 12 : i32
        %dma_start3A_535 = arith.constant 12 : i32
        %dma_start3A_536 = arith.constant 0 : i32
        %dma_start3A_537 = tpu.memref_slice %arg8[%dma_start3A_534, %dma_start3A_536] : memref<16x128xf32, #tpu.memory_space<vmem>> -> memref<1x128xf32, #tpu.memory_space<vmem>>
        %dma_start3A_538 = tpu.memref_squeeze %dma_start3A_537 : memref<1x128xf32, #tpu.memory_space<vmem>> -> memref<128xf32, #tpu.memory_space<vmem>>
        %dma_start3A_539 = arith.constant 0 : i32
        %dma_start3A_540 = tpu.memref_slice %arg6[%dma_start3A_535, %dma_start3A_539] : memref<16x128xi32, #tpu.memory_space<vmem>> -> memref<1x128xi32, #tpu.memory_space<vmem>>
        %dma_start3A_541 = tpu.memref_squeeze %dma_start3A_540 : memref<1x128xi32, #tpu.memory_space<vmem>> -> memref<128xi32, #tpu.memory_space<vmem>>
        %dma_start3A_542 = arith.constant 0 : i32
        %dma_start3A_543 = tpu.memref_slice %arg14[%dma_start3A_542] : memref<1600128xf32, #tpu.memory_space<vmem_shared>> -> memref<1600128xf32, #tpu.memory_space<vmem_shared>>
        tpu.enqueue_indirect_dma source(%dma_start3A_538 : memref<128xf32, #tpu.memory_space<vmem>>) target(%dma_start3A_543 : memref<1600128xf32, #tpu.memory_space<vmem_shared>>) offsets(%dma_start3A_541 : memref<128xi32, #tpu.memory_space<vmem>>) semaphore(%arg17 : memref<!tpu.dma_semaphore, #tpu.memory_space<semaphore_mem>>) {add = true}
        %dma_start3A_544 = arith.constant 13 : i32
        %dma_start3A_545 = arith.constant 13 : i32
        %dma_start3A_546 = arith.constant 0 : i32
        %dma_start3A_547 = tpu.memref_slice %arg8[%dma_start3A_544, %dma_start3A_546] : memref<16x128xf32, #tpu.memory_space<vmem>> -> memref<1x128xf32, #tpu.memory_space<vmem>>
        %dma_start3A_548 = tpu.memref_squeeze %dma_start3A_547 : memref<1x128xf32, #tpu.memory_space<vmem>> -> memref<128xf32, #tpu.memory_space<vmem>>
        %dma_start3A_549 = arith.constant 0 : i32
        %dma_start3A_550 = tpu.memref_slice %arg6[%dma_start3A_545, %dma_start3A_549] : memref<16x128xi32, #tpu.memory_space<vmem>> -> memref<1x128xi32, #tpu.memory_space<vmem>>
        %dma_start3A_551 = tpu.memref_squeeze %dma_start3A_550 : memref<1x128xi32, #tpu.memory_space<vmem>> -> memref<128xi32, #tpu.memory_space<vmem>>
        %dma_start3A_552 = arith.constant 0 : i32
        %dma_start3A_553 = tpu.memref_slice %arg14[%dma_start3A_552] : memref<1600128xf32, #tpu.memory_space<vmem_shared>> -> memref<1600128xf32, #tpu.memory_space<vmem_shared>>
        tpu.enqueue_indirect_dma source(%dma_start3A_548 : memref<128xf32, #tpu.memory_space<vmem>>) target(%dma_start3A_553 : memref<1600128xf32, #tpu.memory_space<vmem_shared>>) offsets(%dma_start3A_551 : memref<128xi32, #tpu.memory_space<vmem>>) semaphore(%arg17 : memref<!tpu.dma_semaphore, #tpu.memory_space<semaphore_mem>>) {add = true}
        %dma_start3A_554 = arith.constant 14 : i32
        %dma_start3A_555 = arith.constant 14 : i32
        %dma_start3A_556 = arith.constant 0 : i32
        %dma_start3A_557 = tpu.memref_slice %arg8[%dma_start3A_554, %dma_start3A_556] : memref<16x128xf32, #tpu.memory_space<vmem>> -> memref<1x128xf32, #tpu.memory_space<vmem>>
        %dma_start3A_558 = tpu.memref_squeeze %dma_start3A_557 : memref<1x128xf32, #tpu.memory_space<vmem>> -> memref<128xf32, #tpu.memory_space<vmem>>
        %dma_start3A_559 = arith.constant 0 : i32
        %dma_start3A_560 = tpu.memref_slice %arg6[%dma_start3A_555, %dma_start3A_559] : memref<16x128xi32, #tpu.memory_space<vmem>> -> memref<1x128xi32, #tpu.memory_space<vmem>>
        %dma_start3A_561 = tpu.memref_squeeze %dma_start3A_560 : memref<1x128xi32, #tpu.memory_space<vmem>> -> memref<128xi32, #tpu.memory_space<vmem>>
        %dma_start3A_562 = arith.constant 0 : i32
        %dma_start3A_563 = tpu.memref_slice %arg14[%dma_start3A_562] : memref<1600128xf32, #tpu.memory_space<vmem_shared>> -> memref<1600128xf32, #tpu.memory_space<vmem_shared>>
        tpu.enqueue_indirect_dma source(%dma_start3A_558 : memref<128xf32, #tpu.memory_space<vmem>>) target(%dma_start3A_563 : memref<1600128xf32, #tpu.memory_space<vmem_shared>>) offsets(%dma_start3A_561 : memref<128xi32, #tpu.memory_space<vmem>>) semaphore(%arg17 : memref<!tpu.dma_semaphore, #tpu.memory_space<semaphore_mem>>) {add = true}
        %dma_start3A_564 = arith.constant 15 : i32
        %dma_start3A_565 = arith.constant 15 : i32
        %dma_start3A_566 = arith.constant 0 : i32
        %dma_start3A_567 = tpu.memref_slice %arg8[%dma_start3A_564, %dma_start3A_566] : memref<16x128xf32, #tpu.memory_space<vmem>> -> memref<1x128xf32, #tpu.memory_space<vmem>>
        %dma_start3A_568 = tpu.memref_squeeze %dma_start3A_567 : memref<1x128xf32, #tpu.memory_space<vmem>> -> memref<128xf32, #tpu.memory_space<vmem>>
        %dma_start3A_569 = arith.constant 0 : i32
        %dma_start3A_570 = tpu.memref_slice %arg6[%dma_start3A_565, %dma_start3A_569] : memref<16x128xi32, #tpu.memory_space<vmem>> -> memref<1x128xi32, #tpu.memory_space<vmem>>
        %dma_start3A_571 = tpu.memref_squeeze %dma_start3A_570 : memref<1x128xi32, #tpu.memory_space<vmem>> -> memref<128xi32, #tpu.memory_space<vmem>>
        %dma_start3A_572 = arith.constant 0 : i32
        %dma_start3A_573 = tpu.memref_slice %arg14[%dma_start3A_572] : memref<1600128xf32, #tpu.memory_space<vmem_shared>> -> memref<1600128xf32, #tpu.memory_space<vmem_shared>>
        tpu.enqueue_indirect_dma source(%dma_start3A_568 : memref<128xf32, #tpu.memory_space<vmem>>) target(%dma_start3A_573 : memref<1600128xf32, #tpu.memory_space<vmem_shared>>) offsets(%dma_start3A_571 : memref<128xi32, #tpu.memory_space<vmem>>) semaphore(%arg17 : memref<!tpu.dma_semaphore, #tpu.memory_space<semaphore_mem>>) {add = true}
        %dma_wait3A_574 = arith.constant 0 : i32
        %dma_wait3A_575 = arith.constant 0 : i32
        %dma_wait3A_576 = tpu.memref_slice %arg2[%dma_wait3A_574, %dma_wait3A_575] : memref<8192x128xi32, #tpu.memory_space<hbm>> -> memref<16x128xi32, #tpu.memory_space<hbm>>
        %dma_wait3A_577 = arith.constant 0 : i32
        %dma_wait3A_578 = arith.constant 0 : i32
        %dma_wait3A_579 = tpu.memref_slice %arg2[%dma_wait3A_577, %dma_wait3A_578] : memref<8192x128xi32, #tpu.memory_space<hbm>> -> memref<16x128xi32, #tpu.memory_space<hbm>>
        tpu.wait_dma2 semaphore(%arg16 : memref<!tpu.dma_semaphore, #tpu.memory_space<semaphore_mem>>) src(%dma_wait3A_579 : memref<16x128xi32, #tpu.memory_space<hbm>>) dst(%arg9 : memref<16x128xi32, #tpu.memory_space<vmem>>)
        %dma_wait3A_580 = arith.constant 0 : i32
        %dma_wait3A_581 = arith.constant 0 : i32
        %dma_wait3A_582 = tpu.memref_slice %arg3[%dma_wait3A_580, %dma_wait3A_581] : memref<8192x128xi32, #tpu.memory_space<hbm>> -> memref<16x128xi32, #tpu.memory_space<hbm>>
        %dma_wait3A_583 = arith.constant 0 : i32
        %dma_wait3A_584 = arith.constant 0 : i32
        %dma_wait3A_585 = tpu.memref_slice %arg3[%dma_wait3A_583, %dma_wait3A_584] : memref<8192x128xi32, #tpu.memory_space<hbm>> -> memref<16x128xi32, #tpu.memory_space<hbm>>
        tpu.wait_dma2 semaphore(%arg16 : memref<!tpu.dma_semaphore, #tpu.memory_space<semaphore_mem>>) src(%dma_wait3A_585 : memref<16x128xi32, #tpu.memory_space<hbm>>) dst(%arg10 : memref<16x128xi32, #tpu.memory_space<vmem>>)
        %dma_wait3A_586 = arith.constant 0 : i32
        %dma_wait3A_587 = arith.constant 0 : i32
        %dma_wait3A_588 = tpu.memref_slice %arg4[%dma_wait3A_586, %dma_wait3A_587] : memref<8192x128xf32, #tpu.memory_space<hbm>> -> memref<16x128xf32, #tpu.memory_space<hbm>>
        %dma_wait3A_589 = arith.constant 0 : i32
        %dma_wait3A_590 = arith.constant 0 : i32
        %dma_wait3A_591 = tpu.memref_slice %arg4[%dma_wait3A_589, %dma_wait3A_590] : memref<8192x128xf32, #tpu.memory_space<hbm>> -> memref<16x128xf32, #tpu.memory_space<hbm>>
        tpu.wait_dma2 semaphore(%arg16 : memref<!tpu.dma_semaphore, #tpu.memory_space<semaphore_mem>>) src(%dma_wait3A_591 : memref<16x128xf32, #tpu.memory_space<hbm>>) dst(%arg11 : memref<16x128xf32, #tpu.memory_space<vmem>>)
        %scan3A_592 = arith.constant 0 : i32
        %scan3A_593 = arith.constant 16 : i32
        %scan3A_594 = arith.addi %scan3A_592, %scan3A_593 : i32
        %scan3A_595 = arith.constant 1 : i32
        scf.for %scan3A_759 = %scan3A_592 to %scan3A_594 step %scan3A_595  : i32 {
          %mul3A_760 = arith.constant 1 : i32
          %mul3A_761 = arith.muli %scan3A_759, %mul3A_760 : i32
          %add3A_762 = arith.constant 0 : i32
          %add3A_763 = arith.addi %add3A_762, %mul3A_761 : i32
          %scan3A_764 = arith.constant 0 : i32
          %scan3A_765 = arith.constant 8 : i32
          %scan3A_766 = arith.addi %scan3A_764, %scan3A_765 : i32
          %scan3A_767 = arith.constant 1 : i32
          scf.for %scan3A_769 = %scan3A_764 to %scan3A_766 step %scan3A_767  : i32 {
            %mul3A_770 = arith.constant 16 : i32
            %mul3A_771 = arith.muli %scan3A_769, %mul3A_770 : i32
            %add3A_772 = arith.constant 0 : i32
            %add3A_773 = arith.addi %add3A_772, %mul3A_771 : i32
            %get3A = arith.index_cast %add3A_763 : i32 to index
            %get3A_774 = arith.index_cast %add3A_773 : i32 to index
            %get3A_775 = tpu.vector_load %arg9[%get3A, %get3A_774] {strides = array<i32>} : memref<16x128xi32, #tpu.memory_space<vmem>>, vector<1x16xi32>,
            %get3A_776 = vector.shape_cast %get3A_775 : vector<1x16xi32> to vector<16xi32>
            %get3A_777 = arith.index_cast %add3A_763 : i32 to index
            %get3A_778 = arith.index_cast %add3A_773 : i32 to index
            %get3A_779 = tpu.vector_load %arg10[%get3A_777, %get3A_778] {strides = array<i32>} : memref<16x128xi32, #tpu.memory_space<vmem>>, vector<1x16xi32>,
            %get3A_780 = vector.shape_cast %get3A_779 : vector<1x16xi32> to vector<16xi32>
            %sub3A = vector.broadcast %mul3A_16 : i32 to vector<16xi32>
            %sub3A_781 = arith.subi %get3A_776, %sub3A : vector<16xi32>
            %ge3A = arith.constant 0 : i32
            %ge3A_782 = vector.broadcast %ge3A : i32 to vector<16xi32>
            %ge3A_783 = arith.cmpi sge, %sub3A_781, %ge3A_782 : vector<16xi32>
            %lt3A_784 = arith.constant 12500 : i32
            %lt3A_785 = vector.broadcast %lt3A_784 : i32 to vector<16xi32>
            %lt3A_786 = arith.cmpi slt, %sub3A_781, %lt3A_785 : vector<16xi32>
            %and3A = arith.andi %ge3A_783, %lt3A_786 : vector<16xi1>
            %mul3A_787 = arith.constant 128 : i32
            %mul3A_788 = vector.broadcast %mul3A_787 : i32 to vector<16xi32>
            %mul3A_789 = arith.muli %sub3A_781, %mul3A_788 : vector<16xi32>
            %add3A_790 = arith.addi %mul3A_789, %get3A_780 : vector<16xi32>
            %add3A_791 = arith.constant 1600000 : i32
            %add3A_792 = vector.broadcast %add3A_791 : i32 to vector<16xi32>
            %add3A_793 = arith.addi %add3A_792, %get3A_780 : vector<16xi32>
            %select_n3A = arith.select %and3A, %add3A_790, %add3A_793 : vector<16xi1>, vector<16xi32>
            %swap3A = arith.index_cast %add3A_763 : i32 to index
            %swap3A_794 = arith.index_cast %add3A_773 : i32 to index
            %swap3A_795 = tpu.vector_load %arg9[%swap3A, %swap3A_794] {strides = array<i32>} : memref<16x128xi32, #tpu.memory_space<vmem>>, vector<1x16xi32>,
            %swap3A_796 = vector.shape_cast %swap3A_795 : vector<1x16xi32> to vector<16xi32>
            %swap3A_797 = vector.shape_cast %select_n3A : vector<16xi32> to vector<1x16xi32>
            tpu.vector_store %arg9[%swap3A, %swap3A_794], %swap3A_797 {strides = array<i32>} : memref<16x128xi32, #tpu.memory_space<vmem>>, vector<1x16xi32>,
          }
          %scan3A_768 = arith.constant 8 : i32
        }
        %scan3A_596 = arith.constant 16 : i32
        %dma_start3A_597 = arith.constant 0 : i32
        %dma_start3A_598 = arith.constant 0 : i32
        %dma_start3A_599 = arith.constant 0 : i32
        %dma_start3A_600 = tpu.memref_slice %arg11[%dma_start3A_597, %dma_start3A_599] : memref<16x128xf32, #tpu.memory_space<vmem>> -> memref<1x128xf32, #tpu.memory_space<vmem>>
        %dma_start3A_601 = tpu.memref_squeeze %dma_start3A_600 : memref<1x128xf32, #tpu.memory_space<vmem>> -> memref<128xf32, #tpu.memory_space<vmem>>
        %dma_start3A_602 = arith.constant 0 : i32
        %dma_start3A_603 = tpu.memref_slice %arg9[%dma_start3A_598, %dma_start3A_602] : memref<16x128xi32, #tpu.memory_space<vmem>> -> memref<1x128xi32, #tpu.memory_space<vmem>>
        %dma_start3A_604 = tpu.memref_squeeze %dma_start3A_603 : memref<1x128xi32, #tpu.memory_space<vmem>> -> memref<128xi32, #tpu.memory_space<vmem>>
        %dma_start3A_605 = arith.constant 0 : i32
        %dma_start3A_606 = tpu.memref_slice %arg14[%dma_start3A_605] : memref<1600128xf32, #tpu.memory_space<vmem_shared>> -> memref<1600128xf32, #tpu.memory_space<vmem_shared>>
        tpu.enqueue_indirect_dma source(%dma_start3A_601 : memref<128xf32, #tpu.memory_space<vmem>>) target(%dma_start3A_606 : memref<1600128xf32, #tpu.memory_space<vmem_shared>>) offsets(%dma_start3A_604 : memref<128xi32, #tpu.memory_space<vmem>>) semaphore(%arg18 : memref<!tpu.dma_semaphore, #tpu.memory_space<semaphore_mem>>) {add = true}
        %dma_start3A_607 = arith.constant 1 : i32
        %dma_start3A_608 = arith.constant 1 : i32
        %dma_start3A_609 = arith.constant 0 : i32
        %dma_start3A_610 = tpu.memref_slice %arg11[%dma_start3A_607, %dma_start3A_609] : memref<16x128xf32, #tpu.memory_space<vmem>> -> memref<1x128xf32, #tpu.memory_space<vmem>>
        %dma_start3A_611 = tpu.memref_squeeze %dma_start3A_610 : memref<1x128xf32, #tpu.memory_space<vmem>> -> memref<128xf32, #tpu.memory_space<vmem>>
        %dma_start3A_612 = arith.constant 0 : i32
        %dma_start3A_613 = tpu.memref_slice %arg9[%dma_start3A_608, %dma_start3A_612] : memref<16x128xi32, #tpu.memory_space<vmem>> -> memref<1x128xi32, #tpu.memory_space<vmem>>
        %dma_start3A_614 = tpu.memref_squeeze %dma_start3A_613 : memref<1x128xi32, #tpu.memory_space<vmem>> -> memref<128xi32, #tpu.memory_space<vmem>>
        %dma_start3A_615 = arith.constant 0 : i32
        %dma_start3A_616 = tpu.memref_slice %arg14[%dma_start3A_615] : memref<1600128xf32, #tpu.memory_space<vmem_shared>> -> memref<1600128xf32, #tpu.memory_space<vmem_shared>>
        tpu.enqueue_indirect_dma source(%dma_start3A_611 : memref<128xf32, #tpu.memory_space<vmem>>) target(%dma_start3A_616 : memref<1600128xf32, #tpu.memory_space<vmem_shared>>) offsets(%dma_start3A_614 : memref<128xi32, #tpu.memory_space<vmem>>) semaphore(%arg18 : memref<!tpu.dma_semaphore, #tpu.memory_space<semaphore_mem>>) {add = true}
        %dma_start3A_617 = arith.constant 2 : i32
        %dma_start3A_618 = arith.constant 2 : i32
        %dma_start3A_619 = arith.constant 0 : i32
        %dma_start3A_620 = tpu.memref_slice %arg11[%dma_start3A_617, %dma_start3A_619] : memref<16x128xf32, #tpu.memory_space<vmem>> -> memref<1x128xf32, #tpu.memory_space<vmem>>
        %dma_start3A_621 = tpu.memref_squeeze %dma_start3A_620 : memref<1x128xf32, #tpu.memory_space<vmem>> -> memref<128xf32, #tpu.memory_space<vmem>>
        %dma_start3A_622 = arith.constant 0 : i32
        %dma_start3A_623 = tpu.memref_slice %arg9[%dma_start3A_618, %dma_start3A_622] : memref<16x128xi32, #tpu.memory_space<vmem>> -> memref<1x128xi32, #tpu.memory_space<vmem>>
        %dma_start3A_624 = tpu.memref_squeeze %dma_start3A_623 : memref<1x128xi32, #tpu.memory_space<vmem>> -> memref<128xi32, #tpu.memory_space<vmem>>
        %dma_start3A_625 = arith.constant 0 : i32
        %dma_start3A_626 = tpu.memref_slice %arg14[%dma_start3A_625] : memref<1600128xf32, #tpu.memory_space<vmem_shared>> -> memref<1600128xf32, #tpu.memory_space<vmem_shared>>
        tpu.enqueue_indirect_dma source(%dma_start3A_621 : memref<128xf32, #tpu.memory_space<vmem>>) target(%dma_start3A_626 : memref<1600128xf32, #tpu.memory_space<vmem_shared>>) offsets(%dma_start3A_624 : memref<128xi32, #tpu.memory_space<vmem>>) semaphore(%arg18 : memref<!tpu.dma_semaphore, #tpu.memory_space<semaphore_mem>>) {add = true}
        %dma_start3A_627 = arith.constant 3 : i32
        %dma_start3A_628 = arith.constant 3 : i32
        %dma_start3A_629 = arith.constant 0 : i32
        %dma_start3A_630 = tpu.memref_slice %arg11[%dma_start3A_627, %dma_start3A_629] : memref<16x128xf32, #tpu.memory_space<vmem>> -> memref<1x128xf32, #tpu.memory_space<vmem>>
        %dma_start3A_631 = tpu.memref_squeeze %dma_start3A_630 : memref<1x128xf32, #tpu.memory_space<vmem>> -> memref<128xf32, #tpu.memory_space<vmem>>
        %dma_start3A_632 = arith.constant 0 : i32
        %dma_start3A_633 = tpu.memref_slice %arg9[%dma_start3A_628, %dma_start3A_632] : memref<16x128xi32, #tpu.memory_space<vmem>> -> memref<1x128xi32, #tpu.memory_space<vmem>>
        %dma_start3A_634 = tpu.memref_squeeze %dma_start3A_633 : memref<1x128xi32, #tpu.memory_space<vmem>> -> memref<128xi32, #tpu.memory_space<vmem>>
        %dma_start3A_635 = arith.constant 0 : i32
        %dma_start3A_636 = tpu.memref_slice %arg14[%dma_start3A_635] : memref<1600128xf32, #tpu.memory_space<vmem_shared>> -> memref<1600128xf32, #tpu.memory_space<vmem_shared>>
        tpu.enqueue_indirect_dma source(%dma_start3A_631 : memref<128xf32, #tpu.memory_space<vmem>>) target(%dma_start3A_636 : memref<1600128xf32, #tpu.memory_space<vmem_shared>>) offsets(%dma_start3A_634 : memref<128xi32, #tpu.memory_space<vmem>>) semaphore(%arg18 : memref<!tpu.dma_semaphore, #tpu.memory_space<semaphore_mem>>) {add = true}
        %dma_start3A_637 = arith.constant 4 : i32
        %dma_start3A_638 = arith.constant 4 : i32
        %dma_start3A_639 = arith.constant 0 : i32
        %dma_start3A_640 = tpu.memref_slice %arg11[%dma_start3A_637, %dma_start3A_639] : memref<16x128xf32, #tpu.memory_space<vmem>> -> memref<1x128xf32, #tpu.memory_space<vmem>>
        %dma_start3A_641 = tpu.memref_squeeze %dma_start3A_640 : memref<1x128xf32, #tpu.memory_space<vmem>> -> memref<128xf32, #tpu.memory_space<vmem>>
        %dma_start3A_642 = arith.constant 0 : i32
        %dma_start3A_643 = tpu.memref_slice %arg9[%dma_start3A_638, %dma_start3A_642] : memref<16x128xi32, #tpu.memory_space<vmem>> -> memref<1x128xi32, #tpu.memory_space<vmem>>
        %dma_start3A_644 = tpu.memref_squeeze %dma_start3A_643 : memref<1x128xi32, #tpu.memory_space<vmem>> -> memref<128xi32, #tpu.memory_space<vmem>>
        %dma_start3A_645 = arith.constant 0 : i32
        %dma_start3A_646 = tpu.memref_slice %arg14[%dma_start3A_645] : memref<1600128xf32, #tpu.memory_space<vmem_shared>> -> memref<1600128xf32, #tpu.memory_space<vmem_shared>>
        tpu.enqueue_indirect_dma source(%dma_start3A_641 : memref<128xf32, #tpu.memory_space<vmem>>) target(%dma_start3A_646 : memref<1600128xf32, #tpu.memory_space<vmem_shared>>) offsets(%dma_start3A_644 : memref<128xi32, #tpu.memory_space<vmem>>) semaphore(%arg18 : memref<!tpu.dma_semaphore, #tpu.memory_space<semaphore_mem>>) {add = true}
        %dma_start3A_647 = arith.constant 5 : i32
        %dma_start3A_648 = arith.constant 5 : i32
        %dma_start3A_649 = arith.constant 0 : i32
        %dma_start3A_650 = tpu.memref_slice %arg11[%dma_start3A_647, %dma_start3A_649] : memref<16x128xf32, #tpu.memory_space<vmem>> -> memref<1x128xf32, #tpu.memory_space<vmem>>
        %dma_start3A_651 = tpu.memref_squeeze %dma_start3A_650 : memref<1x128xf32, #tpu.memory_space<vmem>> -> memref<128xf32, #tpu.memory_space<vmem>>
        %dma_start3A_652 = arith.constant 0 : i32
        %dma_start3A_653 = tpu.memref_slice %arg9[%dma_start3A_648, %dma_start3A_652] : memref<16x128xi32, #tpu.memory_space<vmem>> -> memref<1x128xi32, #tpu.memory_space<vmem>>
        %dma_start3A_654 = tpu.memref_squeeze %dma_start3A_653 : memref<1x128xi32, #tpu.memory_space<vmem>> -> memref<128xi32, #tpu.memory_space<vmem>>
        %dma_start3A_655 = arith.constant 0 : i32
        %dma_start3A_656 = tpu.memref_slice %arg14[%dma_start3A_655] : memref<1600128xf32, #tpu.memory_space<vmem_shared>> -> memref<1600128xf32, #tpu.memory_space<vmem_shared>>
        tpu.enqueue_indirect_dma source(%dma_start3A_651 : memref<128xf32, #tpu.memory_space<vmem>>) target(%dma_start3A_656 : memref<1600128xf32, #tpu.memory_space<vmem_shared>>) offsets(%dma_start3A_654 : memref<128xi32, #tpu.memory_space<vmem>>) semaphore(%arg18 : memref<!tpu.dma_semaphore, #tpu.memory_space<semaphore_mem>>) {add = true}
        %dma_start3A_657 = arith.constant 6 : i32
        %dma_start3A_658 = arith.constant 6 : i32
        %dma_start3A_659 = arith.constant 0 : i32
        %dma_start3A_660 = tpu.memref_slice %arg11[%dma_start3A_657, %dma_start3A_659] : memref<16x128xf32, #tpu.memory_space<vmem>> -> memref<1x128xf32, #tpu.memory_space<vmem>>
        %dma_start3A_661 = tpu.memref_squeeze %dma_start3A_660 : memref<1x128xf32, #tpu.memory_space<vmem>> -> memref<128xf32, #tpu.memory_space<vmem>>
        %dma_start3A_662 = arith.constant 0 : i32
        %dma_start3A_663 = tpu.memref_slice %arg9[%dma_start3A_658, %dma_start3A_662] : memref<16x128xi32, #tpu.memory_space<vmem>> -> memref<1x128xi32, #tpu.memory_space<vmem>>
        %dma_start3A_664 = tpu.memref_squeeze %dma_start3A_663 : memref<1x128xi32, #tpu.memory_space<vmem>> -> memref<128xi32, #tpu.memory_space<vmem>>
        %dma_start3A_665 = arith.constant 0 : i32
        %dma_start3A_666 = tpu.memref_slice %arg14[%dma_start3A_665] : memref<1600128xf32, #tpu.memory_space<vmem_shared>> -> memref<1600128xf32, #tpu.memory_space<vmem_shared>>
        tpu.enqueue_indirect_dma source(%dma_start3A_661 : memref<128xf32, #tpu.memory_space<vmem>>) target(%dma_start3A_666 : memref<1600128xf32, #tpu.memory_space<vmem_shared>>) offsets(%dma_start3A_664 : memref<128xi32, #tpu.memory_space<vmem>>) semaphore(%arg18 : memref<!tpu.dma_semaphore, #tpu.memory_space<semaphore_mem>>) {add = true}
        %dma_start3A_667 = arith.constant 7 : i32
        %dma_start3A_668 = arith.constant 7 : i32
        %dma_start3A_669 = arith.constant 0 : i32
        %dma_start3A_670 = tpu.memref_slice %arg11[%dma_start3A_667, %dma_start3A_669] : memref<16x128xf32, #tpu.memory_space<vmem>> -> memref<1x128xf32, #tpu.memory_space<vmem>>
        %dma_start3A_671 = tpu.memref_squeeze %dma_start3A_670 : memref<1x128xf32, #tpu.memory_space<vmem>> -> memref<128xf32, #tpu.memory_space<vmem>>
        %dma_start3A_672 = arith.constant 0 : i32
        %dma_start3A_673 = tpu.memref_slice %arg9[%dma_start3A_668, %dma_start3A_672] : memref<16x128xi32, #tpu.memory_space<vmem>> -> memref<1x128xi32, #tpu.memory_space<vmem>>
        %dma_start3A_674 = tpu.memref_squeeze %dma_start3A_673 : memref<1x128xi32, #tpu.memory_space<vmem>> -> memref<128xi32, #tpu.memory_space<vmem>>
        %dma_start3A_675 = arith.constant 0 : i32
        %dma_start3A_676 = tpu.memref_slice %arg14[%dma_start3A_675] : memref<1600128xf32, #tpu.memory_space<vmem_shared>> -> memref<1600128xf32, #tpu.memory_space<vmem_shared>>
        tpu.enqueue_indirect_dma source(%dma_start3A_671 : memref<128xf32, #tpu.memory_space<vmem>>) target(%dma_start3A_676 : memref<1600128xf32, #tpu.memory_space<vmem_shared>>) offsets(%dma_start3A_674 : memref<128xi32, #tpu.memory_space<vmem>>) semaphore(%arg18 : memref<!tpu.dma_semaphore, #tpu.memory_space<semaphore_mem>>) {add = true}
        %dma_start3A_677 = arith.constant 8 : i32
        %dma_start3A_678 = arith.constant 8 : i32
        %dma_start3A_679 = arith.constant 0 : i32
        %dma_start3A_680 = tpu.memref_slice %arg11[%dma_start3A_677, %dma_start3A_679] : memref<16x128xf32, #tpu.memory_space<vmem>> -> memref<1x128xf32, #tpu.memory_space<vmem>>
        %dma_start3A_681 = tpu.memref_squeeze %dma_start3A_680 : memref<1x128xf32, #tpu.memory_space<vmem>> -> memref<128xf32, #tpu.memory_space<vmem>>
        %dma_start3A_682 = arith.constant 0 : i32
        %dma_start3A_683 = tpu.memref_slice %arg9[%dma_start3A_678, %dma_start3A_682] : memref<16x128xi32, #tpu.memory_space<vmem>> -> memref<1x128xi32, #tpu.memory_space<vmem>>
        %dma_start3A_684 = tpu.memref_squeeze %dma_start3A_683 : memref<1x128xi32, #tpu.memory_space<vmem>> -> memref<128xi32, #tpu.memory_space<vmem>>
        %dma_start3A_685 = arith.constant 0 : i32
        %dma_start3A_686 = tpu.memref_slice %arg14[%dma_start3A_685] : memref<1600128xf32, #tpu.memory_space<vmem_shared>> -> memref<1600128xf32, #tpu.memory_space<vmem_shared>>
        tpu.enqueue_indirect_dma source(%dma_start3A_681 : memref<128xf32, #tpu.memory_space<vmem>>) target(%dma_start3A_686 : memref<1600128xf32, #tpu.memory_space<vmem_shared>>) offsets(%dma_start3A_684 : memref<128xi32, #tpu.memory_space<vmem>>) semaphore(%arg18 : memref<!tpu.dma_semaphore, #tpu.memory_space<semaphore_mem>>) {add = true}
        %dma_start3A_687 = arith.constant 9 : i32
        %dma_start3A_688 = arith.constant 9 : i32
        %dma_start3A_689 = arith.constant 0 : i32
        %dma_start3A_690 = tpu.memref_slice %arg11[%dma_start3A_687, %dma_start3A_689] : memref<16x128xf32, #tpu.memory_space<vmem>> -> memref<1x128xf32, #tpu.memory_space<vmem>>
        %dma_start3A_691 = tpu.memref_squeeze %dma_start3A_690 : memref<1x128xf32, #tpu.memory_space<vmem>> -> memref<128xf32, #tpu.memory_space<vmem>>
        %dma_start3A_692 = arith.constant 0 : i32
        %dma_start3A_693 = tpu.memref_slice %arg9[%dma_start3A_688, %dma_start3A_692] : memref<16x128xi32, #tpu.memory_space<vmem>> -> memref<1x128xi32, #tpu.memory_space<vmem>>
        %dma_start3A_694 = tpu.memref_squeeze %dma_start3A_693 : memref<1x128xi32, #tpu.memory_space<vmem>> -> memref<128xi32, #tpu.memory_space<vmem>>
        %dma_start3A_695 = arith.constant 0 : i32
        %dma_start3A_696 = tpu.memref_slice %arg14[%dma_start3A_695] : memref<1600128xf32, #tpu.memory_space<vmem_shared>> -> memref<1600128xf32, #tpu.memory_space<vmem_shared>>
        tpu.enqueue_indirect_dma source(%dma_start3A_691 : memref<128xf32, #tpu.memory_space<vmem>>) target(%dma_start3A_696 : memref<1600128xf32, #tpu.memory_space<vmem_shared>>) offsets(%dma_start3A_694 : memref<128xi32, #tpu.memory_space<vmem>>) semaphore(%arg18 : memref<!tpu.dma_semaphore, #tpu.memory_space<semaphore_mem>>) {add = true}
        %dma_start3A_697 = arith.constant 10 : i32
        %dma_start3A_698 = arith.constant 10 : i32
        %dma_start3A_699 = arith.constant 0 : i32
        %dma_start3A_700 = tpu.memref_slice %arg11[%dma_start3A_697, %dma_start3A_699] : memref<16x128xf32, #tpu.memory_space<vmem>> -> memref<1x128xf32, #tpu.memory_space<vmem>>
        %dma_start3A_701 = tpu.memref_squeeze %dma_start3A_700 : memref<1x128xf32, #tpu.memory_space<vmem>> -> memref<128xf32, #tpu.memory_space<vmem>>
        %dma_start3A_702 = arith.constant 0 : i32
        %dma_start3A_703 = tpu.memref_slice %arg9[%dma_start3A_698, %dma_start3A_702] : memref<16x128xi32, #tpu.memory_space<vmem>> -> memref<1x128xi32, #tpu.memory_space<vmem>>
        %dma_start3A_704 = tpu.memref_squeeze %dma_start3A_703 : memref<1x128xi32, #tpu.memory_space<vmem>> -> memref<128xi32, #tpu.memory_space<vmem>>
        %dma_start3A_705 = arith.constant 0 : i32
        %dma_start3A_706 = tpu.memref_slice %arg14[%dma_start3A_705] : memref<1600128xf32, #tpu.memory_space<vmem_shared>> -> memref<1600128xf32, #tpu.memory_space<vmem_shared>>
        tpu.enqueue_indirect_dma source(%dma_start3A_701 : memref<128xf32, #tpu.memory_space<vmem>>) target(%dma_start3A_706 : memref<1600128xf32, #tpu.memory_space<vmem_shared>>) offsets(%dma_start3A_704 : memref<128xi32, #tpu.memory_space<vmem>>) semaphore(%arg18 : memref<!tpu.dma_semaphore, #tpu.memory_space<semaphore_mem>>) {add = true}
        %dma_start3A_707 = arith.constant 11 : i32
        %dma_start3A_708 = arith.constant 11 : i32
        %dma_start3A_709 = arith.constant 0 : i32
        %dma_start3A_710 = tpu.memref_slice %arg11[%dma_start3A_707, %dma_start3A_709] : memref<16x128xf32, #tpu.memory_space<vmem>> -> memref<1x128xf32, #tpu.memory_space<vmem>>
        %dma_start3A_711 = tpu.memref_squeeze %dma_start3A_710 : memref<1x128xf32, #tpu.memory_space<vmem>> -> memref<128xf32, #tpu.memory_space<vmem>>
        %dma_start3A_712 = arith.constant 0 : i32
        %dma_start3A_713 = tpu.memref_slice %arg9[%dma_start3A_708, %dma_start3A_712] : memref<16x128xi32, #tpu.memory_space<vmem>> -> memref<1x128xi32, #tpu.memory_space<vmem>>
        %dma_start3A_714 = tpu.memref_squeeze %dma_start3A_713 : memref<1x128xi32, #tpu.memory_space<vmem>> -> memref<128xi32, #tpu.memory_space<vmem>>
        %dma_start3A_715 = arith.constant 0 : i32
        %dma_start3A_716 = tpu.memref_slice %arg14[%dma_start3A_715] : memref<1600128xf32, #tpu.memory_space<vmem_shared>> -> memref<1600128xf32, #tpu.memory_space<vmem_shared>>
        tpu.enqueue_indirect_dma source(%dma_start3A_711 : memref<128xf32, #tpu.memory_space<vmem>>) target(%dma_start3A_716 : memref<1600128xf32, #tpu.memory_space<vmem_shared>>) offsets(%dma_start3A_714 : memref<128xi32, #tpu.memory_space<vmem>>) semaphore(%arg18 : memref<!tpu.dma_semaphore, #tpu.memory_space<semaphore_mem>>) {add = true}
        %dma_start3A_717 = arith.constant 12 : i32
        %dma_start3A_718 = arith.constant 12 : i32
        %dma_start3A_719 = arith.constant 0 : i32
        %dma_start3A_720 = tpu.memref_slice %arg11[%dma_start3A_717, %dma_start3A_719] : memref<16x128xf32, #tpu.memory_space<vmem>> -> memref<1x128xf32, #tpu.memory_space<vmem>>
        %dma_start3A_721 = tpu.memref_squeeze %dma_start3A_720 : memref<1x128xf32, #tpu.memory_space<vmem>> -> memref<128xf32, #tpu.memory_space<vmem>>
        %dma_start3A_722 = arith.constant 0 : i32
        %dma_start3A_723 = tpu.memref_slice %arg9[%dma_start3A_718, %dma_start3A_722] : memref<16x128xi32, #tpu.memory_space<vmem>> -> memref<1x128xi32, #tpu.memory_space<vmem>>
        %dma_start3A_724 = tpu.memref_squeeze %dma_start3A_723 : memref<1x128xi32, #tpu.memory_space<vmem>> -> memref<128xi32, #tpu.memory_space<vmem>>
        %dma_start3A_725 = arith.constant 0 : i32
        %dma_start3A_726 = tpu.memref_slice %arg14[%dma_start3A_725] : memref<1600128xf32, #tpu.memory_space<vmem_shared>> -> memref<1600128xf32, #tpu.memory_space<vmem_shared>>
        tpu.enqueue_indirect_dma source(%dma_start3A_721 : memref<128xf32, #tpu.memory_space<vmem>>) target(%dma_start3A_726 : memref<1600128xf32, #tpu.memory_space<vmem_shared>>) offsets(%dma_start3A_724 : memref<128xi32, #tpu.memory_space<vmem>>) semaphore(%arg18 : memref<!tpu.dma_semaphore, #tpu.memory_space<semaphore_mem>>) {add = true}
        %dma_start3A_727 = arith.constant 13 : i32
        %dma_start3A_728 = arith.constant 13 : i32
        %dma_start3A_729 = arith.constant 0 : i32
        %dma_start3A_730 = tpu.memref_slice %arg11[%dma_start3A_727, %dma_start3A_729] : memref<16x128xf32, #tpu.memory_space<vmem>> -> memref<1x128xf32, #tpu.memory_space<vmem>>
        %dma_start3A_731 = tpu.memref_squeeze %dma_start3A_730 : memref<1x128xf32, #tpu.memory_space<vmem>> -> memref<128xf32, #tpu.memory_space<vmem>>
        %dma_start3A_732 = arith.constant 0 : i32
        %dma_start3A_733 = tpu.memref_slice %arg9[%dma_start3A_728, %dma_start3A_732] : memref<16x128xi32, #tpu.memory_space<vmem>> -> memref<1x128xi32, #tpu.memory_space<vmem>>
        %dma_start3A_734 = tpu.memref_squeeze %dma_start3A_733 : memref<1x128xi32, #tpu.memory_space<vmem>> -> memref<128xi32, #tpu.memory_space<vmem>>
        %dma_start3A_735 = arith.constant 0 : i32
        %dma_start3A_736 = tpu.memref_slice %arg14[%dma_start3A_735] : memref<1600128xf32, #tpu.memory_space<vmem_shared>> -> memref<1600128xf32, #tpu.memory_space<vmem_shared>>
        tpu.enqueue_indirect_dma source(%dma_start3A_731 : memref<128xf32, #tpu.memory_space<vmem>>) target(%dma_start3A_736 : memref<1600128xf32, #tpu.memory_space<vmem_shared>>) offsets(%dma_start3A_734 : memref<128xi32, #tpu.memory_space<vmem>>) semaphore(%arg18 : memref<!tpu.dma_semaphore, #tpu.memory_space<semaphore_mem>>) {add = true}
        %dma_start3A_737 = arith.constant 14 : i32
        %dma_start3A_738 = arith.constant 14 : i32
        %dma_start3A_739 = arith.constant 0 : i32
        %dma_start3A_740 = tpu.memref_slice %arg11[%dma_start3A_737, %dma_start3A_739] : memref<16x128xf32, #tpu.memory_space<vmem>> -> memref<1x128xf32, #tpu.memory_space<vmem>>
        %dma_start3A_741 = tpu.memref_squeeze %dma_start3A_740 : memref<1x128xf32, #tpu.memory_space<vmem>> -> memref<128xf32, #tpu.memory_space<vmem>>
        %dma_start3A_742 = arith.constant 0 : i32
        %dma_start3A_743 = tpu.memref_slice %arg9[%dma_start3A_738, %dma_start3A_742] : memref<16x128xi32, #tpu.memory_space<vmem>> -> memref<1x128xi32, #tpu.memory_space<vmem>>
        %dma_start3A_744 = tpu.memref_squeeze %dma_start3A_743 : memref<1x128xi32, #tpu.memory_space<vmem>> -> memref<128xi32, #tpu.memory_space<vmem>>
        %dma_start3A_745 = arith.constant 0 : i32
        %dma_start3A_746 = tpu.memref_slice %arg14[%dma_start3A_745] : memref<1600128xf32, #tpu.memory_space<vmem_shared>> -> memref<1600128xf32, #tpu.memory_space<vmem_shared>>
        tpu.enqueue_indirect_dma source(%dma_start3A_741 : memref<128xf32, #tpu.memory_space<vmem>>) target(%dma_start3A_746 : memref<1600128xf32, #tpu.memory_space<vmem_shared>>) offsets(%dma_start3A_744 : memref<128xi32, #tpu.memory_space<vmem>>) semaphore(%arg18 : memref<!tpu.dma_semaphore, #tpu.memory_space<semaphore_mem>>) {add = true}
        %dma_start3A_747 = arith.constant 15 : i32
        %dma_start3A_748 = arith.constant 15 : i32
        %dma_start3A_749 = arith.constant 0 : i32
        %dma_start3A_750 = tpu.memref_slice %arg11[%dma_start3A_747, %dma_start3A_749] : memref<16x128xf32, #tpu.memory_space<vmem>> -> memref<1x128xf32, #tpu.memory_space<vmem>>
        %dma_start3A_751 = tpu.memref_squeeze %dma_start3A_750 : memref<1x128xf32, #tpu.memory_space<vmem>> -> memref<128xf32, #tpu.memory_space<vmem>>
        %dma_start3A_752 = arith.constant 0 : i32
        %dma_start3A_753 = tpu.memref_slice %arg9[%dma_start3A_748, %dma_start3A_752] : memref<16x128xi32, #tpu.memory_space<vmem>> -> memref<1x128xi32, #tpu.memory_space<vmem>>
        %dma_start3A_754 = tpu.memref_squeeze %dma_start3A_753 : memref<1x128xi32, #tpu.memory_space<vmem>> -> memref<128xi32, #tpu.memory_space<vmem>>
        %dma_start3A_755 = arith.constant 0 : i32
        %dma_start3A_756 = tpu.memref_slice %arg14[%dma_start3A_755] : memref<1600128xf32, #tpu.memory_space<vmem_shared>> -> memref<1600128xf32, #tpu.memory_space<vmem_shared>>
        tpu.enqueue_indirect_dma source(%dma_start3A_751 : memref<128xf32, #tpu.memory_space<vmem>>) target(%dma_start3A_756 : memref<1600128xf32, #tpu.memory_space<vmem_shared>>) offsets(%dma_start3A_754 : memref<128xi32, #tpu.memory_space<vmem>>) semaphore(%arg18 : memref<!tpu.dma_semaphore, #tpu.memory_space<semaphore_mem>>) {add = true}
        %lt3A = arith.constant 15 : i32
        %lt3A_757 = arith.cmpi slt, %add3A_387, %lt3A : i32
        %convert_element_type3A = arith.extui %lt3A_757 : i1 to i32
        %cond3A = arith.constant 0 : i32
        %cond3A_758 = arith.cmpi ne, %convert_element_type3A, %cond3A : i32
        scf.if %cond3A_758 {
          %dma_wait3A_759 = arith.constant 0 : i32
          %dma_wait3A_760 = arith.constant 0 : i32
          %dma_wait3A_761 = arith.constant 0 : i32
          %dma_wait3A_762 = tpu.memref_slice %arg8[%dma_wait3A_759, %dma_wait3A_761] : memref<16x128xf32, #tpu.memory_space<vmem>> -> memref<1x128xf32, #tpu.memory_space<vmem>>
          %dma_wait3A_763 = tpu.memref_squeeze %dma_wait3A_762 : memref<1x128xf32, #tpu.memory_space<vmem>> -> memref<128xf32, #tpu.memory_space<vmem>>
          %dma_wait3A_764 = arith.constant 0 : i32
          %dma_wait3A_765 = tpu.memref_slice %arg6[%dma_wait3A_760, %dma_wait3A_764] : memref<16x128xi32, #tpu.memory_space<vmem>> -> memref<1x128xi32, #tpu.memory_space<vmem>>
          %dma_wait3A_766 = tpu.memref_squeeze %dma_wait3A_765 : memref<1x128xi32, #tpu.memory_space<vmem>> -> memref<128xi32, #tpu.memory_space<vmem>>
          %dma_wait3A_767 = arith.constant 0 : i32
          %dma_wait3A_768 = tpu.memref_slice %arg14[%dma_wait3A_767] : memref<1600128xf32, #tpu.memory_space<vmem_shared>> -> memref<1600128xf32, #tpu.memory_space<vmem_shared>>
          tpu.wait_indirect_dma semaphore(%arg17 : memref<!tpu.dma_semaphore, #tpu.memory_space<semaphore_mem>>) src(%dma_wait3A_763 : memref<128xf32, #tpu.memory_space<vmem>>) dst(%dma_wait3A_768 : memref<1600128xf32, #tpu.memory_space<vmem_shared>>)
          %dma_wait3A_769 = arith.constant 1 : i32
          %dma_wait3A_770 = arith.constant 1 : i32
          %dma_wait3A_771 = arith.constant 0 : i32
          %dma_wait3A_772 = tpu.memref_slice %arg8[%dma_wait3A_769, %dma_wait3A_771] : memref<16x128xf32, #tpu.memory_space<vmem>> -> memref<1x128xf32, #tpu.memory_space<vmem>>
          %dma_wait3A_773 = tpu.memref_squeeze %dma_wait3A_772 : memref<1x128xf32, #tpu.memory_space<vmem>> -> memref<128xf32, #tpu.memory_space<vmem>>
          %dma_wait3A_774 = arith.constant 0 : i32
          %dma_wait3A_775 = tpu.memref_slice %arg6[%dma_wait3A_770, %dma_wait3A_774] : memref<16x128xi32, #tpu.memory_space<vmem>> -> memref<1x128xi32, #tpu.memory_space<vmem>>
          %dma_wait3A_776 = tpu.memref_squeeze %dma_wait3A_775 : memref<1x128xi32, #tpu.memory_space<vmem>> -> memref<128xi32, #tpu.memory_space<vmem>>
          %dma_wait3A_777 = arith.constant 0 : i32
          %dma_wait3A_778 = tpu.memref_slice %arg14[%dma_wait3A_777] : memref<1600128xf32, #tpu.memory_space<vmem_shared>> -> memref<1600128xf32, #tpu.memory_space<vmem_shared>>
          tpu.wait_indirect_dma semaphore(%arg17 : memref<!tpu.dma_semaphore, #tpu.memory_space<semaphore_mem>>) src(%dma_wait3A_773 : memref<128xf32, #tpu.memory_space<vmem>>) dst(%dma_wait3A_778 : memref<1600128xf32, #tpu.memory_space<vmem_shared>>)
          %dma_wait3A_779 = arith.constant 2 : i32
          %dma_wait3A_780 = arith.constant 2 : i32
          %dma_wait3A_781 = arith.constant 0 : i32
          %dma_wait3A_782 = tpu.memref_slice %arg8[%dma_wait3A_779, %dma_wait3A_781] : memref<16x128xf32, #tpu.memory_space<vmem>> -> memref<1x128xf32, #tpu.memory_space<vmem>>
          %dma_wait3A_783 = tpu.memref_squeeze %dma_wait3A_782 : memref<1x128xf32, #tpu.memory_space<vmem>> -> memref<128xf32, #tpu.memory_space<vmem>>
          %dma_wait3A_784 = arith.constant 0 : i32
          %dma_wait3A_785 = tpu.memref_slice %arg6[%dma_wait3A_780, %dma_wait3A_784] : memref<16x128xi32, #tpu.memory_space<vmem>> -> memref<1x128xi32, #tpu.memory_space<vmem>>
          %dma_wait3A_786 = tpu.memref_squeeze %dma_wait3A_785 : memref<1x128xi32, #tpu.memory_space<vmem>> -> memref<128xi32, #tpu.memory_space<vmem>>
          %dma_wait3A_787 = arith.constant 0 : i32
          %dma_wait3A_788 = tpu.memref_slice %arg14[%dma_wait3A_787] : memref<1600128xf32, #tpu.memory_space<vmem_shared>> -> memref<1600128xf32, #tpu.memory_space<vmem_shared>>
          tpu.wait_indirect_dma semaphore(%arg17 : memref<!tpu.dma_semaphore, #tpu.memory_space<semaphore_mem>>) src(%dma_wait3A_783 : memref<128xf32, #tpu.memory_space<vmem>>) dst(%dma_wait3A_788 : memref<1600128xf32, #tpu.memory_space<vmem_shared>>)
          %dma_wait3A_789 = arith.constant 3 : i32
          %dma_wait3A_790 = arith.constant 3 : i32
          %dma_wait3A_791 = arith.constant 0 : i32
          %dma_wait3A_792 = tpu.memref_slice %arg8[%dma_wait3A_789, %dma_wait3A_791] : memref<16x128xf32, #tpu.memory_space<vmem>> -> memref<1x128xf32, #tpu.memory_space<vmem>>
          %dma_wait3A_793 = tpu.memref_squeeze %dma_wait3A_792 : memref<1x128xf32, #tpu.memory_space<vmem>> -> memref<128xf32, #tpu.memory_space<vmem>>
          %dma_wait3A_794 = arith.constant 0 : i32
          %dma_wait3A_795 = tpu.memref_slice %arg6[%dma_wait3A_790, %dma_wait3A_794] : memref<16x128xi32, #tpu.memory_space<vmem>> -> memref<1x128xi32, #tpu.memory_space<vmem>>
          %dma_wait3A_796 = tpu.memref_squeeze %dma_wait3A_795 : memref<1x128xi32, #tpu.memory_space<vmem>> -> memref<128xi32, #tpu.memory_space<vmem>>
          %dma_wait3A_797 = arith.constant 0 : i32
          %dma_wait3A_798 = tpu.memref_slice %arg14[%dma_wait3A_797] : memref<1600128xf32, #tpu.memory_space<vmem_shared>> -> memref<1600128xf32, #tpu.memory_space<vmem_shared>>
          tpu.wait_indirect_dma semaphore(%arg17 : memref<!tpu.dma_semaphore, #tpu.memory_space<semaphore_mem>>) src(%dma_wait3A_793 : memref<128xf32, #tpu.memory_space<vmem>>) dst(%dma_wait3A_798 : memref<1600128xf32, #tpu.memory_space<vmem_shared>>)
          %dma_wait3A_799 = arith.constant 4 : i32
          %dma_wait3A_800 = arith.constant 4 : i32
          %dma_wait3A_801 = arith.constant 0 : i32
          %dma_wait3A_802 = tpu.memref_slice %arg8[%dma_wait3A_799, %dma_wait3A_801] : memref<16x128xf32, #tpu.memory_space<vmem>> -> memref<1x128xf32, #tpu.memory_space<vmem>>
          %dma_wait3A_803 = tpu.memref_squeeze %dma_wait3A_802 : memref<1x128xf32, #tpu.memory_space<vmem>> -> memref<128xf32, #tpu.memory_space<vmem>>
          %dma_wait3A_804 = arith.constant 0 : i32
          %dma_wait3A_805 = tpu.memref_slice %arg6[%dma_wait3A_800, %dma_wait3A_804] : memref<16x128xi32, #tpu.memory_space<vmem>> -> memref<1x128xi32, #tpu.memory_space<vmem>>
          %dma_wait3A_806 = tpu.memref_squeeze %dma_wait3A_805 : memref<1x128xi32, #tpu.memory_space<vmem>> -> memref<128xi32, #tpu.memory_space<vmem>>
          %dma_wait3A_807 = arith.constant 0 : i32
          %dma_wait3A_808 = tpu.memref_slice %arg14[%dma_wait3A_807] : memref<1600128xf32, #tpu.memory_space<vmem_shared>> -> memref<1600128xf32, #tpu.memory_space<vmem_shared>>
          tpu.wait_indirect_dma semaphore(%arg17 : memref<!tpu.dma_semaphore, #tpu.memory_space<semaphore_mem>>) src(%dma_wait3A_803 : memref<128xf32, #tpu.memory_space<vmem>>) dst(%dma_wait3A_808 : memref<1600128xf32, #tpu.memory_space<vmem_shared>>)
          %dma_wait3A_809 = arith.constant 5 : i32
          %dma_wait3A_810 = arith.constant 5 : i32
          %dma_wait3A_811 = arith.constant 0 : i32
          %dma_wait3A_812 = tpu.memref_slice %arg8[%dma_wait3A_809, %dma_wait3A_811] : memref<16x128xf32, #tpu.memory_space<vmem>> -> memref<1x128xf32, #tpu.memory_space<vmem>>
          %dma_wait3A_813 = tpu.memref_squeeze %dma_wait3A_812 : memref<1x128xf32, #tpu.memory_space<vmem>> -> memref<128xf32, #tpu.memory_space<vmem>>
          %dma_wait3A_814 = arith.constant 0 : i32
          %dma_wait3A_815 = tpu.memref_slice %arg6[%dma_wait3A_810, %dma_wait3A_814] : memref<16x128xi32, #tpu.memory_space<vmem>> -> memref<1x128xi32, #tpu.memory_space<vmem>>
          %dma_wait3A_816 = tpu.memref_squeeze %dma_wait3A_815 : memref<1x128xi32, #tpu.memory_space<vmem>> -> memref<128xi32, #tpu.memory_space<vmem>>
          %dma_wait3A_817 = arith.constant 0 : i32
          %dma_wait3A_818 = tpu.memref_slice %arg14[%dma_wait3A_817] : memref<1600128xf32, #tpu.memory_space<vmem_shared>> -> memref<1600128xf32, #tpu.memory_space<vmem_shared>>
          tpu.wait_indirect_dma semaphore(%arg17 : memref<!tpu.dma_semaphore, #tpu.memory_space<semaphore_mem>>) src(%dma_wait3A_813 : memref<128xf32, #tpu.memory_space<vmem>>) dst(%dma_wait3A_818 : memref<1600128xf32, #tpu.memory_space<vmem_shared>>)
          %dma_wait3A_819 = arith.constant 6 : i32
          %dma_wait3A_820 = arith.constant 6 : i32
          %dma_wait3A_821 = arith.constant 0 : i32
          %dma_wait3A_822 = tpu.memref_slice %arg8[%dma_wait3A_819, %dma_wait3A_821] : memref<16x128xf32, #tpu.memory_space<vmem>> -> memref<1x128xf32, #tpu.memory_space<vmem>>
          %dma_wait3A_823 = tpu.memref_squeeze %dma_wait3A_822 : memref<1x128xf32, #tpu.memory_space<vmem>> -> memref<128xf32, #tpu.memory_space<vmem>>
          %dma_wait3A_824 = arith.constant 0 : i32
          %dma_wait3A_825 = tpu.memref_slice %arg6[%dma_wait3A_820, %dma_wait3A_824] : memref<16x128xi32, #tpu.memory_space<vmem>> -> memref<1x128xi32, #tpu.memory_space<vmem>>
          %dma_wait3A_826 = tpu.memref_squeeze %dma_wait3A_825 : memref<1x128xi32, #tpu.memory_space<vmem>> -> memref<128xi32, #tpu.memory_space<vmem>>
          %dma_wait3A_827 = arith.constant 0 : i32
          %dma_wait3A_828 = tpu.memref_slice %arg14[%dma_wait3A_827] : memref<1600128xf32, #tpu.memory_space<vmem_shared>> -> memref<1600128xf32, #tpu.memory_space<vmem_shared>>
          tpu.wait_indirect_dma semaphore(%arg17 : memref<!tpu.dma_semaphore, #tpu.memory_space<semaphore_mem>>) src(%dma_wait3A_823 : memref<128xf32, #tpu.memory_space<vmem>>) dst(%dma_wait3A_828 : memref<1600128xf32, #tpu.memory_space<vmem_shared>>)
          %dma_wait3A_829 = arith.constant 7 : i32
          %dma_wait3A_830 = arith.constant 7 : i32
          %dma_wait3A_831 = arith.constant 0 : i32
          %dma_wait3A_832 = tpu.memref_slice %arg8[%dma_wait3A_829, %dma_wait3A_831] : memref<16x128xf32, #tpu.memory_space<vmem>> -> memref<1x128xf32, #tpu.memory_space<vmem>>
          %dma_wait3A_833 = tpu.memref_squeeze %dma_wait3A_832 : memref<1x128xf32, #tpu.memory_space<vmem>> -> memref<128xf32, #tpu.memory_space<vmem>>
          %dma_wait3A_834 = arith.constant 0 : i32
          %dma_wait3A_835 = tpu.memref_slice %arg6[%dma_wait3A_830, %dma_wait3A_834] : memref<16x128xi32, #tpu.memory_space<vmem>> -> memref<1x128xi32, #tpu.memory_space<vmem>>
          %dma_wait3A_836 = tpu.memref_squeeze %dma_wait3A_835 : memref<1x128xi32, #tpu.memory_space<vmem>> -> memref<128xi32, #tpu.memory_space<vmem>>
          %dma_wait3A_837 = arith.constant 0 : i32
          %dma_wait3A_838 = tpu.memref_slice %arg14[%dma_wait3A_837] : memref<1600128xf32, #tpu.memory_space<vmem_shared>> -> memref<1600128xf32, #tpu.memory_space<vmem_shared>>
          tpu.wait_indirect_dma semaphore(%arg17 : memref<!tpu.dma_semaphore, #tpu.memory_space<semaphore_mem>>) src(%dma_wait3A_833 : memref<128xf32, #tpu.memory_space<vmem>>) dst(%dma_wait3A_838 : memref<1600128xf32, #tpu.memory_space<vmem_shared>>)
          %dma_wait3A_839 = arith.constant 8 : i32
          %dma_wait3A_840 = arith.constant 8 : i32
          %dma_wait3A_841 = arith.constant 0 : i32
          %dma_wait3A_842 = tpu.memref_slice %arg8[%dma_wait3A_839, %dma_wait3A_841] : memref<16x128xf32, #tpu.memory_space<vmem>> -> memref<1x128xf32, #tpu.memory_space<vmem>>
          %dma_wait3A_843 = tpu.memref_squeeze %dma_wait3A_842 : memref<1x128xf32, #tpu.memory_space<vmem>> -> memref<128xf32, #tpu.memory_space<vmem>>
          %dma_wait3A_844 = arith.constant 0 : i32
          %dma_wait3A_845 = tpu.memref_slice %arg6[%dma_wait3A_840, %dma_wait3A_844] : memref<16x128xi32, #tpu.memory_space<vmem>> -> memref<1x128xi32, #tpu.memory_space<vmem>>
          %dma_wait3A_846 = tpu.memref_squeeze %dma_wait3A_845 : memref<1x128xi32, #tpu.memory_space<vmem>> -> memref<128xi32, #tpu.memory_space<vmem>>
          %dma_wait3A_847 = arith.constant 0 : i32
          %dma_wait3A_848 = tpu.memref_slice %arg14[%dma_wait3A_847] : memref<1600128xf32, #tpu.memory_space<vmem_shared>> -> memref<1600128xf32, #tpu.memory_space<vmem_shared>>
          tpu.wait_indirect_dma semaphore(%arg17 : memref<!tpu.dma_semaphore, #tpu.memory_space<semaphore_mem>>) src(%dma_wait3A_843 : memref<128xf32, #tpu.memory_space<vmem>>) dst(%dma_wait3A_848 : memref<1600128xf32, #tpu.memory_space<vmem_shared>>)
          %dma_wait3A_849 = arith.constant 9 : i32
          %dma_wait3A_850 = arith.constant 9 : i32
          %dma_wait3A_851 = arith.constant 0 : i32
          %dma_wait3A_852 = tpu.memref_slice %arg8[%dma_wait3A_849, %dma_wait3A_851] : memref<16x128xf32, #tpu.memory_space<vmem>> -> memref<1x128xf32, #tpu.memory_space<vmem>>
          %dma_wait3A_853 = tpu.memref_squeeze %dma_wait3A_852 : memref<1x128xf32, #tpu.memory_space<vmem>> -> memref<128xf32, #tpu.memory_space<vmem>>
          %dma_wait3A_854 = arith.constant 0 : i32
          %dma_wait3A_855 = tpu.memref_slice %arg6[%dma_wait3A_850, %dma_wait3A_854] : memref<16x128xi32, #tpu.memory_space<vmem>> -> memref<1x128xi32, #tpu.memory_space<vmem>>
          %dma_wait3A_856 = tpu.memref_squeeze %dma_wait3A_855 : memref<1x128xi32, #tpu.memory_space<vmem>> -> memref<128xi32, #tpu.memory_space<vmem>>
          %dma_wait3A_857 = arith.constant 0 : i32
          %dma_wait3A_858 = tpu.memref_slice %arg14[%dma_wait3A_857] : memref<1600128xf32, #tpu.memory_space<vmem_shared>> -> memref<1600128xf32, #tpu.memory_space<vmem_shared>>
          tpu.wait_indirect_dma semaphore(%arg17 : memref<!tpu.dma_semaphore, #tpu.memory_space<semaphore_mem>>) src(%dma_wait3A_853 : memref<128xf32, #tpu.memory_space<vmem>>) dst(%dma_wait3A_858 : memref<1600128xf32, #tpu.memory_space<vmem_shared>>)
          %dma_wait3A_859 = arith.constant 10 : i32
          %dma_wait3A_860 = arith.constant 10 : i32
          %dma_wait3A_861 = arith.constant 0 : i32
          %dma_wait3A_862 = tpu.memref_slice %arg8[%dma_wait3A_859, %dma_wait3A_861] : memref<16x128xf32, #tpu.memory_space<vmem>> -> memref<1x128xf32, #tpu.memory_space<vmem>>
          %dma_wait3A_863 = tpu.memref_squeeze %dma_wait3A_862 : memref<1x128xf32, #tpu.memory_space<vmem>> -> memref<128xf32, #tpu.memory_space<vmem>>
          %dma_wait3A_864 = arith.constant 0 : i32
          %dma_wait3A_865 = tpu.memref_slice %arg6[%dma_wait3A_860, %dma_wait3A_864] : memref<16x128xi32, #tpu.memory_space<vmem>> -> memref<1x128xi32, #tpu.memory_space<vmem>>
          %dma_wait3A_866 = tpu.memref_squeeze %dma_wait3A_865 : memref<1x128xi32, #tpu.memory_space<vmem>> -> memref<128xi32, #tpu.memory_space<vmem>>
          %dma_wait3A_867 = arith.constant 0 : i32
          %dma_wait3A_868 = tpu.memref_slice %arg14[%dma_wait3A_867] : memref<1600128xf32, #tpu.memory_space<vmem_shared>> -> memref<1600128xf32, #tpu.memory_space<vmem_shared>>
          tpu.wait_indirect_dma semaphore(%arg17 : memref<!tpu.dma_semaphore, #tpu.memory_space<semaphore_mem>>) src(%dma_wait3A_863 : memref<128xf32, #tpu.memory_space<vmem>>) dst(%dma_wait3A_868 : memref<1600128xf32, #tpu.memory_space<vmem_shared>>)
          %dma_wait3A_869 = arith.constant 11 : i32
          %dma_wait3A_870 = arith.constant 11 : i32
          %dma_wait3A_871 = arith.constant 0 : i32
          %dma_wait3A_872 = tpu.memref_slice %arg8[%dma_wait3A_869, %dma_wait3A_871] : memref<16x128xf32, #tpu.memory_space<vmem>> -> memref<1x128xf32, #tpu.memory_space<vmem>>
          %dma_wait3A_873 = tpu.memref_squeeze %dma_wait3A_872 : memref<1x128xf32, #tpu.memory_space<vmem>> -> memref<128xf32, #tpu.memory_space<vmem>>
          %dma_wait3A_874 = arith.constant 0 : i32
          %dma_wait3A_875 = tpu.memref_slice %arg6[%dma_wait3A_870, %dma_wait3A_874] : memref<16x128xi32, #tpu.memory_space<vmem>> -> memref<1x128xi32, #tpu.memory_space<vmem>>
          %dma_wait3A_876 = tpu.memref_squeeze %dma_wait3A_875 : memref<1x128xi32, #tpu.memory_space<vmem>> -> memref<128xi32, #tpu.memory_space<vmem>>
          %dma_wait3A_877 = arith.constant 0 : i32
          %dma_wait3A_878 = tpu.memref_slice %arg14[%dma_wait3A_877] : memref<1600128xf32, #tpu.memory_space<vmem_shared>> -> memref<1600128xf32, #tpu.memory_space<vmem_shared>>
          tpu.wait_indirect_dma semaphore(%arg17 : memref<!tpu.dma_semaphore, #tpu.memory_space<semaphore_mem>>) src(%dma_wait3A_873 : memref<128xf32, #tpu.memory_space<vmem>>) dst(%dma_wait3A_878 : memref<1600128xf32, #tpu.memory_space<vmem_shared>>)
          %dma_wait3A_879 = arith.constant 12 : i32
          %dma_wait3A_880 = arith.constant 12 : i32
          %dma_wait3A_881 = arith.constant 0 : i32
          %dma_wait3A_882 = tpu.memref_slice %arg8[%dma_wait3A_879, %dma_wait3A_881] : memref<16x128xf32, #tpu.memory_space<vmem>> -> memref<1x128xf32, #tpu.memory_space<vmem>>
          %dma_wait3A_883 = tpu.memref_squeeze %dma_wait3A_882 : memref<1x128xf32, #tpu.memory_space<vmem>> -> memref<128xf32, #tpu.memory_space<vmem>>
          %dma_wait3A_884 = arith.constant 0 : i32
          %dma_wait3A_885 = tpu.memref_slice %arg6[%dma_wait3A_880, %dma_wait3A_884] : memref<16x128xi32, #tpu.memory_space<vmem>> -> memref<1x128xi32, #tpu.memory_space<vmem>>
          %dma_wait3A_886 = tpu.memref_squeeze %dma_wait3A_885 : memref<1x128xi32, #tpu.memory_space<vmem>> -> memref<128xi32, #tpu.memory_space<vmem>>
          %dma_wait3A_887 = arith.constant 0 : i32
          %dma_wait3A_888 = tpu.memref_slice %arg14[%dma_wait3A_887] : memref<1600128xf32, #tpu.memory_space<vmem_shared>> -> memref<1600128xf32, #tpu.memory_space<vmem_shared>>
          tpu.wait_indirect_dma semaphore(%arg17 : memref<!tpu.dma_semaphore, #tpu.memory_space<semaphore_mem>>) src(%dma_wait3A_883 : memref<128xf32, #tpu.memory_space<vmem>>) dst(%dma_wait3A_888 : memref<1600128xf32, #tpu.memory_space<vmem_shared>>)
          %dma_wait3A_889 = arith.constant 13 : i32
          %dma_wait3A_890 = arith.constant 13 : i32
          %dma_wait3A_891 = arith.constant 0 : i32
          %dma_wait3A_892 = tpu.memref_slice %arg8[%dma_wait3A_889, %dma_wait3A_891] : memref<16x128xf32, #tpu.memory_space<vmem>> -> memref<1x128xf32, #tpu.memory_space<vmem>>
          %dma_wait3A_893 = tpu.memref_squeeze %dma_wait3A_892 : memref<1x128xf32, #tpu.memory_space<vmem>> -> memref<128xf32, #tpu.memory_space<vmem>>
          %dma_wait3A_894 = arith.constant 0 : i32
          %dma_wait3A_895 = tpu.memref_slice %arg6[%dma_wait3A_890, %dma_wait3A_894] : memref<16x128xi32, #tpu.memory_space<vmem>> -> memref<1x128xi32, #tpu.memory_space<vmem>>
          %dma_wait3A_896 = tpu.memref_squeeze %dma_wait3A_895 : memref<1x128xi32, #tpu.memory_space<vmem>> -> memref<128xi32, #tpu.memory_space<vmem>>
          %dma_wait3A_897 = arith.constant 0 : i32
          %dma_wait3A_898 = tpu.memref_slice %arg14[%dma_wait3A_897] : memref<1600128xf32, #tpu.memory_space<vmem_shared>> -> memref<1600128xf32, #tpu.memory_space<vmem_shared>>
          tpu.wait_indirect_dma semaphore(%arg17 : memref<!tpu.dma_semaphore, #tpu.memory_space<semaphore_mem>>) src(%dma_wait3A_893 : memref<128xf32, #tpu.memory_space<vmem>>) dst(%dma_wait3A_898 : memref<1600128xf32, #tpu.memory_space<vmem_shared>>)
          %dma_wait3A_899 = arith.constant 14 : i32
          %dma_wait3A_900 = arith.constant 14 : i32
          %dma_wait3A_901 = arith.constant 0 : i32
          %dma_wait3A_902 = tpu.memref_slice %arg8[%dma_wait3A_899, %dma_wait3A_901] : memref<16x128xf32, #tpu.memory_space<vmem>> -> memref<1x128xf32, #tpu.memory_space<vmem>>
          %dma_wait3A_903 = tpu.memref_squeeze %dma_wait3A_902 : memref<1x128xf32, #tpu.memory_space<vmem>> -> memref<128xf32, #tpu.memory_space<vmem>>
          %dma_wait3A_904 = arith.constant 0 : i32
          %dma_wait3A_905 = tpu.memref_slice %arg6[%dma_wait3A_900, %dma_wait3A_904] : memref<16x128xi32, #tpu.memory_space<vmem>> -> memref<1x128xi32, #tpu.memory_space<vmem>>
          %dma_wait3A_906 = tpu.memref_squeeze %dma_wait3A_905 : memref<1x128xi32, #tpu.memory_space<vmem>> -> memref<128xi32, #tpu.memory_space<vmem>>
          %dma_wait3A_907 = arith.constant 0 : i32
          %dma_wait3A_908 = tpu.memref_slice %arg14[%dma_wait3A_907] : memref<1600128xf32, #tpu.memory_space<vmem_shared>> -> memref<1600128xf32, #tpu.memory_space<vmem_shared>>
          tpu.wait_indirect_dma semaphore(%arg17 : memref<!tpu.dma_semaphore, #tpu.memory_space<semaphore_mem>>) src(%dma_wait3A_903 : memref<128xf32, #tpu.memory_space<vmem>>) dst(%dma_wait3A_908 : memref<1600128xf32, #tpu.memory_space<vmem_shared>>)
          %dma_wait3A_909 = arith.constant 15 : i32
          %dma_wait3A_910 = arith.constant 15 : i32
          %dma_wait3A_911 = arith.constant 0 : i32
          %dma_wait3A_912 = tpu.memref_slice %arg8[%dma_wait3A_909, %dma_wait3A_911] : memref<16x128xf32, #tpu.memory_space<vmem>> -> memref<1x128xf32, #tpu.memory_space<vmem>>
          %dma_wait3A_913 = tpu.memref_squeeze %dma_wait3A_912 : memref<1x128xf32, #tpu.memory_space<vmem>> -> memref<128xf32, #tpu.memory_space<vmem>>
          %dma_wait3A_914 = arith.constant 0 : i32
          %dma_wait3A_915 = tpu.memref_slice %arg6[%dma_wait3A_910, %dma_wait3A_914] : memref<16x128xi32, #tpu.memory_space<vmem>> -> memref<1x128xi32, #tpu.memory_space<vmem>>
          %dma_wait3A_916 = tpu.memref_squeeze %dma_wait3A_915 : memref<1x128xi32, #tpu.memory_space<vmem>> -> memref<128xi32, #tpu.memory_space<vmem>>
          %dma_wait3A_917 = arith.constant 0 : i32
          %dma_wait3A_918 = tpu.memref_slice %arg14[%dma_wait3A_917] : memref<1600128xf32, #tpu.memory_space<vmem_shared>> -> memref<1600128xf32, #tpu.memory_space<vmem_shared>>
          tpu.wait_indirect_dma semaphore(%arg17 : memref<!tpu.dma_semaphore, #tpu.memory_space<semaphore_mem>>) src(%dma_wait3A_913 : memref<128xf32, #tpu.memory_space<vmem>>) dst(%dma_wait3A_918 : memref<1600128xf32, #tpu.memory_space<vmem_shared>>)
          %add3A_919 = arith.constant 2 : i32
          %add3A_920 = arith.addi %add3A_390, %add3A_919 : i32
          %mul3A_921 = arith.constant 16 : i32
          %mul3A_922 = arith.muli %add3A_920, %mul3A_921 : i32
          %dma_start3A_923 = arith.constant 0 : i32
          %dma_start3A_924 = tpu.memref_slice %arg2[%mul3A_922, %dma_start3A_923] : memref<8192x128xi32, #tpu.memory_space<hbm>> -> memref<16x128xi32, #tpu.memory_space<hbm>>
          %dma_start3A_925 = arith.constant 0 : i32
          %dma_start3A_926 = tpu.memref_slice %arg2[%mul3A_922, %dma_start3A_925] : memref<8192x128xi32, #tpu.memory_space<hbm>> -> memref<16x128xi32, #tpu.memory_space<hbm>>
          tpu.enqueue_dma source(%dma_start3A_926 : memref<16x128xi32, #tpu.memory_space<hbm>>) target(%arg6 : memref<16x128xi32, #tpu.memory_space<vmem>>) target_semaphore(%arg15 : memref<!tpu.dma_semaphore, #tpu.memory_space<semaphore_mem>>)
          %dma_start3A_927 = arith.constant 0 : i32
          %dma_start3A_928 = tpu.memref_slice %arg3[%mul3A_922, %dma_start3A_927] : memref<8192x128xi32, #tpu.memory_space<hbm>> -> memref<16x128xi32, #tpu.memory_space<hbm>>
          %dma_start3A_929 = arith.constant 0 : i32
          %dma_start3A_930 = tpu.memref_slice %arg3[%mul3A_922, %dma_start3A_929] : memref<8192x128xi32, #tpu.memory_space<hbm>> -> memref<16x128xi32, #tpu.memory_space<hbm>>
          tpu.enqueue_dma source(%dma_start3A_930 : memref<16x128xi32, #tpu.memory_space<hbm>>) target(%arg7 : memref<16x128xi32, #tpu.memory_space<vmem>>) target_semaphore(%arg15 : memref<!tpu.dma_semaphore, #tpu.memory_space<semaphore_mem>>)
          %dma_start3A_931 = arith.constant 0 : i32
          %dma_start3A_932 = tpu.memref_slice %arg4[%mul3A_922, %dma_start3A_931] : memref<8192x128xf32, #tpu.memory_space<hbm>> -> memref<16x128xf32, #tpu.memory_space<hbm>>
          %dma_start3A_933 = arith.constant 0 : i32
          %dma_start3A_934 = tpu.memref_slice %arg4[%mul3A_922, %dma_start3A_933] : memref<8192x128xf32, #tpu.memory_space<hbm>> -> memref<16x128xf32, #tpu.memory_space<hbm>>
          tpu.enqueue_dma source(%dma_start3A_934 : memref<16x128xf32, #tpu.memory_space<hbm>>) target(%arg8 : memref<16x128xf32, #tpu.memory_space<vmem>>) target_semaphore(%arg15 : memref<!tpu.dma_semaphore, #tpu.memory_space<semaphore_mem>>)
          %dma_wait3A_935 = arith.constant 0 : i32
          %dma_wait3A_936 = arith.constant 0 : i32
          %dma_wait3A_937 = arith.constant 0 : i32
          %dma_wait3A_938 = tpu.memref_slice %arg11[%dma_wait3A_935, %dma_wait3A_937] : memref<16x128xf32, #tpu.memory_space<vmem>> -> memref<1x128xf32, #tpu.memory_space<vmem>>
          %dma_wait3A_939 = tpu.memref_squeeze %dma_wait3A_938 : memref<1x128xf32, #tpu.memory_space<vmem>> -> memref<128xf32, #tpu.memory_space<vmem>>
          %dma_wait3A_940 = arith.constant 0 : i32
          %dma_wait3A_941 = tpu.memref_slice %arg9[%dma_wait3A_936, %dma_wait3A_940] : memref<16x128xi32, #tpu.memory_space<vmem>> -> memref<1x128xi32, #tpu.memory_space<vmem>>
          %dma_wait3A_942 = tpu.memref_squeeze %dma_wait3A_941 : memref<1x128xi32, #tpu.memory_space<vmem>> -> memref<128xi32, #tpu.memory_space<vmem>>
          %dma_wait3A_943 = arith.constant 0 : i32
          %dma_wait3A_944 = tpu.memref_slice %arg14[%dma_wait3A_943] : memref<1600128xf32, #tpu.memory_space<vmem_shared>> -> memref<1600128xf32, #tpu.memory_space<vmem_shared>>
          tpu.wait_indirect_dma semaphore(%arg18 : memref<!tpu.dma_semaphore, #tpu.memory_space<semaphore_mem>>) src(%dma_wait3A_939 : memref<128xf32, #tpu.memory_space<vmem>>) dst(%dma_wait3A_944 : memref<1600128xf32, #tpu.memory_space<vmem_shared>>)
          %dma_wait3A_945 = arith.constant 1 : i32
          %dma_wait3A_946 = arith.constant 1 : i32
          %dma_wait3A_947 = arith.constant 0 : i32
          %dma_wait3A_948 = tpu.memref_slice %arg11[%dma_wait3A_945, %dma_wait3A_947] : memref<16x128xf32, #tpu.memory_space<vmem>> -> memref<1x128xf32, #tpu.memory_space<vmem>>
          %dma_wait3A_949 = tpu.memref_squeeze %dma_wait3A_948 : memref<1x128xf32, #tpu.memory_space<vmem>> -> memref<128xf32, #tpu.memory_space<vmem>>
          %dma_wait3A_950 = arith.constant 0 : i32
          %dma_wait3A_951 = tpu.memref_slice %arg9[%dma_wait3A_946, %dma_wait3A_950] : memref<16x128xi32, #tpu.memory_space<vmem>> -> memref<1x128xi32, #tpu.memory_space<vmem>>
          %dma_wait3A_952 = tpu.memref_squeeze %dma_wait3A_951 : memref<1x128xi32, #tpu.memory_space<vmem>> -> memref<128xi32, #tpu.memory_space<vmem>>
          %dma_wait3A_953 = arith.constant 0 : i32
          %dma_wait3A_954 = tpu.memref_slice %arg14[%dma_wait3A_953] : memref<1600128xf32, #tpu.memory_space<vmem_shared>> -> memref<1600128xf32, #tpu.memory_space<vmem_shared>>
          tpu.wait_indirect_dma semaphore(%arg18 : memref<!tpu.dma_semaphore, #tpu.memory_space<semaphore_mem>>) src(%dma_wait3A_949 : memref<128xf32, #tpu.memory_space<vmem>>) dst(%dma_wait3A_954 : memref<1600128xf32, #tpu.memory_space<vmem_shared>>)
          %dma_wait3A_955 = arith.constant 2 : i32
          %dma_wait3A_956 = arith.constant 2 : i32
          %dma_wait3A_957 = arith.constant 0 : i32
          %dma_wait3A_958 = tpu.memref_slice %arg11[%dma_wait3A_955, %dma_wait3A_957] : memref<16x128xf32, #tpu.memory_space<vmem>> -> memref<1x128xf32, #tpu.memory_space<vmem>>
          %dma_wait3A_959 = tpu.memref_squeeze %dma_wait3A_958 : memref<1x128xf32, #tpu.memory_space<vmem>> -> memref<128xf32, #tpu.memory_space<vmem>>
          %dma_wait3A_960 = arith.constant 0 : i32
          %dma_wait3A_961 = tpu.memref_slice %arg9[%dma_wait3A_956, %dma_wait3A_960] : memref<16x128xi32, #tpu.memory_space<vmem>> -> memref<1x128xi32, #tpu.memory_space<vmem>>
          %dma_wait3A_962 = tpu.memref_squeeze %dma_wait3A_961 : memref<1x128xi32, #tpu.memory_space<vmem>> -> memref<128xi32, #tpu.memory_space<vmem>>
          %dma_wait3A_963 = arith.constant 0 : i32
          %dma_wait3A_964 = tpu.memref_slice %arg14[%dma_wait3A_963] : memref<1600128xf32, #tpu.memory_space<vmem_shared>> -> memref<1600128xf32, #tpu.memory_space<vmem_shared>>
          tpu.wait_indirect_dma semaphore(%arg18 : memref<!tpu.dma_semaphore, #tpu.memory_space<semaphore_mem>>) src(%dma_wait3A_959 : memref<128xf32, #tpu.memory_space<vmem>>) dst(%dma_wait3A_964 : memref<1600128xf32, #tpu.memory_space<vmem_shared>>)
          %dma_wait3A_965 = arith.constant 3 : i32
          %dma_wait3A_966 = arith.constant 3 : i32
          %dma_wait3A_967 = arith.constant 0 : i32
          %dma_wait3A_968 = tpu.memref_slice %arg11[%dma_wait3A_965, %dma_wait3A_967] : memref<16x128xf32, #tpu.memory_space<vmem>> -> memref<1x128xf32, #tpu.memory_space<vmem>>
          %dma_wait3A_969 = tpu.memref_squeeze %dma_wait3A_968 : memref<1x128xf32, #tpu.memory_space<vmem>> -> memref<128xf32, #tpu.memory_space<vmem>>
          %dma_wait3A_970 = arith.constant 0 : i32
          %dma_wait3A_971 = tpu.memref_slice %arg9[%dma_wait3A_966, %dma_wait3A_970] : memref<16x128xi32, #tpu.memory_space<vmem>> -> memref<1x128xi32, #tpu.memory_space<vmem>>
          %dma_wait3A_972 = tpu.memref_squeeze %dma_wait3A_971 : memref<1x128xi32, #tpu.memory_space<vmem>> -> memref<128xi32, #tpu.memory_space<vmem>>
          %dma_wait3A_973 = arith.constant 0 : i32
          %dma_wait3A_974 = tpu.memref_slice %arg14[%dma_wait3A_973] : memref<1600128xf32, #tpu.memory_space<vmem_shared>> -> memref<1600128xf32, #tpu.memory_space<vmem_shared>>
          tpu.wait_indirect_dma semaphore(%arg18 : memref<!tpu.dma_semaphore, #tpu.memory_space<semaphore_mem>>) src(%dma_wait3A_969 : memref<128xf32, #tpu.memory_space<vmem>>) dst(%dma_wait3A_974 : memref<1600128xf32, #tpu.memory_space<vmem_shared>>)
          %dma_wait3A_975 = arith.constant 4 : i32
          %dma_wait3A_976 = arith.constant 4 : i32
          %dma_wait3A_977 = arith.constant 0 : i32
          %dma_wait3A_978 = tpu.memref_slice %arg11[%dma_wait3A_975, %dma_wait3A_977] : memref<16x128xf32, #tpu.memory_space<vmem>> -> memref<1x128xf32, #tpu.memory_space<vmem>>
          %dma_wait3A_979 = tpu.memref_squeeze %dma_wait3A_978 : memref<1x128xf32, #tpu.memory_space<vmem>> -> memref<128xf32, #tpu.memory_space<vmem>>
          %dma_wait3A_980 = arith.constant 0 : i32
          %dma_wait3A_981 = tpu.memref_slice %arg9[%dma_wait3A_976, %dma_wait3A_980] : memref<16x128xi32, #tpu.memory_space<vmem>> -> memref<1x128xi32, #tpu.memory_space<vmem>>
          %dma_wait3A_982 = tpu.memref_squeeze %dma_wait3A_981 : memref<1x128xi32, #tpu.memory_space<vmem>> -> memref<128xi32, #tpu.memory_space<vmem>>
          %dma_wait3A_983 = arith.constant 0 : i32
          %dma_wait3A_984 = tpu.memref_slice %arg14[%dma_wait3A_983] : memref<1600128xf32, #tpu.memory_space<vmem_shared>> -> memref<1600128xf32, #tpu.memory_space<vmem_shared>>
          tpu.wait_indirect_dma semaphore(%arg18 : memref<!tpu.dma_semaphore, #tpu.memory_space<semaphore_mem>>) src(%dma_wait3A_979 : memref<128xf32, #tpu.memory_space<vmem>>) dst(%dma_wait3A_984 : memref<1600128xf32, #tpu.memory_space<vmem_shared>>)
          %dma_wait3A_985 = arith.constant 5 : i32
          %dma_wait3A_986 = arith.constant 5 : i32
          %dma_wait3A_987 = arith.constant 0 : i32
          %dma_wait3A_988 = tpu.memref_slice %arg11[%dma_wait3A_985, %dma_wait3A_987] : memref<16x128xf32, #tpu.memory_space<vmem>> -> memref<1x128xf32, #tpu.memory_space<vmem>>
          %dma_wait3A_989 = tpu.memref_squeeze %dma_wait3A_988 : memref<1x128xf32, #tpu.memory_space<vmem>> -> memref<128xf32, #tpu.memory_space<vmem>>
          %dma_wait3A_990 = arith.constant 0 : i32
          %dma_wait3A_991 = tpu.memref_slice %arg9[%dma_wait3A_986, %dma_wait3A_990] : memref<16x128xi32, #tpu.memory_space<vmem>> -> memref<1x128xi32, #tpu.memory_space<vmem>>
          %dma_wait3A_992 = tpu.memref_squeeze %dma_wait3A_991 : memref<1x128xi32, #tpu.memory_space<vmem>> -> memref<128xi32, #tpu.memory_space<vmem>>
          %dma_wait3A_993 = arith.constant 0 : i32
          %dma_wait3A_994 = tpu.memref_slice %arg14[%dma_wait3A_993] : memref<1600128xf32, #tpu.memory_space<vmem_shared>> -> memref<1600128xf32, #tpu.memory_space<vmem_shared>>
          tpu.wait_indirect_dma semaphore(%arg18 : memref<!tpu.dma_semaphore, #tpu.memory_space<semaphore_mem>>) src(%dma_wait3A_989 : memref<128xf32, #tpu.memory_space<vmem>>) dst(%dma_wait3A_994 : memref<1600128xf32, #tpu.memory_space<vmem_shared>>)
          %dma_wait3A_995 = arith.constant 6 : i32
          %dma_wait3A_996 = arith.constant 6 : i32
          %dma_wait3A_997 = arith.constant 0 : i32
          %dma_wait3A_998 = tpu.memref_slice %arg11[%dma_wait3A_995, %dma_wait3A_997] : memref<16x128xf32, #tpu.memory_space<vmem>> -> memref<1x128xf32, #tpu.memory_space<vmem>>
          %dma_wait3A_999 = tpu.memref_squeeze %dma_wait3A_998 : memref<1x128xf32, #tpu.memory_space<vmem>> -> memref<128xf32, #tpu.memory_space<vmem>>
          %dma_wait3A_1000 = arith.constant 0 : i32
          %dma_wait3A_1001 = tpu.memref_slice %arg9[%dma_wait3A_996, %dma_wait3A_1000] : memref<16x128xi32, #tpu.memory_space<vmem>> -> memref<1x128xi32, #tpu.memory_space<vmem>>
          %dma_wait3A_1002 = tpu.memref_squeeze %dma_wait3A_1001 : memref<1x128xi32, #tpu.memory_space<vmem>> -> memref<128xi32, #tpu.memory_space<vmem>>
          %dma_wait3A_1003 = arith.constant 0 : i32
          %dma_wait3A_1004 = tpu.memref_slice %arg14[%dma_wait3A_1003] : memref<1600128xf32, #tpu.memory_space<vmem_shared>> -> memref<1600128xf32, #tpu.memory_space<vmem_shared>>
          tpu.wait_indirect_dma semaphore(%arg18 : memref<!tpu.dma_semaphore, #tpu.memory_space<semaphore_mem>>) src(%dma_wait3A_999 : memref<128xf32, #tpu.memory_space<vmem>>) dst(%dma_wait3A_1004 : memref<1600128xf32, #tpu.memory_space<vmem_shared>>)
          %dma_wait3A_1005 = arith.constant 7 : i32
          %dma_wait3A_1006 = arith.constant 7 : i32
          %dma_wait3A_1007 = arith.constant 0 : i32
          %dma_wait3A_1008 = tpu.memref_slice %arg11[%dma_wait3A_1005, %dma_wait3A_1007] : memref<16x128xf32, #tpu.memory_space<vmem>> -> memref<1x128xf32, #tpu.memory_space<vmem>>
          %dma_wait3A_1009 = tpu.memref_squeeze %dma_wait3A_1008 : memref<1x128xf32, #tpu.memory_space<vmem>> -> memref<128xf32, #tpu.memory_space<vmem>>
          %dma_wait3A_1010 = arith.constant 0 : i32
          %dma_wait3A_1011 = tpu.memref_slice %arg9[%dma_wait3A_1006, %dma_wait3A_1010] : memref<16x128xi32, #tpu.memory_space<vmem>> -> memref<1x128xi32, #tpu.memory_space<vmem>>
          %dma_wait3A_1012 = tpu.memref_squeeze %dma_wait3A_1011 : memref<1x128xi32, #tpu.memory_space<vmem>> -> memref<128xi32, #tpu.memory_space<vmem>>
          %dma_wait3A_1013 = arith.constant 0 : i32
          %dma_wait3A_1014 = tpu.memref_slice %arg14[%dma_wait3A_1013] : memref<1600128xf32, #tpu.memory_space<vmem_shared>> -> memref<1600128xf32, #tpu.memory_space<vmem_shared>>
          tpu.wait_indirect_dma semaphore(%arg18 : memref<!tpu.dma_semaphore, #tpu.memory_space<semaphore_mem>>) src(%dma_wait3A_1009 : memref<128xf32, #tpu.memory_space<vmem>>) dst(%dma_wait3A_1014 : memref<1600128xf32, #tpu.memory_space<vmem_shared>>)
          %dma_wait3A_1015 = arith.constant 8 : i32
          %dma_wait3A_1016 = arith.constant 8 : i32
          %dma_wait3A_1017 = arith.constant 0 : i32
          %dma_wait3A_1018 = tpu.memref_slice %arg11[%dma_wait3A_1015, %dma_wait3A_1017] : memref<16x128xf32, #tpu.memory_space<vmem>> -> memref<1x128xf32, #tpu.memory_space<vmem>>
          %dma_wait3A_1019 = tpu.memref_squeeze %dma_wait3A_1018 : memref<1x128xf32, #tpu.memory_space<vmem>> -> memref<128xf32, #tpu.memory_space<vmem>>
          %dma_wait3A_1020 = arith.constant 0 : i32
          %dma_wait3A_1021 = tpu.memref_slice %arg9[%dma_wait3A_1016, %dma_wait3A_1020] : memref<16x128xi32, #tpu.memory_space<vmem>> -> memref<1x128xi32, #tpu.memory_space<vmem>>
          %dma_wait3A_1022 = tpu.memref_squeeze %dma_wait3A_1021 : memref<1x128xi32, #tpu.memory_space<vmem>> -> memref<128xi32, #tpu.memory_space<vmem>>
          %dma_wait3A_1023 = arith.constant 0 : i32
          %dma_wait3A_1024 = tpu.memref_slice %arg14[%dma_wait3A_1023] : memref<1600128xf32, #tpu.memory_space<vmem_shared>> -> memref<1600128xf32, #tpu.memory_space<vmem_shared>>
          tpu.wait_indirect_dma semaphore(%arg18 : memref<!tpu.dma_semaphore, #tpu.memory_space<semaphore_mem>>) src(%dma_wait3A_1019 : memref<128xf32, #tpu.memory_space<vmem>>) dst(%dma_wait3A_1024 : memref<1600128xf32, #tpu.memory_space<vmem_shared>>)
          %dma_wait3A_1025 = arith.constant 9 : i32
          %dma_wait3A_1026 = arith.constant 9 : i32
          %dma_wait3A_1027 = arith.constant 0 : i32
          %dma_wait3A_1028 = tpu.memref_slice %arg11[%dma_wait3A_1025, %dma_wait3A_1027] : memref<16x128xf32, #tpu.memory_space<vmem>> -> memref<1x128xf32, #tpu.memory_space<vmem>>
          %dma_wait3A_1029 = tpu.memref_squeeze %dma_wait3A_1028 : memref<1x128xf32, #tpu.memory_space<vmem>> -> memref<128xf32, #tpu.memory_space<vmem>>
          %dma_wait3A_1030 = arith.constant 0 : i32
          %dma_wait3A_1031 = tpu.memref_slice %arg9[%dma_wait3A_1026, %dma_wait3A_1030] : memref<16x128xi32, #tpu.memory_space<vmem>> -> memref<1x128xi32, #tpu.memory_space<vmem>>
          %dma_wait3A_1032 = tpu.memref_squeeze %dma_wait3A_1031 : memref<1x128xi32, #tpu.memory_space<vmem>> -> memref<128xi32, #tpu.memory_space<vmem>>
          %dma_wait3A_1033 = arith.constant 0 : i32
          %dma_wait3A_1034 = tpu.memref_slice %arg14[%dma_wait3A_1033] : memref<1600128xf32, #tpu.memory_space<vmem_shared>> -> memref<1600128xf32, #tpu.memory_space<vmem_shared>>
          tpu.wait_indirect_dma semaphore(%arg18 : memref<!tpu.dma_semaphore, #tpu.memory_space<semaphore_mem>>) src(%dma_wait3A_1029 : memref<128xf32, #tpu.memory_space<vmem>>) dst(%dma_wait3A_1034 : memref<1600128xf32, #tpu.memory_space<vmem_shared>>)
          %dma_wait3A_1035 = arith.constant 10 : i32
          %dma_wait3A_1036 = arith.constant 10 : i32
          %dma_wait3A_1037 = arith.constant 0 : i32
          %dma_wait3A_1038 = tpu.memref_slice %arg11[%dma_wait3A_1035, %dma_wait3A_1037] : memref<16x128xf32, #tpu.memory_space<vmem>> -> memref<1x128xf32, #tpu.memory_space<vmem>>
          %dma_wait3A_1039 = tpu.memref_squeeze %dma_wait3A_1038 : memref<1x128xf32, #tpu.memory_space<vmem>> -> memref<128xf32, #tpu.memory_space<vmem>>
          %dma_wait3A_1040 = arith.constant 0 : i32
          %dma_wait3A_1041 = tpu.memref_slice %arg9[%dma_wait3A_1036, %dma_wait3A_1040] : memref<16x128xi32, #tpu.memory_space<vmem>> -> memref<1x128xi32, #tpu.memory_space<vmem>>
          %dma_wait3A_1042 = tpu.memref_squeeze %dma_wait3A_1041 : memref<1x128xi32, #tpu.memory_space<vmem>> -> memref<128xi32, #tpu.memory_space<vmem>>
          %dma_wait3A_1043 = arith.constant 0 : i32
          %dma_wait3A_1044 = tpu.memref_slice %arg14[%dma_wait3A_1043] : memref<1600128xf32, #tpu.memory_space<vmem_shared>> -> memref<1600128xf32, #tpu.memory_space<vmem_shared>>
          tpu.wait_indirect_dma semaphore(%arg18 : memref<!tpu.dma_semaphore, #tpu.memory_space<semaphore_mem>>) src(%dma_wait3A_1039 : memref<128xf32, #tpu.memory_space<vmem>>) dst(%dma_wait3A_1044 : memref<1600128xf32, #tpu.memory_space<vmem_shared>>)
          %dma_wait3A_1045 = arith.constant 11 : i32
          %dma_wait3A_1046 = arith.constant 11 : i32
          %dma_wait3A_1047 = arith.constant 0 : i32
          %dma_wait3A_1048 = tpu.memref_slice %arg11[%dma_wait3A_1045, %dma_wait3A_1047] : memref<16x128xf32, #tpu.memory_space<vmem>> -> memref<1x128xf32, #tpu.memory_space<vmem>>
          %dma_wait3A_1049 = tpu.memref_squeeze %dma_wait3A_1048 : memref<1x128xf32, #tpu.memory_space<vmem>> -> memref<128xf32, #tpu.memory_space<vmem>>
          %dma_wait3A_1050 = arith.constant 0 : i32
          %dma_wait3A_1051 = tpu.memref_slice %arg9[%dma_wait3A_1046, %dma_wait3A_1050] : memref<16x128xi32, #tpu.memory_space<vmem>> -> memref<1x128xi32, #tpu.memory_space<vmem>>
          %dma_wait3A_1052 = tpu.memref_squeeze %dma_wait3A_1051 : memref<1x128xi32, #tpu.memory_space<vmem>> -> memref<128xi32, #tpu.memory_space<vmem>>
          %dma_wait3A_1053 = arith.constant 0 : i32
          %dma_wait3A_1054 = tpu.memref_slice %arg14[%dma_wait3A_1053] : memref<1600128xf32, #tpu.memory_space<vmem_shared>> -> memref<1600128xf32, #tpu.memory_space<vmem_shared>>
          tpu.wait_indirect_dma semaphore(%arg18 : memref<!tpu.dma_semaphore, #tpu.memory_space<semaphore_mem>>) src(%dma_wait3A_1049 : memref<128xf32, #tpu.memory_space<vmem>>) dst(%dma_wait3A_1054 : memref<1600128xf32, #tpu.memory_space<vmem_shared>>)
          %dma_wait3A_1055 = arith.constant 12 : i32
          %dma_wait3A_1056 = arith.constant 12 : i32
          %dma_wait3A_1057 = arith.constant 0 : i32
          %dma_wait3A_1058 = tpu.memref_slice %arg11[%dma_wait3A_1055, %dma_wait3A_1057] : memref<16x128xf32, #tpu.memory_space<vmem>> -> memref<1x128xf32, #tpu.memory_space<vmem>>
          %dma_wait3A_1059 = tpu.memref_squeeze %dma_wait3A_1058 : memref<1x128xf32, #tpu.memory_space<vmem>> -> memref<128xf32, #tpu.memory_space<vmem>>
          %dma_wait3A_1060 = arith.constant 0 : i32
          %dma_wait3A_1061 = tpu.memref_slice %arg9[%dma_wait3A_1056, %dma_wait3A_1060] : memref<16x128xi32, #tpu.memory_space<vmem>> -> memref<1x128xi32, #tpu.memory_space<vmem>>
          %dma_wait3A_1062 = tpu.memref_squeeze %dma_wait3A_1061 : memref<1x128xi32, #tpu.memory_space<vmem>> -> memref<128xi32, #tpu.memory_space<vmem>>
          %dma_wait3A_1063 = arith.constant 0 : i32
          %dma_wait3A_1064 = tpu.memref_slice %arg14[%dma_wait3A_1063] : memref<1600128xf32, #tpu.memory_space<vmem_shared>> -> memref<1600128xf32, #tpu.memory_space<vmem_shared>>
          tpu.wait_indirect_dma semaphore(%arg18 : memref<!tpu.dma_semaphore, #tpu.memory_space<semaphore_mem>>) src(%dma_wait3A_1059 : memref<128xf32, #tpu.memory_space<vmem>>) dst(%dma_wait3A_1064 : memref<1600128xf32, #tpu.memory_space<vmem_shared>>)
          %dma_wait3A_1065 = arith.constant 13 : i32
          %dma_wait3A_1066 = arith.constant 13 : i32
          %dma_wait3A_1067 = arith.constant 0 : i32
          %dma_wait3A_1068 = tpu.memref_slice %arg11[%dma_wait3A_1065, %dma_wait3A_1067] : memref<16x128xf32, #tpu.memory_space<vmem>> -> memref<1x128xf32, #tpu.memory_space<vmem>>
          %dma_wait3A_1069 = tpu.memref_squeeze %dma_wait3A_1068 : memref<1x128xf32, #tpu.memory_space<vmem>> -> memref<128xf32, #tpu.memory_space<vmem>>
          %dma_wait3A_1070 = arith.constant 0 : i32
          %dma_wait3A_1071 = tpu.memref_slice %arg9[%dma_wait3A_1066, %dma_wait3A_1070] : memref<16x128xi32, #tpu.memory_space<vmem>> -> memref<1x128xi32, #tpu.memory_space<vmem>>
          %dma_wait3A_1072 = tpu.memref_squeeze %dma_wait3A_1071 : memref<1x128xi32, #tpu.memory_space<vmem>> -> memref<128xi32, #tpu.memory_space<vmem>>
          %dma_wait3A_1073 = arith.constant 0 : i32
          %dma_wait3A_1074 = tpu.memref_slice %arg14[%dma_wait3A_1073] : memref<1600128xf32, #tpu.memory_space<vmem_shared>> -> memref<1600128xf32, #tpu.memory_space<vmem_shared>>
          tpu.wait_indirect_dma semaphore(%arg18 : memref<!tpu.dma_semaphore, #tpu.memory_space<semaphore_mem>>) src(%dma_wait3A_1069 : memref<128xf32, #tpu.memory_space<vmem>>) dst(%dma_wait3A_1074 : memref<1600128xf32, #tpu.memory_space<vmem_shared>>)
          %dma_wait3A_1075 = arith.constant 14 : i32
          %dma_wait3A_1076 = arith.constant 14 : i32
          %dma_wait3A_1077 = arith.constant 0 : i32
          %dma_wait3A_1078 = tpu.memref_slice %arg11[%dma_wait3A_1075, %dma_wait3A_1077] : memref<16x128xf32, #tpu.memory_space<vmem>> -> memref<1x128xf32, #tpu.memory_space<vmem>>
          %dma_wait3A_1079 = tpu.memref_squeeze %dma_wait3A_1078 : memref<1x128xf32, #tpu.memory_space<vmem>> -> memref<128xf32, #tpu.memory_space<vmem>>
          %dma_wait3A_1080 = arith.constant 0 : i32
          %dma_wait3A_1081 = tpu.memref_slice %arg9[%dma_wait3A_1076, %dma_wait3A_1080] : memref<16x128xi32, #tpu.memory_space<vmem>> -> memref<1x128xi32, #tpu.memory_space<vmem>>
          %dma_wait3A_1082 = tpu.memref_squeeze %dma_wait3A_1081 : memref<1x128xi32, #tpu.memory_space<vmem>> -> memref<128xi32, #tpu.memory_space<vmem>>
          %dma_wait3A_1083 = arith.constant 0 : i32
          %dma_wait3A_1084 = tpu.memref_slice %arg14[%dma_wait3A_1083] : memref<1600128xf32, #tpu.memory_space<vmem_shared>> -> memref<1600128xf32, #tpu.memory_space<vmem_shared>>
          tpu.wait_indirect_dma semaphore(%arg18 : memref<!tpu.dma_semaphore, #tpu.memory_space<semaphore_mem>>) src(%dma_wait3A_1079 : memref<128xf32, #tpu.memory_space<vmem>>) dst(%dma_wait3A_1084 : memref<1600128xf32, #tpu.memory_space<vmem_shared>>)
          %dma_wait3A_1085 = arith.constant 15 : i32
          %dma_wait3A_1086 = arith.constant 15 : i32
          %dma_wait3A_1087 = arith.constant 0 : i32
          %dma_wait3A_1088 = tpu.memref_slice %arg11[%dma_wait3A_1085, %dma_wait3A_1087] : memref<16x128xf32, #tpu.memory_space<vmem>> -> memref<1x128xf32, #tpu.memory_space<vmem>>
          %dma_wait3A_1089 = tpu.memref_squeeze %dma_wait3A_1088 : memref<1x128xf32, #tpu.memory_space<vmem>> -> memref<128xf32, #tpu.memory_space<vmem>>
          %dma_wait3A_1090 = arith.constant 0 : i32
          %dma_wait3A_1091 = tpu.memref_slice %arg9[%dma_wait3A_1086, %dma_wait3A_1090] : memref<16x128xi32, #tpu.memory_space<vmem>> -> memref<1x128xi32, #tpu.memory_space<vmem>>
          %dma_wait3A_1092 = tpu.memref_squeeze %dma_wait3A_1091 : memref<1x128xi32, #tpu.memory_space<vmem>> -> memref<128xi32, #tpu.memory_space<vmem>>
          %dma_wait3A_1093 = arith.constant 0 : i32
          %dma_wait3A_1094 = tpu.memref_slice %arg14[%dma_wait3A_1093] : memref<1600128xf32, #tpu.memory_space<vmem_shared>> -> memref<1600128xf32, #tpu.memory_space<vmem_shared>>
          tpu.wait_indirect_dma semaphore(%arg18 : memref<!tpu.dma_semaphore, #tpu.memory_space<semaphore_mem>>) src(%dma_wait3A_1089 : memref<128xf32, #tpu.memory_space<vmem>>) dst(%dma_wait3A_1094 : memref<1600128xf32, #tpu.memory_space<vmem_shared>>)
          %add3A_1095 = arith.constant 3 : i32
          %add3A_1096 = arith.addi %add3A_390, %add3A_1095 : i32
          %mul3A_1097 = arith.constant 16 : i32
          %mul3A_1098 = arith.muli %add3A_1096, %mul3A_1097 : i32
          %dma_start3A_1099 = arith.constant 0 : i32
          %dma_start3A_1100 = tpu.memref_slice %arg2[%mul3A_1098, %dma_start3A_1099] : memref<8192x128xi32, #tpu.memory_space<hbm>> -> memref<16x128xi32, #tpu.memory_space<hbm>>
          %dma_start3A_1101 = arith.constant 0 : i32
          %dma_start3A_1102 = tpu.memref_slice %arg2[%mul3A_1098, %dma_start3A_1101] : memref<8192x128xi32, #tpu.memory_space<hbm>> -> memref<16x128xi32, #tpu.memory_space<hbm>>
          tpu.enqueue_dma source(%dma_start3A_1102 : memref<16x128xi32, #tpu.memory_space<hbm>>) target(%arg9 : memref<16x128xi32, #tpu.memory_space<vmem>>) target_semaphore(%arg16 : memref<!tpu.dma_semaphore, #tpu.memory_space<semaphore_mem>>)
          %dma_start3A_1103 = arith.constant 0 : i32
          %dma_start3A_1104 = tpu.memref_slice %arg3[%mul3A_1098, %dma_start3A_1103] : memref<8192x128xi32, #tpu.memory_space<hbm>> -> memref<16x128xi32, #tpu.memory_space<hbm>>
          %dma_start3A_1105 = arith.constant 0 : i32
          %dma_start3A_1106 = tpu.memref_slice %arg3[%mul3A_1098, %dma_start3A_1105] : memref<8192x128xi32, #tpu.memory_space<hbm>> -> memref<16x128xi32, #tpu.memory_space<hbm>>
          tpu.enqueue_dma source(%dma_start3A_1106 : memref<16x128xi32, #tpu.memory_space<hbm>>) target(%arg10 : memref<16x128xi32, #tpu.memory_space<vmem>>) target_semaphore(%arg16 : memref<!tpu.dma_semaphore, #tpu.memory_space<semaphore_mem>>)
          %dma_start3A_1107 = arith.constant 0 : i32
          %dma_start3A_1108 = tpu.memref_slice %arg4[%mul3A_1098, %dma_start3A_1107] : memref<8192x128xf32, #tpu.memory_space<hbm>> -> memref<16x128xf32, #tpu.memory_space<hbm>>
          %dma_start3A_1109 = arith.constant 0 : i32
          %dma_start3A_1110 = tpu.memref_slice %arg4[%mul3A_1098, %dma_start3A_1109] : memref<8192x128xf32, #tpu.memory_space<hbm>> -> memref<16x128xf32, #tpu.memory_space<hbm>>
          tpu.enqueue_dma source(%dma_start3A_1110 : memref<16x128xf32, #tpu.memory_space<hbm>>) target(%arg11 : memref<16x128xf32, #tpu.memory_space<vmem>>) target_semaphore(%arg16 : memref<!tpu.dma_semaphore, #tpu.memory_space<semaphore_mem>>)
        } else {
        }
      }
      %scan3A_57 = arith.constant 16 : i32
      %dma_wait3A = arith.constant 0 : i32
      %dma_wait3A_58 = arith.constant 0 : i32
      %dma_wait3A_59 = arith.constant 0 : i32
      %dma_wait3A_60 = tpu.memref_slice %arg8[%dma_wait3A, %dma_wait3A_59] : memref<16x128xf32, #tpu.memory_space<vmem>> -> memref<1x128xf32, #tpu.memory_space<vmem>>
      %dma_wait3A_61 = tpu.memref_squeeze %dma_wait3A_60 : memref<1x128xf32, #tpu.memory_space<vmem>> -> memref<128xf32, #tpu.memory_space<vmem>>
      %dma_wait3A_62 = arith.constant 0 : i32
      %dma_wait3A_63 = tpu.memref_slice %arg6[%dma_wait3A_58, %dma_wait3A_62] : memref<16x128xi32, #tpu.memory_space<vmem>> -> memref<1x128xi32, #tpu.memory_space<vmem>>
      %dma_wait3A_64 = tpu.memref_squeeze %dma_wait3A_63 : memref<1x128xi32, #tpu.memory_space<vmem>> -> memref<128xi32, #tpu.memory_space<vmem>>
      %dma_wait3A_65 = arith.constant 0 : i32
      %dma_wait3A_66 = tpu.memref_slice %arg14[%dma_wait3A_65] : memref<1600128xf32, #tpu.memory_space<vmem_shared>> -> memref<1600128xf32, #tpu.memory_space<vmem_shared>>
      tpu.wait_indirect_dma semaphore(%arg17 : memref<!tpu.dma_semaphore, #tpu.memory_space<semaphore_mem>>) src(%dma_wait3A_61 : memref<128xf32, #tpu.memory_space<vmem>>) dst(%dma_wait3A_66 : memref<1600128xf32, #tpu.memory_space<vmem_shared>>)
      %dma_wait3A_67 = arith.constant 1 : i32
      %dma_wait3A_68 = arith.constant 1 : i32
      %dma_wait3A_69 = arith.constant 0 : i32
      %dma_wait3A_70 = tpu.memref_slice %arg8[%dma_wait3A_67, %dma_wait3A_69] : memref<16x128xf32, #tpu.memory_space<vmem>> -> memref<1x128xf32, #tpu.memory_space<vmem>>
      %dma_wait3A_71 = tpu.memref_squeeze %dma_wait3A_70 : memref<1x128xf32, #tpu.memory_space<vmem>> -> memref<128xf32, #tpu.memory_space<vmem>>
      %dma_wait3A_72 = arith.constant 0 : i32
      %dma_wait3A_73 = tpu.memref_slice %arg6[%dma_wait3A_68, %dma_wait3A_72] : memref<16x128xi32, #tpu.memory_space<vmem>> -> memref<1x128xi32, #tpu.memory_space<vmem>>
      %dma_wait3A_74 = tpu.memref_squeeze %dma_wait3A_73 : memref<1x128xi32, #tpu.memory_space<vmem>> -> memref<128xi32, #tpu.memory_space<vmem>>
      %dma_wait3A_75 = arith.constant 0 : i32
      %dma_wait3A_76 = tpu.memref_slice %arg14[%dma_wait3A_75] : memref<1600128xf32, #tpu.memory_space<vmem_shared>> -> memref<1600128xf32, #tpu.memory_space<vmem_shared>>
      tpu.wait_indirect_dma semaphore(%arg17 : memref<!tpu.dma_semaphore, #tpu.memory_space<semaphore_mem>>) src(%dma_wait3A_71 : memref<128xf32, #tpu.memory_space<vmem>>) dst(%dma_wait3A_76 : memref<1600128xf32, #tpu.memory_space<vmem_shared>>)
      %dma_wait3A_77 = arith.constant 2 : i32
      %dma_wait3A_78 = arith.constant 2 : i32
      %dma_wait3A_79 = arith.constant 0 : i32
      %dma_wait3A_80 = tpu.memref_slice %arg8[%dma_wait3A_77, %dma_wait3A_79] : memref<16x128xf32, #tpu.memory_space<vmem>> -> memref<1x128xf32, #tpu.memory_space<vmem>>
      %dma_wait3A_81 = tpu.memref_squeeze %dma_wait3A_80 : memref<1x128xf32, #tpu.memory_space<vmem>> -> memref<128xf32, #tpu.memory_space<vmem>>
      %dma_wait3A_82 = arith.constant 0 : i32
      %dma_wait3A_83 = tpu.memref_slice %arg6[%dma_wait3A_78, %dma_wait3A_82] : memref<16x128xi32, #tpu.memory_space<vmem>> -> memref<1x128xi32, #tpu.memory_space<vmem>>
      %dma_wait3A_84 = tpu.memref_squeeze %dma_wait3A_83 : memref<1x128xi32, #tpu.memory_space<vmem>> -> memref<128xi32, #tpu.memory_space<vmem>>
      %dma_wait3A_85 = arith.constant 0 : i32
      %dma_wait3A_86 = tpu.memref_slice %arg14[%dma_wait3A_85] : memref<1600128xf32, #tpu.memory_space<vmem_shared>> -> memref<1600128xf32, #tpu.memory_space<vmem_shared>>
      tpu.wait_indirect_dma semaphore(%arg17 : memref<!tpu.dma_semaphore, #tpu.memory_space<semaphore_mem>>) src(%dma_wait3A_81 : memref<128xf32, #tpu.memory_space<vmem>>) dst(%dma_wait3A_86 : memref<1600128xf32, #tpu.memory_space<vmem_shared>>)
      %dma_wait3A_87 = arith.constant 3 : i32
      %dma_wait3A_88 = arith.constant 3 : i32
      %dma_wait3A_89 = arith.constant 0 : i32
      %dma_wait3A_90 = tpu.memref_slice %arg8[%dma_wait3A_87, %dma_wait3A_89] : memref<16x128xf32, #tpu.memory_space<vmem>> -> memref<1x128xf32, #tpu.memory_space<vmem>>
      %dma_wait3A_91 = tpu.memref_squeeze %dma_wait3A_90 : memref<1x128xf32, #tpu.memory_space<vmem>> -> memref<128xf32, #tpu.memory_space<vmem>>
      %dma_wait3A_92 = arith.constant 0 : i32
      %dma_wait3A_93 = tpu.memref_slice %arg6[%dma_wait3A_88, %dma_wait3A_92] : memref<16x128xi32, #tpu.memory_space<vmem>> -> memref<1x128xi32, #tpu.memory_space<vmem>>
      %dma_wait3A_94 = tpu.memref_squeeze %dma_wait3A_93 : memref<1x128xi32, #tpu.memory_space<vmem>> -> memref<128xi32, #tpu.memory_space<vmem>>
      %dma_wait3A_95 = arith.constant 0 : i32
      %dma_wait3A_96 = tpu.memref_slice %arg14[%dma_wait3A_95] : memref<1600128xf32, #tpu.memory_space<vmem_shared>> -> memref<1600128xf32, #tpu.memory_space<vmem_shared>>
      tpu.wait_indirect_dma semaphore(%arg17 : memref<!tpu.dma_semaphore, #tpu.memory_space<semaphore_mem>>) src(%dma_wait3A_91 : memref<128xf32, #tpu.memory_space<vmem>>) dst(%dma_wait3A_96 : memref<1600128xf32, #tpu.memory_space<vmem_shared>>)
      %dma_wait3A_97 = arith.constant 4 : i32
      %dma_wait3A_98 = arith.constant 4 : i32
      %dma_wait3A_99 = arith.constant 0 : i32
      %dma_wait3A_100 = tpu.memref_slice %arg8[%dma_wait3A_97, %dma_wait3A_99] : memref<16x128xf32, #tpu.memory_space<vmem>> -> memref<1x128xf32, #tpu.memory_space<vmem>>
      %dma_wait3A_101 = tpu.memref_squeeze %dma_wait3A_100 : memref<1x128xf32, #tpu.memory_space<vmem>> -> memref<128xf32, #tpu.memory_space<vmem>>
      %dma_wait3A_102 = arith.constant 0 : i32
      %dma_wait3A_103 = tpu.memref_slice %arg6[%dma_wait3A_98, %dma_wait3A_102] : memref<16x128xi32, #tpu.memory_space<vmem>> -> memref<1x128xi32, #tpu.memory_space<vmem>>
      %dma_wait3A_104 = tpu.memref_squeeze %dma_wait3A_103 : memref<1x128xi32, #tpu.memory_space<vmem>> -> memref<128xi32, #tpu.memory_space<vmem>>
      %dma_wait3A_105 = arith.constant 0 : i32
      %dma_wait3A_106 = tpu.memref_slice %arg14[%dma_wait3A_105] : memref<1600128xf32, #tpu.memory_space<vmem_shared>> -> memref<1600128xf32, #tpu.memory_space<vmem_shared>>
      tpu.wait_indirect_dma semaphore(%arg17 : memref<!tpu.dma_semaphore, #tpu.memory_space<semaphore_mem>>) src(%dma_wait3A_101 : memref<128xf32, #tpu.memory_space<vmem>>) dst(%dma_wait3A_106 : memref<1600128xf32, #tpu.memory_space<vmem_shared>>)
      %dma_wait3A_107 = arith.constant 5 : i32
      %dma_wait3A_108 = arith.constant 5 : i32
      %dma_wait3A_109 = arith.constant 0 : i32
      %dma_wait3A_110 = tpu.memref_slice %arg8[%dma_wait3A_107, %dma_wait3A_109] : memref<16x128xf32, #tpu.memory_space<vmem>> -> memref<1x128xf32, #tpu.memory_space<vmem>>
      %dma_wait3A_111 = tpu.memref_squeeze %dma_wait3A_110 : memref<1x128xf32, #tpu.memory_space<vmem>> -> memref<128xf32, #tpu.memory_space<vmem>>
      %dma_wait3A_112 = arith.constant 0 : i32
      %dma_wait3A_113 = tpu.memref_slice %arg6[%dma_wait3A_108, %dma_wait3A_112] : memref<16x128xi32, #tpu.memory_space<vmem>> -> memref<1x128xi32, #tpu.memory_space<vmem>>
      %dma_wait3A_114 = tpu.memref_squeeze %dma_wait3A_113 : memref<1x128xi32, #tpu.memory_space<vmem>> -> memref<128xi32, #tpu.memory_space<vmem>>
      %dma_wait3A_115 = arith.constant 0 : i32
      %dma_wait3A_116 = tpu.memref_slice %arg14[%dma_wait3A_115] : memref<1600128xf32, #tpu.memory_space<vmem_shared>> -> memref<1600128xf32, #tpu.memory_space<vmem_shared>>
      tpu.wait_indirect_dma semaphore(%arg17 : memref<!tpu.dma_semaphore, #tpu.memory_space<semaphore_mem>>) src(%dma_wait3A_111 : memref<128xf32, #tpu.memory_space<vmem>>) dst(%dma_wait3A_116 : memref<1600128xf32, #tpu.memory_space<vmem_shared>>)
      %dma_wait3A_117 = arith.constant 6 : i32
      %dma_wait3A_118 = arith.constant 6 : i32
      %dma_wait3A_119 = arith.constant 0 : i32
      %dma_wait3A_120 = tpu.memref_slice %arg8[%dma_wait3A_117, %dma_wait3A_119] : memref<16x128xf32, #tpu.memory_space<vmem>> -> memref<1x128xf32, #tpu.memory_space<vmem>>
      %dma_wait3A_121 = tpu.memref_squeeze %dma_wait3A_120 : memref<1x128xf32, #tpu.memory_space<vmem>> -> memref<128xf32, #tpu.memory_space<vmem>>
      %dma_wait3A_122 = arith.constant 0 : i32
      %dma_wait3A_123 = tpu.memref_slice %arg6[%dma_wait3A_118, %dma_wait3A_122] : memref<16x128xi32, #tpu.memory_space<vmem>> -> memref<1x128xi32, #tpu.memory_space<vmem>>
      %dma_wait3A_124 = tpu.memref_squeeze %dma_wait3A_123 : memref<1x128xi32, #tpu.memory_space<vmem>> -> memref<128xi32, #tpu.memory_space<vmem>>
      %dma_wait3A_125 = arith.constant 0 : i32
      %dma_wait3A_126 = tpu.memref_slice %arg14[%dma_wait3A_125] : memref<1600128xf32, #tpu.memory_space<vmem_shared>> -> memref<1600128xf32, #tpu.memory_space<vmem_shared>>
      tpu.wait_indirect_dma semaphore(%arg17 : memref<!tpu.dma_semaphore, #tpu.memory_space<semaphore_mem>>) src(%dma_wait3A_121 : memref<128xf32, #tpu.memory_space<vmem>>) dst(%dma_wait3A_126 : memref<1600128xf32, #tpu.memory_space<vmem_shared>>)
      %dma_wait3A_127 = arith.constant 7 : i32
      %dma_wait3A_128 = arith.constant 7 : i32
      %dma_wait3A_129 = arith.constant 0 : i32
      %dma_wait3A_130 = tpu.memref_slice %arg8[%dma_wait3A_127, %dma_wait3A_129] : memref<16x128xf32, #tpu.memory_space<vmem>> -> memref<1x128xf32, #tpu.memory_space<vmem>>
      %dma_wait3A_131 = tpu.memref_squeeze %dma_wait3A_130 : memref<1x128xf32, #tpu.memory_space<vmem>> -> memref<128xf32, #tpu.memory_space<vmem>>
      %dma_wait3A_132 = arith.constant 0 : i32
      %dma_wait3A_133 = tpu.memref_slice %arg6[%dma_wait3A_128, %dma_wait3A_132] : memref<16x128xi32, #tpu.memory_space<vmem>> -> memref<1x128xi32, #tpu.memory_space<vmem>>
      %dma_wait3A_134 = tpu.memref_squeeze %dma_wait3A_133 : memref<1x128xi32, #tpu.memory_space<vmem>> -> memref<128xi32, #tpu.memory_space<vmem>>
      %dma_wait3A_135 = arith.constant 0 : i32
      %dma_wait3A_136 = tpu.memref_slice %arg14[%dma_wait3A_135] : memref<1600128xf32, #tpu.memory_space<vmem_shared>> -> memref<1600128xf32, #tpu.memory_space<vmem_shared>>
      tpu.wait_indirect_dma semaphore(%arg17 : memref<!tpu.dma_semaphore, #tpu.memory_space<semaphore_mem>>) src(%dma_wait3A_131 : memref<128xf32, #tpu.memory_space<vmem>>) dst(%dma_wait3A_136 : memref<1600128xf32, #tpu.memory_space<vmem_shared>>)
      %dma_wait3A_137 = arith.constant 8 : i32
      %dma_wait3A_138 = arith.constant 8 : i32
      %dma_wait3A_139 = arith.constant 0 : i32
      %dma_wait3A_140 = tpu.memref_slice %arg8[%dma_wait3A_137, %dma_wait3A_139] : memref<16x128xf32, #tpu.memory_space<vmem>> -> memref<1x128xf32, #tpu.memory_space<vmem>>
      %dma_wait3A_141 = tpu.memref_squeeze %dma_wait3A_140 : memref<1x128xf32, #tpu.memory_space<vmem>> -> memref<128xf32, #tpu.memory_space<vmem>>
      %dma_wait3A_142 = arith.constant 0 : i32
      %dma_wait3A_143 = tpu.memref_slice %arg6[%dma_wait3A_138, %dma_wait3A_142] : memref<16x128xi32, #tpu.memory_space<vmem>> -> memref<1x128xi32, #tpu.memory_space<vmem>>
      %dma_wait3A_144 = tpu.memref_squeeze %dma_wait3A_143 : memref<1x128xi32, #tpu.memory_space<vmem>> -> memref<128xi32, #tpu.memory_space<vmem>>
      %dma_wait3A_145 = arith.constant 0 : i32
      %dma_wait3A_146 = tpu.memref_slice %arg14[%dma_wait3A_145] : memref<1600128xf32, #tpu.memory_space<vmem_shared>> -> memref<1600128xf32, #tpu.memory_space<vmem_shared>>
      tpu.wait_indirect_dma semaphore(%arg17 : memref<!tpu.dma_semaphore, #tpu.memory_space<semaphore_mem>>) src(%dma_wait3A_141 : memref<128xf32, #tpu.memory_space<vmem>>) dst(%dma_wait3A_146 : memref<1600128xf32, #tpu.memory_space<vmem_shared>>)
      %dma_wait3A_147 = arith.constant 9 : i32
      %dma_wait3A_148 = arith.constant 9 : i32
      %dma_wait3A_149 = arith.constant 0 : i32
      %dma_wait3A_150 = tpu.memref_slice %arg8[%dma_wait3A_147, %dma_wait3A_149] : memref<16x128xf32, #tpu.memory_space<vmem>> -> memref<1x128xf32, #tpu.memory_space<vmem>>
      %dma_wait3A_151 = tpu.memref_squeeze %dma_wait3A_150 : memref<1x128xf32, #tpu.memory_space<vmem>> -> memref<128xf32, #tpu.memory_space<vmem>>
      %dma_wait3A_152 = arith.constant 0 : i32
      %dma_wait3A_153 = tpu.memref_slice %arg6[%dma_wait3A_148, %dma_wait3A_152] : memref<16x128xi32, #tpu.memory_space<vmem>> -> memref<1x128xi32, #tpu.memory_space<vmem>>
      %dma_wait3A_154 = tpu.memref_squeeze %dma_wait3A_153 : memref<1x128xi32, #tpu.memory_space<vmem>> -> memref<128xi32, #tpu.memory_space<vmem>>
      %dma_wait3A_155 = arith.constant 0 : i32
      %dma_wait3A_156 = tpu.memref_slice %arg14[%dma_wait3A_155] : memref<1600128xf32, #tpu.memory_space<vmem_shared>> -> memref<1600128xf32, #tpu.memory_space<vmem_shared>>
      tpu.wait_indirect_dma semaphore(%arg17 : memref<!tpu.dma_semaphore, #tpu.memory_space<semaphore_mem>>) src(%dma_wait3A_151 : memref<128xf32, #tpu.memory_space<vmem>>) dst(%dma_wait3A_156 : memref<1600128xf32, #tpu.memory_space<vmem_shared>>)
      %dma_wait3A_157 = arith.constant 10 : i32
      %dma_wait3A_158 = arith.constant 10 : i32
      %dma_wait3A_159 = arith.constant 0 : i32
      %dma_wait3A_160 = tpu.memref_slice %arg8[%dma_wait3A_157, %dma_wait3A_159] : memref<16x128xf32, #tpu.memory_space<vmem>> -> memref<1x128xf32, #tpu.memory_space<vmem>>
      %dma_wait3A_161 = tpu.memref_squeeze %dma_wait3A_160 : memref<1x128xf32, #tpu.memory_space<vmem>> -> memref<128xf32, #tpu.memory_space<vmem>>
      %dma_wait3A_162 = arith.constant 0 : i32
      %dma_wait3A_163 = tpu.memref_slice %arg6[%dma_wait3A_158, %dma_wait3A_162] : memref<16x128xi32, #tpu.memory_space<vmem>> -> memref<1x128xi32, #tpu.memory_space<vmem>>
      %dma_wait3A_164 = tpu.memref_squeeze %dma_wait3A_163 : memref<1x128xi32, #tpu.memory_space<vmem>> -> memref<128xi32, #tpu.memory_space<vmem>>
      %dma_wait3A_165 = arith.constant 0 : i32
      %dma_wait3A_166 = tpu.memref_slice %arg14[%dma_wait3A_165] : memref<1600128xf32, #tpu.memory_space<vmem_shared>> -> memref<1600128xf32, #tpu.memory_space<vmem_shared>>
      tpu.wait_indirect_dma semaphore(%arg17 : memref<!tpu.dma_semaphore, #tpu.memory_space<semaphore_mem>>) src(%dma_wait3A_161 : memref<128xf32, #tpu.memory_space<vmem>>) dst(%dma_wait3A_166 : memref<1600128xf32, #tpu.memory_space<vmem_shared>>)
      %dma_wait3A_167 = arith.constant 11 : i32
      %dma_wait3A_168 = arith.constant 11 : i32
      %dma_wait3A_169 = arith.constant 0 : i32
      %dma_wait3A_170 = tpu.memref_slice %arg8[%dma_wait3A_167, %dma_wait3A_169] : memref<16x128xf32, #tpu.memory_space<vmem>> -> memref<1x128xf32, #tpu.memory_space<vmem>>
      %dma_wait3A_171 = tpu.memref_squeeze %dma_wait3A_170 : memref<1x128xf32, #tpu.memory_space<vmem>> -> memref<128xf32, #tpu.memory_space<vmem>>
      %dma_wait3A_172 = arith.constant 0 : i32
      %dma_wait3A_173 = tpu.memref_slice %arg6[%dma_wait3A_168, %dma_wait3A_172] : memref<16x128xi32, #tpu.memory_space<vmem>> -> memref<1x128xi32, #tpu.memory_space<vmem>>
      %dma_wait3A_174 = tpu.memref_squeeze %dma_wait3A_173 : memref<1x128xi32, #tpu.memory_space<vmem>> -> memref<128xi32, #tpu.memory_space<vmem>>
      %dma_wait3A_175 = arith.constant 0 : i32
      %dma_wait3A_176 = tpu.memref_slice %arg14[%dma_wait3A_175] : memref<1600128xf32, #tpu.memory_space<vmem_shared>> -> memref<1600128xf32, #tpu.memory_space<vmem_shared>>
      tpu.wait_indirect_dma semaphore(%arg17 : memref<!tpu.dma_semaphore, #tpu.memory_space<semaphore_mem>>) src(%dma_wait3A_171 : memref<128xf32, #tpu.memory_space<vmem>>) dst(%dma_wait3A_176 : memref<1600128xf32, #tpu.memory_space<vmem_shared>>)
      %dma_wait3A_177 = arith.constant 12 : i32
      %dma_wait3A_178 = arith.constant 12 : i32
      %dma_wait3A_179 = arith.constant 0 : i32
      %dma_wait3A_180 = tpu.memref_slice %arg8[%dma_wait3A_177, %dma_wait3A_179] : memref<16x128xf32, #tpu.memory_space<vmem>> -> memref<1x128xf32, #tpu.memory_space<vmem>>
      %dma_wait3A_181 = tpu.memref_squeeze %dma_wait3A_180 : memref<1x128xf32, #tpu.memory_space<vmem>> -> memref<128xf32, #tpu.memory_space<vmem>>
      %dma_wait3A_182 = arith.constant 0 : i32
      %dma_wait3A_183 = tpu.memref_slice %arg6[%dma_wait3A_178, %dma_wait3A_182] : memref<16x128xi32, #tpu.memory_space<vmem>> -> memref<1x128xi32, #tpu.memory_space<vmem>>
      %dma_wait3A_184 = tpu.memref_squeeze %dma_wait3A_183 : memref<1x128xi32, #tpu.memory_space<vmem>> -> memref<128xi32, #tpu.memory_space<vmem>>
      %dma_wait3A_185 = arith.constant 0 : i32
      %dma_wait3A_186 = tpu.memref_slice %arg14[%dma_wait3A_185] : memref<1600128xf32, #tpu.memory_space<vmem_shared>> -> memref<1600128xf32, #tpu.memory_space<vmem_shared>>
      tpu.wait_indirect_dma semaphore(%arg17 : memref<!tpu.dma_semaphore, #tpu.memory_space<semaphore_mem>>) src(%dma_wait3A_181 : memref<128xf32, #tpu.memory_space<vmem>>) dst(%dma_wait3A_186 : memref<1600128xf32, #tpu.memory_space<vmem_shared>>)
      %dma_wait3A_187 = arith.constant 13 : i32
      %dma_wait3A_188 = arith.constant 13 : i32
      %dma_wait3A_189 = arith.constant 0 : i32
      %dma_wait3A_190 = tpu.memref_slice %arg8[%dma_wait3A_187, %dma_wait3A_189] : memref<16x128xf32, #tpu.memory_space<vmem>> -> memref<1x128xf32, #tpu.memory_space<vmem>>
      %dma_wait3A_191 = tpu.memref_squeeze %dma_wait3A_190 : memref<1x128xf32, #tpu.memory_space<vmem>> -> memref<128xf32, #tpu.memory_space<vmem>>
      %dma_wait3A_192 = arith.constant 0 : i32
      %dma_wait3A_193 = tpu.memref_slice %arg6[%dma_wait3A_188, %dma_wait3A_192] : memref<16x128xi32, #tpu.memory_space<vmem>> -> memref<1x128xi32, #tpu.memory_space<vmem>>
      %dma_wait3A_194 = tpu.memref_squeeze %dma_wait3A_193 : memref<1x128xi32, #tpu.memory_space<vmem>> -> memref<128xi32, #tpu.memory_space<vmem>>
      %dma_wait3A_195 = arith.constant 0 : i32
      %dma_wait3A_196 = tpu.memref_slice %arg14[%dma_wait3A_195] : memref<1600128xf32, #tpu.memory_space<vmem_shared>> -> memref<1600128xf32, #tpu.memory_space<vmem_shared>>
      tpu.wait_indirect_dma semaphore(%arg17 : memref<!tpu.dma_semaphore, #tpu.memory_space<semaphore_mem>>) src(%dma_wait3A_191 : memref<128xf32, #tpu.memory_space<vmem>>) dst(%dma_wait3A_196 : memref<1600128xf32, #tpu.memory_space<vmem_shared>>)
      %dma_wait3A_197 = arith.constant 14 : i32
      %dma_wait3A_198 = arith.constant 14 : i32
      %dma_wait3A_199 = arith.constant 0 : i32
      %dma_wait3A_200 = tpu.memref_slice %arg8[%dma_wait3A_197, %dma_wait3A_199] : memref<16x128xf32, #tpu.memory_space<vmem>> -> memref<1x128xf32, #tpu.memory_space<vmem>>
      %dma_wait3A_201 = tpu.memref_squeeze %dma_wait3A_200 : memref<1x128xf32, #tpu.memory_space<vmem>> -> memref<128xf32, #tpu.memory_space<vmem>>
      %dma_wait3A_202 = arith.constant 0 : i32
      %dma_wait3A_203 = tpu.memref_slice %arg6[%dma_wait3A_198, %dma_wait3A_202] : memref<16x128xi32, #tpu.memory_space<vmem>> -> memref<1x128xi32, #tpu.memory_space<vmem>>
      %dma_wait3A_204 = tpu.memref_squeeze %dma_wait3A_203 : memref<1x128xi32, #tpu.memory_space<vmem>> -> memref<128xi32, #tpu.memory_space<vmem>>
      %dma_wait3A_205 = arith.constant 0 : i32
      %dma_wait3A_206 = tpu.memref_slice %arg14[%dma_wait3A_205] : memref<1600128xf32, #tpu.memory_space<vmem_shared>> -> memref<1600128xf32, #tpu.memory_space<vmem_shared>>
      tpu.wait_indirect_dma semaphore(%arg17 : memref<!tpu.dma_semaphore, #tpu.memory_space<semaphore_mem>>) src(%dma_wait3A_201 : memref<128xf32, #tpu.memory_space<vmem>>) dst(%dma_wait3A_206 : memref<1600128xf32, #tpu.memory_space<vmem_shared>>)
      %dma_wait3A_207 = arith.constant 15 : i32
      %dma_wait3A_208 = arith.constant 15 : i32
      %dma_wait3A_209 = arith.constant 0 : i32
      %dma_wait3A_210 = tpu.memref_slice %arg8[%dma_wait3A_207, %dma_wait3A_209] : memref<16x128xf32, #tpu.memory_space<vmem>> -> memref<1x128xf32, #tpu.memory_space<vmem>>
      %dma_wait3A_211 = tpu.memref_squeeze %dma_wait3A_210 : memref<1x128xf32, #tpu.memory_space<vmem>> -> memref<128xf32, #tpu.memory_space<vmem>>
      %dma_wait3A_212 = arith.constant 0 : i32
      %dma_wait3A_213 = tpu.memref_slice %arg6[%dma_wait3A_208, %dma_wait3A_212] : memref<16x128xi32, #tpu.memory_space<vmem>> -> memref<1x128xi32, #tpu.memory_space<vmem>>
      %dma_wait3A_214 = tpu.memref_squeeze %dma_wait3A_213 : memref<1x128xi32, #tpu.memory_space<vmem>> -> memref<128xi32, #tpu.memory_space<vmem>>
      %dma_wait3A_215 = arith.constant 0 : i32
      %dma_wait3A_216 = tpu.memref_slice %arg14[%dma_wait3A_215] : memref<1600128xf32, #tpu.memory_space<vmem_shared>> -> memref<1600128xf32, #tpu.memory_space<vmem_shared>>
      tpu.wait_indirect_dma semaphore(%arg17 : memref<!tpu.dma_semaphore, #tpu.memory_space<semaphore_mem>>) src(%dma_wait3A_211 : memref<128xf32, #tpu.memory_space<vmem>>) dst(%dma_wait3A_216 : memref<1600128xf32, #tpu.memory_space<vmem_shared>>)
      %dma_wait3A_217 = arith.constant 0 : i32
      %dma_wait3A_218 = arith.constant 0 : i32
      %dma_wait3A_219 = arith.constant 0 : i32
      %dma_wait3A_220 = tpu.memref_slice %arg11[%dma_wait3A_217, %dma_wait3A_219] : memref<16x128xf32, #tpu.memory_space<vmem>> -> memref<1x128xf32, #tpu.memory_space<vmem>>
      %dma_wait3A_221 = tpu.memref_squeeze %dma_wait3A_220 : memref<1x128xf32, #tpu.memory_space<vmem>> -> memref<128xf32, #tpu.memory_space<vmem>>
      %dma_wait3A_222 = arith.constant 0 : i32
      %dma_wait3A_223 = tpu.memref_slice %arg9[%dma_wait3A_218, %dma_wait3A_222] : memref<16x128xi32, #tpu.memory_space<vmem>> -> memref<1x128xi32, #tpu.memory_space<vmem>>
      %dma_wait3A_224 = tpu.memref_squeeze %dma_wait3A_223 : memref<1x128xi32, #tpu.memory_space<vmem>> -> memref<128xi32, #tpu.memory_space<vmem>>
      %dma_wait3A_225 = arith.constant 0 : i32
      %dma_wait3A_226 = tpu.memref_slice %arg14[%dma_wait3A_225] : memref<1600128xf32, #tpu.memory_space<vmem_shared>> -> memref<1600128xf32, #tpu.memory_space<vmem_shared>>
      tpu.wait_indirect_dma semaphore(%arg18 : memref<!tpu.dma_semaphore, #tpu.memory_space<semaphore_mem>>) src(%dma_wait3A_221 : memref<128xf32, #tpu.memory_space<vmem>>) dst(%dma_wait3A_226 : memref<1600128xf32, #tpu.memory_space<vmem_shared>>)
      %dma_wait3A_227 = arith.constant 1 : i32
      %dma_wait3A_228 = arith.constant 1 : i32
      %dma_wait3A_229 = arith.constant 0 : i32
      %dma_wait3A_230 = tpu.memref_slice %arg11[%dma_wait3A_227, %dma_wait3A_229] : memref<16x128xf32, #tpu.memory_space<vmem>> -> memref<1x128xf32, #tpu.memory_space<vmem>>
      %dma_wait3A_231 = tpu.memref_squeeze %dma_wait3A_230 : memref<1x128xf32, #tpu.memory_space<vmem>> -> memref<128xf32, #tpu.memory_space<vmem>>
      %dma_wait3A_232 = arith.constant 0 : i32
      %dma_wait3A_233 = tpu.memref_slice %arg9[%dma_wait3A_228, %dma_wait3A_232] : memref<16x128xi32, #tpu.memory_space<vmem>> -> memref<1x128xi32, #tpu.memory_space<vmem>>
      %dma_wait3A_234 = tpu.memref_squeeze %dma_wait3A_233 : memref<1x128xi32, #tpu.memory_space<vmem>> -> memref<128xi32, #tpu.memory_space<vmem>>
      %dma_wait3A_235 = arith.constant 0 : i32
      %dma_wait3A_236 = tpu.memref_slice %arg14[%dma_wait3A_235] : memref<1600128xf32, #tpu.memory_space<vmem_shared>> -> memref<1600128xf32, #tpu.memory_space<vmem_shared>>
      tpu.wait_indirect_dma semaphore(%arg18 : memref<!tpu.dma_semaphore, #tpu.memory_space<semaphore_mem>>) src(%dma_wait3A_231 : memref<128xf32, #tpu.memory_space<vmem>>) dst(%dma_wait3A_236 : memref<1600128xf32, #tpu.memory_space<vmem_shared>>)
      %dma_wait3A_237 = arith.constant 2 : i32
      %dma_wait3A_238 = arith.constant 2 : i32
      %dma_wait3A_239 = arith.constant 0 : i32
      %dma_wait3A_240 = tpu.memref_slice %arg11[%dma_wait3A_237, %dma_wait3A_239] : memref<16x128xf32, #tpu.memory_space<vmem>> -> memref<1x128xf32, #tpu.memory_space<vmem>>
      %dma_wait3A_241 = tpu.memref_squeeze %dma_wait3A_240 : memref<1x128xf32, #tpu.memory_space<vmem>> -> memref<128xf32, #tpu.memory_space<vmem>>
      %dma_wait3A_242 = arith.constant 0 : i32
      %dma_wait3A_243 = tpu.memref_slice %arg9[%dma_wait3A_238, %dma_wait3A_242] : memref<16x128xi32, #tpu.memory_space<vmem>> -> memref<1x128xi32, #tpu.memory_space<vmem>>
      %dma_wait3A_244 = tpu.memref_squeeze %dma_wait3A_243 : memref<1x128xi32, #tpu.memory_space<vmem>> -> memref<128xi32, #tpu.memory_space<vmem>>
      %dma_wait3A_245 = arith.constant 0 : i32
      %dma_wait3A_246 = tpu.memref_slice %arg14[%dma_wait3A_245] : memref<1600128xf32, #tpu.memory_space<vmem_shared>> -> memref<1600128xf32, #tpu.memory_space<vmem_shared>>
      tpu.wait_indirect_dma semaphore(%arg18 : memref<!tpu.dma_semaphore, #tpu.memory_space<semaphore_mem>>) src(%dma_wait3A_241 : memref<128xf32, #tpu.memory_space<vmem>>) dst(%dma_wait3A_246 : memref<1600128xf32, #tpu.memory_space<vmem_shared>>)
      %dma_wait3A_247 = arith.constant 3 : i32
      %dma_wait3A_248 = arith.constant 3 : i32
      %dma_wait3A_249 = arith.constant 0 : i32
      %dma_wait3A_250 = tpu.memref_slice %arg11[%dma_wait3A_247, %dma_wait3A_249] : memref<16x128xf32, #tpu.memory_space<vmem>> -> memref<1x128xf32, #tpu.memory_space<vmem>>
      %dma_wait3A_251 = tpu.memref_squeeze %dma_wait3A_250 : memref<1x128xf32, #tpu.memory_space<vmem>> -> memref<128xf32, #tpu.memory_space<vmem>>
      %dma_wait3A_252 = arith.constant 0 : i32
      %dma_wait3A_253 = tpu.memref_slice %arg9[%dma_wait3A_248, %dma_wait3A_252] : memref<16x128xi32, #tpu.memory_space<vmem>> -> memref<1x128xi32, #tpu.memory_space<vmem>>
      %dma_wait3A_254 = tpu.memref_squeeze %dma_wait3A_253 : memref<1x128xi32, #tpu.memory_space<vmem>> -> memref<128xi32, #tpu.memory_space<vmem>>
      %dma_wait3A_255 = arith.constant 0 : i32
      %dma_wait3A_256 = tpu.memref_slice %arg14[%dma_wait3A_255] : memref<1600128xf32, #tpu.memory_space<vmem_shared>> -> memref<1600128xf32, #tpu.memory_space<vmem_shared>>
      tpu.wait_indirect_dma semaphore(%arg18 : memref<!tpu.dma_semaphore, #tpu.memory_space<semaphore_mem>>) src(%dma_wait3A_251 : memref<128xf32, #tpu.memory_space<vmem>>) dst(%dma_wait3A_256 : memref<1600128xf32, #tpu.memory_space<vmem_shared>>)
      %dma_wait3A_257 = arith.constant 4 : i32
      %dma_wait3A_258 = arith.constant 4 : i32
      %dma_wait3A_259 = arith.constant 0 : i32
      %dma_wait3A_260 = tpu.memref_slice %arg11[%dma_wait3A_257, %dma_wait3A_259] : memref<16x128xf32, #tpu.memory_space<vmem>> -> memref<1x128xf32, #tpu.memory_space<vmem>>
      %dma_wait3A_261 = tpu.memref_squeeze %dma_wait3A_260 : memref<1x128xf32, #tpu.memory_space<vmem>> -> memref<128xf32, #tpu.memory_space<vmem>>
      %dma_wait3A_262 = arith.constant 0 : i32
      %dma_wait3A_263 = tpu.memref_slice %arg9[%dma_wait3A_258, %dma_wait3A_262] : memref<16x128xi32, #tpu.memory_space<vmem>> -> memref<1x128xi32, #tpu.memory_space<vmem>>
      %dma_wait3A_264 = tpu.memref_squeeze %dma_wait3A_263 : memref<1x128xi32, #tpu.memory_space<vmem>> -> memref<128xi32, #tpu.memory_space<vmem>>
      %dma_wait3A_265 = arith.constant 0 : i32
      %dma_wait3A_266 = tpu.memref_slice %arg14[%dma_wait3A_265] : memref<1600128xf32, #tpu.memory_space<vmem_shared>> -> memref<1600128xf32, #tpu.memory_space<vmem_shared>>
      tpu.wait_indirect_dma semaphore(%arg18 : memref<!tpu.dma_semaphore, #tpu.memory_space<semaphore_mem>>) src(%dma_wait3A_261 : memref<128xf32, #tpu.memory_space<vmem>>) dst(%dma_wait3A_266 : memref<1600128xf32, #tpu.memory_space<vmem_shared>>)
      %dma_wait3A_267 = arith.constant 5 : i32
      %dma_wait3A_268 = arith.constant 5 : i32
      %dma_wait3A_269 = arith.constant 0 : i32
      %dma_wait3A_270 = tpu.memref_slice %arg11[%dma_wait3A_267, %dma_wait3A_269] : memref<16x128xf32, #tpu.memory_space<vmem>> -> memref<1x128xf32, #tpu.memory_space<vmem>>
      %dma_wait3A_271 = tpu.memref_squeeze %dma_wait3A_270 : memref<1x128xf32, #tpu.memory_space<vmem>> -> memref<128xf32, #tpu.memory_space<vmem>>
      %dma_wait3A_272 = arith.constant 0 : i32
      %dma_wait3A_273 = tpu.memref_slice %arg9[%dma_wait3A_268, %dma_wait3A_272] : memref<16x128xi32, #tpu.memory_space<vmem>> -> memref<1x128xi32, #tpu.memory_space<vmem>>
      %dma_wait3A_274 = tpu.memref_squeeze %dma_wait3A_273 : memref<1x128xi32, #tpu.memory_space<vmem>> -> memref<128xi32, #tpu.memory_space<vmem>>
      %dma_wait3A_275 = arith.constant 0 : i32
      %dma_wait3A_276 = tpu.memref_slice %arg14[%dma_wait3A_275] : memref<1600128xf32, #tpu.memory_space<vmem_shared>> -> memref<1600128xf32, #tpu.memory_space<vmem_shared>>
      tpu.wait_indirect_dma semaphore(%arg18 : memref<!tpu.dma_semaphore, #tpu.memory_space<semaphore_mem>>) src(%dma_wait3A_271 : memref<128xf32, #tpu.memory_space<vmem>>) dst(%dma_wait3A_276 : memref<1600128xf32, #tpu.memory_space<vmem_shared>>)
      %dma_wait3A_277 = arith.constant 6 : i32
      %dma_wait3A_278 = arith.constant 6 : i32
      %dma_wait3A_279 = arith.constant 0 : i32
      %dma_wait3A_280 = tpu.memref_slice %arg11[%dma_wait3A_277, %dma_wait3A_279] : memref<16x128xf32, #tpu.memory_space<vmem>> -> memref<1x128xf32, #tpu.memory_space<vmem>>
      %dma_wait3A_281 = tpu.memref_squeeze %dma_wait3A_280 : memref<1x128xf32, #tpu.memory_space<vmem>> -> memref<128xf32, #tpu.memory_space<vmem>>
      %dma_wait3A_282 = arith.constant 0 : i32
      %dma_wait3A_283 = tpu.memref_slice %arg9[%dma_wait3A_278, %dma_wait3A_282] : memref<16x128xi32, #tpu.memory_space<vmem>> -> memref<1x128xi32, #tpu.memory_space<vmem>>
      %dma_wait3A_284 = tpu.memref_squeeze %dma_wait3A_283 : memref<1x128xi32, #tpu.memory_space<vmem>> -> memref<128xi32, #tpu.memory_space<vmem>>
      %dma_wait3A_285 = arith.constant 0 : i32
      %dma_wait3A_286 = tpu.memref_slice %arg14[%dma_wait3A_285] : memref<1600128xf32, #tpu.memory_space<vmem_shared>> -> memref<1600128xf32, #tpu.memory_space<vmem_shared>>
      tpu.wait_indirect_dma semaphore(%arg18 : memref<!tpu.dma_semaphore, #tpu.memory_space<semaphore_mem>>) src(%dma_wait3A_281 : memref<128xf32, #tpu.memory_space<vmem>>) dst(%dma_wait3A_286 : memref<1600128xf32, #tpu.memory_space<vmem_shared>>)
      %dma_wait3A_287 = arith.constant 7 : i32
      %dma_wait3A_288 = arith.constant 7 : i32
      %dma_wait3A_289 = arith.constant 0 : i32
      %dma_wait3A_290 = tpu.memref_slice %arg11[%dma_wait3A_287, %dma_wait3A_289] : memref<16x128xf32, #tpu.memory_space<vmem>> -> memref<1x128xf32, #tpu.memory_space<vmem>>
      %dma_wait3A_291 = tpu.memref_squeeze %dma_wait3A_290 : memref<1x128xf32, #tpu.memory_space<vmem>> -> memref<128xf32, #tpu.memory_space<vmem>>
      %dma_wait3A_292 = arith.constant 0 : i32
      %dma_wait3A_293 = tpu.memref_slice %arg9[%dma_wait3A_288, %dma_wait3A_292] : memref<16x128xi32, #tpu.memory_space<vmem>> -> memref<1x128xi32, #tpu.memory_space<vmem>>
      %dma_wait3A_294 = tpu.memref_squeeze %dma_wait3A_293 : memref<1x128xi32, #tpu.memory_space<vmem>> -> memref<128xi32, #tpu.memory_space<vmem>>
      %dma_wait3A_295 = arith.constant 0 : i32
      %dma_wait3A_296 = tpu.memref_slice %arg14[%dma_wait3A_295] : memref<1600128xf32, #tpu.memory_space<vmem_shared>> -> memref<1600128xf32, #tpu.memory_space<vmem_shared>>
      tpu.wait_indirect_dma semaphore(%arg18 : memref<!tpu.dma_semaphore, #tpu.memory_space<semaphore_mem>>) src(%dma_wait3A_291 : memref<128xf32, #tpu.memory_space<vmem>>) dst(%dma_wait3A_296 : memref<1600128xf32, #tpu.memory_space<vmem_shared>>)
      %dma_wait3A_297 = arith.constant 8 : i32
      %dma_wait3A_298 = arith.constant 8 : i32
      %dma_wait3A_299 = arith.constant 0 : i32
      %dma_wait3A_300 = tpu.memref_slice %arg11[%dma_wait3A_297, %dma_wait3A_299] : memref<16x128xf32, #tpu.memory_space<vmem>> -> memref<1x128xf32, #tpu.memory_space<vmem>>
      %dma_wait3A_301 = tpu.memref_squeeze %dma_wait3A_300 : memref<1x128xf32, #tpu.memory_space<vmem>> -> memref<128xf32, #tpu.memory_space<vmem>>
      %dma_wait3A_302 = arith.constant 0 : i32
      %dma_wait3A_303 = tpu.memref_slice %arg9[%dma_wait3A_298, %dma_wait3A_302] : memref<16x128xi32, #tpu.memory_space<vmem>> -> memref<1x128xi32, #tpu.memory_space<vmem>>
      %dma_wait3A_304 = tpu.memref_squeeze %dma_wait3A_303 : memref<1x128xi32, #tpu.memory_space<vmem>> -> memref<128xi32, #tpu.memory_space<vmem>>
      %dma_wait3A_305 = arith.constant 0 : i32
      %dma_wait3A_306 = tpu.memref_slice %arg14[%dma_wait3A_305] : memref<1600128xf32, #tpu.memory_space<vmem_shared>> -> memref<1600128xf32, #tpu.memory_space<vmem_shared>>
      tpu.wait_indirect_dma semaphore(%arg18 : memref<!tpu.dma_semaphore, #tpu.memory_space<semaphore_mem>>) src(%dma_wait3A_301 : memref<128xf32, #tpu.memory_space<vmem>>) dst(%dma_wait3A_306 : memref<1600128xf32, #tpu.memory_space<vmem_shared>>)
      %dma_wait3A_307 = arith.constant 9 : i32
      %dma_wait3A_308 = arith.constant 9 : i32
      %dma_wait3A_309 = arith.constant 0 : i32
      %dma_wait3A_310 = tpu.memref_slice %arg11[%dma_wait3A_307, %dma_wait3A_309] : memref<16x128xf32, #tpu.memory_space<vmem>> -> memref<1x128xf32, #tpu.memory_space<vmem>>
      %dma_wait3A_311 = tpu.memref_squeeze %dma_wait3A_310 : memref<1x128xf32, #tpu.memory_space<vmem>> -> memref<128xf32, #tpu.memory_space<vmem>>
      %dma_wait3A_312 = arith.constant 0 : i32
      %dma_wait3A_313 = tpu.memref_slice %arg9[%dma_wait3A_308, %dma_wait3A_312] : memref<16x128xi32, #tpu.memory_space<vmem>> -> memref<1x128xi32, #tpu.memory_space<vmem>>
      %dma_wait3A_314 = tpu.memref_squeeze %dma_wait3A_313 : memref<1x128xi32, #tpu.memory_space<vmem>> -> memref<128xi32, #tpu.memory_space<vmem>>
      %dma_wait3A_315 = arith.constant 0 : i32
      %dma_wait3A_316 = tpu.memref_slice %arg14[%dma_wait3A_315] : memref<1600128xf32, #tpu.memory_space<vmem_shared>> -> memref<1600128xf32, #tpu.memory_space<vmem_shared>>
      tpu.wait_indirect_dma semaphore(%arg18 : memref<!tpu.dma_semaphore, #tpu.memory_space<semaphore_mem>>) src(%dma_wait3A_311 : memref<128xf32, #tpu.memory_space<vmem>>) dst(%dma_wait3A_316 : memref<1600128xf32, #tpu.memory_space<vmem_shared>>)
      %dma_wait3A_317 = arith.constant 10 : i32
      %dma_wait3A_318 = arith.constant 10 : i32
      %dma_wait3A_319 = arith.constant 0 : i32
      %dma_wait3A_320 = tpu.memref_slice %arg11[%dma_wait3A_317, %dma_wait3A_319] : memref<16x128xf32, #tpu.memory_space<vmem>> -> memref<1x128xf32, #tpu.memory_space<vmem>>
      %dma_wait3A_321 = tpu.memref_squeeze %dma_wait3A_320 : memref<1x128xf32, #tpu.memory_space<vmem>> -> memref<128xf32, #tpu.memory_space<vmem>>
      %dma_wait3A_322 = arith.constant 0 : i32
      %dma_wait3A_323 = tpu.memref_slice %arg9[%dma_wait3A_318, %dma_wait3A_322] : memref<16x128xi32, #tpu.memory_space<vmem>> -> memref<1x128xi32, #tpu.memory_space<vmem>>
      %dma_wait3A_324 = tpu.memref_squeeze %dma_wait3A_323 : memref<1x128xi32, #tpu.memory_space<vmem>> -> memref<128xi32, #tpu.memory_space<vmem>>
      %dma_wait3A_325 = arith.constant 0 : i32
      %dma_wait3A_326 = tpu.memref_slice %arg14[%dma_wait3A_325] : memref<1600128xf32, #tpu.memory_space<vmem_shared>> -> memref<1600128xf32, #tpu.memory_space<vmem_shared>>
      tpu.wait_indirect_dma semaphore(%arg18 : memref<!tpu.dma_semaphore, #tpu.memory_space<semaphore_mem>>) src(%dma_wait3A_321 : memref<128xf32, #tpu.memory_space<vmem>>) dst(%dma_wait3A_326 : memref<1600128xf32, #tpu.memory_space<vmem_shared>>)
      %dma_wait3A_327 = arith.constant 11 : i32
      %dma_wait3A_328 = arith.constant 11 : i32
      %dma_wait3A_329 = arith.constant 0 : i32
      %dma_wait3A_330 = tpu.memref_slice %arg11[%dma_wait3A_327, %dma_wait3A_329] : memref<16x128xf32, #tpu.memory_space<vmem>> -> memref<1x128xf32, #tpu.memory_space<vmem>>
      %dma_wait3A_331 = tpu.memref_squeeze %dma_wait3A_330 : memref<1x128xf32, #tpu.memory_space<vmem>> -> memref<128xf32, #tpu.memory_space<vmem>>
      %dma_wait3A_332 = arith.constant 0 : i32
      %dma_wait3A_333 = tpu.memref_slice %arg9[%dma_wait3A_328, %dma_wait3A_332] : memref<16x128xi32, #tpu.memory_space<vmem>> -> memref<1x128xi32, #tpu.memory_space<vmem>>
      %dma_wait3A_334 = tpu.memref_squeeze %dma_wait3A_333 : memref<1x128xi32, #tpu.memory_space<vmem>> -> memref<128xi32, #tpu.memory_space<vmem>>
      %dma_wait3A_335 = arith.constant 0 : i32
      %dma_wait3A_336 = tpu.memref_slice %arg14[%dma_wait3A_335] : memref<1600128xf32, #tpu.memory_space<vmem_shared>> -> memref<1600128xf32, #tpu.memory_space<vmem_shared>>
      tpu.wait_indirect_dma semaphore(%arg18 : memref<!tpu.dma_semaphore, #tpu.memory_space<semaphore_mem>>) src(%dma_wait3A_331 : memref<128xf32, #tpu.memory_space<vmem>>) dst(%dma_wait3A_336 : memref<1600128xf32, #tpu.memory_space<vmem_shared>>)
      %dma_wait3A_337 = arith.constant 12 : i32
      %dma_wait3A_338 = arith.constant 12 : i32
      %dma_wait3A_339 = arith.constant 0 : i32
      %dma_wait3A_340 = tpu.memref_slice %arg11[%dma_wait3A_337, %dma_wait3A_339] : memref<16x128xf32, #tpu.memory_space<vmem>> -> memref<1x128xf32, #tpu.memory_space<vmem>>
      %dma_wait3A_341 = tpu.memref_squeeze %dma_wait3A_340 : memref<1x128xf32, #tpu.memory_space<vmem>> -> memref<128xf32, #tpu.memory_space<vmem>>
      %dma_wait3A_342 = arith.constant 0 : i32
      %dma_wait3A_343 = tpu.memref_slice %arg9[%dma_wait3A_338, %dma_wait3A_342] : memref<16x128xi32, #tpu.memory_space<vmem>> -> memref<1x128xi32, #tpu.memory_space<vmem>>
      %dma_wait3A_344 = tpu.memref_squeeze %dma_wait3A_343 : memref<1x128xi32, #tpu.memory_space<vmem>> -> memref<128xi32, #tpu.memory_space<vmem>>
      %dma_wait3A_345 = arith.constant 0 : i32
      %dma_wait3A_346 = tpu.memref_slice %arg14[%dma_wait3A_345] : memref<1600128xf32, #tpu.memory_space<vmem_shared>> -> memref<1600128xf32, #tpu.memory_space<vmem_shared>>
      tpu.wait_indirect_dma semaphore(%arg18 : memref<!tpu.dma_semaphore, #tpu.memory_space<semaphore_mem>>) src(%dma_wait3A_341 : memref<128xf32, #tpu.memory_space<vmem>>) dst(%dma_wait3A_346 : memref<1600128xf32, #tpu.memory_space<vmem_shared>>)
      %dma_wait3A_347 = arith.constant 13 : i32
      %dma_wait3A_348 = arith.constant 13 : i32
      %dma_wait3A_349 = arith.constant 0 : i32
      %dma_wait3A_350 = tpu.memref_slice %arg11[%dma_wait3A_347, %dma_wait3A_349] : memref<16x128xf32, #tpu.memory_space<vmem>> -> memref<1x128xf32, #tpu.memory_space<vmem>>
      %dma_wait3A_351 = tpu.memref_squeeze %dma_wait3A_350 : memref<1x128xf32, #tpu.memory_space<vmem>> -> memref<128xf32, #tpu.memory_space<vmem>>
      %dma_wait3A_352 = arith.constant 0 : i32
      %dma_wait3A_353 = tpu.memref_slice %arg9[%dma_wait3A_348, %dma_wait3A_352] : memref<16x128xi32, #tpu.memory_space<vmem>> -> memref<1x128xi32, #tpu.memory_space<vmem>>
      %dma_wait3A_354 = tpu.memref_squeeze %dma_wait3A_353 : memref<1x128xi32, #tpu.memory_space<vmem>> -> memref<128xi32, #tpu.memory_space<vmem>>
      %dma_wait3A_355 = arith.constant 0 : i32
      %dma_wait3A_356 = tpu.memref_slice %arg14[%dma_wait3A_355] : memref<1600128xf32, #tpu.memory_space<vmem_shared>> -> memref<1600128xf32, #tpu.memory_space<vmem_shared>>
      tpu.wait_indirect_dma semaphore(%arg18 : memref<!tpu.dma_semaphore, #tpu.memory_space<semaphore_mem>>) src(%dma_wait3A_351 : memref<128xf32, #tpu.memory_space<vmem>>) dst(%dma_wait3A_356 : memref<1600128xf32, #tpu.memory_space<vmem_shared>>)
      %dma_wait3A_357 = arith.constant 14 : i32
      %dma_wait3A_358 = arith.constant 14 : i32
      %dma_wait3A_359 = arith.constant 0 : i32
      %dma_wait3A_360 = tpu.memref_slice %arg11[%dma_wait3A_357, %dma_wait3A_359] : memref<16x128xf32, #tpu.memory_space<vmem>> -> memref<1x128xf32, #tpu.memory_space<vmem>>
      %dma_wait3A_361 = tpu.memref_squeeze %dma_wait3A_360 : memref<1x128xf32, #tpu.memory_space<vmem>> -> memref<128xf32, #tpu.memory_space<vmem>>
      %dma_wait3A_362 = arith.constant 0 : i32
      %dma_wait3A_363 = tpu.memref_slice %arg9[%dma_wait3A_358, %dma_wait3A_362] : memref<16x128xi32, #tpu.memory_space<vmem>> -> memref<1x128xi32, #tpu.memory_space<vmem>>
      %dma_wait3A_364 = tpu.memref_squeeze %dma_wait3A_363 : memref<1x128xi32, #tpu.memory_space<vmem>> -> memref<128xi32, #tpu.memory_space<vmem>>
      %dma_wait3A_365 = arith.constant 0 : i32
      %dma_wait3A_366 = tpu.memref_slice %arg14[%dma_wait3A_365] : memref<1600128xf32, #tpu.memory_space<vmem_shared>> -> memref<1600128xf32, #tpu.memory_space<vmem_shared>>
      tpu.wait_indirect_dma semaphore(%arg18 : memref<!tpu.dma_semaphore, #tpu.memory_space<semaphore_mem>>) src(%dma_wait3A_361 : memref<128xf32, #tpu.memory_space<vmem>>) dst(%dma_wait3A_366 : memref<1600128xf32, #tpu.memory_space<vmem_shared>>)
      %dma_wait3A_367 = arith.constant 15 : i32
      %dma_wait3A_368 = arith.constant 15 : i32
      %dma_wait3A_369 = arith.constant 0 : i32
      %dma_wait3A_370 = tpu.memref_slice %arg11[%dma_wait3A_367, %dma_wait3A_369] : memref<16x128xf32, #tpu.memory_space<vmem>> -> memref<1x128xf32, #tpu.memory_space<vmem>>
      %dma_wait3A_371 = tpu.memref_squeeze %dma_wait3A_370 : memref<1x128xf32, #tpu.memory_space<vmem>> -> memref<128xf32, #tpu.memory_space<vmem>>
      %dma_wait3A_372 = arith.constant 0 : i32
      %dma_wait3A_373 = tpu.memref_slice %arg9[%dma_wait3A_368, %dma_wait3A_372] : memref<16x128xi32, #tpu.memory_space<vmem>> -> memref<1x128xi32, #tpu.memory_space<vmem>>
      %dma_wait3A_374 = tpu.memref_squeeze %dma_wait3A_373 : memref<1x128xi32, #tpu.memory_space<vmem>> -> memref<128xi32, #tpu.memory_space<vmem>>
      %dma_wait3A_375 = arith.constant 0 : i32
      %dma_wait3A_376 = tpu.memref_slice %arg14[%dma_wait3A_375] : memref<1600128xf32, #tpu.memory_space<vmem_shared>> -> memref<1600128xf32, #tpu.memory_space<vmem_shared>>
      tpu.wait_indirect_dma semaphore(%arg18 : memref<!tpu.dma_semaphore, #tpu.memory_space<semaphore_mem>>) src(%dma_wait3A_371 : memref<128xf32, #tpu.memory_space<vmem>>) dst(%dma_wait3A_376 : memref<1600128xf32, #tpu.memory_space<vmem_shared>>)
      %barrier3A_377 = arith.constant 0 : index
      tpu.barrier barrier_id(%barrier3A_377)
      %scan3A_378 = arith.constant 0 : i32
      %scan3A_379 = arith.constant 20 : i32
      %scan3A_380 = arith.addi %scan3A_378, %scan3A_379 : i32
      %scan3A_381 = arith.constant 1 : i32
      scf.for %scan3A_383 = %scan3A_378 to %scan3A_380 step %scan3A_381  : i32 {
        %mul3A_384 = arith.constant 1 : i32
        %mul3A_385 = arith.muli %scan3A_383, %mul3A_384 : i32
        %add3A_386 = arith.constant 0 : i32
        %add3A_387 = arith.addi %add3A_386, %mul3A_385 : i32
        %mul3A_388 = arith.constant 100000 : i32
        %mul3A_389 = arith.muli %arg1, %mul3A_388 : i32
        %mul3A_390 = arith.constant 5000 : i32
        %mul3A_391 = arith.muli %add3A_387, %mul3A_390 : i32
        %add3A_392 = arith.addi %mul3A_389, %mul3A_391 : i32
        "tpu.region"() ({
          %run_scoped3A = tpu.sem_alloc : memref<!tpu.dma_semaphore, #tpu.memory_space<semaphore_mem>>
          %dma_start3A_396 = tpu.memref_slice %arg14[%add3A_392] : memref<1600128xf32, #tpu.memory_space<vmem_shared>> -> memref<5000xf32, #tpu.memory_space<vmem_shared>>
          %dma_start3A_397 = tpu.memref_slice %arg14[%add3A_392] : memref<1600128xf32, #tpu.memory_space<vmem_shared>> -> memref<5000xf32, #tpu.memory_space<vmem_shared>>
          tpu.enqueue_dma source(%dma_start3A_397 : memref<5000xf32, #tpu.memory_space<vmem_shared>>) target(%arg13 : memref<5000xf32, #tpu.memory_space<vmem>>) target_semaphore(%run_scoped3A : memref<!tpu.dma_semaphore, #tpu.memory_space<semaphore_mem>>)
          %dma_wait3A_398 = tpu.memref_slice %arg14[%add3A_392] : memref<1600128xf32, #tpu.memory_space<vmem_shared>> -> memref<5000xf32, #tpu.memory_space<vmem_shared>>
          %dma_wait3A_399 = tpu.memref_slice %arg14[%add3A_392] : memref<1600128xf32, #tpu.memory_space<vmem_shared>> -> memref<5000xf32, #tpu.memory_space<vmem_shared>>
          tpu.wait_dma2 semaphore(%run_scoped3A : memref<!tpu.dma_semaphore, #tpu.memory_space<semaphore_mem>>) src(%dma_wait3A_399 : memref<5000xf32, #tpu.memory_space<vmem_shared>>) dst(%arg13 : memref<5000xf32, #tpu.memory_space<vmem>>)
          tpu.yield
        }) : () -> ()
        %mul3A_393 = arith.constant 1600000 : i32
        %mul3A_394 = arith.muli %add3A_14, %mul3A_393 : i32
        %add3A_395 = arith.addi %mul3A_394, %add3A_392 : i32
        "tpu.region"() ({
          %run_scoped3A = tpu.sem_alloc : memref<!tpu.dma_semaphore, #tpu.memory_space<semaphore_mem>>
          %dma_start3A_396 = tpu.memref_slice %arg5[%add3A_395] : memref<6400000xf32, #tpu.memory_space<hbm>> -> memref<5000xf32, #tpu.memory_space<hbm>>
          %dma_start3A_397 = tpu.memref_slice %arg5[%add3A_395] : memref<6400000xf32, #tpu.memory_space<hbm>> -> memref<5000xf32, #tpu.memory_space<hbm>>
          tpu.enqueue_dma source(%arg13 : memref<5000xf32, #tpu.memory_space<vmem>>) target(%dma_start3A_397 : memref<5000xf32, #tpu.memory_space<hbm>>) target_semaphore(%run_scoped3A : memref<!tpu.dma_semaphore, #tpu.memory_space<semaphore_mem>>)
          %dma_wait3A_398 = tpu.memref_slice %arg5[%add3A_395] : memref<6400000xf32, #tpu.memory_space<hbm>> -> memref<5000xf32, #tpu.memory_space<hbm>>
          %dma_wait3A_399 = tpu.memref_slice %arg5[%add3A_395] : memref<6400000xf32, #tpu.memory_space<hbm>> -> memref<5000xf32, #tpu.memory_space<hbm>>
          tpu.wait_dma2 semaphore(%run_scoped3A : memref<!tpu.dma_semaphore, #tpu.memory_space<semaphore_mem>>) src(%arg13 : memref<5000xf32, #tpu.memory_space<vmem>>) dst(%dma_wait3A_399 : memref<5000xf32, #tpu.memory_space<hbm>>)
          tpu.yield
        }) : () -> ()
      }
      %scan3A_382 = arith.constant 20 : i32
    }
    %scan3A_8 = arith.constant 2 : i32
    return
  }
}

#map = affine_map<(d0, d1) -> (0, 0)>
#map1 = affine_map<(d0, d1) -> (0)>
module attributes {stable_mosaic.version = 14 : i64} {
  func.func @k(%arg0: i32, %arg1: i32, %arg2: memref<50000x32xbf16, #tpu.memory_space<hbm>>, %arg3: memref<50000x32xbf16, #tpu.memory_space<hbm>>, %arg4: memref<819200xi32, #tpu.memory_space<hbm>>, %arg5: memref<819200xi32, #tpu.memory_space<hbm>>, %arg6: memref<819200x32xbf16, #tpu.memory_space<hbm>>, %arg7: memref<50000x32xbf16, #tpu.memory_space<hbm>>, %arg8: memref<50000x32xbf16, #tpu.memory_space<hbm>>, %arg9: memref<320xi32, #tpu.memory_space<vmem>>, %arg10: memref<320xi32, #tpu.memory_space<vmem>>, %arg11: memref<320x32xbf16, #tpu.memory_space<vmem>>, %arg12: memref<320xi32, #tpu.memory_space<vmem>>, %arg13: memref<320xi32, #tpu.memory_space<vmem>>, %arg14: memref<320x32xbf16, #tpu.memory_space<vmem>>, %arg15: memref<320x32xbf16, #tpu.memory_space<vmem>>, %arg16: memref<320x32xbf16, #tpu.memory_space<vmem>>, %arg17: memref<320xi32, #tpu.memory_space<vmem>>, %arg18: memref<320xi32, #tpu.memory_space<vmem>>, %arg19: memref<200x32xbf16, #tpu.memory_space<vmem>>, %arg20: memref<200x32xbf16, #tpu.memory_space<vmem>>, %arg21: memref<100x32xbf16, #tpu.memory_space<vmem>>, %arg22: memref<50000x32xbf16, #tpu.memory_space<vmem_shared>>, %arg23: memref<50000x32xbf16, #tpu.memory_space<vmem_shared>>, %arg24: memref<!tpu.dma_semaphore, #tpu.memory_space<semaphore_mem>>, %arg25: memref<!tpu.dma_semaphore, #tpu.memory_space<semaphore_mem>>, %arg26: memref<!tpu.dma_semaphore, #tpu.memory_space<semaphore_mem>>, %arg27: memref<!tpu.dma_semaphore, #tpu.memory_space<semaphore_mem>>, %arg28: memref<!tpu.dma_semaphore, #tpu.memory_space<semaphore_mem>>, %arg29: memref<!tpu.dma_semaphore, #tpu.memory_space<semaphore_mem>>, %arg30: memref<!tpu.dma_semaphore, #tpu.memory_space<semaphore_mem>>, %arg31: memref<!tpu.dma_semaphore, #tpu.memory_space<semaphore_mem>>) attributes {dimension_semantics = [#tpu.dimension_semantics<core_parallel>, #tpu.dimension_semantics<subcore_parallel>], iteration_bounds = array<i64: 2, 16>, scalar_prefetch = 0 : i64, scratch_operands = 23 : i64, tpu.core_type = #tpu.core_type<sc_vector_subcore>, window_params = [{transform_indices = #map}, {transform_indices = #map}, {transform_indices = #map1}, {transform_indices = #map1}, {transform_indices = #map}, {transform_indices = #map}, {transform_indices = #map}]} {
    %mul3A = arith.constant 160 : i32
    %mul3A_0 = arith.muli %arg1, %mul3A : i32
    %scan3A = arith.constant 0 : i32
    %scan3A_1 = arith.constant 100 : i32
    %scan3A_2 = arith.addi %scan3A, %scan3A_1 : i32
    %scan3A_3 = arith.constant 1 : i32
    scf.for %scan3A_12 = %scan3A to %scan3A_2 step %scan3A_3  : i32 {
      %mul3A_13 = arith.constant 1 : i32
      %mul3A_14 = arith.muli %scan3A_12, %mul3A_13 : i32
      %add3A = arith.constant 0 : i32
      %add3A_15 = arith.addi %add3A, %mul3A_14 : i32
      %broadcast_in_dim3A = arith.constant 0.000000e+00 : bf16
      %broadcast_in_dim3A_16 = vector.broadcast %broadcast_in_dim3A : bf16 to vector<32xbf16>
      %swap3A = arith.index_cast %add3A_15 : i32 to index
      %swap3A_17 = arith.constant 0 : index
      %swap3A_18 = tpu.vector_load %arg21[%swap3A, %swap3A_17] {strides = array<i32>} : memref<100x32xbf16, #tpu.memory_space<vmem>>, vector<32xbf16>,
      tpu.vector_store %arg21[%swap3A, %swap3A_17], %broadcast_in_dim3A_16 {strides = array<i32>} : memref<100x32xbf16, #tpu.memory_space<vmem>>, vector<32xbf16>,
    }
    %scan3A_4 = arith.constant 100 : i32
    %eq3A = arith.constant 0 : i32
    %eq3A_5 = arith.cmpi eq, %arg0, %eq3A : i32
    %convert_element_type3A = arith.extui %eq3A_5 : i1 to i32
    %cond3A = arith.constant 0 : i32
    %cond3A_6 = arith.cmpi ne, %convert_element_type3A, %cond3A : i32
    scf.if %cond3A_6 {
      %sub3A = arith.constant 250 : i32
      %sub3A_12 = arith.subi %sub3A, %arg1 : i32
      %sub3A_13 = arith.constant 16 : i32
      %sub3A_14 = arith.constant 1 : i32
      %sub3A_15 = arith.subi %sub3A_13, %sub3A_14 : i32
      %add3A = arith.addi %sub3A_12, %sub3A_15 : i32
      %div3A = arith.constant 16 : i32
      %div3A_16 = arith.divsi %add3A, %div3A : i32
      %while3A = arith.constant 16 : i32
      %while3A_17 = arith.constant 0 : i32
      %while3A_18 = arith.subi %div3A_16, %while3A_17 : i32
      %while3A_19 = arith.addi %while3A_17, %while3A_18 : i32
      %while3A_20 = arith.constant 1 : i32
      %while3A_21 = arith.divsi %while3A_18, %while3A_20 : i32
      %while3A_22 = arith.muli %while3A_21, %while3A_20 : i32
      %while3A_23 = arith.addi %while3A_17, %while3A_22 : i32
      %while3A_24 = arith.constant 1 : i32
      scf.for %while3A_31 = %while3A_17 to %while3A_23 step %while3A_24  : i32 {
        %mul3A_32 = arith.muli %while3A_31, %while3A : i32
        %add3A_33 = arith.addi %arg1, %mul3A_32 : i32
        %mul3A_34 = arith.constant 200 : i32
        %mul3A_35 = arith.muli %add3A_33, %mul3A_34 : i32
        "tpu.region"() ({
          %run_scoped3A = tpu.sem_alloc : memref<!tpu.dma_semaphore, #tpu.memory_space<semaphore_mem>>
          %dma_start3A = arith.constant 0 : i32
          %dma_start3A_38 = tpu.memref_slice %arg23[%mul3A_35, %dma_start3A] : memref<50000x32xbf16, #tpu.memory_space<vmem_shared>> -> memref<200x32xbf16, #tpu.memory_space<vmem_shared>>
          %dma_start3A_39 = arith.constant 0 : i32
          %dma_start3A_40 = tpu.memref_slice %arg2[%mul3A_35, %dma_start3A_39] : memref<50000x32xbf16, #tpu.memory_space<hbm>> -> memref<200x32xbf16, #tpu.memory_space<hbm>>
          tpu.enqueue_dma source(%dma_start3A_40 : memref<200x32xbf16, #tpu.memory_space<hbm>>) target(%dma_start3A_38 : memref<200x32xbf16, #tpu.memory_space<vmem_shared>>) target_semaphore(%run_scoped3A : memref<!tpu.dma_semaphore, #tpu.memory_space<semaphore_mem>>)
          %dma_wait3A = arith.constant 0 : i32
          %dma_wait3A_41 = tpu.memref_slice %arg23[%mul3A_35, %dma_wait3A] : memref<50000x32xbf16, #tpu.memory_space<vmem_shared>> -> memref<200x32xbf16, #tpu.memory_space<vmem_shared>>
          %dma_wait3A_42 = arith.constant 0 : i32
          %dma_wait3A_43 = tpu.memref_slice %arg2[%mul3A_35, %dma_wait3A_42] : memref<50000x32xbf16, #tpu.memory_space<hbm>> -> memref<200x32xbf16, #tpu.memory_space<hbm>>
          tpu.wait_dma2 semaphore(%run_scoped3A : memref<!tpu.dma_semaphore, #tpu.memory_space<semaphore_mem>>) src(%dma_wait3A_43 : memref<200x32xbf16, #tpu.memory_space<hbm>>) dst(%dma_wait3A_41 : memref<200x32xbf16, #tpu.memory_space<vmem_shared>>)
          tpu.yield
        }) : () -> ()
        "tpu.region"() ({
          %run_scoped3A = tpu.sem_alloc : memref<!tpu.dma_semaphore, #tpu.memory_space<semaphore_mem>>
          %dma_start3A = arith.constant 0 : i32
          %dma_start3A_38 = tpu.memref_slice %arg22[%mul3A_35, %dma_start3A] : memref<50000x32xbf16, #tpu.memory_space<vmem_shared>> -> memref<100x32xbf16, #tpu.memory_space<vmem_shared>>
          %dma_start3A_39 = arith.constant 0 : i32
          %dma_start3A_40 = tpu.memref_slice %arg22[%mul3A_35, %dma_start3A_39] : memref<50000x32xbf16, #tpu.memory_space<vmem_shared>> -> memref<100x32xbf16, #tpu.memory_space<vmem_shared>>
          tpu.enqueue_dma source(%arg21 : memref<100x32xbf16, #tpu.memory_space<vmem>>) target(%dma_start3A_40 : memref<100x32xbf16, #tpu.memory_space<vmem_shared>>) target_semaphore(%run_scoped3A : memref<!tpu.dma_semaphore, #tpu.memory_space<semaphore_mem>>)
          %dma_wait3A = arith.constant 0 : i32
          %dma_wait3A_41 = tpu.memref_slice %arg22[%mul3A_35, %dma_wait3A] : memref<50000x32xbf16, #tpu.memory_space<vmem_shared>> -> memref<100x32xbf16, #tpu.memory_space<vmem_shared>>
          %dma_wait3A_42 = arith.constant 0 : i32
          %dma_wait3A_43 = tpu.memref_slice %arg22[%mul3A_35, %dma_wait3A_42] : memref<50000x32xbf16, #tpu.memory_space<vmem_shared>> -> memref<100x32xbf16, #tpu.memory_space<vmem_shared>>
          tpu.wait_dma2 semaphore(%run_scoped3A : memref<!tpu.dma_semaphore, #tpu.memory_space<semaphore_mem>>) src(%arg21 : memref<100x32xbf16, #tpu.memory_space<vmem>>) dst(%dma_wait3A_43 : memref<100x32xbf16, #tpu.memory_space<vmem_shared>>)
          tpu.yield
        }) : () -> ()
        %add3A_36 = arith.constant 100 : i32
        %add3A_37 = arith.addi %mul3A_35, %add3A_36 : i32
        "tpu.region"() ({
          %run_scoped3A = tpu.sem_alloc : memref<!tpu.dma_semaphore, #tpu.memory_space<semaphore_mem>>
          %dma_start3A = arith.constant 0 : i32
          %dma_start3A_38 = tpu.memref_slice %arg22[%add3A_37, %dma_start3A] : memref<50000x32xbf16, #tpu.memory_space<vmem_shared>> -> memref<100x32xbf16, #tpu.memory_space<vmem_shared>>
          %dma_start3A_39 = arith.constant 0 : i32
          %dma_start3A_40 = tpu.memref_slice %arg22[%add3A_37, %dma_start3A_39] : memref<50000x32xbf16, #tpu.memory_space<vmem_shared>> -> memref<100x32xbf16, #tpu.memory_space<vmem_shared>>
          tpu.enqueue_dma source(%arg21 : memref<100x32xbf16, #tpu.memory_space<vmem>>) target(%dma_start3A_40 : memref<100x32xbf16, #tpu.memory_space<vmem_shared>>) target_semaphore(%run_scoped3A : memref<!tpu.dma_semaphore, #tpu.memory_space<semaphore_mem>>)
          %dma_wait3A = arith.constant 0 : i32
          %dma_wait3A_41 = tpu.memref_slice %arg22[%add3A_37, %dma_wait3A] : memref<50000x32xbf16, #tpu.memory_space<vmem_shared>> -> memref<100x32xbf16, #tpu.memory_space<vmem_shared>>
          %dma_wait3A_42 = arith.constant 0 : i32
          %dma_wait3A_43 = tpu.memref_slice %arg22[%add3A_37, %dma_wait3A_42] : memref<50000x32xbf16, #tpu.memory_space<vmem_shared>> -> memref<100x32xbf16, #tpu.memory_space<vmem_shared>>
          tpu.wait_dma2 semaphore(%run_scoped3A : memref<!tpu.dma_semaphore, #tpu.memory_space<semaphore_mem>>) src(%arg21 : memref<100x32xbf16, #tpu.memory_space<vmem>>) dst(%dma_wait3A_43 : memref<100x32xbf16, #tpu.memory_space<vmem_shared>>)
          tpu.yield
        }) : () -> ()
      }
      %while3A_25 = arith.constant 1 : i32
      scf.for %while3A_31 = %while3A_23 to %while3A_19 step %while3A_25  : i32 {
        %mul3A_32 = arith.muli %while3A_31, %while3A : i32
        %add3A_33 = arith.addi %arg1, %mul3A_32 : i32
        %mul3A_34 = arith.constant 200 : i32
        %mul3A_35 = arith.muli %add3A_33, %mul3A_34 : i32
        "tpu.region"() ({
          %run_scoped3A = tpu.sem_alloc : memref<!tpu.dma_semaphore, #tpu.memory_space<semaphore_mem>>
          %dma_start3A = arith.constant 0 : i32
          %dma_start3A_38 = tpu.memref_slice %arg23[%mul3A_35, %dma_start3A] : memref<50000x32xbf16, #tpu.memory_space<vmem_shared>> -> memref<200x32xbf16, #tpu.memory_space<vmem_shared>>
          %dma_start3A_39 = arith.constant 0 : i32
          %dma_start3A_40 = tpu.memref_slice %arg2[%mul3A_35, %dma_start3A_39] : memref<50000x32xbf16, #tpu.memory_space<hbm>> -> memref<200x32xbf16, #tpu.memory_space<hbm>>
          tpu.enqueue_dma source(%dma_start3A_40 : memref<200x32xbf16, #tpu.memory_space<hbm>>) target(%dma_start3A_38 : memref<200x32xbf16, #tpu.memory_space<vmem_shared>>) target_semaphore(%run_scoped3A : memref<!tpu.dma_semaphore, #tpu.memory_space<semaphore_mem>>)
          %dma_wait3A = arith.constant 0 : i32
          %dma_wait3A_41 = tpu.memref_slice %arg23[%mul3A_35, %dma_wait3A] : memref<50000x32xbf16, #tpu.memory_space<vmem_shared>> -> memref<200x32xbf16, #tpu.memory_space<vmem_shared>>
          %dma_wait3A_42 = arith.constant 0 : i32
          %dma_wait3A_43 = tpu.memref_slice %arg2[%mul3A_35, %dma_wait3A_42] : memref<50000x32xbf16, #tpu.memory_space<hbm>> -> memref<200x32xbf16, #tpu.memory_space<hbm>>
          tpu.wait_dma2 semaphore(%run_scoped3A : memref<!tpu.dma_semaphore, #tpu.memory_space<semaphore_mem>>) src(%dma_wait3A_43 : memref<200x32xbf16, #tpu.memory_space<hbm>>) dst(%dma_wait3A_41 : memref<200x32xbf16, #tpu.memory_space<vmem_shared>>)
          tpu.yield
        }) : () -> ()
        "tpu.region"() ({
          %run_scoped3A = tpu.sem_alloc : memref<!tpu.dma_semaphore, #tpu.memory_space<semaphore_mem>>
          %dma_start3A = arith.constant 0 : i32
          %dma_start3A_38 = tpu.memref_slice %arg22[%mul3A_35, %dma_start3A] : memref<50000x32xbf16, #tpu.memory_space<vmem_shared>> -> memref<100x32xbf16, #tpu.memory_space<vmem_shared>>
          %dma_start3A_39 = arith.constant 0 : i32
          %dma_start3A_40 = tpu.memref_slice %arg22[%mul3A_35, %dma_start3A_39] : memref<50000x32xbf16, #tpu.memory_space<vmem_shared>> -> memref<100x32xbf16, #tpu.memory_space<vmem_shared>>
          tpu.enqueue_dma source(%arg21 : memref<100x32xbf16, #tpu.memory_space<vmem>>) target(%dma_start3A_40 : memref<100x32xbf16, #tpu.memory_space<vmem_shared>>) target_semaphore(%run_scoped3A : memref<!tpu.dma_semaphore, #tpu.memory_space<semaphore_mem>>)
          %dma_wait3A = arith.constant 0 : i32
          %dma_wait3A_41 = tpu.memref_slice %arg22[%mul3A_35, %dma_wait3A] : memref<50000x32xbf16, #tpu.memory_space<vmem_shared>> -> memref<100x32xbf16, #tpu.memory_space<vmem_shared>>
          %dma_wait3A_42 = arith.constant 0 : i32
          %dma_wait3A_43 = tpu.memref_slice %arg22[%mul3A_35, %dma_wait3A_42] : memref<50000x32xbf16, #tpu.memory_space<vmem_shared>> -> memref<100x32xbf16, #tpu.memory_space<vmem_shared>>
          tpu.wait_dma2 semaphore(%run_scoped3A : memref<!tpu.dma_semaphore, #tpu.memory_space<semaphore_mem>>) src(%arg21 : memref<100x32xbf16, #tpu.memory_space<vmem>>) dst(%dma_wait3A_43 : memref<100x32xbf16, #tpu.memory_space<vmem_shared>>)
          tpu.yield
        }) : () -> ()
        %add3A_36 = arith.constant 100 : i32
        %add3A_37 = arith.addi %mul3A_35, %add3A_36 : i32
        "tpu.region"() ({
          %run_scoped3A = tpu.sem_alloc : memref<!tpu.dma_semaphore, #tpu.memory_space<semaphore_mem>>
          %dma_start3A = arith.constant 0 : i32
          %dma_start3A_38 = tpu.memref_slice %arg22[%add3A_37, %dma_start3A] : memref<50000x32xbf16, #tpu.memory_space<vmem_shared>> -> memref<100x32xbf16, #tpu.memory_space<vmem_shared>>
          %dma_start3A_39 = arith.constant 0 : i32
          %dma_start3A_40 = tpu.memref_slice %arg22[%add3A_37, %dma_start3A_39] : memref<50000x32xbf16, #tpu.memory_space<vmem_shared>> -> memref<100x32xbf16, #tpu.memory_space<vmem_shared>>
          tpu.enqueue_dma source(%arg21 : memref<100x32xbf16, #tpu.memory_space<vmem>>) target(%dma_start3A_40 : memref<100x32xbf16, #tpu.memory_space<vmem_shared>>) target_semaphore(%run_scoped3A : memref<!tpu.dma_semaphore, #tpu.memory_space<semaphore_mem>>)
          %dma_wait3A = arith.constant 0 : i32
          %dma_wait3A_41 = tpu.memref_slice %arg22[%add3A_37, %dma_wait3A] : memref<50000x32xbf16, #tpu.memory_space<vmem_shared>> -> memref<100x32xbf16, #tpu.memory_space<vmem_shared>>
          %dma_wait3A_42 = arith.constant 0 : i32
          %dma_wait3A_43 = tpu.memref_slice %arg22[%add3A_37, %dma_wait3A_42] : memref<50000x32xbf16, #tpu.memory_space<vmem_shared>> -> memref<100x32xbf16, #tpu.memory_space<vmem_shared>>
          tpu.wait_dma2 semaphore(%run_scoped3A : memref<!tpu.dma_semaphore, #tpu.memory_space<semaphore_mem>>) src(%arg21 : memref<100x32xbf16, #tpu.memory_space<vmem>>) dst(%dma_wait3A_43 : memref<100x32xbf16, #tpu.memory_space<vmem_shared>>)
          tpu.yield
        }) : () -> ()
      }
      %barrier3A = arith.constant 0 : index
      tpu.barrier barrier_id(%barrier3A)
      %scan3A_26 = arith.constant 0 : i32
      %scan3A_27 = arith.constant 10 : i32
      %scan3A_28 = arith.addi %scan3A_26, %scan3A_27 : i32
      %scan3A_29 = arith.constant 1 : i32
      scf.for %scan3A_31 = %scan3A_26 to %scan3A_28 step %scan3A_29  : i32 {
        %mul3A_32 = arith.constant 1 : i32
        %mul3A_33 = arith.muli %scan3A_31, %mul3A_32 : i32
        %add3A_34 = arith.constant 0 : i32
        %add3A_35 = arith.addi %add3A_34, %mul3A_33 : i32
        %mul3A_36 = arith.constant 320 : i32
        %mul3A_37 = arith.muli %mul3A_0, %mul3A_36 : i32
        %dma_start3A = arith.constant 0 : i32
        %dma_start3A_38 = tpu.memref_slice %arg6[%mul3A_37, %dma_start3A] : memref<819200x32xbf16, #tpu.memory_space<hbm>> -> memref<320x32xbf16, #tpu.memory_space<hbm>>
        %dma_start3A_39 = arith.constant 0 : i32
        %dma_start3A_40 = tpu.memref_slice %arg6[%mul3A_37, %dma_start3A_39] : memref<819200x32xbf16, #tpu.memory_space<hbm>> -> memref<320x32xbf16, #tpu.memory_space<hbm>>
        tpu.enqueue_dma source(%dma_start3A_40 : memref<320x32xbf16, #tpu.memory_space<hbm>>) target(%arg11 : memref<320x32xbf16, #tpu.memory_space<vmem>>) target_semaphore(%arg28 : memref<!tpu.dma_semaphore, #tpu.memory_space<semaphore_mem>>)
        %dma_start3A_41 = tpu.memref_slice %arg4[%mul3A_37] : memref<819200xi32, #tpu.memory_space<hbm>> -> memref<320xi32, #tpu.memory_space<hbm>>
        %dma_start3A_42 = tpu.memref_slice %arg4[%mul3A_37] : memref<819200xi32, #tpu.memory_space<hbm>> -> memref<320xi32, #tpu.memory_space<hbm>>
        tpu.enqueue_dma source(%dma_start3A_42 : memref<320xi32, #tpu.memory_space<hbm>>) target(%arg9 : memref<320xi32, #tpu.memory_space<vmem>>) target_semaphore(%arg30 : memref<!tpu.dma_semaphore, #tpu.memory_space<semaphore_mem>>)
        %dma_start3A_43 = tpu.memref_slice %arg5[%mul3A_37] : memref<819200xi32, #tpu.memory_space<hbm>> -> memref<320xi32, #tpu.memory_space<hbm>>
        %dma_start3A_44 = tpu.memref_slice %arg5[%mul3A_37] : memref<819200xi32, #tpu.memory_space<hbm>> -> memref<320xi32, #tpu.memory_space<hbm>>
        tpu.enqueue_dma source(%dma_start3A_44 : memref<320xi32, #tpu.memory_space<hbm>>) target(%arg10 : memref<320xi32, #tpu.memory_space<vmem>>) target_semaphore(%arg30 : memref<!tpu.dma_semaphore, #tpu.memory_space<semaphore_mem>>)
        %dma_wait3A = arith.constant 0 : i32
        %dma_wait3A_45 = tpu.memref_slice %arg4[%dma_wait3A] : memref<819200xi32, #tpu.memory_space<hbm>> -> memref<320xi32, #tpu.memory_space<hbm>>
        %dma_wait3A_46 = arith.constant 0 : i32
        %dma_wait3A_47 = tpu.memref_slice %arg4[%dma_wait3A_46] : memref<819200xi32, #tpu.memory_space<hbm>> -> memref<320xi32, #tpu.memory_space<hbm>>
        tpu.wait_dma2 semaphore(%arg30 : memref<!tpu.dma_semaphore, #tpu.memory_space<semaphore_mem>>) src(%dma_wait3A_47 : memref<320xi32, #tpu.memory_space<hbm>>) dst(%arg9 : memref<320xi32, #tpu.memory_space<vmem>>)
        %dma_wait3A_48 = arith.constant 0 : i32
        %dma_wait3A_49 = tpu.memref_slice %arg5[%dma_wait3A_48] : memref<819200xi32, #tpu.memory_space<hbm>> -> memref<320xi32, #tpu.memory_space<hbm>>
        %dma_wait3A_50 = arith.constant 0 : i32
        %dma_wait3A_51 = tpu.memref_slice %arg5[%dma_wait3A_50] : memref<819200xi32, #tpu.memory_space<hbm>> -> memref<320xi32, #tpu.memory_space<hbm>>
        tpu.wait_dma2 semaphore(%arg30 : memref<!tpu.dma_semaphore, #tpu.memory_space<semaphore_mem>>) src(%dma_wait3A_51 : memref<320xi32, #tpu.memory_space<hbm>>) dst(%arg10 : memref<320xi32, #tpu.memory_space<vmem>>)
        %scan3A_52 = arith.constant 0 : i32
        %scan3A_53 = arith.constant 20 : i32
        %scan3A_54 = arith.addi %scan3A_52, %scan3A_53 : i32
        %scan3A_55 = arith.constant 1 : i32
        scf.for %scan3A_125 = %scan3A_52 to %scan3A_54 step %scan3A_55  : i32 {
          %mul3A_126 = arith.constant 16 : i32
          %mul3A_127 = arith.muli %scan3A_125, %mul3A_126 : i32
          %add3A_128 = arith.constant 0 : i32
          %add3A_129 = arith.addi %add3A_128, %mul3A_127 : i32
          %get3A = arith.index_cast %add3A_129 : i32 to index
          %get3A_130 = tpu.vector_load %arg10[%get3A] {strides = array<i32>} : memref<320xi32, #tpu.memory_space<vmem>>, vector<16xi32>,
          %swap3A = arith.index_cast %add3A_129 : i32 to index
          %swap3A_131 = tpu.vector_load %arg17[%swap3A] {strides = array<i32>} : memref<320xi32, #tpu.memory_space<vmem>>, vector<16xi32>,
          tpu.vector_store %arg17[%swap3A], %get3A_130 {strides = array<i32>} : memref<320xi32, #tpu.memory_space<vmem>>, vector<16xi32>,
        }
        %scan3A_56 = arith.constant 20 : i32
        %dma_start3A_57 = arith.constant 0 : i32
        %dma_start3A_58 = arith.constant 0 : i32
        %dma_start3A_59 = tpu.memref_slice %arg23[%dma_start3A_57, %dma_start3A_58] : memref<50000x32xbf16, #tpu.memory_space<vmem_shared>> -> memref<50000x32xbf16, #tpu.memory_space<vmem_shared>>
        tpu.enqueue_indirect_dma source(%dma_start3A_59 : memref<50000x32xbf16, #tpu.memory_space<vmem_shared>>) target(%arg15 : memref<320x32xbf16, #tpu.memory_space<vmem>>) offsets(%arg9 : memref<320xi32, #tpu.memory_space<vmem>>) semaphore(%arg24 : memref<!tpu.dma_semaphore, #tpu.memory_space<semaphore_mem>>)
        %add3A_60 = arith.constant 1 : i32
        %add3A_61 = arith.addi %mul3A_0, %add3A_60 : i32
        %mul3A_62 = arith.constant 320 : i32
        %mul3A_63 = arith.muli %add3A_61, %mul3A_62 : i32
        %dma_start3A_64 = arith.constant 0 : i32
        %dma_start3A_65 = tpu.memref_slice %arg6[%mul3A_63, %dma_start3A_64] : memref<819200x32xbf16, #tpu.memory_space<hbm>> -> memref<320x32xbf16, #tpu.memory_space<hbm>>
        %dma_start3A_66 = arith.constant 0 : i32
        %dma_start3A_67 = tpu.memref_slice %arg6[%mul3A_63, %dma_start3A_66] : memref<819200x32xbf16, #tpu.memory_space<hbm>> -> memref<320x32xbf16, #tpu.memory_space<hbm>>
        tpu.enqueue_dma source(%dma_start3A_67 : memref<320x32xbf16, #tpu.memory_space<hbm>>) target(%arg14 : memref<320x32xbf16, #tpu.memory_space<vmem>>) target_semaphore(%arg29 : memref<!tpu.dma_semaphore, #tpu.memory_space<semaphore_mem>>)
        %dma_start3A_68 = tpu.memref_slice %arg4[%mul3A_63] : memref<819200xi32, #tpu.memory_space<hbm>> -> memref<320xi32, #tpu.memory_space<hbm>>
        %dma_start3A_69 = tpu.memref_slice %arg4[%mul3A_63] : memref<819200xi32, #tpu.memory_space<hbm>> -> memref<320xi32, #tpu.memory_space<hbm>>
        tpu.enqueue_dma source(%dma_start3A_69 : memref<320xi32, #tpu.memory_space<hbm>>) target(%arg12 : memref<320xi32, #tpu.memory_space<vmem>>) target_semaphore(%arg31 : memref<!tpu.dma_semaphore, #tpu.memory_space<semaphore_mem>>)
        %dma_start3A_70 = tpu.memref_slice %arg5[%mul3A_63] : memref<819200xi32, #tpu.memory_space<hbm>> -> memref<320xi32, #tpu.memory_space<hbm>>
        %dma_start3A_71 = tpu.memref_slice %arg5[%mul3A_63] : memref<819200xi32, #tpu.memory_space<hbm>> -> memref<320xi32, #tpu.memory_space<hbm>>
        tpu.enqueue_dma source(%dma_start3A_71 : memref<320xi32, #tpu.memory_space<hbm>>) target(%arg13 : memref<320xi32, #tpu.memory_space<vmem>>) target_semaphore(%arg31 : memref<!tpu.dma_semaphore, #tpu.memory_space<semaphore_mem>>)
        %dma_wait3A_72 = arith.constant 0 : i32
        %dma_wait3A_73 = tpu.memref_slice %arg4[%dma_wait3A_72] : memref<819200xi32, #tpu.memory_space<hbm>> -> memref<320xi32, #tpu.memory_space<hbm>>
        %dma_wait3A_74 = arith.constant 0 : i32
        %dma_wait3A_75 = tpu.memref_slice %arg4[%dma_wait3A_74] : memref<819200xi32, #tpu.memory_space<hbm>> -> memref<320xi32, #tpu.memory_space<hbm>>
        tpu.wait_dma2 semaphore(%arg31 : memref<!tpu.dma_semaphore, #tpu.memory_space<semaphore_mem>>) src(%dma_wait3A_75 : memref<320xi32, #tpu.memory_space<hbm>>) dst(%arg12 : memref<320xi32, #tpu.memory_space<vmem>>)
        %dma_wait3A_76 = arith.constant 0 : i32
        %dma_wait3A_77 = tpu.memref_slice %arg5[%dma_wait3A_76] : memref<819200xi32, #tpu.memory_space<hbm>> -> memref<320xi32, #tpu.memory_space<hbm>>
        %dma_wait3A_78 = arith.constant 0 : i32
        %dma_wait3A_79 = tpu.memref_slice %arg5[%dma_wait3A_78] : memref<819200xi32, #tpu.memory_space<hbm>> -> memref<320xi32, #tpu.memory_space<hbm>>
        tpu.wait_dma2 semaphore(%arg31 : memref<!tpu.dma_semaphore, #tpu.memory_space<semaphore_mem>>) src(%dma_wait3A_79 : memref<320xi32, #tpu.memory_space<hbm>>) dst(%arg13 : memref<320xi32, #tpu.memory_space<vmem>>)
        %scan3A_80 = arith.constant 0 : i32
        %scan3A_81 = arith.constant 20 : i32
        %scan3A_82 = arith.addi %scan3A_80, %scan3A_81 : i32
        %scan3A_83 = arith.constant 1 : i32
        scf.for %scan3A_125 = %scan3A_80 to %scan3A_82 step %scan3A_83  : i32 {
          %mul3A_126 = arith.constant 16 : i32
          %mul3A_127 = arith.muli %scan3A_125, %mul3A_126 : i32
          %add3A_128 = arith.constant 0 : i32
          %add3A_129 = arith.addi %add3A_128, %mul3A_127 : i32
          %get3A = arith.index_cast %add3A_129 : i32 to index
          %get3A_130 = tpu.vector_load %arg13[%get3A] {strides = array<i32>} : memref<320xi32, #tpu.memory_space<vmem>>, vector<16xi32>,
          %swap3A = arith.index_cast %add3A_129 : i32 to index
          %swap3A_131 = tpu.vector_load %arg18[%swap3A] {strides = array<i32>} : memref<320xi32, #tpu.memory_space<vmem>>, vector<16xi32>,
          tpu.vector_store %arg18[%swap3A], %get3A_130 {strides = array<i32>} : memref<320xi32, #tpu.memory_space<vmem>>, vector<16xi32>,
        }
        %scan3A_84 = arith.constant 20 : i32
        %dma_start3A_85 = arith.constant 0 : i32
        %dma_start3A_86 = arith.constant 0 : i32
        %dma_start3A_87 = tpu.memref_slice %arg23[%dma_start3A_85, %dma_start3A_86] : memref<50000x32xbf16, #tpu.memory_space<vmem_shared>> -> memref<50000x32xbf16, #tpu.memory_space<vmem_shared>>
        tpu.enqueue_indirect_dma source(%dma_start3A_87 : memref<50000x32xbf16, #tpu.memory_space<vmem_shared>>) target(%arg16 : memref<320x32xbf16, #tpu.memory_space<vmem>>) offsets(%arg12 : memref<320xi32, #tpu.memory_space<vmem>>) semaphore(%arg25 : memref<!tpu.dma_semaphore, #tpu.memory_space<semaphore_mem>>)
        %scan3A_88 = arith.constant 0 : i32
        %scan3A_89 = arith.constant 80 : i32
        %scan3A_90 = arith.addi %scan3A_88, %scan3A_89 : i32
        %scan3A_91 = arith.constant 1 : i32
        scf.for %scan3A_125 = %scan3A_88 to %scan3A_90 step %scan3A_91  : i32 {
          %mul3A_126 = arith.constant 1 : i32
          %mul3A_127 = arith.muli %scan3A_125, %mul3A_126 : i32
          %add3A_128 = arith.constant 0 : i32
          %add3A_129 = arith.addi %add3A_128, %mul3A_127 : i32
          %mul3A_130 = arith.constant 2 : i32
          %mul3A_131 = arith.muli %mul3A_130, %add3A_129 : i32
          %add3A_132 = arith.addi %mul3A_0, %mul3A_131 : i32
          %dma_wait3A_133 = arith.constant 0 : i32
          %dma_wait3A_134 = arith.constant 0 : i32
          %dma_wait3A_135 = tpu.memref_slice %arg2[%dma_wait3A_133, %dma_wait3A_134] : memref<50000x32xbf16, #tpu.memory_space<hbm>> -> memref<320x32xbf16, #tpu.memory_space<hbm>>
          %dma_wait3A_136 = arith.constant 0 : i32
          %dma_wait3A_137 = arith.constant 0 : i32
          %dma_wait3A_138 = tpu.memref_slice %arg2[%dma_wait3A_136, %dma_wait3A_137] : memref<50000x32xbf16, #tpu.memory_space<hbm>> -> memref<320x32xbf16, #tpu.memory_space<hbm>>
          tpu.wait_dma2 semaphore(%arg24 : memref<!tpu.dma_semaphore, #tpu.memory_space<semaphore_mem>>) src(%dma_wait3A_138 : memref<320x32xbf16, #tpu.memory_space<hbm>>) dst(%arg15 : memref<320x32xbf16, #tpu.memory_space<vmem>>)
          %dma_wait3A_139 = arith.constant 0 : i32
          %dma_wait3A_140 = arith.constant 0 : i32
          %dma_wait3A_141 = tpu.memref_slice %arg6[%dma_wait3A_139, %dma_wait3A_140] : memref<819200x32xbf16, #tpu.memory_space<hbm>> -> memref<320x32xbf16, #tpu.memory_space<hbm>>
          %dma_wait3A_142 = arith.constant 0 : i32
          %dma_wait3A_143 = arith.constant 0 : i32
          %dma_wait3A_144 = tpu.memref_slice %arg6[%dma_wait3A_142, %dma_wait3A_143] : memref<819200x32xbf16, #tpu.memory_space<hbm>> -> memref<320x32xbf16, #tpu.memory_space<hbm>>
          tpu.wait_dma2 semaphore(%arg28 : memref<!tpu.dma_semaphore, #tpu.memory_space<semaphore_mem>>) src(%dma_wait3A_144 : memref<320x32xbf16, #tpu.memory_space<hbm>>) dst(%arg11 : memref<320x32xbf16, #tpu.memory_space<vmem>>)
          %scan3A_145 = arith.constant 0 : i32
          %scan3A_146 = arith.constant 40 : i32
          %scan3A_147 = arith.addi %scan3A_145, %scan3A_146 : i32
          %scan3A_148 = arith.constant 1 : i32
          scf.for %scan3A_187 = %scan3A_145 to %scan3A_147 step %scan3A_148  : i32 {
            %mul3A_188 = arith.constant 8 : i32
            %mul3A_189 = arith.muli %scan3A_187, %mul3A_188 : i32
            %add3A_190 = arith.constant 0 : i32
            %add3A_191 = arith.addi %add3A_190, %mul3A_189 : i32
            %add3A_192 = arith.constant 0 : i32
            %add3A_193 = arith.addi %add3A_191, %add3A_192 : i32
            %get3A = arith.index_cast %add3A_193 : i32 to index
            %get3A_194 = arith.constant 0 : index
            %get3A_195 = tpu.vector_load %arg15[%get3A, %get3A_194] {strides = array<i32>} : memref<320x32xbf16, #tpu.memory_space<vmem>>, vector<32xbf16>,
            %add3A_196 = arith.constant 0 : i32
            %add3A_197 = arith.addi %add3A_191, %add3A_196 : i32
            %get3A_198 = arith.index_cast %add3A_197 : i32 to index
            %get3A_199 = arith.constant 0 : index
            %get3A_200 = tpu.vector_load %arg11[%get3A_198, %get3A_199] {strides = array<i32>} : memref<320x32xbf16, #tpu.memory_space<vmem>>, vector<32xbf16>,
            %mul3A_201 = arith.mulf %get3A_195, %get3A_200 : vector<32xbf16>
            %add3A_202 = arith.constant 0 : i32
            %add3A_203 = arith.addi %add3A_191, %add3A_202 : i32
            %swap3A = arith.index_cast %add3A_203 : i32 to index
            %swap3A_204 = arith.constant 0 : index
            %swap3A_205 = tpu.vector_load %arg15[%swap3A, %swap3A_204] {strides = array<i32>} : memref<320x32xbf16, #tpu.memory_space<vmem>>, vector<32xbf16>,
            tpu.vector_store %arg15[%swap3A, %swap3A_204], %mul3A_201 {strides = array<i32>} : memref<320x32xbf16, #tpu.memory_space<vmem>>, vector<32xbf16>,
            %add3A_206 = arith.constant 1 : i32
            %add3A_207 = arith.addi %add3A_191, %add3A_206 : i32
            %get3A_208 = arith.index_cast %add3A_207 : i32 to index
            %get3A_209 = arith.constant 0 : index
            %get3A_210 = tpu.vector_load %arg15[%get3A_208, %get3A_209] {strides = array<i32>} : memref<320x32xbf16, #tpu.memory_space<vmem>>, vector<32xbf16>,
            %add3A_211 = arith.constant 1 : i32
            %add3A_212 = arith.addi %add3A_191, %add3A_211 : i32
            %get3A_213 = arith.index_cast %add3A_212 : i32 to index
            %get3A_214 = arith.constant 0 : index
            %get3A_215 = tpu.vector_load %arg11[%get3A_213, %get3A_214] {strides = array<i32>} : memref<320x32xbf16, #tpu.memory_space<vmem>>, vector<32xbf16>,
            %mul3A_216 = arith.mulf %get3A_210, %get3A_215 : vector<32xbf16>
            %add3A_217 = arith.constant 1 : i32
            %add3A_218 = arith.addi %add3A_191, %add3A_217 : i32
            %swap3A_219 = arith.index_cast %add3A_218 : i32 to index
            %swap3A_220 = arith.constant 0 : index
            %swap3A_221 = tpu.vector_load %arg15[%swap3A_219, %swap3A_220] {strides = array<i32>} : memref<320x32xbf16, #tpu.memory_space<vmem>>, vector<32xbf16>,
            tpu.vector_store %arg15[%swap3A_219, %swap3A_220], %mul3A_216 {strides = array<i32>} : memref<320x32xbf16, #tpu.memory_space<vmem>>, vector<32xbf16>,
            %add3A_222 = arith.constant 2 : i32
            %add3A_223 = arith.addi %add3A_191, %add3A_222 : i32
            %get3A_224 = arith.index_cast %add3A_223 : i32 to index
            %get3A_225 = arith.constant 0 : index
            %get3A_226 = tpu.vector_load %arg15[%get3A_224, %get3A_225] {strides = array<i32>} : memref<320x32xbf16, #tpu.memory_space<vmem>>, vector<32xbf16>,
            %add3A_227 = arith.constant 2 : i32
            %add3A_228 = arith.addi %add3A_191, %add3A_227 : i32
            %get3A_229 = arith.index_cast %add3A_228 : i32 to index
            %get3A_230 = arith.constant 0 : index
            %get3A_231 = tpu.vector_load %arg11[%get3A_229, %get3A_230] {strides = array<i32>} : memref<320x32xbf16, #tpu.memory_space<vmem>>, vector<32xbf16>,
            %mul3A_232 = arith.mulf %get3A_226, %get3A_231 : vector<32xbf16>
            %add3A_233 = arith.constant 2 : i32
            %add3A_234 = arith.addi %add3A_191, %add3A_233 : i32
            %swap3A_235 = arith.index_cast %add3A_234 : i32 to index
            %swap3A_236 = arith.constant 0 : index
            %swap3A_237 = tpu.vector_load %arg15[%swap3A_235, %swap3A_236] {strides = array<i32>} : memref<320x32xbf16, #tpu.memory_space<vmem>>, vector<32xbf16>,
            tpu.vector_store %arg15[%swap3A_235, %swap3A_236], %mul3A_232 {strides = array<i32>} : memref<320x32xbf16, #tpu.memory_space<vmem>>, vector<32xbf16>,
            %add3A_238 = arith.constant 3 : i32
            %add3A_239 = arith.addi %add3A_191, %add3A_238 : i32
            %get3A_240 = arith.index_cast %add3A_239 : i32 to index
            %get3A_241 = arith.constant 0 : index
            %get3A_242 = tpu.vector_load %arg15[%get3A_240, %get3A_241] {strides = array<i32>} : memref<320x32xbf16, #tpu.memory_space<vmem>>, vector<32xbf16>,
            %add3A_243 = arith.constant 3 : i32
            %add3A_244 = arith.addi %add3A_191, %add3A_243 : i32
            %get3A_245 = arith.index_cast %add3A_244 : i32 to index
            %get3A_246 = arith.constant 0 : index
            %get3A_247 = tpu.vector_load %arg11[%get3A_245, %get3A_246] {strides = array<i32>} : memref<320x32xbf16, #tpu.memory_space<vmem>>, vector<32xbf16>,
            %mul3A_248 = arith.mulf %get3A_242, %get3A_247 : vector<32xbf16>
            %add3A_249 = arith.constant 3 : i32
            %add3A_250 = arith.addi %add3A_191, %add3A_249 : i32
            %swap3A_251 = arith.index_cast %add3A_250 : i32 to index
            %swap3A_252 = arith.constant 0 : index
            %swap3A_253 = tpu.vector_load %arg15[%swap3A_251, %swap3A_252] {strides = array<i32>} : memref<320x32xbf16, #tpu.memory_space<vmem>>, vector<32xbf16>,
            tpu.vector_store %arg15[%swap3A_251, %swap3A_252], %mul3A_248 {strides = array<i32>} : memref<320x32xbf16, #tpu.memory_space<vmem>>, vector<32xbf16>,
            %add3A_254 = arith.constant 4 : i32
            %add3A_255 = arith.addi %add3A_191, %add3A_254 : i32
            %get3A_256 = arith.index_cast %add3A_255 : i32 to index
            %get3A_257 = arith.constant 0 : index
            %get3A_258 = tpu.vector_load %arg15[%get3A_256, %get3A_257] {strides = array<i32>} : memref<320x32xbf16, #tpu.memory_space<vmem>>, vector<32xbf16>,
            %add3A_259 = arith.constant 4 : i32
            %add3A_260 = arith.addi %add3A_191, %add3A_259 : i32
            %get3A_261 = arith.index_cast %add3A_260 : i32 to index
            %get3A_262 = arith.constant 0 : index
            %get3A_263 = tpu.vector_load %arg11[%get3A_261, %get3A_262] {strides = array<i32>} : memref<320x32xbf16, #tpu.memory_space<vmem>>, vector<32xbf16>,
            %mul3A_264 = arith.mulf %get3A_258, %get3A_263 : vector<32xbf16>
            %add3A_265 = arith.constant 4 : i32
            %add3A_266 = arith.addi %add3A_191, %add3A_265 : i32
            %swap3A_267 = arith.index_cast %add3A_266 : i32 to index
            %swap3A_268 = arith.constant 0 : index
            %swap3A_269 = tpu.vector_load %arg15[%swap3A_267, %swap3A_268] {strides = array<i32>} : memref<320x32xbf16, #tpu.memory_space<vmem>>, vector<32xbf16>,
            tpu.vector_store %arg15[%swap3A_267, %swap3A_268], %mul3A_264 {strides = array<i32>} : memref<320x32xbf16, #tpu.memory_space<vmem>>, vector<32xbf16>,
            %add3A_270 = arith.constant 5 : i32
            %add3A_271 = arith.addi %add3A_191, %add3A_270 : i32
            %get3A_272 = arith.index_cast %add3A_271 : i32 to index
            %get3A_273 = arith.constant 0 : index
            %get3A_274 = tpu.vector_load %arg15[%get3A_272, %get3A_273] {strides = array<i32>} : memref<320x32xbf16, #tpu.memory_space<vmem>>, vector<32xbf16>,
            %add3A_275 = arith.constant 5 : i32
            %add3A_276 = arith.addi %add3A_191, %add3A_275 : i32
            %get3A_277 = arith.index_cast %add3A_276 : i32 to index
            %get3A_278 = arith.constant 0 : index
            %get3A_279 = tpu.vector_load %arg11[%get3A_277, %get3A_278] {strides = array<i32>} : memref<320x32xbf16, #tpu.memory_space<vmem>>, vector<32xbf16>,
            %mul3A_280 = arith.mulf %get3A_274, %get3A_279 : vector<32xbf16>
            %add3A_281 = arith.constant 5 : i32
            %add3A_282 = arith.addi %add3A_191, %add3A_281 : i32
            %swap3A_283 = arith.index_cast %add3A_282 : i32 to index
            %swap3A_284 = arith.constant 0 : index
            %swap3A_285 = tpu.vector_load %arg15[%swap3A_283, %swap3A_284] {strides = array<i32>} : memref<320x32xbf16, #tpu.memory_space<vmem>>, vector<32xbf16>,
            tpu.vector_store %arg15[%swap3A_283, %swap3A_284], %mul3A_280 {strides = array<i32>} : memref<320x32xbf16, #tpu.memory_space<vmem>>, vector<32xbf16>,
            %add3A_286 = arith.constant 6 : i32
            %add3A_287 = arith.addi %add3A_191, %add3A_286 : i32
            %get3A_288 = arith.index_cast %add3A_287 : i32 to index
            %get3A_289 = arith.constant 0 : index
            %get3A_290 = tpu.vector_load %arg15[%get3A_288, %get3A_289] {strides = array<i32>} : memref<320x32xbf16, #tpu.memory_space<vmem>>, vector<32xbf16>,
            %add3A_291 = arith.constant 6 : i32
            %add3A_292 = arith.addi %add3A_191, %add3A_291 : i32
            %get3A_293 = arith.index_cast %add3A_292 : i32 to index
            %get3A_294 = arith.constant 0 : index
            %get3A_295 = tpu.vector_load %arg11[%get3A_293, %get3A_294] {strides = array<i32>} : memref<320x32xbf16, #tpu.memory_space<vmem>>, vector<32xbf16>,
            %mul3A_296 = arith.mulf %get3A_290, %get3A_295 : vector<32xbf16>
            %add3A_297 = arith.constant 6 : i32
            %add3A_298 = arith.addi %add3A_191, %add3A_297 : i32
            %swap3A_299 = arith.index_cast %add3A_298 : i32 to index
            %swap3A_300 = arith.constant 0 : index
            %swap3A_301 = tpu.vector_load %arg15[%swap3A_299, %swap3A_300] {strides = array<i32>} : memref<320x32xbf16, #tpu.memory_space<vmem>>, vector<32xbf16>,
            tpu.vector_store %arg15[%swap3A_299, %swap3A_300], %mul3A_296 {strides = array<i32>} : memref<320x32xbf16, #tpu.memory_space<vmem>>, vector<32xbf16>,
            %add3A_302 = arith.constant 7 : i32
            %add3A_303 = arith.addi %add3A_191, %add3A_302 : i32
            %get3A_304 = arith.index_cast %add3A_303 : i32 to index
            %get3A_305 = arith.constant 0 : index
            %get3A_306 = tpu.vector_load %arg15[%get3A_304, %get3A_305] {strides = array<i32>} : memref<320x32xbf16, #tpu.memory_space<vmem>>, vector<32xbf16>,
            %add3A_307 = arith.constant 7 : i32
            %add3A_308 = arith.addi %add3A_191, %add3A_307 : i32
            %get3A_309 = arith.index_cast %add3A_308 : i32 to index
            %get3A_310 = arith.constant 0 : index
            %get3A_311 = tpu.vector_load %arg11[%get3A_309, %get3A_310] {strides = array<i32>} : memref<320x32xbf16, #tpu.memory_space<vmem>>, vector<32xbf16>,
            %mul3A_312 = arith.mulf %get3A_306, %get3A_311 : vector<32xbf16>
            %add3A_313 = arith.constant 7 : i32
            %add3A_314 = arith.addi %add3A_191, %add3A_313 : i32
            %swap3A_315 = arith.index_cast %add3A_314 : i32 to index
            %swap3A_316 = arith.constant 0 : index
            %swap3A_317 = tpu.vector_load %arg15[%swap3A_315, %swap3A_316] {strides = array<i32>} : memref<320x32xbf16, #tpu.memory_space<vmem>>, vector<32xbf16>,
            tpu.vector_store %arg15[%swap3A_315, %swap3A_316], %mul3A_312 {strides = array<i32>} : memref<320x32xbf16, #tpu.memory_space<vmem>>, vector<32xbf16>,
          }
          %scan3A_149 = arith.constant 40 : i32
          %dma_start3A_150 = arith.constant 0 : i32
          %dma_start3A_151 = arith.constant 0 : i32
          %dma_start3A_152 = tpu.memref_slice %arg22[%dma_start3A_150, %dma_start3A_151] : memref<50000x32xbf16, #tpu.memory_space<vmem_shared>> -> memref<50000x32xbf16, #tpu.memory_space<vmem_shared>>
          tpu.enqueue_indirect_dma source(%arg15 : memref<320x32xbf16, #tpu.memory_space<vmem>>) target(%dma_start3A_152 : memref<50000x32xbf16, #tpu.memory_space<vmem_shared>>) offsets(%arg17 : memref<320xi32, #tpu.memory_space<vmem>>) semaphore(%arg26 : memref<!tpu.dma_semaphore, #tpu.memory_space<semaphore_mem>>) {add = true}
          %lt3A = arith.constant 79 : i32
          %lt3A_153 = arith.cmpi slt, %add3A_129, %lt3A : i32
          %convert_element_type3A_154 = arith.extui %lt3A_153 : i1 to i32
          %cond3A_155 = arith.constant 0 : i32
          %cond3A_156 = arith.cmpi ne, %convert_element_type3A_154, %cond3A_155 : i32
          scf.if %cond3A_156 {
            %add3A_187 = arith.constant 2 : i32
            %add3A_188 = arith.addi %add3A_132, %add3A_187 : i32
            %mul3A_189 = arith.constant 320 : i32
            %mul3A_190 = arith.muli %add3A_188, %mul3A_189 : i32
            %dma_start3A_191 = arith.constant 0 : i32
            %dma_start3A_192 = tpu.memref_slice %arg6[%mul3A_190, %dma_start3A_191] : memref<819200x32xbf16, #tpu.memory_space<hbm>> -> memref<320x32xbf16, #tpu.memory_space<hbm>>
            %dma_start3A_193 = arith.constant 0 : i32
            %dma_start3A_194 = tpu.memref_slice %arg6[%mul3A_190, %dma_start3A_193] : memref<819200x32xbf16, #tpu.memory_space<hbm>> -> memref<320x32xbf16, #tpu.memory_space<hbm>>
            tpu.enqueue_dma source(%dma_start3A_194 : memref<320x32xbf16, #tpu.memory_space<hbm>>) target(%arg11 : memref<320x32xbf16, #tpu.memory_space<vmem>>) target_semaphore(%arg28 : memref<!tpu.dma_semaphore, #tpu.memory_space<semaphore_mem>>)
            %dma_start3A_195 = tpu.memref_slice %arg4[%mul3A_190] : memref<819200xi32, #tpu.memory_space<hbm>> -> memref<320xi32, #tpu.memory_space<hbm>>
            %dma_start3A_196 = tpu.memref_slice %arg4[%mul3A_190] : memref<819200xi32, #tpu.memory_space<hbm>> -> memref<320xi32, #tpu.memory_space<hbm>>
            tpu.enqueue_dma source(%dma_start3A_196 : memref<320xi32, #tpu.memory_space<hbm>>) target(%arg9 : memref<320xi32, #tpu.memory_space<vmem>>) target_semaphore(%arg30 : memref<!tpu.dma_semaphore, #tpu.memory_space<semaphore_mem>>)
            %dma_start3A_197 = tpu.memref_slice %arg5[%mul3A_190] : memref<819200xi32, #tpu.memory_space<hbm>> -> memref<320xi32, #tpu.memory_space<hbm>>
            %dma_start3A_198 = tpu.memref_slice %arg5[%mul3A_190] : memref<819200xi32, #tpu.memory_space<hbm>> -> memref<320xi32, #tpu.memory_space<hbm>>
            tpu.enqueue_dma source(%dma_start3A_198 : memref<320xi32, #tpu.memory_space<hbm>>) target(%arg10 : memref<320xi32, #tpu.memory_space<vmem>>) target_semaphore(%arg30 : memref<!tpu.dma_semaphore, #tpu.memory_space<semaphore_mem>>)
          } else {
          }
          %dma_wait3A_157 = arith.constant 0 : i32
          %dma_wait3A_158 = arith.constant 0 : i32
          %dma_wait3A_159 = tpu.memref_slice %arg2[%dma_wait3A_157, %dma_wait3A_158] : memref<50000x32xbf16, #tpu.memory_space<hbm>> -> memref<320x32xbf16, #tpu.memory_space<hbm>>
          %dma_wait3A_160 = arith.constant 0 : i32
          %dma_wait3A_161 = arith.constant 0 : i32
          %dma_wait3A_162 = tpu.memref_slice %arg2[%dma_wait3A_160, %dma_wait3A_161] : memref<50000x32xbf16, #tpu.memory_space<hbm>> -> memref<320x32xbf16, #tpu.memory_space<hbm>>
          tpu.wait_dma2 semaphore(%arg25 : memref<!tpu.dma_semaphore, #tpu.memory_space<semaphore_mem>>) src(%dma_wait3A_162 : memref<320x32xbf16, #tpu.memory_space<hbm>>) dst(%arg16 : memref<320x32xbf16, #tpu.memory_space<vmem>>)
          %dma_wait3A_163 = arith.constant 0 : i32
          %dma_wait3A_164 = arith.constant 0 : i32
          %dma_wait3A_165 = tpu.memref_slice %arg6[%dma_wait3A_163, %dma_wait3A_164] : memref<819200x32xbf16, #tpu.memory_space<hbm>> -> memref<320x32xbf16, #tpu.memory_space<hbm>>
          %dma_wait3A_166 = arith.constant 0 : i32
          %dma_wait3A_167 = arith.constant 0 : i32
          %dma_wait3A_168 = tpu.memref_slice %arg6[%dma_wait3A_166, %dma_wait3A_167] : memref<819200x32xbf16, #tpu.memory_space<hbm>> -> memref<320x32xbf16, #tpu.memory_space<hbm>>
          tpu.wait_dma2 semaphore(%arg29 : memref<!tpu.dma_semaphore, #tpu.memory_space<semaphore_mem>>) src(%dma_wait3A_168 : memref<320x32xbf16, #tpu.memory_space<hbm>>) dst(%arg14 : memref<320x32xbf16, #tpu.memory_space<vmem>>)
          %scan3A_169 = arith.constant 0 : i32
          %scan3A_170 = arith.constant 40 : i32
          %scan3A_171 = arith.addi %scan3A_169, %scan3A_170 : i32
          %scan3A_172 = arith.constant 1 : i32
          scf.for %scan3A_187 = %scan3A_169 to %scan3A_171 step %scan3A_172  : i32 {
            %mul3A_188 = arith.constant 8 : i32
            %mul3A_189 = arith.muli %scan3A_187, %mul3A_188 : i32
            %add3A_190 = arith.constant 0 : i32
            %add3A_191 = arith.addi %add3A_190, %mul3A_189 : i32
            %add3A_192 = arith.constant 0 : i32
            %add3A_193 = arith.addi %add3A_191, %add3A_192 : i32
            %get3A = arith.index_cast %add3A_193 : i32 to index
            %get3A_194 = arith.constant 0 : index
            %get3A_195 = tpu.vector_load %arg16[%get3A, %get3A_194] {strides = array<i32>} : memref<320x32xbf16, #tpu.memory_space<vmem>>, vector<32xbf16>,
            %add3A_196 = arith.constant 0 : i32
            %add3A_197 = arith.addi %add3A_191, %add3A_196 : i32
            %get3A_198 = arith.index_cast %add3A_197 : i32 to index
            %get3A_199 = arith.constant 0 : index
            %get3A_200 = tpu.vector_load %arg14[%get3A_198, %get3A_199] {strides = array<i32>} : memref<320x32xbf16, #tpu.memory_space<vmem>>, vector<32xbf16>,
            %mul3A_201 = arith.mulf %get3A_195, %get3A_200 : vector<32xbf16>
            %add3A_202 = arith.constant 0 : i32
            %add3A_203 = arith.addi %add3A_191, %add3A_202 : i32
            %swap3A = arith.index_cast %add3A_203 : i32 to index
            %swap3A_204 = arith.constant 0 : index
            %swap3A_205 = tpu.vector_load %arg16[%swap3A, %swap3A_204] {strides = array<i32>} : memref<320x32xbf16, #tpu.memory_space<vmem>>, vector<32xbf16>,
            tpu.vector_store %arg16[%swap3A, %swap3A_204], %mul3A_201 {strides = array<i32>} : memref<320x32xbf16, #tpu.memory_space<vmem>>, vector<32xbf16>,
            %add3A_206 = arith.constant 1 : i32
            %add3A_207 = arith.addi %add3A_191, %add3A_206 : i32
            %get3A_208 = arith.index_cast %add3A_207 : i32 to index
            %get3A_209 = arith.constant 0 : index
            %get3A_210 = tpu.vector_load %arg16[%get3A_208, %get3A_209] {strides = array<i32>} : memref<320x32xbf16, #tpu.memory_space<vmem>>, vector<32xbf16>,
            %add3A_211 = arith.constant 1 : i32
            %add3A_212 = arith.addi %add3A_191, %add3A_211 : i32
            %get3A_213 = arith.index_cast %add3A_212 : i32 to index
            %get3A_214 = arith.constant 0 : index
            %get3A_215 = tpu.vector_load %arg14[%get3A_213, %get3A_214] {strides = array<i32>} : memref<320x32xbf16, #tpu.memory_space<vmem>>, vector<32xbf16>,
            %mul3A_216 = arith.mulf %get3A_210, %get3A_215 : vector<32xbf16>
            %add3A_217 = arith.constant 1 : i32
            %add3A_218 = arith.addi %add3A_191, %add3A_217 : i32
            %swap3A_219 = arith.index_cast %add3A_218 : i32 to index
            %swap3A_220 = arith.constant 0 : index
            %swap3A_221 = tpu.vector_load %arg16[%swap3A_219, %swap3A_220] {strides = array<i32>} : memref<320x32xbf16, #tpu.memory_space<vmem>>, vector<32xbf16>,
            tpu.vector_store %arg16[%swap3A_219, %swap3A_220], %mul3A_216 {strides = array<i32>} : memref<320x32xbf16, #tpu.memory_space<vmem>>, vector<32xbf16>,
            %add3A_222 = arith.constant 2 : i32
            %add3A_223 = arith.addi %add3A_191, %add3A_222 : i32
            %get3A_224 = arith.index_cast %add3A_223 : i32 to index
            %get3A_225 = arith.constant 0 : index
            %get3A_226 = tpu.vector_load %arg16[%get3A_224, %get3A_225] {strides = array<i32>} : memref<320x32xbf16, #tpu.memory_space<vmem>>, vector<32xbf16>,
            %add3A_227 = arith.constant 2 : i32
            %add3A_228 = arith.addi %add3A_191, %add3A_227 : i32
            %get3A_229 = arith.index_cast %add3A_228 : i32 to index
            %get3A_230 = arith.constant 0 : index
            %get3A_231 = tpu.vector_load %arg14[%get3A_229, %get3A_230] {strides = array<i32>} : memref<320x32xbf16, #tpu.memory_space<vmem>>, vector<32xbf16>,
            %mul3A_232 = arith.mulf %get3A_226, %get3A_231 : vector<32xbf16>
            %add3A_233 = arith.constant 2 : i32
            %add3A_234 = arith.addi %add3A_191, %add3A_233 : i32
            %swap3A_235 = arith.index_cast %add3A_234 : i32 to index
            %swap3A_236 = arith.constant 0 : index
            %swap3A_237 = tpu.vector_load %arg16[%swap3A_235, %swap3A_236] {strides = array<i32>} : memref<320x32xbf16, #tpu.memory_space<vmem>>, vector<32xbf16>,
            tpu.vector_store %arg16[%swap3A_235, %swap3A_236], %mul3A_232 {strides = array<i32>} : memref<320x32xbf16, #tpu.memory_space<vmem>>, vector<32xbf16>,
            %add3A_238 = arith.constant 3 : i32
            %add3A_239 = arith.addi %add3A_191, %add3A_238 : i32
            %get3A_240 = arith.index_cast %add3A_239 : i32 to index
            %get3A_241 = arith.constant 0 : index
            %get3A_242 = tpu.vector_load %arg16[%get3A_240, %get3A_241] {strides = array<i32>} : memref<320x32xbf16, #tpu.memory_space<vmem>>, vector<32xbf16>,
            %add3A_243 = arith.constant 3 : i32
            %add3A_244 = arith.addi %add3A_191, %add3A_243 : i32
            %get3A_245 = arith.index_cast %add3A_244 : i32 to index
            %get3A_246 = arith.constant 0 : index
            %get3A_247 = tpu.vector_load %arg14[%get3A_245, %get3A_246] {strides = array<i32>} : memref<320x32xbf16, #tpu.memory_space<vmem>>, vector<32xbf16>,
            %mul3A_248 = arith.mulf %get3A_242, %get3A_247 : vector<32xbf16>
            %add3A_249 = arith.constant 3 : i32
            %add3A_250 = arith.addi %add3A_191, %add3A_249 : i32
            %swap3A_251 = arith.index_cast %add3A_250 : i32 to index
            %swap3A_252 = arith.constant 0 : index
            %swap3A_253 = tpu.vector_load %arg16[%swap3A_251, %swap3A_252] {strides = array<i32>} : memref<320x32xbf16, #tpu.memory_space<vmem>>, vector<32xbf16>,
            tpu.vector_store %arg16[%swap3A_251, %swap3A_252], %mul3A_248 {strides = array<i32>} : memref<320x32xbf16, #tpu.memory_space<vmem>>, vector<32xbf16>,
            %add3A_254 = arith.constant 4 : i32
            %add3A_255 = arith.addi %add3A_191, %add3A_254 : i32
            %get3A_256 = arith.index_cast %add3A_255 : i32 to index
            %get3A_257 = arith.constant 0 : index
            %get3A_258 = tpu.vector_load %arg16[%get3A_256, %get3A_257] {strides = array<i32>} : memref<320x32xbf16, #tpu.memory_space<vmem>>, vector<32xbf16>,
            %add3A_259 = arith.constant 4 : i32
            %add3A_260 = arith.addi %add3A_191, %add3A_259 : i32
            %get3A_261 = arith.index_cast %add3A_260 : i32 to index
            %get3A_262 = arith.constant 0 : index
            %get3A_263 = tpu.vector_load %arg14[%get3A_261, %get3A_262] {strides = array<i32>} : memref<320x32xbf16, #tpu.memory_space<vmem>>, vector<32xbf16>,
            %mul3A_264 = arith.mulf %get3A_258, %get3A_263 : vector<32xbf16>
            %add3A_265 = arith.constant 4 : i32
            %add3A_266 = arith.addi %add3A_191, %add3A_265 : i32
            %swap3A_267 = arith.index_cast %add3A_266 : i32 to index
            %swap3A_268 = arith.constant 0 : index
            %swap3A_269 = tpu.vector_load %arg16[%swap3A_267, %swap3A_268] {strides = array<i32>} : memref<320x32xbf16, #tpu.memory_space<vmem>>, vector<32xbf16>,
            tpu.vector_store %arg16[%swap3A_267, %swap3A_268], %mul3A_264 {strides = array<i32>} : memref<320x32xbf16, #tpu.memory_space<vmem>>, vector<32xbf16>,
            %add3A_270 = arith.constant 5 : i32
            %add3A_271 = arith.addi %add3A_191, %add3A_270 : i32
            %get3A_272 = arith.index_cast %add3A_271 : i32 to index
            %get3A_273 = arith.constant 0 : index
            %get3A_274 = tpu.vector_load %arg16[%get3A_272, %get3A_273] {strides = array<i32>} : memref<320x32xbf16, #tpu.memory_space<vmem>>, vector<32xbf16>,
            %add3A_275 = arith.constant 5 : i32
            %add3A_276 = arith.addi %add3A_191, %add3A_275 : i32
            %get3A_277 = arith.index_cast %add3A_276 : i32 to index
            %get3A_278 = arith.constant 0 : index
            %get3A_279 = tpu.vector_load %arg14[%get3A_277, %get3A_278] {strides = array<i32>} : memref<320x32xbf16, #tpu.memory_space<vmem>>, vector<32xbf16>,
            %mul3A_280 = arith.mulf %get3A_274, %get3A_279 : vector<32xbf16>
            %add3A_281 = arith.constant 5 : i32
            %add3A_282 = arith.addi %add3A_191, %add3A_281 : i32
            %swap3A_283 = arith.index_cast %add3A_282 : i32 to index
            %swap3A_284 = arith.constant 0 : index
            %swap3A_285 = tpu.vector_load %arg16[%swap3A_283, %swap3A_284] {strides = array<i32>} : memref<320x32xbf16, #tpu.memory_space<vmem>>, vector<32xbf16>,
            tpu.vector_store %arg16[%swap3A_283, %swap3A_284], %mul3A_280 {strides = array<i32>} : memref<320x32xbf16, #tpu.memory_space<vmem>>, vector<32xbf16>,
            %add3A_286 = arith.constant 6 : i32
            %add3A_287 = arith.addi %add3A_191, %add3A_286 : i32
            %get3A_288 = arith.index_cast %add3A_287 : i32 to index
            %get3A_289 = arith.constant 0 : index
            %get3A_290 = tpu.vector_load %arg16[%get3A_288, %get3A_289] {strides = array<i32>} : memref<320x32xbf16, #tpu.memory_space<vmem>>, vector<32xbf16>,
            %add3A_291 = arith.constant 6 : i32
            %add3A_292 = arith.addi %add3A_191, %add3A_291 : i32
            %get3A_293 = arith.index_cast %add3A_292 : i32 to index
            %get3A_294 = arith.constant 0 : index
            %get3A_295 = tpu.vector_load %arg14[%get3A_293, %get3A_294] {strides = array<i32>} : memref<320x32xbf16, #tpu.memory_space<vmem>>, vector<32xbf16>,
            %mul3A_296 = arith.mulf %get3A_290, %get3A_295 : vector<32xbf16>
            %add3A_297 = arith.constant 6 : i32
            %add3A_298 = arith.addi %add3A_191, %add3A_297 : i32
            %swap3A_299 = arith.index_cast %add3A_298 : i32 to index
            %swap3A_300 = arith.constant 0 : index
            %swap3A_301 = tpu.vector_load %arg16[%swap3A_299, %swap3A_300] {strides = array<i32>} : memref<320x32xbf16, #tpu.memory_space<vmem>>, vector<32xbf16>,
            tpu.vector_store %arg16[%swap3A_299, %swap3A_300], %mul3A_296 {strides = array<i32>} : memref<320x32xbf16, #tpu.memory_space<vmem>>, vector<32xbf16>,
            %add3A_302 = arith.constant 7 : i32
            %add3A_303 = arith.addi %add3A_191, %add3A_302 : i32
            %get3A_304 = arith.index_cast %add3A_303 : i32 to index
            %get3A_305 = arith.constant 0 : index
            %get3A_306 = tpu.vector_load %arg16[%get3A_304, %get3A_305] {strides = array<i32>} : memref<320x32xbf16, #tpu.memory_space<vmem>>, vector<32xbf16>,
            %add3A_307 = arith.constant 7 : i32
            %add3A_308 = arith.addi %add3A_191, %add3A_307 : i32
            %get3A_309 = arith.index_cast %add3A_308 : i32 to index
            %get3A_310 = arith.constant 0 : index
            %get3A_311 = tpu.vector_load %arg14[%get3A_309, %get3A_310] {strides = array<i32>} : memref<320x32xbf16, #tpu.memory_space<vmem>>, vector<32xbf16>,
            %mul3A_312 = arith.mulf %get3A_306, %get3A_311 : vector<32xbf16>
            %add3A_313 = arith.constant 7 : i32
            %add3A_314 = arith.addi %add3A_191, %add3A_313 : i32
            %swap3A_315 = arith.index_cast %add3A_314 : i32 to index
            %swap3A_316 = arith.constant 0 : index
            %swap3A_317 = tpu.vector_load %arg16[%swap3A_315, %swap3A_316] {strides = array<i32>} : memref<320x32xbf16, #tpu.memory_space<vmem>>, vector<32xbf16>,
            tpu.vector_store %arg16[%swap3A_315, %swap3A_316], %mul3A_312 {strides = array<i32>} : memref<320x32xbf16, #tpu.memory_space<vmem>>, vector<32xbf16>,
          }
          %scan3A_173 = arith.constant 40 : i32
          %dma_start3A_174 = arith.constant 0 : i32
          %dma_start3A_175 = arith.constant 0 : i32
          %dma_start3A_176 = tpu.memref_slice %arg22[%dma_start3A_174, %dma_start3A_175] : memref<50000x32xbf16, #tpu.memory_space<vmem_shared>> -> memref<50000x32xbf16, #tpu.memory_space<vmem_shared>>
          tpu.enqueue_indirect_dma source(%arg16 : memref<320x32xbf16, #tpu.memory_space<vmem>>) target(%dma_start3A_176 : memref<50000x32xbf16, #tpu.memory_space<vmem_shared>>) offsets(%arg18 : memref<320xi32, #tpu.memory_space<vmem>>) semaphore(%arg27 : memref<!tpu.dma_semaphore, #tpu.memory_space<semaphore_mem>>) {add = true}
          %lt3A_177 = arith.constant 79 : i32
          %lt3A_178 = arith.cmpi slt, %add3A_129, %lt3A_177 : i32
          %convert_element_type3A_179 = arith.extui %lt3A_178 : i1 to i32
          %cond3A_180 = arith.constant 0 : i32
          %cond3A_181 = arith.cmpi ne, %convert_element_type3A_179, %cond3A_180 : i32
          scf.if %cond3A_181 {
            %add3A_187 = arith.constant 3 : i32
            %add3A_188 = arith.addi %add3A_132, %add3A_187 : i32
            %mul3A_189 = arith.constant 320 : i32
            %mul3A_190 = arith.muli %add3A_188, %mul3A_189 : i32
            %dma_start3A_191 = arith.constant 0 : i32
            %dma_start3A_192 = tpu.memref_slice %arg6[%mul3A_190, %dma_start3A_191] : memref<819200x32xbf16, #tpu.memory_space<hbm>> -> memref<320x32xbf16, #tpu.memory_space<hbm>>
            %dma_start3A_193 = arith.constant 0 : i32
            %dma_start3A_194 = tpu.memref_slice %arg6[%mul3A_190, %dma_start3A_193] : memref<819200x32xbf16, #tpu.memory_space<hbm>> -> memref<320x32xbf16, #tpu.memory_space<hbm>>
            tpu.enqueue_dma source(%dma_start3A_194 : memref<320x32xbf16, #tpu.memory_space<hbm>>) target(%arg14 : memref<320x32xbf16, #tpu.memory_space<vmem>>) target_semaphore(%arg29 : memref<!tpu.dma_semaphore, #tpu.memory_space<semaphore_mem>>)
            %dma_start3A_195 = tpu.memref_slice %arg4[%mul3A_190] : memref<819200xi32, #tpu.memory_space<hbm>> -> memref<320xi32, #tpu.memory_space<hbm>>
            %dma_start3A_196 = tpu.memref_slice %arg4[%mul3A_190] : memref<819200xi32, #tpu.memory_space<hbm>> -> memref<320xi32, #tpu.memory_space<hbm>>
            tpu.enqueue_dma source(%dma_start3A_196 : memref<320xi32, #tpu.memory_space<hbm>>) target(%arg12 : memref<320xi32, #tpu.memory_space<vmem>>) target_semaphore(%arg31 : memref<!tpu.dma_semaphore, #tpu.memory_space<semaphore_mem>>)
            %dma_start3A_197 = tpu.memref_slice %arg5[%mul3A_190] : memref<819200xi32, #tpu.memory_space<hbm>> -> memref<320xi32, #tpu.memory_space<hbm>>
            %dma_start3A_198 = tpu.memref_slice %arg5[%mul3A_190] : memref<819200xi32, #tpu.memory_space<hbm>> -> memref<320xi32, #tpu.memory_space<hbm>>
            tpu.enqueue_dma source(%dma_start3A_198 : memref<320xi32, #tpu.memory_space<hbm>>) target(%arg13 : memref<320xi32, #tpu.memory_space<vmem>>) target_semaphore(%arg31 : memref<!tpu.dma_semaphore, #tpu.memory_space<semaphore_mem>>)
          } else {
          }
          %lt3A_182 = arith.constant 79 : i32
          %lt3A_183 = arith.cmpi slt, %add3A_129, %lt3A_182 : i32
          %convert_element_type3A_184 = arith.extui %lt3A_183 : i1 to i32
          %cond3A_185 = arith.constant 0 : i32
          %cond3A_186 = arith.cmpi ne, %convert_element_type3A_184, %cond3A_185 : i32
          scf.if %cond3A_186 {
            %dma_wait3A_187 = arith.constant 0 : i32
            %dma_wait3A_188 = arith.constant 0 : i32
            %dma_wait3A_189 = tpu.memref_slice %arg2[%dma_wait3A_187, %dma_wait3A_188] : memref<50000x32xbf16, #tpu.memory_space<hbm>> -> memref<320x32xbf16, #tpu.memory_space<hbm>>
            %dma_wait3A_190 = arith.constant 0 : i32
            %dma_wait3A_191 = arith.constant 0 : i32
            %dma_wait3A_192 = tpu.memref_slice %arg2[%dma_wait3A_190, %dma_wait3A_191] : memref<50000x32xbf16, #tpu.memory_space<hbm>> -> memref<320x32xbf16, #tpu.memory_space<hbm>>
            tpu.wait_dma2 semaphore(%arg26 : memref<!tpu.dma_semaphore, #tpu.memory_space<semaphore_mem>>) src(%dma_wait3A_192 : memref<320x32xbf16, #tpu.memory_space<hbm>>) dst(%arg15 : memref<320x32xbf16, #tpu.memory_space<vmem>>)
            %dma_wait3A_193 = arith.constant 0 : i32
            %dma_wait3A_194 = tpu.memref_slice %arg4[%dma_wait3A_193] : memref<819200xi32, #tpu.memory_space<hbm>> -> memref<320xi32, #tpu.memory_space<hbm>>
            %dma_wait3A_195 = arith.constant 0 : i32
            %dma_wait3A_196 = tpu.memref_slice %arg4[%dma_wait3A_195] : memref<819200xi32, #tpu.memory_space<hbm>> -> memref<320xi32, #tpu.memory_space<hbm>>
            tpu.wait_dma2 semaphore(%arg30 : memref<!tpu.dma_semaphore, #tpu.memory_space<semaphore_mem>>) src(%dma_wait3A_196 : memref<320xi32, #tpu.memory_space<hbm>>) dst(%arg9 : memref<320xi32, #tpu.memory_space<vmem>>)
            %dma_wait3A_197 = arith.constant 0 : i32
            %dma_wait3A_198 = tpu.memref_slice %arg5[%dma_wait3A_197] : memref<819200xi32, #tpu.memory_space<hbm>> -> memref<320xi32, #tpu.memory_space<hbm>>
            %dma_wait3A_199 = arith.constant 0 : i32
            %dma_wait3A_200 = tpu.memref_slice %arg5[%dma_wait3A_199] : memref<819200xi32, #tpu.memory_space<hbm>> -> memref<320xi32, #tpu.memory_space<hbm>>
            tpu.wait_dma2 semaphore(%arg30 : memref<!tpu.dma_semaphore, #tpu.memory_space<semaphore_mem>>) src(%dma_wait3A_200 : memref<320xi32, #tpu.memory_space<hbm>>) dst(%arg10 : memref<320xi32, #tpu.memory_space<vmem>>)
            %scan3A_201 = arith.constant 0 : i32
            %scan3A_202 = arith.constant 20 : i32
            %scan3A_203 = arith.addi %scan3A_201, %scan3A_202 : i32
            %scan3A_204 = arith.constant 1 : i32
            scf.for %scan3A_231 = %scan3A_201 to %scan3A_203 step %scan3A_204  : i32 {
              %mul3A_232 = arith.constant 16 : i32
              %mul3A_233 = arith.muli %scan3A_231, %mul3A_232 : i32
              %add3A_234 = arith.constant 0 : i32
              %add3A_235 = arith.addi %add3A_234, %mul3A_233 : i32
              %get3A = arith.index_cast %add3A_235 : i32 to index
              %get3A_236 = tpu.vector_load %arg10[%get3A] {strides = array<i32>} : memref<320xi32, #tpu.memory_space<vmem>>, vector<16xi32>,
              %swap3A = arith.index_cast %add3A_235 : i32 to index
              %swap3A_237 = tpu.vector_load %arg17[%swap3A] {strides = array<i32>} : memref<320xi32, #tpu.memory_space<vmem>>, vector<16xi32>,
              tpu.vector_store %arg17[%swap3A], %get3A_236 {strides = array<i32>} : memref<320xi32, #tpu.memory_space<vmem>>, vector<16xi32>,
            }
            %scan3A_205 = arith.constant 20 : i32
            %dma_start3A_206 = arith.constant 0 : i32
            %dma_start3A_207 = arith.constant 0 : i32
            %dma_start3A_208 = tpu.memref_slice %arg23[%dma_start3A_206, %dma_start3A_207] : memref<50000x32xbf16, #tpu.memory_space<vmem_shared>> -> memref<50000x32xbf16, #tpu.memory_space<vmem_shared>>
            tpu.enqueue_indirect_dma source(%dma_start3A_208 : memref<50000x32xbf16, #tpu.memory_space<vmem_shared>>) target(%arg15 : memref<320x32xbf16, #tpu.memory_space<vmem>>) offsets(%arg9 : memref<320xi32, #tpu.memory_space<vmem>>) semaphore(%arg24 : memref<!tpu.dma_semaphore, #tpu.memory_space<semaphore_mem>>)
            %dma_wait3A_209 = arith.constant 0 : i32
            %dma_wait3A_210 = arith.constant 0 : i32
            %dma_wait3A_211 = tpu.memref_slice %arg2[%dma_wait3A_209, %dma_wait3A_210] : memref<50000x32xbf16, #tpu.memory_space<hbm>> -> memref<320x32xbf16, #tpu.memory_space<hbm>>
            %dma_wait3A_212 = arith.constant 0 : i32
            %dma_wait3A_213 = arith.constant 0 : i32
            %dma_wait3A_214 = tpu.memref_slice %arg2[%dma_wait3A_212, %dma_wait3A_213] : memref<50000x32xbf16, #tpu.memory_space<hbm>> -> memref<320x32xbf16, #tpu.memory_space<hbm>>
            tpu.wait_dma2 semaphore(%arg27 : memref<!tpu.dma_semaphore, #tpu.memory_space<semaphore_mem>>) src(%dma_wait3A_214 : memref<320x32xbf16, #tpu.memory_space<hbm>>) dst(%arg16 : memref<320x32xbf16, #tpu.memory_space<vmem>>)
            %dma_wait3A_215 = arith.constant 0 : i32
            %dma_wait3A_216 = tpu.memref_slice %arg4[%dma_wait3A_215] : memref<819200xi32, #tpu.memory_space<hbm>> -> memref<320xi32, #tpu.memory_space<hbm>>
            %dma_wait3A_217 = arith.constant 0 : i32
            %dma_wait3A_218 = tpu.memref_slice %arg4[%dma_wait3A_217] : memref<819200xi32, #tpu.memory_space<hbm>> -> memref<320xi32, #tpu.memory_space<hbm>>
            tpu.wait_dma2 semaphore(%arg31 : memref<!tpu.dma_semaphore, #tpu.memory_space<semaphore_mem>>) src(%dma_wait3A_218 : memref<320xi32, #tpu.memory_space<hbm>>) dst(%arg12 : memref<320xi32, #tpu.memory_space<vmem>>)
            %dma_wait3A_219 = arith.constant 0 : i32
            %dma_wait3A_220 = tpu.memref_slice %arg5[%dma_wait3A_219] : memref<819200xi32, #tpu.memory_space<hbm>> -> memref<320xi32, #tpu.memory_space<hbm>>
            %dma_wait3A_221 = arith.constant 0 : i32
            %dma_wait3A_222 = tpu.memref_slice %arg5[%dma_wait3A_221] : memref<819200xi32, #tpu.memory_space<hbm>> -> memref<320xi32, #tpu.memory_space<hbm>>
            tpu.wait_dma2 semaphore(%arg31 : memref<!tpu.dma_semaphore, #tpu.memory_space<semaphore_mem>>) src(%dma_wait3A_222 : memref<320xi32, #tpu.memory_space<hbm>>) dst(%arg13 : memref<320xi32, #tpu.memory_space<vmem>>)
            %scan3A_223 = arith.constant 0 : i32
            %scan3A_224 = arith.constant 20 : i32
            %scan3A_225 = arith.addi %scan3A_223, %scan3A_224 : i32
            %scan3A_226 = arith.constant 1 : i32
            scf.for %scan3A_231 = %scan3A_223 to %scan3A_225 step %scan3A_226  : i32 {
              %mul3A_232 = arith.constant 16 : i32
              %mul3A_233 = arith.muli %scan3A_231, %mul3A_232 : i32
              %add3A_234 = arith.constant 0 : i32
              %add3A_235 = arith.addi %add3A_234, %mul3A_233 : i32
              %get3A = arith.index_cast %add3A_235 : i32 to index
              %get3A_236 = tpu.vector_load %arg13[%get3A] {strides = array<i32>} : memref<320xi32, #tpu.memory_space<vmem>>, vector<16xi32>,
              %swap3A = arith.index_cast %add3A_235 : i32 to index
              %swap3A_237 = tpu.vector_load %arg18[%swap3A] {strides = array<i32>} : memref<320xi32, #tpu.memory_space<vmem>>, vector<16xi32>,
              tpu.vector_store %arg18[%swap3A], %get3A_236 {strides = array<i32>} : memref<320xi32, #tpu.memory_space<vmem>>, vector<16xi32>,
            }
            %scan3A_227 = arith.constant 20 : i32
            %dma_start3A_228 = arith.constant 0 : i32
            %dma_start3A_229 = arith.constant 0 : i32
            %dma_start3A_230 = tpu.memref_slice %arg23[%dma_start3A_228, %dma_start3A_229] : memref<50000x32xbf16, #tpu.memory_space<vmem_shared>> -> memref<50000x32xbf16, #tpu.memory_space<vmem_shared>>
            tpu.enqueue_indirect_dma source(%dma_start3A_230 : memref<50000x32xbf16, #tpu.memory_space<vmem_shared>>) target(%arg16 : memref<320x32xbf16, #tpu.memory_space<vmem>>) offsets(%arg12 : memref<320xi32, #tpu.memory_space<vmem>>) semaphore(%arg25 : memref<!tpu.dma_semaphore, #tpu.memory_space<semaphore_mem>>)
          } else {
          }
        }
        %scan3A_92 = arith.constant 80 : i32
        %dma_wait3A_93 = arith.constant 0 : i32
        %dma_wait3A_94 = arith.constant 0 : i32
        %dma_wait3A_95 = tpu.memref_slice %arg2[%dma_wait3A_93, %dma_wait3A_94] : memref<50000x32xbf16, #tpu.memory_space<hbm>> -> memref<320x32xbf16, #tpu.memory_space<hbm>>
        %dma_wait3A_96 = arith.constant 0 : i32
        %dma_wait3A_97 = arith.constant 0 : i32
        %dma_wait3A_98 = tpu.memref_slice %arg2[%dma_wait3A_96, %dma_wait3A_97] : memref<50000x32xbf16, #tpu.memory_space<hbm>> -> memref<320x32xbf16, #tpu.memory_space<hbm>>
        tpu.wait_dma2 semaphore(%arg26 : memref<!tpu.dma_semaphore, #tpu.memory_space<semaphore_mem>>) src(%dma_wait3A_98 : memref<320x32xbf16, #tpu.memory_space<hbm>>) dst(%arg15 : memref<320x32xbf16, #tpu.memory_space<vmem>>)
        %dma_wait3A_99 = arith.constant 0 : i32
        %dma_wait3A_100 = arith.constant 0 : i32
        %dma_wait3A_101 = tpu.memref_slice %arg2[%dma_wait3A_99, %dma_wait3A_100] : memref<50000x32xbf16, #tpu.memory_space<hbm>> -> memref<320x32xbf16, #tpu.memory_space<hbm>>
        %dma_wait3A_102 = arith.constant 0 : i32
        %dma_wait3A_103 = arith.constant 0 : i32
        %dma_wait3A_104 = tpu.memref_slice %arg2[%dma_wait3A_102, %dma_wait3A_103] : memref<50000x32xbf16, #tpu.memory_space<hbm>> -> memref<320x32xbf16, #tpu.memory_space<hbm>>
        tpu.wait_dma2 semaphore(%arg27 : memref<!tpu.dma_semaphore, #tpu.memory_space<semaphore_mem>>) src(%dma_wait3A_104 : memref<320x32xbf16, #tpu.memory_space<hbm>>) dst(%arg16 : memref<320x32xbf16, #tpu.memory_space<vmem>>)
        %barrier3A_105 = arith.constant 0 : index
        tpu.barrier barrier_id(%barrier3A_105)
        %sub3A_106 = arith.constant 250 : i32
        %sub3A_107 = arith.subi %sub3A_106, %arg1 : i32
        %sub3A_108 = arith.constant 16 : i32
        %sub3A_109 = arith.constant 1 : i32
        %sub3A_110 = arith.subi %sub3A_108, %sub3A_109 : i32
        %add3A_111 = arith.addi %sub3A_107, %sub3A_110 : i32
        %div3A_112 = arith.constant 16 : i32
        %div3A_113 = arith.divsi %add3A_111, %div3A_112 : i32
        %while3A_114 = arith.constant 16 : i32
        %while3A_115 = arith.constant 0 : i32
        %while3A_116 = arith.subi %div3A_113, %while3A_115 : i32
        %while3A_117 = arith.addi %while3A_115, %while3A_116 : i32
        %while3A_118 = arith.constant 1 : i32
        %while3A_119 = arith.divsi %while3A_116, %while3A_118 : i32
        %while3A_120 = arith.muli %while3A_119, %while3A_118 : i32
        %while3A_121 = arith.addi %while3A_115, %while3A_120 : i32
        %while3A_122 = arith.constant 1 : i32
        scf.for %while3A_125 = %while3A_115 to %while3A_121 step %while3A_122  : i32 {
          %mul3A_126 = arith.muli %while3A_125, %while3A_114 : i32
          %add3A_127 = arith.addi %arg1, %mul3A_126 : i32
          %mul3A_128 = arith.constant 200 : i32
          %mul3A_129 = arith.muli %add3A_127, %mul3A_128 : i32
          "tpu.region"() ({
            %run_scoped3A = tpu.sem_alloc : memref<!tpu.dma_semaphore, #tpu.memory_space<semaphore_mem>>
            %dma_start3A_142 = arith.constant 0 : i32
            %dma_start3A_143 = tpu.memref_slice %arg22[%mul3A_129, %dma_start3A_142] : memref<50000x32xbf16, #tpu.memory_space<vmem_shared>> -> memref<200x32xbf16, #tpu.memory_space<vmem_shared>>
            %dma_start3A_144 = arith.constant 0 : i32
            %dma_start3A_145 = tpu.memref_slice %arg22[%mul3A_129, %dma_start3A_144] : memref<50000x32xbf16, #tpu.memory_space<vmem_shared>> -> memref<200x32xbf16, #tpu.memory_space<vmem_shared>>
            tpu.enqueue_dma source(%dma_start3A_145 : memref<200x32xbf16, #tpu.memory_space<vmem_shared>>) target(%arg19 : memref<200x32xbf16, #tpu.memory_space<vmem>>) target_semaphore(%run_scoped3A : memref<!tpu.dma_semaphore, #tpu.memory_space<semaphore_mem>>)
            %dma_wait3A_146 = arith.constant 0 : i32
            %dma_wait3A_147 = tpu.memref_slice %arg22[%mul3A_129, %dma_wait3A_146] : memref<50000x32xbf16, #tpu.memory_space<vmem_shared>> -> memref<200x32xbf16, #tpu.memory_space<vmem_shared>>
            %dma_wait3A_148 = arith.constant 0 : i32
            %dma_wait3A_149 = tpu.memref_slice %arg22[%mul3A_129, %dma_wait3A_148] : memref<50000x32xbf16, #tpu.memory_space<vmem_shared>> -> memref<200x32xbf16, #tpu.memory_space<vmem_shared>>
            tpu.wait_dma2 semaphore(%run_scoped3A : memref<!tpu.dma_semaphore, #tpu.memory_space<semaphore_mem>>) src(%dma_wait3A_149 : memref<200x32xbf16, #tpu.memory_space<vmem_shared>>) dst(%arg19 : memref<200x32xbf16, #tpu.memory_space<vmem>>)
            tpu.yield
          }) : () -> ()
          "tpu.region"() ({
            %run_scoped3A = tpu.sem_alloc : memref<!tpu.dma_semaphore, #tpu.memory_space<semaphore_mem>>
            %dma_start3A_142 = arith.constant 0 : i32
            %dma_start3A_143 = tpu.memref_slice %arg2[%mul3A_129, %dma_start3A_142] : memref<50000x32xbf16, #tpu.memory_space<hbm>> -> memref<200x32xbf16, #tpu.memory_space<hbm>>
            %dma_start3A_144 = arith.constant 0 : i32
            %dma_start3A_145 = tpu.memref_slice %arg2[%mul3A_129, %dma_start3A_144] : memref<50000x32xbf16, #tpu.memory_space<hbm>> -> memref<200x32xbf16, #tpu.memory_space<hbm>>
            tpu.enqueue_dma source(%dma_start3A_145 : memref<200x32xbf16, #tpu.memory_space<hbm>>) target(%arg20 : memref<200x32xbf16, #tpu.memory_space<vmem>>) target_semaphore(%run_scoped3A : memref<!tpu.dma_semaphore, #tpu.memory_space<semaphore_mem>>)
            %dma_wait3A_146 = arith.constant 0 : i32
            %dma_wait3A_147 = tpu.memref_slice %arg2[%mul3A_129, %dma_wait3A_146] : memref<50000x32xbf16, #tpu.memory_space<hbm>> -> memref<200x32xbf16, #tpu.memory_space<hbm>>
            %dma_wait3A_148 = arith.constant 0 : i32
            %dma_wait3A_149 = tpu.memref_slice %arg2[%mul3A_129, %dma_wait3A_148] : memref<50000x32xbf16, #tpu.memory_space<hbm>> -> memref<200x32xbf16, #tpu.memory_space<hbm>>
            tpu.wait_dma2 semaphore(%run_scoped3A : memref<!tpu.dma_semaphore, #tpu.memory_space<semaphore_mem>>) src(%dma_wait3A_149 : memref<200x32xbf16, #tpu.memory_space<hbm>>) dst(%arg20 : memref<200x32xbf16, #tpu.memory_space<vmem>>)
            tpu.yield
          }) : () -> ()
          %scan3A_130 = arith.constant 0 : i32
          %scan3A_131 = arith.constant 200 : i32
          %scan3A_132 = arith.addi %scan3A_130, %scan3A_131 : i32
          %scan3A_133 = arith.constant 1 : i32
          scf.for %scan3A_142 = %scan3A_130 to %scan3A_132 step %scan3A_133  : i32 {
            %mul3A_143 = arith.constant 1 : i32
            %mul3A_144 = arith.muli %scan3A_142, %mul3A_143 : i32
            %add3A_145 = arith.constant 0 : i32
            %add3A_146 = arith.addi %add3A_145, %mul3A_144 : i32
            %get3A = arith.index_cast %add3A_146 : i32 to index
            %get3A_147 = arith.constant 0 : index
            %get3A_148 = tpu.vector_load %arg19[%get3A, %get3A_147] {strides = array<i32>} : memref<200x32xbf16, #tpu.memory_space<vmem>>, vector<32xbf16>,
            %mul3A_149 = arith.constant 8.984370e-01 : bf16
            %mul3A_150 = vector.broadcast %mul3A_149 : bf16 to vector<32xbf16>
            %mul3A_151 = arith.mulf %mul3A_150, %get3A_148 : vector<32xbf16>
            %get3A_152 = arith.index_cast %add3A_146 : i32 to index
            %get3A_153 = arith.constant 0 : index
            %get3A_154 = tpu.vector_load %arg20[%get3A_152, %get3A_153] {strides = array<i32>} : memref<200x32xbf16, #tpu.memory_space<vmem>>, vector<32xbf16>,
            %mul3A_155 = arith.constant 1.000980e-01 : bf16
            %mul3A_156 = vector.broadcast %mul3A_155 : bf16 to vector<32xbf16>
            %mul3A_157 = arith.mulf %mul3A_156, %get3A_154 : vector<32xbf16>
            %add3A_158 = arith.addf %mul3A_151, %mul3A_157 : vector<32xbf16>
            %swap3A = arith.index_cast %add3A_146 : i32 to index
            %swap3A_159 = arith.constant 0 : index
            %swap3A_160 = tpu.vector_load %arg19[%swap3A, %swap3A_159] {strides = array<i32>} : memref<200x32xbf16, #tpu.memory_space<vmem>>, vector<32xbf16>,
            tpu.vector_store %arg19[%swap3A, %swap3A_159], %add3A_158 {strides = array<i32>} : memref<200x32xbf16, #tpu.memory_space<vmem>>, vector<32xbf16>,
          }
          %scan3A_134 = arith.constant 200 : i32
          "tpu.region"() ({
            %run_scoped3A = tpu.sem_alloc : memref<!tpu.dma_semaphore, #tpu.memory_space<semaphore_mem>>
            %dma_start3A_142 = arith.constant 0 : i32
            %dma_start3A_143 = tpu.memref_slice %arg23[%mul3A_129, %dma_start3A_142] : memref<50000x32xbf16, #tpu.memory_space<vmem_shared>> -> memref<200x32xbf16, #tpu.memory_space<vmem_shared>>
            %dma_start3A_144 = arith.constant 0 : i32
            %dma_start3A_145 = tpu.memref_slice %arg23[%mul3A_129, %dma_start3A_144] : memref<50000x32xbf16, #tpu.memory_space<vmem_shared>> -> memref<200x32xbf16, #tpu.memory_space<vmem_shared>>
            tpu.enqueue_dma source(%arg19 : memref<200x32xbf16, #tpu.memory_space<vmem>>) target(%dma_start3A_145 : memref<200x32xbf16, #tpu.memory_space<vmem_shared>>) target_semaphore(%run_scoped3A : memref<!tpu.dma_semaphore, #tpu.memory_space<semaphore_mem>>)
            %dma_wait3A_146 = arith.constant 0 : i32
            %dma_wait3A_147 = tpu.memref_slice %arg23[%mul3A_129, %dma_wait3A_146] : memref<50000x32xbf16, #tpu.memory_space<vmem_shared>> -> memref<200x32xbf16, #tpu.memory_space<vmem_shared>>
            %dma_wait3A_148 = arith.constant 0 : i32
            %dma_wait3A_149 = tpu.memref_slice %arg23[%mul3A_129, %dma_wait3A_148] : memref<50000x32xbf16, #tpu.memory_space<vmem_shared>> -> memref<200x32xbf16, #tpu.memory_space<vmem_shared>>
            tpu.wait_dma2 semaphore(%run_scoped3A : memref<!tpu.dma_semaphore, #tpu.memory_space<semaphore_mem>>) src(%arg19 : memref<200x32xbf16, #tpu.memory_space<vmem>>) dst(%dma_wait3A_149 : memref<200x32xbf16, #tpu.memory_space<vmem_shared>>)
            tpu.yield
          }) : () -> ()
          "tpu.region"() ({
            %run_scoped3A = tpu.sem_alloc : memref<!tpu.dma_semaphore, #tpu.memory_space<semaphore_mem>>
            %dma_start3A_142 = arith.constant 0 : i32
            %dma_start3A_143 = tpu.memref_slice %arg22[%mul3A_129, %dma_start3A_142] : memref<50000x32xbf16, #tpu.memory_space<vmem_shared>> -> memref<100x32xbf16, #tpu.memory_space<vmem_shared>>
            %dma_start3A_144 = arith.constant 0 : i32
            %dma_start3A_145 = tpu.memref_slice %arg22[%mul3A_129, %dma_start3A_144] : memref<50000x32xbf16, #tpu.memory_space<vmem_shared>> -> memref<100x32xbf16, #tpu.memory_space<vmem_shared>>
            tpu.enqueue_dma source(%arg21 : memref<100x32xbf16, #tpu.memory_space<vmem>>) target(%dma_start3A_145 : memref<100x32xbf16, #tpu.memory_space<vmem_shared>>) target_semaphore(%run_scoped3A : memref<!tpu.dma_semaphore, #tpu.memory_space<semaphore_mem>>)
            %dma_wait3A_146 = arith.constant 0 : i32
            %dma_wait3A_147 = tpu.memref_slice %arg22[%mul3A_129, %dma_wait3A_146] : memref<50000x32xbf16, #tpu.memory_space<vmem_shared>> -> memref<100x32xbf16, #tpu.memory_space<vmem_shared>>
            %dma_wait3A_148 = arith.constant 0 : i32
            %dma_wait3A_149 = tpu.memref_slice %arg22[%mul3A_129, %dma_wait3A_148] : memref<50000x32xbf16, #tpu.memory_space<vmem_shared>> -> memref<100x32xbf16, #tpu.memory_space<vmem_shared>>
            tpu.wait_dma2 semaphore(%run_scoped3A : memref<!tpu.dma_semaphore, #tpu.memory_space<semaphore_mem>>) src(%arg21 : memref<100x32xbf16, #tpu.memory_space<vmem>>) dst(%dma_wait3A_149 : memref<100x32xbf16, #tpu.memory_space<vmem_shared>>)
            tpu.yield
          }) : () -> ()
          %add3A_135 = arith.constant 100 : i32
          %add3A_136 = arith.addi %mul3A_129, %add3A_135 : i32
          "tpu.region"() ({
            %run_scoped3A = tpu.sem_alloc : memref<!tpu.dma_semaphore, #tpu.memory_space<semaphore_mem>>
            %dma_start3A_142 = arith.constant 0 : i32
            %dma_start3A_143 = tpu.memref_slice %arg22[%add3A_136, %dma_start3A_142] : memref<50000x32xbf16, #tpu.memory_space<vmem_shared>> -> memref<100x32xbf16, #tpu.memory_space<vmem_shared>>
            %dma_start3A_144 = arith.constant 0 : i32
            %dma_start3A_145 = tpu.memref_slice %arg22[%add3A_136, %dma_start3A_144] : memref<50000x32xbf16, #tpu.memory_space<vmem_shared>> -> memref<100x32xbf16, #tpu.memory_space<vmem_shared>>
            tpu.enqueue_dma source(%arg21 : memref<100x32xbf16, #tpu.memory_space<vmem>>) target(%dma_start3A_145 : memref<100x32xbf16, #tpu.memory_space<vmem_shared>>) target_semaphore(%run_scoped3A : memref<!tpu.dma_semaphore, #tpu.memory_space<semaphore_mem>>)
            %dma_wait3A_146 = arith.constant 0 : i32
            %dma_wait3A_147 = tpu.memref_slice %arg22[%add3A_136, %dma_wait3A_146] : memref<50000x32xbf16, #tpu.memory_space<vmem_shared>> -> memref<100x32xbf16, #tpu.memory_space<vmem_shared>>
            %dma_wait3A_148 = arith.constant 0 : i32
            %dma_wait3A_149 = tpu.memref_slice %arg22[%add3A_136, %dma_wait3A_148] : memref<50000x32xbf16, #tpu.memory_space<vmem_shared>> -> memref<100x32xbf16, #tpu.memory_space<vmem_shared>>
            tpu.wait_dma2 semaphore(%run_scoped3A : memref<!tpu.dma_semaphore, #tpu.memory_space<semaphore_mem>>) src(%arg21 : memref<100x32xbf16, #tpu.memory_space<vmem>>) dst(%dma_wait3A_149 : memref<100x32xbf16, #tpu.memory_space<vmem_shared>>)
            tpu.yield
          }) : () -> ()
          %eq3A_137 = arith.constant 9 : i32
          %eq3A_138 = arith.cmpi eq, %add3A_35, %eq3A_137 : i32
          %convert_element_type3A_139 = arith.extui %eq3A_138 : i1 to i32
          %cond3A_140 = arith.constant 0 : i32
          %cond3A_141 = arith.cmpi ne, %convert_element_type3A_139, %cond3A_140 : i32
          scf.if %cond3A_141 {
            "tpu.region"() ({
              %run_scoped3A = tpu.sem_alloc : memref<!tpu.dma_semaphore, #tpu.memory_space<semaphore_mem>>
              %dma_start3A_142 = arith.constant 0 : i32
              %dma_start3A_143 = tpu.memref_slice %arg7[%mul3A_129, %dma_start3A_142] : memref<50000x32xbf16, #tpu.memory_space<hbm>> -> memref<200x32xbf16, #tpu.memory_space<hbm>>
              %dma_start3A_144 = arith.constant 0 : i32
              %dma_start3A_145 = tpu.memref_slice %arg7[%mul3A_129, %dma_start3A_144] : memref<50000x32xbf16, #tpu.memory_space<hbm>> -> memref<200x32xbf16, #tpu.memory_space<hbm>>
              tpu.enqueue_dma source(%arg19 : memref<200x32xbf16, #tpu.memory_space<vmem>>) target(%dma_start3A_145 : memref<200x32xbf16, #tpu.memory_space<hbm>>) target_semaphore(%run_scoped3A : memref<!tpu.dma_semaphore, #tpu.memory_space<semaphore_mem>>)
              %dma_wait3A_146 = arith.constant 0 : i32
              %dma_wait3A_147 = tpu.memref_slice %arg7[%mul3A_129, %dma_wait3A_146] : memref<50000x32xbf16, #tpu.memory_space<hbm>> -> memref<200x32xbf16, #tpu.memory_space<hbm>>
              %dma_wait3A_148 = arith.constant 0 : i32
              %dma_wait3A_149 = tpu.memref_slice %arg7[%mul3A_129, %dma_wait3A_148] : memref<50000x32xbf16, #tpu.memory_space<hbm>> -> memref<200x32xbf16, #tpu.memory_space<hbm>>
              tpu.wait_dma2 semaphore(%run_scoped3A : memref<!tpu.dma_semaphore, #tpu.memory_space<semaphore_mem>>) src(%arg19 : memref<200x32xbf16, #tpu.memory_space<vmem>>) dst(%dma_wait3A_149 : memref<200x32xbf16, #tpu.memory_space<hbm>>)
              tpu.yield
            }) : () -> ()
          } else {
          }
        }
        %while3A_123 = arith.constant 1 : i32
        scf.for %while3A_125 = %while3A_121 to %while3A_117 step %while3A_123  : i32 {
          %mul3A_126 = arith.muli %while3A_125, %while3A_114 : i32
          %add3A_127 = arith.addi %arg1, %mul3A_126 : i32
          %mul3A_128 = arith.constant 200 : i32
          %mul3A_129 = arith.muli %add3A_127, %mul3A_128 : i32
          "tpu.region"() ({
            %run_scoped3A = tpu.sem_alloc : memref<!tpu.dma_semaphore, #tpu.memory_space<semaphore_mem>>
            %dma_start3A_142 = arith.constant 0 : i32
            %dma_start3A_143 = tpu.memref_slice %arg22[%mul3A_129, %dma_start3A_142] : memref<50000x32xbf16, #tpu.memory_space<vmem_shared>> -> memref<200x32xbf16, #tpu.memory_space<vmem_shared>>
            %dma_start3A_144 = arith.constant 0 : i32
            %dma_start3A_145 = tpu.memref_slice %arg22[%mul3A_129, %dma_start3A_144] : memref<50000x32xbf16, #tpu.memory_space<vmem_shared>> -> memref<200x32xbf16, #tpu.memory_space<vmem_shared>>
            tpu.enqueue_dma source(%dma_start3A_145 : memref<200x32xbf16, #tpu.memory_space<vmem_shared>>) target(%arg19 : memref<200x32xbf16, #tpu.memory_space<vmem>>) target_semaphore(%run_scoped3A : memref<!tpu.dma_semaphore, #tpu.memory_space<semaphore_mem>>)
            %dma_wait3A_146 = arith.constant 0 : i32
            %dma_wait3A_147 = tpu.memref_slice %arg22[%mul3A_129, %dma_wait3A_146] : memref<50000x32xbf16, #tpu.memory_space<vmem_shared>> -> memref<200x32xbf16, #tpu.memory_space<vmem_shared>>
            %dma_wait3A_148 = arith.constant 0 : i32
            %dma_wait3A_149 = tpu.memref_slice %arg22[%mul3A_129, %dma_wait3A_148] : memref<50000x32xbf16, #tpu.memory_space<vmem_shared>> -> memref<200x32xbf16, #tpu.memory_space<vmem_shared>>
            tpu.wait_dma2 semaphore(%run_scoped3A : memref<!tpu.dma_semaphore, #tpu.memory_space<semaphore_mem>>) src(%dma_wait3A_149 : memref<200x32xbf16, #tpu.memory_space<vmem_shared>>) dst(%arg19 : memref<200x32xbf16, #tpu.memory_space<vmem>>)
            tpu.yield
          }) : () -> ()
          "tpu.region"() ({
            %run_scoped3A = tpu.sem_alloc : memref<!tpu.dma_semaphore, #tpu.memory_space<semaphore_mem>>
            %dma_start3A_142 = arith.constant 0 : i32
            %dma_start3A_143 = tpu.memref_slice %arg2[%mul3A_129, %dma_start3A_142] : memref<50000x32xbf16, #tpu.memory_space<hbm>> -> memref<200x32xbf16, #tpu.memory_space<hbm>>
            %dma_start3A_144 = arith.constant 0 : i32
            %dma_start3A_145 = tpu.memref_slice %arg2[%mul3A_129, %dma_start3A_144] : memref<50000x32xbf16, #tpu.memory_space<hbm>> -> memref<200x32xbf16, #tpu.memory_space<hbm>>
            tpu.enqueue_dma source(%dma_start3A_145 : memref<200x32xbf16, #tpu.memory_space<hbm>>) target(%arg20 : memref<200x32xbf16, #tpu.memory_space<vmem>>) target_semaphore(%run_scoped3A : memref<!tpu.dma_semaphore, #tpu.memory_space<semaphore_mem>>)
            %dma_wait3A_146 = arith.constant 0 : i32
            %dma_wait3A_147 = tpu.memref_slice %arg2[%mul3A_129, %dma_wait3A_146] : memref<50000x32xbf16, #tpu.memory_space<hbm>> -> memref<200x32xbf16, #tpu.memory_space<hbm>>
            %dma_wait3A_148 = arith.constant 0 : i32
            %dma_wait3A_149 = tpu.memref_slice %arg2[%mul3A_129, %dma_wait3A_148] : memref<50000x32xbf16, #tpu.memory_space<hbm>> -> memref<200x32xbf16, #tpu.memory_space<hbm>>
            tpu.wait_dma2 semaphore(%run_scoped3A : memref<!tpu.dma_semaphore, #tpu.memory_space<semaphore_mem>>) src(%dma_wait3A_149 : memref<200x32xbf16, #tpu.memory_space<hbm>>) dst(%arg20 : memref<200x32xbf16, #tpu.memory_space<vmem>>)
            tpu.yield
          }) : () -> ()
          %scan3A_130 = arith.constant 0 : i32
          %scan3A_131 = arith.constant 200 : i32
          %scan3A_132 = arith.addi %scan3A_130, %scan3A_131 : i32
          %scan3A_133 = arith.constant 1 : i32
          scf.for %scan3A_142 = %scan3A_130 to %scan3A_132 step %scan3A_133  : i32 {
            %mul3A_143 = arith.constant 1 : i32
            %mul3A_144 = arith.muli %scan3A_142, %mul3A_143 : i32
            %add3A_145 = arith.constant 0 : i32
            %add3A_146 = arith.addi %add3A_145, %mul3A_144 : i32
            %get3A = arith.index_cast %add3A_146 : i32 to index
            %get3A_147 = arith.constant 0 : index
            %get3A_148 = tpu.vector_load %arg19[%get3A, %get3A_147] {strides = array<i32>} : memref<200x32xbf16, #tpu.memory_space<vmem>>, vector<32xbf16>,
            %mul3A_149 = arith.constant 8.984370e-01 : bf16
            %mul3A_150 = vector.broadcast %mul3A_149 : bf16 to vector<32xbf16>
            %mul3A_151 = arith.mulf %mul3A_150, %get3A_148 : vector<32xbf16>
            %get3A_152 = arith.index_cast %add3A_146 : i32 to index
            %get3A_153 = arith.constant 0 : index
            %get3A_154 = tpu.vector_load %arg20[%get3A_152, %get3A_153] {strides = array<i32>} : memref<200x32xbf16, #tpu.memory_space<vmem>>, vector<32xbf16>,
            %mul3A_155 = arith.constant 1.000980e-01 : bf16
            %mul3A_156 = vector.broadcast %mul3A_155 : bf16 to vector<32xbf16>
            %mul3A_157 = arith.mulf %mul3A_156, %get3A_154 : vector<32xbf16>
            %add3A_158 = arith.addf %mul3A_151, %mul3A_157 : vector<32xbf16>
            %swap3A = arith.index_cast %add3A_146 : i32 to index
            %swap3A_159 = arith.constant 0 : index
            %swap3A_160 = tpu.vector_load %arg19[%swap3A, %swap3A_159] {strides = array<i32>} : memref<200x32xbf16, #tpu.memory_space<vmem>>, vector<32xbf16>,
            tpu.vector_store %arg19[%swap3A, %swap3A_159], %add3A_158 {strides = array<i32>} : memref<200x32xbf16, #tpu.memory_space<vmem>>, vector<32xbf16>,
          }
          %scan3A_134 = arith.constant 200 : i32
          "tpu.region"() ({
            %run_scoped3A = tpu.sem_alloc : memref<!tpu.dma_semaphore, #tpu.memory_space<semaphore_mem>>
            %dma_start3A_142 = arith.constant 0 : i32
            %dma_start3A_143 = tpu.memref_slice %arg23[%mul3A_129, %dma_start3A_142] : memref<50000x32xbf16, #tpu.memory_space<vmem_shared>> -> memref<200x32xbf16, #tpu.memory_space<vmem_shared>>
            %dma_start3A_144 = arith.constant 0 : i32
            %dma_start3A_145 = tpu.memref_slice %arg23[%mul3A_129, %dma_start3A_144] : memref<50000x32xbf16, #tpu.memory_space<vmem_shared>> -> memref<200x32xbf16, #tpu.memory_space<vmem_shared>>
            tpu.enqueue_dma source(%arg19 : memref<200x32xbf16, #tpu.memory_space<vmem>>) target(%dma_start3A_145 : memref<200x32xbf16, #tpu.memory_space<vmem_shared>>) target_semaphore(%run_scoped3A : memref<!tpu.dma_semaphore, #tpu.memory_space<semaphore_mem>>)
            %dma_wait3A_146 = arith.constant 0 : i32
            %dma_wait3A_147 = tpu.memref_slice %arg23[%mul3A_129, %dma_wait3A_146] : memref<50000x32xbf16, #tpu.memory_space<vmem_shared>> -> memref<200x32xbf16, #tpu.memory_space<vmem_shared>>
            %dma_wait3A_148 = arith.constant 0 : i32
            %dma_wait3A_149 = tpu.memref_slice %arg23[%mul3A_129, %dma_wait3A_148] : memref<50000x32xbf16, #tpu.memory_space<vmem_shared>> -> memref<200x32xbf16, #tpu.memory_space<vmem_shared>>
            tpu.wait_dma2 semaphore(%run_scoped3A : memref<!tpu.dma_semaphore, #tpu.memory_space<semaphore_mem>>) src(%arg19 : memref<200x32xbf16, #tpu.memory_space<vmem>>) dst(%dma_wait3A_149 : memref<200x32xbf16, #tpu.memory_space<vmem_shared>>)
            tpu.yield
          }) : () -> ()
          "tpu.region"() ({
            %run_scoped3A = tpu.sem_alloc : memref<!tpu.dma_semaphore, #tpu.memory_space<semaphore_mem>>
            %dma_start3A_142 = arith.constant 0 : i32
            %dma_start3A_143 = tpu.memref_slice %arg22[%mul3A_129, %dma_start3A_142] : memref<50000x32xbf16, #tpu.memory_space<vmem_shared>> -> memref<100x32xbf16, #tpu.memory_space<vmem_shared>>
            %dma_start3A_144 = arith.constant 0 : i32
            %dma_start3A_145 = tpu.memref_slice %arg22[%mul3A_129, %dma_start3A_144] : memref<50000x32xbf16, #tpu.memory_space<vmem_shared>> -> memref<100x32xbf16, #tpu.memory_space<vmem_shared>>
            tpu.enqueue_dma source(%arg21 : memref<100x32xbf16, #tpu.memory_space<vmem>>) target(%dma_start3A_145 : memref<100x32xbf16, #tpu.memory_space<vmem_shared>>) target_semaphore(%run_scoped3A : memref<!tpu.dma_semaphore, #tpu.memory_space<semaphore_mem>>)
            %dma_wait3A_146 = arith.constant 0 : i32
            %dma_wait3A_147 = tpu.memref_slice %arg22[%mul3A_129, %dma_wait3A_146] : memref<50000x32xbf16, #tpu.memory_space<vmem_shared>> -> memref<100x32xbf16, #tpu.memory_space<vmem_shared>>
            %dma_wait3A_148 = arith.constant 0 : i32
            %dma_wait3A_149 = tpu.memref_slice %arg22[%mul3A_129, %dma_wait3A_148] : memref<50000x32xbf16, #tpu.memory_space<vmem_shared>> -> memref<100x32xbf16, #tpu.memory_space<vmem_shared>>
            tpu.wait_dma2 semaphore(%run_scoped3A : memref<!tpu.dma_semaphore, #tpu.memory_space<semaphore_mem>>) src(%arg21 : memref<100x32xbf16, #tpu.memory_space<vmem>>) dst(%dma_wait3A_149 : memref<100x32xbf16, #tpu.memory_space<vmem_shared>>)
            tpu.yield
          }) : () -> ()
          %add3A_135 = arith.constant 100 : i32
          %add3A_136 = arith.addi %mul3A_129, %add3A_135 : i32
          "tpu.region"() ({
            %run_scoped3A = tpu.sem_alloc : memref<!tpu.dma_semaphore, #tpu.memory_space<semaphore_mem>>
            %dma_start3A_142 = arith.constant 0 : i32
            %dma_start3A_143 = tpu.memref_slice %arg22[%add3A_136, %dma_start3A_142] : memref<50000x32xbf16, #tpu.memory_space<vmem_shared>> -> memref<100x32xbf16, #tpu.memory_space<vmem_shared>>
            %dma_start3A_144 = arith.constant 0 : i32
            %dma_start3A_145 = tpu.memref_slice %arg22[%add3A_136, %dma_start3A_144] : memref<50000x32xbf16, #tpu.memory_space<vmem_shared>> -> memref<100x32xbf16, #tpu.memory_space<vmem_shared>>
            tpu.enqueue_dma source(%arg21 : memref<100x32xbf16, #tpu.memory_space<vmem>>) target(%dma_start3A_145 : memref<100x32xbf16, #tpu.memory_space<vmem_shared>>) target_semaphore(%run_scoped3A : memref<!tpu.dma_semaphore, #tpu.memory_space<semaphore_mem>>)
            %dma_wait3A_146 = arith.constant 0 : i32
            %dma_wait3A_147 = tpu.memref_slice %arg22[%add3A_136, %dma_wait3A_146] : memref<50000x32xbf16, #tpu.memory_space<vmem_shared>> -> memref<100x32xbf16, #tpu.memory_space<vmem_shared>>
            %dma_wait3A_148 = arith.constant 0 : i32
            %dma_wait3A_149 = tpu.memref_slice %arg22[%add3A_136, %dma_wait3A_148] : memref<50000x32xbf16, #tpu.memory_space<vmem_shared>> -> memref<100x32xbf16, #tpu.memory_space<vmem_shared>>
            tpu.wait_dma2 semaphore(%run_scoped3A : memref<!tpu.dma_semaphore, #tpu.memory_space<semaphore_mem>>) src(%arg21 : memref<100x32xbf16, #tpu.memory_space<vmem>>) dst(%dma_wait3A_149 : memref<100x32xbf16, #tpu.memory_space<vmem_shared>>)
            tpu.yield
          }) : () -> ()
          %eq3A_137 = arith.constant 9 : i32
          %eq3A_138 = arith.cmpi eq, %add3A_35, %eq3A_137 : i32
          %convert_element_type3A_139 = arith.extui %eq3A_138 : i1 to i32
          %cond3A_140 = arith.constant 0 : i32
          %cond3A_141 = arith.cmpi ne, %convert_element_type3A_139, %cond3A_140 : i32
          scf.if %cond3A_141 {
            "tpu.region"() ({
              %run_scoped3A = tpu.sem_alloc : memref<!tpu.dma_semaphore, #tpu.memory_space<semaphore_mem>>
              %dma_start3A_142 = arith.constant 0 : i32
              %dma_start3A_143 = tpu.memref_slice %arg7[%mul3A_129, %dma_start3A_142] : memref<50000x32xbf16, #tpu.memory_space<hbm>> -> memref<200x32xbf16, #tpu.memory_space<hbm>>
              %dma_start3A_144 = arith.constant 0 : i32
              %dma_start3A_145 = tpu.memref_slice %arg7[%mul3A_129, %dma_start3A_144] : memref<50000x32xbf16, #tpu.memory_space<hbm>> -> memref<200x32xbf16, #tpu.memory_space<hbm>>
              tpu.enqueue_dma source(%arg19 : memref<200x32xbf16, #tpu.memory_space<vmem>>) target(%dma_start3A_145 : memref<200x32xbf16, #tpu.memory_space<hbm>>) target_semaphore(%run_scoped3A : memref<!tpu.dma_semaphore, #tpu.memory_space<semaphore_mem>>)
              %dma_wait3A_146 = arith.constant 0 : i32
              %dma_wait3A_147 = tpu.memref_slice %arg7[%mul3A_129, %dma_wait3A_146] : memref<50000x32xbf16, #tpu.memory_space<hbm>> -> memref<200x32xbf16, #tpu.memory_space<hbm>>
              %dma_wait3A_148 = arith.constant 0 : i32
              %dma_wait3A_149 = tpu.memref_slice %arg7[%mul3A_129, %dma_wait3A_148] : memref<50000x32xbf16, #tpu.memory_space<hbm>> -> memref<200x32xbf16, #tpu.memory_space<hbm>>
              tpu.wait_dma2 semaphore(%run_scoped3A : memref<!tpu.dma_semaphore, #tpu.memory_space<semaphore_mem>>) src(%arg19 : memref<200x32xbf16, #tpu.memory_space<vmem>>) dst(%dma_wait3A_149 : memref<200x32xbf16, #tpu.memory_space<hbm>>)
              tpu.yield
            }) : () -> ()
          } else {
          }
        }
        %barrier3A_124 = arith.constant 0 : index
        tpu.barrier barrier_id(%barrier3A_124)
      }
      %scan3A_30 = arith.constant 10 : i32
    } else {
    }
    %eq3A_7 = arith.constant 1 : i32
    %eq3A_8 = arith.cmpi eq, %arg0, %eq3A_7 : i32
    %convert_element_type3A_9 = arith.extui %eq3A_8 : i1 to i32
    %cond3A_10 = arith.constant 0 : i32
    %cond3A_11 = arith.cmpi ne, %convert_element_type3A_9, %cond3A_10 : i32
    scf.if %cond3A_11 {
      %sub3A = arith.constant 250 : i32
      %sub3A_12 = arith.subi %sub3A, %arg1 : i32
      %sub3A_13 = arith.constant 16 : i32
      %sub3A_14 = arith.constant 1 : i32
      %sub3A_15 = arith.subi %sub3A_13, %sub3A_14 : i32
      %add3A = arith.addi %sub3A_12, %sub3A_15 : i32
      %div3A = arith.constant 16 : i32
      %div3A_16 = arith.divsi %add3A, %div3A : i32
      %while3A = arith.constant 16 : i32
      %while3A_17 = arith.constant 0 : i32
      %while3A_18 = arith.subi %div3A_16, %while3A_17 : i32
      %while3A_19 = arith.addi %while3A_17, %while3A_18 : i32
      %while3A_20 = arith.constant 1 : i32
      %while3A_21 = arith.divsi %while3A_18, %while3A_20 : i32
      %while3A_22 = arith.muli %while3A_21, %while3A_20 : i32
      %while3A_23 = arith.addi %while3A_17, %while3A_22 : i32
      %while3A_24 = arith.constant 1 : i32
      scf.for %while3A_31 = %while3A_17 to %while3A_23 step %while3A_24  : i32 {
        %mul3A_32 = arith.muli %while3A_31, %while3A : i32
        %add3A_33 = arith.addi %arg1, %mul3A_32 : i32
        %mul3A_34 = arith.constant 200 : i32
        %mul3A_35 = arith.muli %add3A_33, %mul3A_34 : i32
        "tpu.region"() ({
          %run_scoped3A = tpu.sem_alloc : memref<!tpu.dma_semaphore, #tpu.memory_space<semaphore_mem>>
          %dma_start3A = arith.constant 0 : i32
          %dma_start3A_38 = tpu.memref_slice %arg23[%mul3A_35, %dma_start3A] : memref<50000x32xbf16, #tpu.memory_space<vmem_shared>> -> memref<200x32xbf16, #tpu.memory_space<vmem_shared>>
          %dma_start3A_39 = arith.constant 0 : i32
          %dma_start3A_40 = tpu.memref_slice %arg3[%mul3A_35, %dma_start3A_39] : memref<50000x32xbf16, #tpu.memory_space<hbm>> -> memref<200x32xbf16, #tpu.memory_space<hbm>>
          tpu.enqueue_dma source(%dma_start3A_40 : memref<200x32xbf16, #tpu.memory_space<hbm>>) target(%dma_start3A_38 : memref<200x32xbf16, #tpu.memory_space<vmem_shared>>) target_semaphore(%run_scoped3A : memref<!tpu.dma_semaphore, #tpu.memory_space<semaphore_mem>>)
          %dma_wait3A = arith.constant 0 : i32
          %dma_wait3A_41 = tpu.memref_slice %arg23[%mul3A_35, %dma_wait3A] : memref<50000x32xbf16, #tpu.memory_space<vmem_shared>> -> memref<200x32xbf16, #tpu.memory_space<vmem_shared>>
          %dma_wait3A_42 = arith.constant 0 : i32
          %dma_wait3A_43 = tpu.memref_slice %arg3[%mul3A_35, %dma_wait3A_42] : memref<50000x32xbf16, #tpu.memory_space<hbm>> -> memref<200x32xbf16, #tpu.memory_space<hbm>>
          tpu.wait_dma2 semaphore(%run_scoped3A : memref<!tpu.dma_semaphore, #tpu.memory_space<semaphore_mem>>) src(%dma_wait3A_43 : memref<200x32xbf16, #tpu.memory_space<hbm>>) dst(%dma_wait3A_41 : memref<200x32xbf16, #tpu.memory_space<vmem_shared>>)
          tpu.yield
        }) : () -> ()
        "tpu.region"() ({
          %run_scoped3A = tpu.sem_alloc : memref<!tpu.dma_semaphore, #tpu.memory_space<semaphore_mem>>
          %dma_start3A = arith.constant 0 : i32
          %dma_start3A_38 = tpu.memref_slice %arg22[%mul3A_35, %dma_start3A] : memref<50000x32xbf16, #tpu.memory_space<vmem_shared>> -> memref<100x32xbf16, #tpu.memory_space<vmem_shared>>
          %dma_start3A_39 = arith.constant 0 : i32
          %dma_start3A_40 = tpu.memref_slice %arg22[%mul3A_35, %dma_start3A_39] : memref<50000x32xbf16, #tpu.memory_space<vmem_shared>> -> memref<100x32xbf16, #tpu.memory_space<vmem_shared>>
          tpu.enqueue_dma source(%arg21 : memref<100x32xbf16, #tpu.memory_space<vmem>>) target(%dma_start3A_40 : memref<100x32xbf16, #tpu.memory_space<vmem_shared>>) target_semaphore(%run_scoped3A : memref<!tpu.dma_semaphore, #tpu.memory_space<semaphore_mem>>)
          %dma_wait3A = arith.constant 0 : i32
          %dma_wait3A_41 = tpu.memref_slice %arg22[%mul3A_35, %dma_wait3A] : memref<50000x32xbf16, #tpu.memory_space<vmem_shared>> -> memref<100x32xbf16, #tpu.memory_space<vmem_shared>>
          %dma_wait3A_42 = arith.constant 0 : i32
          %dma_wait3A_43 = tpu.memref_slice %arg22[%mul3A_35, %dma_wait3A_42] : memref<50000x32xbf16, #tpu.memory_space<vmem_shared>> -> memref<100x32xbf16, #tpu.memory_space<vmem_shared>>
          tpu.wait_dma2 semaphore(%run_scoped3A : memref<!tpu.dma_semaphore, #tpu.memory_space<semaphore_mem>>) src(%arg21 : memref<100x32xbf16, #tpu.memory_space<vmem>>) dst(%dma_wait3A_43 : memref<100x32xbf16, #tpu.memory_space<vmem_shared>>)
          tpu.yield
        }) : () -> ()
        %add3A_36 = arith.constant 100 : i32
        %add3A_37 = arith.addi %mul3A_35, %add3A_36 : i32
        "tpu.region"() ({
          %run_scoped3A = tpu.sem_alloc : memref<!tpu.dma_semaphore, #tpu.memory_space<semaphore_mem>>
          %dma_start3A = arith.constant 0 : i32
          %dma_start3A_38 = tpu.memref_slice %arg22[%add3A_37, %dma_start3A] : memref<50000x32xbf16, #tpu.memory_space<vmem_shared>> -> memref<100x32xbf16, #tpu.memory_space<vmem_shared>>
          %dma_start3A_39 = arith.constant 0 : i32
          %dma_start3A_40 = tpu.memref_slice %arg22[%add3A_37, %dma_start3A_39] : memref<50000x32xbf16, #tpu.memory_space<vmem_shared>> -> memref<100x32xbf16, #tpu.memory_space<vmem_shared>>
          tpu.enqueue_dma source(%arg21 : memref<100x32xbf16, #tpu.memory_space<vmem>>) target(%dma_start3A_40 : memref<100x32xbf16, #tpu.memory_space<vmem_shared>>) target_semaphore(%run_scoped3A : memref<!tpu.dma_semaphore, #tpu.memory_space<semaphore_mem>>)
          %dma_wait3A = arith.constant 0 : i32
          %dma_wait3A_41 = tpu.memref_slice %arg22[%add3A_37, %dma_wait3A] : memref<50000x32xbf16, #tpu.memory_space<vmem_shared>> -> memref<100x32xbf16, #tpu.memory_space<vmem_shared>>
          %dma_wait3A_42 = arith.constant 0 : i32
          %dma_wait3A_43 = tpu.memref_slice %arg22[%add3A_37, %dma_wait3A_42] : memref<50000x32xbf16, #tpu.memory_space<vmem_shared>> -> memref<100x32xbf16, #tpu.memory_space<vmem_shared>>
          tpu.wait_dma2 semaphore(%run_scoped3A : memref<!tpu.dma_semaphore, #tpu.memory_space<semaphore_mem>>) src(%arg21 : memref<100x32xbf16, #tpu.memory_space<vmem>>) dst(%dma_wait3A_43 : memref<100x32xbf16, #tpu.memory_space<vmem_shared>>)
          tpu.yield
        }) : () -> ()
      }
      %while3A_25 = arith.constant 1 : i32
      scf.for %while3A_31 = %while3A_23 to %while3A_19 step %while3A_25  : i32 {
        %mul3A_32 = arith.muli %while3A_31, %while3A : i32
        %add3A_33 = arith.addi %arg1, %mul3A_32 : i32
        %mul3A_34 = arith.constant 200 : i32
        %mul3A_35 = arith.muli %add3A_33, %mul3A_34 : i32
        "tpu.region"() ({
          %run_scoped3A = tpu.sem_alloc : memref<!tpu.dma_semaphore, #tpu.memory_space<semaphore_mem>>
          %dma_start3A = arith.constant 0 : i32
          %dma_start3A_38 = tpu.memref_slice %arg23[%mul3A_35, %dma_start3A] : memref<50000x32xbf16, #tpu.memory_space<vmem_shared>> -> memref<200x32xbf16, #tpu.memory_space<vmem_shared>>
          %dma_start3A_39 = arith.constant 0 : i32
          %dma_start3A_40 = tpu.memref_slice %arg3[%mul3A_35, %dma_start3A_39] : memref<50000x32xbf16, #tpu.memory_space<hbm>> -> memref<200x32xbf16, #tpu.memory_space<hbm>>
          tpu.enqueue_dma source(%dma_start3A_40 : memref<200x32xbf16, #tpu.memory_space<hbm>>) target(%dma_start3A_38 : memref<200x32xbf16, #tpu.memory_space<vmem_shared>>) target_semaphore(%run_scoped3A : memref<!tpu.dma_semaphore, #tpu.memory_space<semaphore_mem>>)
          %dma_wait3A = arith.constant 0 : i32
          %dma_wait3A_41 = tpu.memref_slice %arg23[%mul3A_35, %dma_wait3A] : memref<50000x32xbf16, #tpu.memory_space<vmem_shared>> -> memref<200x32xbf16, #tpu.memory_space<vmem_shared>>
          %dma_wait3A_42 = arith.constant 0 : i32
          %dma_wait3A_43 = tpu.memref_slice %arg3[%mul3A_35, %dma_wait3A_42] : memref<50000x32xbf16, #tpu.memory_space<hbm>> -> memref<200x32xbf16, #tpu.memory_space<hbm>>
          tpu.wait_dma2 semaphore(%run_scoped3A : memref<!tpu.dma_semaphore, #tpu.memory_space<semaphore_mem>>) src(%dma_wait3A_43 : memref<200x32xbf16, #tpu.memory_space<hbm>>) dst(%dma_wait3A_41 : memref<200x32xbf16, #tpu.memory_space<vmem_shared>>)
          tpu.yield
        }) : () -> ()
        "tpu.region"() ({
          %run_scoped3A = tpu.sem_alloc : memref<!tpu.dma_semaphore, #tpu.memory_space<semaphore_mem>>
          %dma_start3A = arith.constant 0 : i32
          %dma_start3A_38 = tpu.memref_slice %arg22[%mul3A_35, %dma_start3A] : memref<50000x32xbf16, #tpu.memory_space<vmem_shared>> -> memref<100x32xbf16, #tpu.memory_space<vmem_shared>>
          %dma_start3A_39 = arith.constant 0 : i32
          %dma_start3A_40 = tpu.memref_slice %arg22[%mul3A_35, %dma_start3A_39] : memref<50000x32xbf16, #tpu.memory_space<vmem_shared>> -> memref<100x32xbf16, #tpu.memory_space<vmem_shared>>
          tpu.enqueue_dma source(%arg21 : memref<100x32xbf16, #tpu.memory_space<vmem>>) target(%dma_start3A_40 : memref<100x32xbf16, #tpu.memory_space<vmem_shared>>) target_semaphore(%run_scoped3A : memref<!tpu.dma_semaphore, #tpu.memory_space<semaphore_mem>>)
          %dma_wait3A = arith.constant 0 : i32
          %dma_wait3A_41 = tpu.memref_slice %arg22[%mul3A_35, %dma_wait3A] : memref<50000x32xbf16, #tpu.memory_space<vmem_shared>> -> memref<100x32xbf16, #tpu.memory_space<vmem_shared>>
          %dma_wait3A_42 = arith.constant 0 : i32
          %dma_wait3A_43 = tpu.memref_slice %arg22[%mul3A_35, %dma_wait3A_42] : memref<50000x32xbf16, #tpu.memory_space<vmem_shared>> -> memref<100x32xbf16, #tpu.memory_space<vmem_shared>>
          tpu.wait_dma2 semaphore(%run_scoped3A : memref<!tpu.dma_semaphore, #tpu.memory_space<semaphore_mem>>) src(%arg21 : memref<100x32xbf16, #tpu.memory_space<vmem>>) dst(%dma_wait3A_43 : memref<100x32xbf16, #tpu.memory_space<vmem_shared>>)
          tpu.yield
        }) : () -> ()
        %add3A_36 = arith.constant 100 : i32
        %add3A_37 = arith.addi %mul3A_35, %add3A_36 : i32
        "tpu.region"() ({
          %run_scoped3A = tpu.sem_alloc : memref<!tpu.dma_semaphore, #tpu.memory_space<semaphore_mem>>
          %dma_start3A = arith.constant 0 : i32
          %dma_start3A_38 = tpu.memref_slice %arg22[%add3A_37, %dma_start3A] : memref<50000x32xbf16, #tpu.memory_space<vmem_shared>> -> memref<100x32xbf16, #tpu.memory_space<vmem_shared>>
          %dma_start3A_39 = arith.constant 0 : i32
          %dma_start3A_40 = tpu.memref_slice %arg22[%add3A_37, %dma_start3A_39] : memref<50000x32xbf16, #tpu.memory_space<vmem_shared>> -> memref<100x32xbf16, #tpu.memory_space<vmem_shared>>
          tpu.enqueue_dma source(%arg21 : memref<100x32xbf16, #tpu.memory_space<vmem>>) target(%dma_start3A_40 : memref<100x32xbf16, #tpu.memory_space<vmem_shared>>) target_semaphore(%run_scoped3A : memref<!tpu.dma_semaphore, #tpu.memory_space<semaphore_mem>>)
          %dma_wait3A = arith.constant 0 : i32
          %dma_wait3A_41 = tpu.memref_slice %arg22[%add3A_37, %dma_wait3A] : memref<50000x32xbf16, #tpu.memory_space<vmem_shared>> -> memref<100x32xbf16, #tpu.memory_space<vmem_shared>>
          %dma_wait3A_42 = arith.constant 0 : i32
          %dma_wait3A_43 = tpu.memref_slice %arg22[%add3A_37, %dma_wait3A_42] : memref<50000x32xbf16, #tpu.memory_space<vmem_shared>> -> memref<100x32xbf16, #tpu.memory_space<vmem_shared>>
          tpu.wait_dma2 semaphore(%run_scoped3A : memref<!tpu.dma_semaphore, #tpu.memory_space<semaphore_mem>>) src(%arg21 : memref<100x32xbf16, #tpu.memory_space<vmem>>) dst(%dma_wait3A_43 : memref<100x32xbf16, #tpu.memory_space<vmem_shared>>)
          tpu.yield
        }) : () -> ()
      }
      %barrier3A = arith.constant 0 : index
      tpu.barrier barrier_id(%barrier3A)
      %scan3A_26 = arith.constant 0 : i32
      %scan3A_27 = arith.constant 10 : i32
      %scan3A_28 = arith.addi %scan3A_26, %scan3A_27 : i32
      %scan3A_29 = arith.constant 1 : i32
      scf.for %scan3A_31 = %scan3A_26 to %scan3A_28 step %scan3A_29  : i32 {
        %mul3A_32 = arith.constant 1 : i32
        %mul3A_33 = arith.muli %scan3A_31, %mul3A_32 : i32
        %add3A_34 = arith.constant 0 : i32
        %add3A_35 = arith.addi %add3A_34, %mul3A_33 : i32
        %mul3A_36 = arith.constant 320 : i32
        %mul3A_37 = arith.muli %mul3A_0, %mul3A_36 : i32
        %dma_start3A = arith.constant 0 : i32
        %dma_start3A_38 = tpu.memref_slice %arg6[%mul3A_37, %dma_start3A] : memref<819200x32xbf16, #tpu.memory_space<hbm>> -> memref<320x32xbf16, #tpu.memory_space<hbm>>
        %dma_start3A_39 = arith.constant 0 : i32
        %dma_start3A_40 = tpu.memref_slice %arg6[%mul3A_37, %dma_start3A_39] : memref<819200x32xbf16, #tpu.memory_space<hbm>> -> memref<320x32xbf16, #tpu.memory_space<hbm>>
        tpu.enqueue_dma source(%dma_start3A_40 : memref<320x32xbf16, #tpu.memory_space<hbm>>) target(%arg11 : memref<320x32xbf16, #tpu.memory_space<vmem>>) target_semaphore(%arg28 : memref<!tpu.dma_semaphore, #tpu.memory_space<semaphore_mem>>)
        %dma_start3A_41 = tpu.memref_slice %arg4[%mul3A_37] : memref<819200xi32, #tpu.memory_space<hbm>> -> memref<320xi32, #tpu.memory_space<hbm>>
        %dma_start3A_42 = tpu.memref_slice %arg4[%mul3A_37] : memref<819200xi32, #tpu.memory_space<hbm>> -> memref<320xi32, #tpu.memory_space<hbm>>
        tpu.enqueue_dma source(%dma_start3A_42 : memref<320xi32, #tpu.memory_space<hbm>>) target(%arg9 : memref<320xi32, #tpu.memory_space<vmem>>) target_semaphore(%arg30 : memref<!tpu.dma_semaphore, #tpu.memory_space<semaphore_mem>>)
        %dma_start3A_43 = tpu.memref_slice %arg5[%mul3A_37] : memref<819200xi32, #tpu.memory_space<hbm>> -> memref<320xi32, #tpu.memory_space<hbm>>
        %dma_start3A_44 = tpu.memref_slice %arg5[%mul3A_37] : memref<819200xi32, #tpu.memory_space<hbm>> -> memref<320xi32, #tpu.memory_space<hbm>>
        tpu.enqueue_dma source(%dma_start3A_44 : memref<320xi32, #tpu.memory_space<hbm>>) target(%arg10 : memref<320xi32, #tpu.memory_space<vmem>>) target_semaphore(%arg30 : memref<!tpu.dma_semaphore, #tpu.memory_space<semaphore_mem>>)
        %dma_wait3A = arith.constant 0 : i32
        %dma_wait3A_45 = tpu.memref_slice %arg4[%dma_wait3A] : memref<819200xi32, #tpu.memory_space<hbm>> -> memref<320xi32, #tpu.memory_space<hbm>>
        %dma_wait3A_46 = arith.constant 0 : i32
        %dma_wait3A_47 = tpu.memref_slice %arg4[%dma_wait3A_46] : memref<819200xi32, #tpu.memory_space<hbm>> -> memref<320xi32, #tpu.memory_space<hbm>>
        tpu.wait_dma2 semaphore(%arg30 : memref<!tpu.dma_semaphore, #tpu.memory_space<semaphore_mem>>) src(%dma_wait3A_47 : memref<320xi32, #tpu.memory_space<hbm>>) dst(%arg9 : memref<320xi32, #tpu.memory_space<vmem>>)
        %dma_wait3A_48 = arith.constant 0 : i32
        %dma_wait3A_49 = tpu.memref_slice %arg5[%dma_wait3A_48] : memref<819200xi32, #tpu.memory_space<hbm>> -> memref<320xi32, #tpu.memory_space<hbm>>
        %dma_wait3A_50 = arith.constant 0 : i32
        %dma_wait3A_51 = tpu.memref_slice %arg5[%dma_wait3A_50] : memref<819200xi32, #tpu.memory_space<hbm>> -> memref<320xi32, #tpu.memory_space<hbm>>
        tpu.wait_dma2 semaphore(%arg30 : memref<!tpu.dma_semaphore, #tpu.memory_space<semaphore_mem>>) src(%dma_wait3A_51 : memref<320xi32, #tpu.memory_space<hbm>>) dst(%arg10 : memref<320xi32, #tpu.memory_space<vmem>>)
        %scan3A_52 = arith.constant 0 : i32
        %scan3A_53 = arith.constant 20 : i32
        %scan3A_54 = arith.addi %scan3A_52, %scan3A_53 : i32
        %scan3A_55 = arith.constant 1 : i32
        scf.for %scan3A_125 = %scan3A_52 to %scan3A_54 step %scan3A_55  : i32 {
          %mul3A_126 = arith.constant 16 : i32
          %mul3A_127 = arith.muli %scan3A_125, %mul3A_126 : i32
          %add3A_128 = arith.constant 0 : i32
          %add3A_129 = arith.addi %add3A_128, %mul3A_127 : i32
          %get3A = arith.index_cast %add3A_129 : i32 to index
          %get3A_130 = tpu.vector_load %arg10[%get3A] {strides = array<i32>} : memref<320xi32, #tpu.memory_space<vmem>>, vector<16xi32>,
          %swap3A = arith.index_cast %add3A_129 : i32 to index
          %swap3A_131 = tpu.vector_load %arg17[%swap3A] {strides = array<i32>} : memref<320xi32, #tpu.memory_space<vmem>>, vector<16xi32>,
          tpu.vector_store %arg17[%swap3A], %get3A_130 {strides = array<i32>} : memref<320xi32, #tpu.memory_space<vmem>>, vector<16xi32>,
        }
        %scan3A_56 = arith.constant 20 : i32
        %dma_start3A_57 = arith.constant 0 : i32
        %dma_start3A_58 = arith.constant 0 : i32
        %dma_start3A_59 = tpu.memref_slice %arg23[%dma_start3A_57, %dma_start3A_58] : memref<50000x32xbf16, #tpu.memory_space<vmem_shared>> -> memref<50000x32xbf16, #tpu.memory_space<vmem_shared>>
        tpu.enqueue_indirect_dma source(%dma_start3A_59 : memref<50000x32xbf16, #tpu.memory_space<vmem_shared>>) target(%arg15 : memref<320x32xbf16, #tpu.memory_space<vmem>>) offsets(%arg9 : memref<320xi32, #tpu.memory_space<vmem>>) semaphore(%arg24 : memref<!tpu.dma_semaphore, #tpu.memory_space<semaphore_mem>>)
        %add3A_60 = arith.constant 1 : i32
        %add3A_61 = arith.addi %mul3A_0, %add3A_60 : i32
        %mul3A_62 = arith.constant 320 : i32
        %mul3A_63 = arith.muli %add3A_61, %mul3A_62 : i32
        %dma_start3A_64 = arith.constant 0 : i32
        %dma_start3A_65 = tpu.memref_slice %arg6[%mul3A_63, %dma_start3A_64] : memref<819200x32xbf16, #tpu.memory_space<hbm>> -> memref<320x32xbf16, #tpu.memory_space<hbm>>
        %dma_start3A_66 = arith.constant 0 : i32
        %dma_start3A_67 = tpu.memref_slice %arg6[%mul3A_63, %dma_start3A_66] : memref<819200x32xbf16, #tpu.memory_space<hbm>> -> memref<320x32xbf16, #tpu.memory_space<hbm>>
        tpu.enqueue_dma source(%dma_start3A_67 : memref<320x32xbf16, #tpu.memory_space<hbm>>) target(%arg14 : memref<320x32xbf16, #tpu.memory_space<vmem>>) target_semaphore(%arg29 : memref<!tpu.dma_semaphore, #tpu.memory_space<semaphore_mem>>)
        %dma_start3A_68 = tpu.memref_slice %arg4[%mul3A_63] : memref<819200xi32, #tpu.memory_space<hbm>> -> memref<320xi32, #tpu.memory_space<hbm>>
        %dma_start3A_69 = tpu.memref_slice %arg4[%mul3A_63] : memref<819200xi32, #tpu.memory_space<hbm>> -> memref<320xi32, #tpu.memory_space<hbm>>
        tpu.enqueue_dma source(%dma_start3A_69 : memref<320xi32, #tpu.memory_space<hbm>>) target(%arg12 : memref<320xi32, #tpu.memory_space<vmem>>) target_semaphore(%arg31 : memref<!tpu.dma_semaphore, #tpu.memory_space<semaphore_mem>>)
        %dma_start3A_70 = tpu.memref_slice %arg5[%mul3A_63] : memref<819200xi32, #tpu.memory_space<hbm>> -> memref<320xi32, #tpu.memory_space<hbm>>
        %dma_start3A_71 = tpu.memref_slice %arg5[%mul3A_63] : memref<819200xi32, #tpu.memory_space<hbm>> -> memref<320xi32, #tpu.memory_space<hbm>>
        tpu.enqueue_dma source(%dma_start3A_71 : memref<320xi32, #tpu.memory_space<hbm>>) target(%arg13 : memref<320xi32, #tpu.memory_space<vmem>>) target_semaphore(%arg31 : memref<!tpu.dma_semaphore, #tpu.memory_space<semaphore_mem>>)
        %dma_wait3A_72 = arith.constant 0 : i32
        %dma_wait3A_73 = tpu.memref_slice %arg4[%dma_wait3A_72] : memref<819200xi32, #tpu.memory_space<hbm>> -> memref<320xi32, #tpu.memory_space<hbm>>
        %dma_wait3A_74 = arith.constant 0 : i32
        %dma_wait3A_75 = tpu.memref_slice %arg4[%dma_wait3A_74] : memref<819200xi32, #tpu.memory_space<hbm>> -> memref<320xi32, #tpu.memory_space<hbm>>
        tpu.wait_dma2 semaphore(%arg31 : memref<!tpu.dma_semaphore, #tpu.memory_space<semaphore_mem>>) src(%dma_wait3A_75 : memref<320xi32, #tpu.memory_space<hbm>>) dst(%arg12 : memref<320xi32, #tpu.memory_space<vmem>>)
        %dma_wait3A_76 = arith.constant 0 : i32
        %dma_wait3A_77 = tpu.memref_slice %arg5[%dma_wait3A_76] : memref<819200xi32, #tpu.memory_space<hbm>> -> memref<320xi32, #tpu.memory_space<hbm>>
        %dma_wait3A_78 = arith.constant 0 : i32
        %dma_wait3A_79 = tpu.memref_slice %arg5[%dma_wait3A_78] : memref<819200xi32, #tpu.memory_space<hbm>> -> memref<320xi32, #tpu.memory_space<hbm>>
        tpu.wait_dma2 semaphore(%arg31 : memref<!tpu.dma_semaphore, #tpu.memory_space<semaphore_mem>>) src(%dma_wait3A_79 : memref<320xi32, #tpu.memory_space<hbm>>) dst(%arg13 : memref<320xi32, #tpu.memory_space<vmem>>)
        %scan3A_80 = arith.constant 0 : i32
        %scan3A_81 = arith.constant 20 : i32
        %scan3A_82 = arith.addi %scan3A_80, %scan3A_81 : i32
        %scan3A_83 = arith.constant 1 : i32
        scf.for %scan3A_125 = %scan3A_80 to %scan3A_82 step %scan3A_83  : i32 {
          %mul3A_126 = arith.constant 16 : i32
          %mul3A_127 = arith.muli %scan3A_125, %mul3A_126 : i32
          %add3A_128 = arith.constant 0 : i32
          %add3A_129 = arith.addi %add3A_128, %mul3A_127 : i32
          %get3A = arith.index_cast %add3A_129 : i32 to index
          %get3A_130 = tpu.vector_load %arg13[%get3A] {strides = array<i32>} : memref<320xi32, #tpu.memory_space<vmem>>, vector<16xi32>,
          %swap3A = arith.index_cast %add3A_129 : i32 to index
          %swap3A_131 = tpu.vector_load %arg18[%swap3A] {strides = array<i32>} : memref<320xi32, #tpu.memory_space<vmem>>, vector<16xi32>,
          tpu.vector_store %arg18[%swap3A], %get3A_130 {strides = array<i32>} : memref<320xi32, #tpu.memory_space<vmem>>, vector<16xi32>,
        }
        %scan3A_84 = arith.constant 20 : i32
        %dma_start3A_85 = arith.constant 0 : i32
        %dma_start3A_86 = arith.constant 0 : i32
        %dma_start3A_87 = tpu.memref_slice %arg23[%dma_start3A_85, %dma_start3A_86] : memref<50000x32xbf16, #tpu.memory_space<vmem_shared>> -> memref<50000x32xbf16, #tpu.memory_space<vmem_shared>>
        tpu.enqueue_indirect_dma source(%dma_start3A_87 : memref<50000x32xbf16, #tpu.memory_space<vmem_shared>>) target(%arg16 : memref<320x32xbf16, #tpu.memory_space<vmem>>) offsets(%arg12 : memref<320xi32, #tpu.memory_space<vmem>>) semaphore(%arg25 : memref<!tpu.dma_semaphore, #tpu.memory_space<semaphore_mem>>)
        %scan3A_88 = arith.constant 0 : i32
        %scan3A_89 = arith.constant 80 : i32
        %scan3A_90 = arith.addi %scan3A_88, %scan3A_89 : i32
        %scan3A_91 = arith.constant 1 : i32
        scf.for %scan3A_125 = %scan3A_88 to %scan3A_90 step %scan3A_91  : i32 {
          %mul3A_126 = arith.constant 1 : i32
          %mul3A_127 = arith.muli %scan3A_125, %mul3A_126 : i32
          %add3A_128 = arith.constant 0 : i32
          %add3A_129 = arith.addi %add3A_128, %mul3A_127 : i32
          %mul3A_130 = arith.constant 2 : i32
          %mul3A_131 = arith.muli %mul3A_130, %add3A_129 : i32
          %add3A_132 = arith.addi %mul3A_0, %mul3A_131 : i32
          %dma_wait3A_133 = arith.constant 0 : i32
          %dma_wait3A_134 = arith.constant 0 : i32
          %dma_wait3A_135 = tpu.memref_slice %arg3[%dma_wait3A_133, %dma_wait3A_134] : memref<50000x32xbf16, #tpu.memory_space<hbm>> -> memref<320x32xbf16, #tpu.memory_space<hbm>>
          %dma_wait3A_136 = arith.constant 0 : i32
          %dma_wait3A_137 = arith.constant 0 : i32
          %dma_wait3A_138 = tpu.memref_slice %arg3[%dma_wait3A_136, %dma_wait3A_137] : memref<50000x32xbf16, #tpu.memory_space<hbm>> -> memref<320x32xbf16, #tpu.memory_space<hbm>>
          tpu.wait_dma2 semaphore(%arg24 : memref<!tpu.dma_semaphore, #tpu.memory_space<semaphore_mem>>) src(%dma_wait3A_138 : memref<320x32xbf16, #tpu.memory_space<hbm>>) dst(%arg15 : memref<320x32xbf16, #tpu.memory_space<vmem>>)
          %dma_wait3A_139 = arith.constant 0 : i32
          %dma_wait3A_140 = arith.constant 0 : i32
          %dma_wait3A_141 = tpu.memref_slice %arg6[%dma_wait3A_139, %dma_wait3A_140] : memref<819200x32xbf16, #tpu.memory_space<hbm>> -> memref<320x32xbf16, #tpu.memory_space<hbm>>
          %dma_wait3A_142 = arith.constant 0 : i32
          %dma_wait3A_143 = arith.constant 0 : i32
          %dma_wait3A_144 = tpu.memref_slice %arg6[%dma_wait3A_142, %dma_wait3A_143] : memref<819200x32xbf16, #tpu.memory_space<hbm>> -> memref<320x32xbf16, #tpu.memory_space<hbm>>
          tpu.wait_dma2 semaphore(%arg28 : memref<!tpu.dma_semaphore, #tpu.memory_space<semaphore_mem>>) src(%dma_wait3A_144 : memref<320x32xbf16, #tpu.memory_space<hbm>>) dst(%arg11 : memref<320x32xbf16, #tpu.memory_space<vmem>>)
          %scan3A_145 = arith.constant 0 : i32
          %scan3A_146 = arith.constant 40 : i32
          %scan3A_147 = arith.addi %scan3A_145, %scan3A_146 : i32
          %scan3A_148 = arith.constant 1 : i32
          scf.for %scan3A_187 = %scan3A_145 to %scan3A_147 step %scan3A_148  : i32 {
            %mul3A_188 = arith.constant 8 : i32
            %mul3A_189 = arith.muli %scan3A_187, %mul3A_188 : i32
            %add3A_190 = arith.constant 0 : i32
            %add3A_191 = arith.addi %add3A_190, %mul3A_189 : i32
            %add3A_192 = arith.constant 0 : i32
            %add3A_193 = arith.addi %add3A_191, %add3A_192 : i32
            %get3A = arith.index_cast %add3A_193 : i32 to index
            %get3A_194 = arith.constant 0 : index
            %get3A_195 = tpu.vector_load %arg15[%get3A, %get3A_194] {strides = array<i32>} : memref<320x32xbf16, #tpu.memory_space<vmem>>, vector<32xbf16>,
            %add3A_196 = arith.constant 0 : i32
            %add3A_197 = arith.addi %add3A_191, %add3A_196 : i32
            %get3A_198 = arith.index_cast %add3A_197 : i32 to index
            %get3A_199 = arith.constant 0 : index
            %get3A_200 = tpu.vector_load %arg11[%get3A_198, %get3A_199] {strides = array<i32>} : memref<320x32xbf16, #tpu.memory_space<vmem>>, vector<32xbf16>,
            %mul3A_201 = arith.mulf %get3A_195, %get3A_200 : vector<32xbf16>
            %add3A_202 = arith.constant 0 : i32
            %add3A_203 = arith.addi %add3A_191, %add3A_202 : i32
            %swap3A = arith.index_cast %add3A_203 : i32 to index
            %swap3A_204 = arith.constant 0 : index
            %swap3A_205 = tpu.vector_load %arg15[%swap3A, %swap3A_204] {strides = array<i32>} : memref<320x32xbf16, #tpu.memory_space<vmem>>, vector<32xbf16>,
            tpu.vector_store %arg15[%swap3A, %swap3A_204], %mul3A_201 {strides = array<i32>} : memref<320x32xbf16, #tpu.memory_space<vmem>>, vector<32xbf16>,
            %add3A_206 = arith.constant 1 : i32
            %add3A_207 = arith.addi %add3A_191, %add3A_206 : i32
            %get3A_208 = arith.index_cast %add3A_207 : i32 to index
            %get3A_209 = arith.constant 0 : index
            %get3A_210 = tpu.vector_load %arg15[%get3A_208, %get3A_209] {strides = array<i32>} : memref<320x32xbf16, #tpu.memory_space<vmem>>, vector<32xbf16>,
            %add3A_211 = arith.constant 1 : i32
            %add3A_212 = arith.addi %add3A_191, %add3A_211 : i32
            %get3A_213 = arith.index_cast %add3A_212 : i32 to index
            %get3A_214 = arith.constant 0 : index
            %get3A_215 = tpu.vector_load %arg11[%get3A_213, %get3A_214] {strides = array<i32>} : memref<320x32xbf16, #tpu.memory_space<vmem>>, vector<32xbf16>,
            %mul3A_216 = arith.mulf %get3A_210, %get3A_215 : vector<32xbf16>
            %add3A_217 = arith.constant 1 : i32
            %add3A_218 = arith.addi %add3A_191, %add3A_217 : i32
            %swap3A_219 = arith.index_cast %add3A_218 : i32 to index
            %swap3A_220 = arith.constant 0 : index
            %swap3A_221 = tpu.vector_load %arg15[%swap3A_219, %swap3A_220] {strides = array<i32>} : memref<320x32xbf16, #tpu.memory_space<vmem>>, vector<32xbf16>,
            tpu.vector_store %arg15[%swap3A_219, %swap3A_220], %mul3A_216 {strides = array<i32>} : memref<320x32xbf16, #tpu.memory_space<vmem>>, vector<32xbf16>,
            %add3A_222 = arith.constant 2 : i32
            %add3A_223 = arith.addi %add3A_191, %add3A_222 : i32
            %get3A_224 = arith.index_cast %add3A_223 : i32 to index
            %get3A_225 = arith.constant 0 : index
            %get3A_226 = tpu.vector_load %arg15[%get3A_224, %get3A_225] {strides = array<i32>} : memref<320x32xbf16, #tpu.memory_space<vmem>>, vector<32xbf16>,
            %add3A_227 = arith.constant 2 : i32
            %add3A_228 = arith.addi %add3A_191, %add3A_227 : i32
            %get3A_229 = arith.index_cast %add3A_228 : i32 to index
            %get3A_230 = arith.constant 0 : index
            %get3A_231 = tpu.vector_load %arg11[%get3A_229, %get3A_230] {strides = array<i32>} : memref<320x32xbf16, #tpu.memory_space<vmem>>, vector<32xbf16>,
            %mul3A_232 = arith.mulf %get3A_226, %get3A_231 : vector<32xbf16>
            %add3A_233 = arith.constant 2 : i32
            %add3A_234 = arith.addi %add3A_191, %add3A_233 : i32
            %swap3A_235 = arith.index_cast %add3A_234 : i32 to index
            %swap3A_236 = arith.constant 0 : index
            %swap3A_237 = tpu.vector_load %arg15[%swap3A_235, %swap3A_236] {strides = array<i32>} : memref<320x32xbf16, #tpu.memory_space<vmem>>, vector<32xbf16>,
            tpu.vector_store %arg15[%swap3A_235, %swap3A_236], %mul3A_232 {strides = array<i32>} : memref<320x32xbf16, #tpu.memory_space<vmem>>, vector<32xbf16>,
            %add3A_238 = arith.constant 3 : i32
            %add3A_239 = arith.addi %add3A_191, %add3A_238 : i32
            %get3A_240 = arith.index_cast %add3A_239 : i32 to index
            %get3A_241 = arith.constant 0 : index
            %get3A_242 = tpu.vector_load %arg15[%get3A_240, %get3A_241] {strides = array<i32>} : memref<320x32xbf16, #tpu.memory_space<vmem>>, vector<32xbf16>,
            %add3A_243 = arith.constant 3 : i32
            %add3A_244 = arith.addi %add3A_191, %add3A_243 : i32
            %get3A_245 = arith.index_cast %add3A_244 : i32 to index
            %get3A_246 = arith.constant 0 : index
            %get3A_247 = tpu.vector_load %arg11[%get3A_245, %get3A_246] {strides = array<i32>} : memref<320x32xbf16, #tpu.memory_space<vmem>>, vector<32xbf16>,
            %mul3A_248 = arith.mulf %get3A_242, %get3A_247 : vector<32xbf16>
            %add3A_249 = arith.constant 3 : i32
            %add3A_250 = arith.addi %add3A_191, %add3A_249 : i32
            %swap3A_251 = arith.index_cast %add3A_250 : i32 to index
            %swap3A_252 = arith.constant 0 : index
            %swap3A_253 = tpu.vector_load %arg15[%swap3A_251, %swap3A_252] {strides = array<i32>} : memref<320x32xbf16, #tpu.memory_space<vmem>>, vector<32xbf16>,
            tpu.vector_store %arg15[%swap3A_251, %swap3A_252], %mul3A_248 {strides = array<i32>} : memref<320x32xbf16, #tpu.memory_space<vmem>>, vector<32xbf16>,
            %add3A_254 = arith.constant 4 : i32
            %add3A_255 = arith.addi %add3A_191, %add3A_254 : i32
            %get3A_256 = arith.index_cast %add3A_255 : i32 to index
            %get3A_257 = arith.constant 0 : index
            %get3A_258 = tpu.vector_load %arg15[%get3A_256, %get3A_257] {strides = array<i32>} : memref<320x32xbf16, #tpu.memory_space<vmem>>, vector<32xbf16>,
            %add3A_259 = arith.constant 4 : i32
            %add3A_260 = arith.addi %add3A_191, %add3A_259 : i32
            %get3A_261 = arith.index_cast %add3A_260 : i32 to index
            %get3A_262 = arith.constant 0 : index
            %get3A_263 = tpu.vector_load %arg11[%get3A_261, %get3A_262] {strides = array<i32>} : memref<320x32xbf16, #tpu.memory_space<vmem>>, vector<32xbf16>,
            %mul3A_264 = arith.mulf %get3A_258, %get3A_263 : vector<32xbf16>
            %add3A_265 = arith.constant 4 : i32
            %add3A_266 = arith.addi %add3A_191, %add3A_265 : i32
            %swap3A_267 = arith.index_cast %add3A_266 : i32 to index
            %swap3A_268 = arith.constant 0 : index
            %swap3A_269 = tpu.vector_load %arg15[%swap3A_267, %swap3A_268] {strides = array<i32>} : memref<320x32xbf16, #tpu.memory_space<vmem>>, vector<32xbf16>,
            tpu.vector_store %arg15[%swap3A_267, %swap3A_268], %mul3A_264 {strides = array<i32>} : memref<320x32xbf16, #tpu.memory_space<vmem>>, vector<32xbf16>,
            %add3A_270 = arith.constant 5 : i32
            %add3A_271 = arith.addi %add3A_191, %add3A_270 : i32
            %get3A_272 = arith.index_cast %add3A_271 : i32 to index
            %get3A_273 = arith.constant 0 : index
            %get3A_274 = tpu.vector_load %arg15[%get3A_272, %get3A_273] {strides = array<i32>} : memref<320x32xbf16, #tpu.memory_space<vmem>>, vector<32xbf16>,
            %add3A_275 = arith.constant 5 : i32
            %add3A_276 = arith.addi %add3A_191, %add3A_275 : i32
            %get3A_277 = arith.index_cast %add3A_276 : i32 to index
            %get3A_278 = arith.constant 0 : index
            %get3A_279 = tpu.vector_load %arg11[%get3A_277, %get3A_278] {strides = array<i32>} : memref<320x32xbf16, #tpu.memory_space<vmem>>, vector<32xbf16>,
            %mul3A_280 = arith.mulf %get3A_274, %get3A_279 : vector<32xbf16>
            %add3A_281 = arith.constant 5 : i32
            %add3A_282 = arith.addi %add3A_191, %add3A_281 : i32
            %swap3A_283 = arith.index_cast %add3A_282 : i32 to index
            %swap3A_284 = arith.constant 0 : index
            %swap3A_285 = tpu.vector_load %arg15[%swap3A_283, %swap3A_284] {strides = array<i32>} : memref<320x32xbf16, #tpu.memory_space<vmem>>, vector<32xbf16>,
            tpu.vector_store %arg15[%swap3A_283, %swap3A_284], %mul3A_280 {strides = array<i32>} : memref<320x32xbf16, #tpu.memory_space<vmem>>, vector<32xbf16>,
            %add3A_286 = arith.constant 6 : i32
            %add3A_287 = arith.addi %add3A_191, %add3A_286 : i32
            %get3A_288 = arith.index_cast %add3A_287 : i32 to index
            %get3A_289 = arith.constant 0 : index
            %get3A_290 = tpu.vector_load %arg15[%get3A_288, %get3A_289] {strides = array<i32>} : memref<320x32xbf16, #tpu.memory_space<vmem>>, vector<32xbf16>,
            %add3A_291 = arith.constant 6 : i32
            %add3A_292 = arith.addi %add3A_191, %add3A_291 : i32
            %get3A_293 = arith.index_cast %add3A_292 : i32 to index
            %get3A_294 = arith.constant 0 : index
            %get3A_295 = tpu.vector_load %arg11[%get3A_293, %get3A_294] {strides = array<i32>} : memref<320x32xbf16, #tpu.memory_space<vmem>>, vector<32xbf16>,
            %mul3A_296 = arith.mulf %get3A_290, %get3A_295 : vector<32xbf16>
            %add3A_297 = arith.constant 6 : i32
            %add3A_298 = arith.addi %add3A_191, %add3A_297 : i32
            %swap3A_299 = arith.index_cast %add3A_298 : i32 to index
            %swap3A_300 = arith.constant 0 : index
            %swap3A_301 = tpu.vector_load %arg15[%swap3A_299, %swap3A_300] {strides = array<i32>} : memref<320x32xbf16, #tpu.memory_space<vmem>>, vector<32xbf16>,
            tpu.vector_store %arg15[%swap3A_299, %swap3A_300], %mul3A_296 {strides = array<i32>} : memref<320x32xbf16, #tpu.memory_space<vmem>>, vector<32xbf16>,
            %add3A_302 = arith.constant 7 : i32
            %add3A_303 = arith.addi %add3A_191, %add3A_302 : i32
            %get3A_304 = arith.index_cast %add3A_303 : i32 to index
            %get3A_305 = arith.constant 0 : index
            %get3A_306 = tpu.vector_load %arg15[%get3A_304, %get3A_305] {strides = array<i32>} : memref<320x32xbf16, #tpu.memory_space<vmem>>, vector<32xbf16>,
            %add3A_307 = arith.constant 7 : i32
            %add3A_308 = arith.addi %add3A_191, %add3A_307 : i32
            %get3A_309 = arith.index_cast %add3A_308 : i32 to index
            %get3A_310 = arith.constant 0 : index
            %get3A_311 = tpu.vector_load %arg11[%get3A_309, %get3A_310] {strides = array<i32>} : memref<320x32xbf16, #tpu.memory_space<vmem>>, vector<32xbf16>,
            %mul3A_312 = arith.mulf %get3A_306, %get3A_311 : vector<32xbf16>
            %add3A_313 = arith.constant 7 : i32
            %add3A_314 = arith.addi %add3A_191, %add3A_313 : i32
            %swap3A_315 = arith.index_cast %add3A_314 : i32 to index
            %swap3A_316 = arith.constant 0 : index
            %swap3A_317 = tpu.vector_load %arg15[%swap3A_315, %swap3A_316] {strides = array<i32>} : memref<320x32xbf16, #tpu.memory_space<vmem>>, vector<32xbf16>,
            tpu.vector_store %arg15[%swap3A_315, %swap3A_316], %mul3A_312 {strides = array<i32>} : memref<320x32xbf16, #tpu.memory_space<vmem>>, vector<32xbf16>,
          }
          %scan3A_149 = arith.constant 40 : i32
          %dma_start3A_150 = arith.constant 0 : i32
          %dma_start3A_151 = arith.constant 0 : i32
          %dma_start3A_152 = tpu.memref_slice %arg22[%dma_start3A_150, %dma_start3A_151] : memref<50000x32xbf16, #tpu.memory_space<vmem_shared>> -> memref<50000x32xbf16, #tpu.memory_space<vmem_shared>>
          tpu.enqueue_indirect_dma source(%arg15 : memref<320x32xbf16, #tpu.memory_space<vmem>>) target(%dma_start3A_152 : memref<50000x32xbf16, #tpu.memory_space<vmem_shared>>) offsets(%arg17 : memref<320xi32, #tpu.memory_space<vmem>>) semaphore(%arg26 : memref<!tpu.dma_semaphore, #tpu.memory_space<semaphore_mem>>) {add = true}
          %lt3A = arith.constant 79 : i32
          %lt3A_153 = arith.cmpi slt, %add3A_129, %lt3A : i32
          %convert_element_type3A_154 = arith.extui %lt3A_153 : i1 to i32
          %cond3A_155 = arith.constant 0 : i32
          %cond3A_156 = arith.cmpi ne, %convert_element_type3A_154, %cond3A_155 : i32
          scf.if %cond3A_156 {
            %add3A_187 = arith.constant 2 : i32
            %add3A_188 = arith.addi %add3A_132, %add3A_187 : i32
            %mul3A_189 = arith.constant 320 : i32
            %mul3A_190 = arith.muli %add3A_188, %mul3A_189 : i32
            %dma_start3A_191 = arith.constant 0 : i32
            %dma_start3A_192 = tpu.memref_slice %arg6[%mul3A_190, %dma_start3A_191] : memref<819200x32xbf16, #tpu.memory_space<hbm>> -> memref<320x32xbf16, #tpu.memory_space<hbm>>
            %dma_start3A_193 = arith.constant 0 : i32
            %dma_start3A_194 = tpu.memref_slice %arg6[%mul3A_190, %dma_start3A_193] : memref<819200x32xbf16, #tpu.memory_space<hbm>> -> memref<320x32xbf16, #tpu.memory_space<hbm>>
            tpu.enqueue_dma source(%dma_start3A_194 : memref<320x32xbf16, #tpu.memory_space<hbm>>) target(%arg11 : memref<320x32xbf16, #tpu.memory_space<vmem>>) target_semaphore(%arg28 : memref<!tpu.dma_semaphore, #tpu.memory_space<semaphore_mem>>)
            %dma_start3A_195 = tpu.memref_slice %arg4[%mul3A_190] : memref<819200xi32, #tpu.memory_space<hbm>> -> memref<320xi32, #tpu.memory_space<hbm>>
            %dma_start3A_196 = tpu.memref_slice %arg4[%mul3A_190] : memref<819200xi32, #tpu.memory_space<hbm>> -> memref<320xi32, #tpu.memory_space<hbm>>
            tpu.enqueue_dma source(%dma_start3A_196 : memref<320xi32, #tpu.memory_space<hbm>>) target(%arg9 : memref<320xi32, #tpu.memory_space<vmem>>) target_semaphore(%arg30 : memref<!tpu.dma_semaphore, #tpu.memory_space<semaphore_mem>>)
            %dma_start3A_197 = tpu.memref_slice %arg5[%mul3A_190] : memref<819200xi32, #tpu.memory_space<hbm>> -> memref<320xi32, #tpu.memory_space<hbm>>
            %dma_start3A_198 = tpu.memref_slice %arg5[%mul3A_190] : memref<819200xi32, #tpu.memory_space<hbm>> -> memref<320xi32, #tpu.memory_space<hbm>>
            tpu.enqueue_dma source(%dma_start3A_198 : memref<320xi32, #tpu.memory_space<hbm>>) target(%arg10 : memref<320xi32, #tpu.memory_space<vmem>>) target_semaphore(%arg30 : memref<!tpu.dma_semaphore, #tpu.memory_space<semaphore_mem>>)
          } else {
          }
          %dma_wait3A_157 = arith.constant 0 : i32
          %dma_wait3A_158 = arith.constant 0 : i32
          %dma_wait3A_159 = tpu.memref_slice %arg3[%dma_wait3A_157, %dma_wait3A_158] : memref<50000x32xbf16, #tpu.memory_space<hbm>> -> memref<320x32xbf16, #tpu.memory_space<hbm>>
          %dma_wait3A_160 = arith.constant 0 : i32
          %dma_wait3A_161 = arith.constant 0 : i32
          %dma_wait3A_162 = tpu.memref_slice %arg3[%dma_wait3A_160, %dma_wait3A_161] : memref<50000x32xbf16, #tpu.memory_space<hbm>> -> memref<320x32xbf16, #tpu.memory_space<hbm>>
          tpu.wait_dma2 semaphore(%arg25 : memref<!tpu.dma_semaphore, #tpu.memory_space<semaphore_mem>>) src(%dma_wait3A_162 : memref<320x32xbf16, #tpu.memory_space<hbm>>) dst(%arg16 : memref<320x32xbf16, #tpu.memory_space<vmem>>)
          %dma_wait3A_163 = arith.constant 0 : i32
          %dma_wait3A_164 = arith.constant 0 : i32
          %dma_wait3A_165 = tpu.memref_slice %arg6[%dma_wait3A_163, %dma_wait3A_164] : memref<819200x32xbf16, #tpu.memory_space<hbm>> -> memref<320x32xbf16, #tpu.memory_space<hbm>>
          %dma_wait3A_166 = arith.constant 0 : i32
          %dma_wait3A_167 = arith.constant 0 : i32
          %dma_wait3A_168 = tpu.memref_slice %arg6[%dma_wait3A_166, %dma_wait3A_167] : memref<819200x32xbf16, #tpu.memory_space<hbm>> -> memref<320x32xbf16, #tpu.memory_space<hbm>>
          tpu.wait_dma2 semaphore(%arg29 : memref<!tpu.dma_semaphore, #tpu.memory_space<semaphore_mem>>) src(%dma_wait3A_168 : memref<320x32xbf16, #tpu.memory_space<hbm>>) dst(%arg14 : memref<320x32xbf16, #tpu.memory_space<vmem>>)
          %scan3A_169 = arith.constant 0 : i32
          %scan3A_170 = arith.constant 40 : i32
          %scan3A_171 = arith.addi %scan3A_169, %scan3A_170 : i32
          %scan3A_172 = arith.constant 1 : i32
          scf.for %scan3A_187 = %scan3A_169 to %scan3A_171 step %scan3A_172  : i32 {
            %mul3A_188 = arith.constant 8 : i32
            %mul3A_189 = arith.muli %scan3A_187, %mul3A_188 : i32
            %add3A_190 = arith.constant 0 : i32
            %add3A_191 = arith.addi %add3A_190, %mul3A_189 : i32
            %add3A_192 = arith.constant 0 : i32
            %add3A_193 = arith.addi %add3A_191, %add3A_192 : i32
            %get3A = arith.index_cast %add3A_193 : i32 to index
            %get3A_194 = arith.constant 0 : index
            %get3A_195 = tpu.vector_load %arg16[%get3A, %get3A_194] {strides = array<i32>} : memref<320x32xbf16, #tpu.memory_space<vmem>>, vector<32xbf16>,
            %add3A_196 = arith.constant 0 : i32
            %add3A_197 = arith.addi %add3A_191, %add3A_196 : i32
            %get3A_198 = arith.index_cast %add3A_197 : i32 to index
            %get3A_199 = arith.constant 0 : index
            %get3A_200 = tpu.vector_load %arg14[%get3A_198, %get3A_199] {strides = array<i32>} : memref<320x32xbf16, #tpu.memory_space<vmem>>, vector<32xbf16>,
            %mul3A_201 = arith.mulf %get3A_195, %get3A_200 : vector<32xbf16>
            %add3A_202 = arith.constant 0 : i32
            %add3A_203 = arith.addi %add3A_191, %add3A_202 : i32
            %swap3A = arith.index_cast %add3A_203 : i32 to index
            %swap3A_204 = arith.constant 0 : index
            %swap3A_205 = tpu.vector_load %arg16[%swap3A, %swap3A_204] {strides = array<i32>} : memref<320x32xbf16, #tpu.memory_space<vmem>>, vector<32xbf16>,
            tpu.vector_store %arg16[%swap3A, %swap3A_204], %mul3A_201 {strides = array<i32>} : memref<320x32xbf16, #tpu.memory_space<vmem>>, vector<32xbf16>,
            %add3A_206 = arith.constant 1 : i32
            %add3A_207 = arith.addi %add3A_191, %add3A_206 : i32
            %get3A_208 = arith.index_cast %add3A_207 : i32 to index
            %get3A_209 = arith.constant 0 : index
            %get3A_210 = tpu.vector_load %arg16[%get3A_208, %get3A_209] {strides = array<i32>} : memref<320x32xbf16, #tpu.memory_space<vmem>>, vector<32xbf16>,
            %add3A_211 = arith.constant 1 : i32
            %add3A_212 = arith.addi %add3A_191, %add3A_211 : i32
            %get3A_213 = arith.index_cast %add3A_212 : i32 to index
            %get3A_214 = arith.constant 0 : index
            %get3A_215 = tpu.vector_load %arg14[%get3A_213, %get3A_214] {strides = array<i32>} : memref<320x32xbf16, #tpu.memory_space<vmem>>, vector<32xbf16>,
            %mul3A_216 = arith.mulf %get3A_210, %get3A_215 : vector<32xbf16>
            %add3A_217 = arith.constant 1 : i32
            %add3A_218 = arith.addi %add3A_191, %add3A_217 : i32
            %swap3A_219 = arith.index_cast %add3A_218 : i32 to index
            %swap3A_220 = arith.constant 0 : index
            %swap3A_221 = tpu.vector_load %arg16[%swap3A_219, %swap3A_220] {strides = array<i32>} : memref<320x32xbf16, #tpu.memory_space<vmem>>, vector<32xbf16>,
            tpu.vector_store %arg16[%swap3A_219, %swap3A_220], %mul3A_216 {strides = array<i32>} : memref<320x32xbf16, #tpu.memory_space<vmem>>, vector<32xbf16>,
            %add3A_222 = arith.constant 2 : i32
            %add3A_223 = arith.addi %add3A_191, %add3A_222 : i32
            %get3A_224 = arith.index_cast %add3A_223 : i32 to index
            %get3A_225 = arith.constant 0 : index
            %get3A_226 = tpu.vector_load %arg16[%get3A_224, %get3A_225] {strides = array<i32>} : memref<320x32xbf16, #tpu.memory_space<vmem>>, vector<32xbf16>,
            %add3A_227 = arith.constant 2 : i32
            %add3A_228 = arith.addi %add3A_191, %add3A_227 : i32
            %get3A_229 = arith.index_cast %add3A_228 : i32 to index
            %get3A_230 = arith.constant 0 : index
            %get3A_231 = tpu.vector_load %arg14[%get3A_229, %get3A_230] {strides = array<i32>} : memref<320x32xbf16, #tpu.memory_space<vmem>>, vector<32xbf16>,
            %mul3A_232 = arith.mulf %get3A_226, %get3A_231 : vector<32xbf16>
            %add3A_233 = arith.constant 2 : i32
            %add3A_234 = arith.addi %add3A_191, %add3A_233 : i32
            %swap3A_235 = arith.index_cast %add3A_234 : i32 to index
            %swap3A_236 = arith.constant 0 : index
            %swap3A_237 = tpu.vector_load %arg16[%swap3A_235, %swap3A_236] {strides = array<i32>} : memref<320x32xbf16, #tpu.memory_space<vmem>>, vector<32xbf16>,
            tpu.vector_store %arg16[%swap3A_235, %swap3A_236], %mul3A_232 {strides = array<i32>} : memref<320x32xbf16, #tpu.memory_space<vmem>>, vector<32xbf16>,
            %add3A_238 = arith.constant 3 : i32
            %add3A_239 = arith.addi %add3A_191, %add3A_238 : i32
            %get3A_240 = arith.index_cast %add3A_239 : i32 to index
            %get3A_241 = arith.constant 0 : index
            %get3A_242 = tpu.vector_load %arg16[%get3A_240, %get3A_241] {strides = array<i32>} : memref<320x32xbf16, #tpu.memory_space<vmem>>, vector<32xbf16>,
            %add3A_243 = arith.constant 3 : i32
            %add3A_244 = arith.addi %add3A_191, %add3A_243 : i32
            %get3A_245 = arith.index_cast %add3A_244 : i32 to index
            %get3A_246 = arith.constant 0 : index
            %get3A_247 = tpu.vector_load %arg14[%get3A_245, %get3A_246] {strides = array<i32>} : memref<320x32xbf16, #tpu.memory_space<vmem>>, vector<32xbf16>,
            %mul3A_248 = arith.mulf %get3A_242, %get3A_247 : vector<32xbf16>
            %add3A_249 = arith.constant 3 : i32
            %add3A_250 = arith.addi %add3A_191, %add3A_249 : i32
            %swap3A_251 = arith.index_cast %add3A_250 : i32 to index
            %swap3A_252 = arith.constant 0 : index
            %swap3A_253 = tpu.vector_load %arg16[%swap3A_251, %swap3A_252] {strides = array<i32>} : memref<320x32xbf16, #tpu.memory_space<vmem>>, vector<32xbf16>,
            tpu.vector_store %arg16[%swap3A_251, %swap3A_252], %mul3A_248 {strides = array<i32>} : memref<320x32xbf16, #tpu.memory_space<vmem>>, vector<32xbf16>,
            %add3A_254 = arith.constant 4 : i32
            %add3A_255 = arith.addi %add3A_191, %add3A_254 : i32
            %get3A_256 = arith.index_cast %add3A_255 : i32 to index
            %get3A_257 = arith.constant 0 : index
            %get3A_258 = tpu.vector_load %arg16[%get3A_256, %get3A_257] {strides = array<i32>} : memref<320x32xbf16, #tpu.memory_space<vmem>>, vector<32xbf16>,
            %add3A_259 = arith.constant 4 : i32
            %add3A_260 = arith.addi %add3A_191, %add3A_259 : i32
            %get3A_261 = arith.index_cast %add3A_260 : i32 to index
            %get3A_262 = arith.constant 0 : index
            %get3A_263 = tpu.vector_load %arg14[%get3A_261, %get3A_262] {strides = array<i32>} : memref<320x32xbf16, #tpu.memory_space<vmem>>, vector<32xbf16>,
            %mul3A_264 = arith.mulf %get3A_258, %get3A_263 : vector<32xbf16>
            %add3A_265 = arith.constant 4 : i32
            %add3A_266 = arith.addi %add3A_191, %add3A_265 : i32
            %swap3A_267 = arith.index_cast %add3A_266 : i32 to index
            %swap3A_268 = arith.constant 0 : index
            %swap3A_269 = tpu.vector_load %arg16[%swap3A_267, %swap3A_268] {strides = array<i32>} : memref<320x32xbf16, #tpu.memory_space<vmem>>, vector<32xbf16>,
            tpu.vector_store %arg16[%swap3A_267, %swap3A_268], %mul3A_264 {strides = array<i32>} : memref<320x32xbf16, #tpu.memory_space<vmem>>, vector<32xbf16>,
            %add3A_270 = arith.constant 5 : i32
            %add3A_271 = arith.addi %add3A_191, %add3A_270 : i32
            %get3A_272 = arith.index_cast %add3A_271 : i32 to index
            %get3A_273 = arith.constant 0 : index
            %get3A_274 = tpu.vector_load %arg16[%get3A_272, %get3A_273] {strides = array<i32>} : memref<320x32xbf16, #tpu.memory_space<vmem>>, vector<32xbf16>,
            %add3A_275 = arith.constant 5 : i32
            %add3A_276 = arith.addi %add3A_191, %add3A_275 : i32
            %get3A_277 = arith.index_cast %add3A_276 : i32 to index
            %get3A_278 = arith.constant 0 : index
            %get3A_279 = tpu.vector_load %arg14[%get3A_277, %get3A_278] {strides = array<i32>} : memref<320x32xbf16, #tpu.memory_space<vmem>>, vector<32xbf16>,
            %mul3A_280 = arith.mulf %get3A_274, %get3A_279 : vector<32xbf16>
            %add3A_281 = arith.constant 5 : i32
            %add3A_282 = arith.addi %add3A_191, %add3A_281 : i32
            %swap3A_283 = arith.index_cast %add3A_282 : i32 to index
            %swap3A_284 = arith.constant 0 : index
            %swap3A_285 = tpu.vector_load %arg16[%swap3A_283, %swap3A_284] {strides = array<i32>} : memref<320x32xbf16, #tpu.memory_space<vmem>>, vector<32xbf16>,
            tpu.vector_store %arg16[%swap3A_283, %swap3A_284], %mul3A_280 {strides = array<i32>} : memref<320x32xbf16, #tpu.memory_space<vmem>>, vector<32xbf16>,
            %add3A_286 = arith.constant 6 : i32
            %add3A_287 = arith.addi %add3A_191, %add3A_286 : i32
            %get3A_288 = arith.index_cast %add3A_287 : i32 to index
            %get3A_289 = arith.constant 0 : index
            %get3A_290 = tpu.vector_load %arg16[%get3A_288, %get3A_289] {strides = array<i32>} : memref<320x32xbf16, #tpu.memory_space<vmem>>, vector<32xbf16>,
            %add3A_291 = arith.constant 6 : i32
            %add3A_292 = arith.addi %add3A_191, %add3A_291 : i32
            %get3A_293 = arith.index_cast %add3A_292 : i32 to index
            %get3A_294 = arith.constant 0 : index
            %get3A_295 = tpu.vector_load %arg14[%get3A_293, %get3A_294] {strides = array<i32>} : memref<320x32xbf16, #tpu.memory_space<vmem>>, vector<32xbf16>,
            %mul3A_296 = arith.mulf %get3A_290, %get3A_295 : vector<32xbf16>
            %add3A_297 = arith.constant 6 : i32
            %add3A_298 = arith.addi %add3A_191, %add3A_297 : i32
            %swap3A_299 = arith.index_cast %add3A_298 : i32 to index
            %swap3A_300 = arith.constant 0 : index
            %swap3A_301 = tpu.vector_load %arg16[%swap3A_299, %swap3A_300] {strides = array<i32>} : memref<320x32xbf16, #tpu.memory_space<vmem>>, vector<32xbf16>,
            tpu.vector_store %arg16[%swap3A_299, %swap3A_300], %mul3A_296 {strides = array<i32>} : memref<320x32xbf16, #tpu.memory_space<vmem>>, vector<32xbf16>,
            %add3A_302 = arith.constant 7 : i32
            %add3A_303 = arith.addi %add3A_191, %add3A_302 : i32
            %get3A_304 = arith.index_cast %add3A_303 : i32 to index
            %get3A_305 = arith.constant 0 : index
            %get3A_306 = tpu.vector_load %arg16[%get3A_304, %get3A_305] {strides = array<i32>} : memref<320x32xbf16, #tpu.memory_space<vmem>>, vector<32xbf16>,
            %add3A_307 = arith.constant 7 : i32
            %add3A_308 = arith.addi %add3A_191, %add3A_307 : i32
            %get3A_309 = arith.index_cast %add3A_308 : i32 to index
            %get3A_310 = arith.constant 0 : index
            %get3A_311 = tpu.vector_load %arg14[%get3A_309, %get3A_310] {strides = array<i32>} : memref<320x32xbf16, #tpu.memory_space<vmem>>, vector<32xbf16>,
            %mul3A_312 = arith.mulf %get3A_306, %get3A_311 : vector<32xbf16>
            %add3A_313 = arith.constant 7 : i32
            %add3A_314 = arith.addi %add3A_191, %add3A_313 : i32
            %swap3A_315 = arith.index_cast %add3A_314 : i32 to index
            %swap3A_316 = arith.constant 0 : index
            %swap3A_317 = tpu.vector_load %arg16[%swap3A_315, %swap3A_316] {strides = array<i32>} : memref<320x32xbf16, #tpu.memory_space<vmem>>, vector<32xbf16>,
            tpu.vector_store %arg16[%swap3A_315, %swap3A_316], %mul3A_312 {strides = array<i32>} : memref<320x32xbf16, #tpu.memory_space<vmem>>, vector<32xbf16>,
          }
          %scan3A_173 = arith.constant 40 : i32
          %dma_start3A_174 = arith.constant 0 : i32
          %dma_start3A_175 = arith.constant 0 : i32
          %dma_start3A_176 = tpu.memref_slice %arg22[%dma_start3A_174, %dma_start3A_175] : memref<50000x32xbf16, #tpu.memory_space<vmem_shared>> -> memref<50000x32xbf16, #tpu.memory_space<vmem_shared>>
          tpu.enqueue_indirect_dma source(%arg16 : memref<320x32xbf16, #tpu.memory_space<vmem>>) target(%dma_start3A_176 : memref<50000x32xbf16, #tpu.memory_space<vmem_shared>>) offsets(%arg18 : memref<320xi32, #tpu.memory_space<vmem>>) semaphore(%arg27 : memref<!tpu.dma_semaphore, #tpu.memory_space<semaphore_mem>>) {add = true}
          %lt3A_177 = arith.constant 79 : i32
          %lt3A_178 = arith.cmpi slt, %add3A_129, %lt3A_177 : i32
          %convert_element_type3A_179 = arith.extui %lt3A_178 : i1 to i32
          %cond3A_180 = arith.constant 0 : i32
          %cond3A_181 = arith.cmpi ne, %convert_element_type3A_179, %cond3A_180 : i32
          scf.if %cond3A_181 {
            %add3A_187 = arith.constant 3 : i32
            %add3A_188 = arith.addi %add3A_132, %add3A_187 : i32
            %mul3A_189 = arith.constant 320 : i32
            %mul3A_190 = arith.muli %add3A_188, %mul3A_189 : i32
            %dma_start3A_191 = arith.constant 0 : i32
            %dma_start3A_192 = tpu.memref_slice %arg6[%mul3A_190, %dma_start3A_191] : memref<819200x32xbf16, #tpu.memory_space<hbm>> -> memref<320x32xbf16, #tpu.memory_space<hbm>>
            %dma_start3A_193 = arith.constant 0 : i32
            %dma_start3A_194 = tpu.memref_slice %arg6[%mul3A_190, %dma_start3A_193] : memref<819200x32xbf16, #tpu.memory_space<hbm>> -> memref<320x32xbf16, #tpu.memory_space<hbm>>
            tpu.enqueue_dma source(%dma_start3A_194 : memref<320x32xbf16, #tpu.memory_space<hbm>>) target(%arg14 : memref<320x32xbf16, #tpu.memory_space<vmem>>) target_semaphore(%arg29 : memref<!tpu.dma_semaphore, #tpu.memory_space<semaphore_mem>>)
            %dma_start3A_195 = tpu.memref_slice %arg4[%mul3A_190] : memref<819200xi32, #tpu.memory_space<hbm>> -> memref<320xi32, #tpu.memory_space<hbm>>
            %dma_start3A_196 = tpu.memref_slice %arg4[%mul3A_190] : memref<819200xi32, #tpu.memory_space<hbm>> -> memref<320xi32, #tpu.memory_space<hbm>>
            tpu.enqueue_dma source(%dma_start3A_196 : memref<320xi32, #tpu.memory_space<hbm>>) target(%arg12 : memref<320xi32, #tpu.memory_space<vmem>>) target_semaphore(%arg31 : memref<!tpu.dma_semaphore, #tpu.memory_space<semaphore_mem>>)
            %dma_start3A_197 = tpu.memref_slice %arg5[%mul3A_190] : memref<819200xi32, #tpu.memory_space<hbm>> -> memref<320xi32, #tpu.memory_space<hbm>>
            %dma_start3A_198 = tpu.memref_slice %arg5[%mul3A_190] : memref<819200xi32, #tpu.memory_space<hbm>> -> memref<320xi32, #tpu.memory_space<hbm>>
            tpu.enqueue_dma source(%dma_start3A_198 : memref<320xi32, #tpu.memory_space<hbm>>) target(%arg13 : memref<320xi32, #tpu.memory_space<vmem>>) target_semaphore(%arg31 : memref<!tpu.dma_semaphore, #tpu.memory_space<semaphore_mem>>)
          } else {
          }
          %lt3A_182 = arith.constant 79 : i32
          %lt3A_183 = arith.cmpi slt, %add3A_129, %lt3A_182 : i32
          %convert_element_type3A_184 = arith.extui %lt3A_183 : i1 to i32
          %cond3A_185 = arith.constant 0 : i32
          %cond3A_186 = arith.cmpi ne, %convert_element_type3A_184, %cond3A_185 : i32
          scf.if %cond3A_186 {
            %dma_wait3A_187 = arith.constant 0 : i32
            %dma_wait3A_188 = arith.constant 0 : i32
            %dma_wait3A_189 = tpu.memref_slice %arg3[%dma_wait3A_187, %dma_wait3A_188] : memref<50000x32xbf16, #tpu.memory_space<hbm>> -> memref<320x32xbf16, #tpu.memory_space<hbm>>
            %dma_wait3A_190 = arith.constant 0 : i32
            %dma_wait3A_191 = arith.constant 0 : i32
            %dma_wait3A_192 = tpu.memref_slice %arg3[%dma_wait3A_190, %dma_wait3A_191] : memref<50000x32xbf16, #tpu.memory_space<hbm>> -> memref<320x32xbf16, #tpu.memory_space<hbm>>
            tpu.wait_dma2 semaphore(%arg26 : memref<!tpu.dma_semaphore, #tpu.memory_space<semaphore_mem>>) src(%dma_wait3A_192 : memref<320x32xbf16, #tpu.memory_space<hbm>>) dst(%arg15 : memref<320x32xbf16, #tpu.memory_space<vmem>>)
            %dma_wait3A_193 = arith.constant 0 : i32
            %dma_wait3A_194 = tpu.memref_slice %arg4[%dma_wait3A_193] : memref<819200xi32, #tpu.memory_space<hbm>> -> memref<320xi32, #tpu.memory_space<hbm>>
            %dma_wait3A_195 = arith.constant 0 : i32
            %dma_wait3A_196 = tpu.memref_slice %arg4[%dma_wait3A_195] : memref<819200xi32, #tpu.memory_space<hbm>> -> memref<320xi32, #tpu.memory_space<hbm>>
            tpu.wait_dma2 semaphore(%arg30 : memref<!tpu.dma_semaphore, #tpu.memory_space<semaphore_mem>>) src(%dma_wait3A_196 : memref<320xi32, #tpu.memory_space<hbm>>) dst(%arg9 : memref<320xi32, #tpu.memory_space<vmem>>)
            %dma_wait3A_197 = arith.constant 0 : i32
            %dma_wait3A_198 = tpu.memref_slice %arg5[%dma_wait3A_197] : memref<819200xi32, #tpu.memory_space<hbm>> -> memref<320xi32, #tpu.memory_space<hbm>>
            %dma_wait3A_199 = arith.constant 0 : i32
            %dma_wait3A_200 = tpu.memref_slice %arg5[%dma_wait3A_199] : memref<819200xi32, #tpu.memory_space<hbm>> -> memref<320xi32, #tpu.memory_space<hbm>>
            tpu.wait_dma2 semaphore(%arg30 : memref<!tpu.dma_semaphore, #tpu.memory_space<semaphore_mem>>) src(%dma_wait3A_200 : memref<320xi32, #tpu.memory_space<hbm>>) dst(%arg10 : memref<320xi32, #tpu.memory_space<vmem>>)
            %scan3A_201 = arith.constant 0 : i32
            %scan3A_202 = arith.constant 20 : i32
            %scan3A_203 = arith.addi %scan3A_201, %scan3A_202 : i32
            %scan3A_204 = arith.constant 1 : i32
            scf.for %scan3A_231 = %scan3A_201 to %scan3A_203 step %scan3A_204  : i32 {
              %mul3A_232 = arith.constant 16 : i32
              %mul3A_233 = arith.muli %scan3A_231, %mul3A_232 : i32
              %add3A_234 = arith.constant 0 : i32
              %add3A_235 = arith.addi %add3A_234, %mul3A_233 : i32
              %get3A = arith.index_cast %add3A_235 : i32 to index
              %get3A_236 = tpu.vector_load %arg10[%get3A] {strides = array<i32>} : memref<320xi32, #tpu.memory_space<vmem>>, vector<16xi32>,
              %swap3A = arith.index_cast %add3A_235 : i32 to index
              %swap3A_237 = tpu.vector_load %arg17[%swap3A] {strides = array<i32>} : memref<320xi32, #tpu.memory_space<vmem>>, vector<16xi32>,
              tpu.vector_store %arg17[%swap3A], %get3A_236 {strides = array<i32>} : memref<320xi32, #tpu.memory_space<vmem>>, vector<16xi32>,
            }
            %scan3A_205 = arith.constant 20 : i32
            %dma_start3A_206 = arith.constant 0 : i32
            %dma_start3A_207 = arith.constant 0 : i32
            %dma_start3A_208 = tpu.memref_slice %arg23[%dma_start3A_206, %dma_start3A_207] : memref<50000x32xbf16, #tpu.memory_space<vmem_shared>> -> memref<50000x32xbf16, #tpu.memory_space<vmem_shared>>
            tpu.enqueue_indirect_dma source(%dma_start3A_208 : memref<50000x32xbf16, #tpu.memory_space<vmem_shared>>) target(%arg15 : memref<320x32xbf16, #tpu.memory_space<vmem>>) offsets(%arg9 : memref<320xi32, #tpu.memory_space<vmem>>) semaphore(%arg24 : memref<!tpu.dma_semaphore, #tpu.memory_space<semaphore_mem>>)
            %dma_wait3A_209 = arith.constant 0 : i32
            %dma_wait3A_210 = arith.constant 0 : i32
            %dma_wait3A_211 = tpu.memref_slice %arg3[%dma_wait3A_209, %dma_wait3A_210] : memref<50000x32xbf16, #tpu.memory_space<hbm>> -> memref<320x32xbf16, #tpu.memory_space<hbm>>
            %dma_wait3A_212 = arith.constant 0 : i32
            %dma_wait3A_213 = arith.constant 0 : i32
            %dma_wait3A_214 = tpu.memref_slice %arg3[%dma_wait3A_212, %dma_wait3A_213] : memref<50000x32xbf16, #tpu.memory_space<hbm>> -> memref<320x32xbf16, #tpu.memory_space<hbm>>
            tpu.wait_dma2 semaphore(%arg27 : memref<!tpu.dma_semaphore, #tpu.memory_space<semaphore_mem>>) src(%dma_wait3A_214 : memref<320x32xbf16, #tpu.memory_space<hbm>>) dst(%arg16 : memref<320x32xbf16, #tpu.memory_space<vmem>>)
            %dma_wait3A_215 = arith.constant 0 : i32
            %dma_wait3A_216 = tpu.memref_slice %arg4[%dma_wait3A_215] : memref<819200xi32, #tpu.memory_space<hbm>> -> memref<320xi32, #tpu.memory_space<hbm>>
            %dma_wait3A_217 = arith.constant 0 : i32
            %dma_wait3A_218 = tpu.memref_slice %arg4[%dma_wait3A_217] : memref<819200xi32, #tpu.memory_space<hbm>> -> memref<320xi32, #tpu.memory_space<hbm>>
            tpu.wait_dma2 semaphore(%arg31 : memref<!tpu.dma_semaphore, #tpu.memory_space<semaphore_mem>>) src(%dma_wait3A_218 : memref<320xi32, #tpu.memory_space<hbm>>) dst(%arg12 : memref<320xi32, #tpu.memory_space<vmem>>)
            %dma_wait3A_219 = arith.constant 0 : i32
            %dma_wait3A_220 = tpu.memref_slice %arg5[%dma_wait3A_219] : memref<819200xi32, #tpu.memory_space<hbm>> -> memref<320xi32, #tpu.memory_space<hbm>>
            %dma_wait3A_221 = arith.constant 0 : i32
            %dma_wait3A_222 = tpu.memref_slice %arg5[%dma_wait3A_221] : memref<819200xi32, #tpu.memory_space<hbm>> -> memref<320xi32, #tpu.memory_space<hbm>>
            tpu.wait_dma2 semaphore(%arg31 : memref<!tpu.dma_semaphore, #tpu.memory_space<semaphore_mem>>) src(%dma_wait3A_222 : memref<320xi32, #tpu.memory_space<hbm>>) dst(%arg13 : memref<320xi32, #tpu.memory_space<vmem>>)
            %scan3A_223 = arith.constant 0 : i32
            %scan3A_224 = arith.constant 20 : i32
            %scan3A_225 = arith.addi %scan3A_223, %scan3A_224 : i32
            %scan3A_226 = arith.constant 1 : i32
            scf.for %scan3A_231 = %scan3A_223 to %scan3A_225 step %scan3A_226  : i32 {
              %mul3A_232 = arith.constant 16 : i32
              %mul3A_233 = arith.muli %scan3A_231, %mul3A_232 : i32
              %add3A_234 = arith.constant 0 : i32
              %add3A_235 = arith.addi %add3A_234, %mul3A_233 : i32
              %get3A = arith.index_cast %add3A_235 : i32 to index
              %get3A_236 = tpu.vector_load %arg13[%get3A] {strides = array<i32>} : memref<320xi32, #tpu.memory_space<vmem>>, vector<16xi32>,
              %swap3A = arith.index_cast %add3A_235 : i32 to index
              %swap3A_237 = tpu.vector_load %arg18[%swap3A] {strides = array<i32>} : memref<320xi32, #tpu.memory_space<vmem>>, vector<16xi32>,
              tpu.vector_store %arg18[%swap3A], %get3A_236 {strides = array<i32>} : memref<320xi32, #tpu.memory_space<vmem>>, vector<16xi32>,
            }
            %scan3A_227 = arith.constant 20 : i32
            %dma_start3A_228 = arith.constant 0 : i32
            %dma_start3A_229 = arith.constant 0 : i32
            %dma_start3A_230 = tpu.memref_slice %arg23[%dma_start3A_228, %dma_start3A_229] : memref<50000x32xbf16, #tpu.memory_space<vmem_shared>> -> memref<50000x32xbf16, #tpu.memory_space<vmem_shared>>
            tpu.enqueue_indirect_dma source(%dma_start3A_230 : memref<50000x32xbf16, #tpu.memory_space<vmem_shared>>) target(%arg16 : memref<320x32xbf16, #tpu.memory_space<vmem>>) offsets(%arg12 : memref<320xi32, #tpu.memory_space<vmem>>) semaphore(%arg25 : memref<!tpu.dma_semaphore, #tpu.memory_space<semaphore_mem>>)
          } else {
          }
        }
        %scan3A_92 = arith.constant 80 : i32
        %dma_wait3A_93 = arith.constant 0 : i32
        %dma_wait3A_94 = arith.constant 0 : i32
        %dma_wait3A_95 = tpu.memref_slice %arg3[%dma_wait3A_93, %dma_wait3A_94] : memref<50000x32xbf16, #tpu.memory_space<hbm>> -> memref<320x32xbf16, #tpu.memory_space<hbm>>
        %dma_wait3A_96 = arith.constant 0 : i32
        %dma_wait3A_97 = arith.constant 0 : i32
        %dma_wait3A_98 = tpu.memref_slice %arg3[%dma_wait3A_96, %dma_wait3A_97] : memref<50000x32xbf16, #tpu.memory_space<hbm>> -> memref<320x32xbf16, #tpu.memory_space<hbm>>
        tpu.wait_dma2 semaphore(%arg26 : memref<!tpu.dma_semaphore, #tpu.memory_space<semaphore_mem>>) src(%dma_wait3A_98 : memref<320x32xbf16, #tpu.memory_space<hbm>>) dst(%arg15 : memref<320x32xbf16, #tpu.memory_space<vmem>>)
        %dma_wait3A_99 = arith.constant 0 : i32
        %dma_wait3A_100 = arith.constant 0 : i32
        %dma_wait3A_101 = tpu.memref_slice %arg3[%dma_wait3A_99, %dma_wait3A_100] : memref<50000x32xbf16, #tpu.memory_space<hbm>> -> memref<320x32xbf16, #tpu.memory_space<hbm>>
        %dma_wait3A_102 = arith.constant 0 : i32
        %dma_wait3A_103 = arith.constant 0 : i32
        %dma_wait3A_104 = tpu.memref_slice %arg3[%dma_wait3A_102, %dma_wait3A_103] : memref<50000x32xbf16, #tpu.memory_space<hbm>> -> memref<320x32xbf16, #tpu.memory_space<hbm>>
        tpu.wait_dma2 semaphore(%arg27 : memref<!tpu.dma_semaphore, #tpu.memory_space<semaphore_mem>>) src(%dma_wait3A_104 : memref<320x32xbf16, #tpu.memory_space<hbm>>) dst(%arg16 : memref<320x32xbf16, #tpu.memory_space<vmem>>)
        %barrier3A_105 = arith.constant 0 : index
        tpu.barrier barrier_id(%barrier3A_105)
        %sub3A_106 = arith.constant 250 : i32
        %sub3A_107 = arith.subi %sub3A_106, %arg1 : i32
        %sub3A_108 = arith.constant 16 : i32
        %sub3A_109 = arith.constant 1 : i32
        %sub3A_110 = arith.subi %sub3A_108, %sub3A_109 : i32
        %add3A_111 = arith.addi %sub3A_107, %sub3A_110 : i32
        %div3A_112 = arith.constant 16 : i32
        %div3A_113 = arith.divsi %add3A_111, %div3A_112 : i32
        %while3A_114 = arith.constant 16 : i32
        %while3A_115 = arith.constant 0 : i32
        %while3A_116 = arith.subi %div3A_113, %while3A_115 : i32
        %while3A_117 = arith.addi %while3A_115, %while3A_116 : i32
        %while3A_118 = arith.constant 1 : i32
        %while3A_119 = arith.divsi %while3A_116, %while3A_118 : i32
        %while3A_120 = arith.muli %while3A_119, %while3A_118 : i32
        %while3A_121 = arith.addi %while3A_115, %while3A_120 : i32
        %while3A_122 = arith.constant 1 : i32
        scf.for %while3A_125 = %while3A_115 to %while3A_121 step %while3A_122  : i32 {
          %mul3A_126 = arith.muli %while3A_125, %while3A_114 : i32
          %add3A_127 = arith.addi %arg1, %mul3A_126 : i32
          %mul3A_128 = arith.constant 200 : i32
          %mul3A_129 = arith.muli %add3A_127, %mul3A_128 : i32
          "tpu.region"() ({
            %run_scoped3A = tpu.sem_alloc : memref<!tpu.dma_semaphore, #tpu.memory_space<semaphore_mem>>
            %dma_start3A_142 = arith.constant 0 : i32
            %dma_start3A_143 = tpu.memref_slice %arg22[%mul3A_129, %dma_start3A_142] : memref<50000x32xbf16, #tpu.memory_space<vmem_shared>> -> memref<200x32xbf16, #tpu.memory_space<vmem_shared>>
            %dma_start3A_144 = arith.constant 0 : i32
            %dma_start3A_145 = tpu.memref_slice %arg22[%mul3A_129, %dma_start3A_144] : memref<50000x32xbf16, #tpu.memory_space<vmem_shared>> -> memref<200x32xbf16, #tpu.memory_space<vmem_shared>>
            tpu.enqueue_dma source(%dma_start3A_145 : memref<200x32xbf16, #tpu.memory_space<vmem_shared>>) target(%arg19 : memref<200x32xbf16, #tpu.memory_space<vmem>>) target_semaphore(%run_scoped3A : memref<!tpu.dma_semaphore, #tpu.memory_space<semaphore_mem>>)
            %dma_wait3A_146 = arith.constant 0 : i32
            %dma_wait3A_147 = tpu.memref_slice %arg22[%mul3A_129, %dma_wait3A_146] : memref<50000x32xbf16, #tpu.memory_space<vmem_shared>> -> memref<200x32xbf16, #tpu.memory_space<vmem_shared>>
            %dma_wait3A_148 = arith.constant 0 : i32
            %dma_wait3A_149 = tpu.memref_slice %arg22[%mul3A_129, %dma_wait3A_148] : memref<50000x32xbf16, #tpu.memory_space<vmem_shared>> -> memref<200x32xbf16, #tpu.memory_space<vmem_shared>>
            tpu.wait_dma2 semaphore(%run_scoped3A : memref<!tpu.dma_semaphore, #tpu.memory_space<semaphore_mem>>) src(%dma_wait3A_149 : memref<200x32xbf16, #tpu.memory_space<vmem_shared>>) dst(%arg19 : memref<200x32xbf16, #tpu.memory_space<vmem>>)
            tpu.yield
          }) : () -> ()
          "tpu.region"() ({
            %run_scoped3A = tpu.sem_alloc : memref<!tpu.dma_semaphore, #tpu.memory_space<semaphore_mem>>
            %dma_start3A_142 = arith.constant 0 : i32
            %dma_start3A_143 = tpu.memref_slice %arg3[%mul3A_129, %dma_start3A_142] : memref<50000x32xbf16, #tpu.memory_space<hbm>> -> memref<200x32xbf16, #tpu.memory_space<hbm>>
            %dma_start3A_144 = arith.constant 0 : i32
            %dma_start3A_145 = tpu.memref_slice %arg3[%mul3A_129, %dma_start3A_144] : memref<50000x32xbf16, #tpu.memory_space<hbm>> -> memref<200x32xbf16, #tpu.memory_space<hbm>>
            tpu.enqueue_dma source(%dma_start3A_145 : memref<200x32xbf16, #tpu.memory_space<hbm>>) target(%arg20 : memref<200x32xbf16, #tpu.memory_space<vmem>>) target_semaphore(%run_scoped3A : memref<!tpu.dma_semaphore, #tpu.memory_space<semaphore_mem>>)
            %dma_wait3A_146 = arith.constant 0 : i32
            %dma_wait3A_147 = tpu.memref_slice %arg3[%mul3A_129, %dma_wait3A_146] : memref<50000x32xbf16, #tpu.memory_space<hbm>> -> memref<200x32xbf16, #tpu.memory_space<hbm>>
            %dma_wait3A_148 = arith.constant 0 : i32
            %dma_wait3A_149 = tpu.memref_slice %arg3[%mul3A_129, %dma_wait3A_148] : memref<50000x32xbf16, #tpu.memory_space<hbm>> -> memref<200x32xbf16, #tpu.memory_space<hbm>>
            tpu.wait_dma2 semaphore(%run_scoped3A : memref<!tpu.dma_semaphore, #tpu.memory_space<semaphore_mem>>) src(%dma_wait3A_149 : memref<200x32xbf16, #tpu.memory_space<hbm>>) dst(%arg20 : memref<200x32xbf16, #tpu.memory_space<vmem>>)
            tpu.yield
          }) : () -> ()
          %scan3A_130 = arith.constant 0 : i32
          %scan3A_131 = arith.constant 200 : i32
          %scan3A_132 = arith.addi %scan3A_130, %scan3A_131 : i32
          %scan3A_133 = arith.constant 1 : i32
          scf.for %scan3A_142 = %scan3A_130 to %scan3A_132 step %scan3A_133  : i32 {
            %mul3A_143 = arith.constant 1 : i32
            %mul3A_144 = arith.muli %scan3A_142, %mul3A_143 : i32
            %add3A_145 = arith.constant 0 : i32
            %add3A_146 = arith.addi %add3A_145, %mul3A_144 : i32
            %get3A = arith.index_cast %add3A_146 : i32 to index
            %get3A_147 = arith.constant 0 : index
            %get3A_148 = tpu.vector_load %arg19[%get3A, %get3A_147] {strides = array<i32>} : memref<200x32xbf16, #tpu.memory_space<vmem>>, vector<32xbf16>,
            %mul3A_149 = arith.constant 8.984370e-01 : bf16
            %mul3A_150 = vector.broadcast %mul3A_149 : bf16 to vector<32xbf16>
            %mul3A_151 = arith.mulf %mul3A_150, %get3A_148 : vector<32xbf16>
            %get3A_152 = arith.index_cast %add3A_146 : i32 to index
            %get3A_153 = arith.constant 0 : index
            %get3A_154 = tpu.vector_load %arg20[%get3A_152, %get3A_153] {strides = array<i32>} : memref<200x32xbf16, #tpu.memory_space<vmem>>, vector<32xbf16>,
            %mul3A_155 = arith.constant 1.000980e-01 : bf16
            %mul3A_156 = vector.broadcast %mul3A_155 : bf16 to vector<32xbf16>
            %mul3A_157 = arith.mulf %mul3A_156, %get3A_154 : vector<32xbf16>
            %add3A_158 = arith.addf %mul3A_151, %mul3A_157 : vector<32xbf16>
            %swap3A = arith.index_cast %add3A_146 : i32 to index
            %swap3A_159 = arith.constant 0 : index
            %swap3A_160 = tpu.vector_load %arg19[%swap3A, %swap3A_159] {strides = array<i32>} : memref<200x32xbf16, #tpu.memory_space<vmem>>, vector<32xbf16>,
            tpu.vector_store %arg19[%swap3A, %swap3A_159], %add3A_158 {strides = array<i32>} : memref<200x32xbf16, #tpu.memory_space<vmem>>, vector<32xbf16>,
          }
          %scan3A_134 = arith.constant 200 : i32
          "tpu.region"() ({
            %run_scoped3A = tpu.sem_alloc : memref<!tpu.dma_semaphore, #tpu.memory_space<semaphore_mem>>
            %dma_start3A_142 = arith.constant 0 : i32
            %dma_start3A_143 = tpu.memref_slice %arg23[%mul3A_129, %dma_start3A_142] : memref<50000x32xbf16, #tpu.memory_space<vmem_shared>> -> memref<200x32xbf16, #tpu.memory_space<vmem_shared>>
            %dma_start3A_144 = arith.constant 0 : i32
            %dma_start3A_145 = tpu.memref_slice %arg23[%mul3A_129, %dma_start3A_144] : memref<50000x32xbf16, #tpu.memory_space<vmem_shared>> -> memref<200x32xbf16, #tpu.memory_space<vmem_shared>>
            tpu.enqueue_dma source(%arg19 : memref<200x32xbf16, #tpu.memory_space<vmem>>) target(%dma_start3A_145 : memref<200x32xbf16, #tpu.memory_space<vmem_shared>>) target_semaphore(%run_scoped3A : memref<!tpu.dma_semaphore, #tpu.memory_space<semaphore_mem>>)
            %dma_wait3A_146 = arith.constant 0 : i32
            %dma_wait3A_147 = tpu.memref_slice %arg23[%mul3A_129, %dma_wait3A_146] : memref<50000x32xbf16, #tpu.memory_space<vmem_shared>> -> memref<200x32xbf16, #tpu.memory_space<vmem_shared>>
            %dma_wait3A_148 = arith.constant 0 : i32
            %dma_wait3A_149 = tpu.memref_slice %arg23[%mul3A_129, %dma_wait3A_148] : memref<50000x32xbf16, #tpu.memory_space<vmem_shared>> -> memref<200x32xbf16, #tpu.memory_space<vmem_shared>>
            tpu.wait_dma2 semaphore(%run_scoped3A : memref<!tpu.dma_semaphore, #tpu.memory_space<semaphore_mem>>) src(%arg19 : memref<200x32xbf16, #tpu.memory_space<vmem>>) dst(%dma_wait3A_149 : memref<200x32xbf16, #tpu.memory_space<vmem_shared>>)
            tpu.yield
          }) : () -> ()
          "tpu.region"() ({
            %run_scoped3A = tpu.sem_alloc : memref<!tpu.dma_semaphore, #tpu.memory_space<semaphore_mem>>
            %dma_start3A_142 = arith.constant 0 : i32
            %dma_start3A_143 = tpu.memref_slice %arg22[%mul3A_129, %dma_start3A_142] : memref<50000x32xbf16, #tpu.memory_space<vmem_shared>> -> memref<100x32xbf16, #tpu.memory_space<vmem_shared>>
            %dma_start3A_144 = arith.constant 0 : i32
            %dma_start3A_145 = tpu.memref_slice %arg22[%mul3A_129, %dma_start3A_144] : memref<50000x32xbf16, #tpu.memory_space<vmem_shared>> -> memref<100x32xbf16, #tpu.memory_space<vmem_shared>>
            tpu.enqueue_dma source(%arg21 : memref<100x32xbf16, #tpu.memory_space<vmem>>) target(%dma_start3A_145 : memref<100x32xbf16, #tpu.memory_space<vmem_shared>>) target_semaphore(%run_scoped3A : memref<!tpu.dma_semaphore, #tpu.memory_space<semaphore_mem>>)
            %dma_wait3A_146 = arith.constant 0 : i32
            %dma_wait3A_147 = tpu.memref_slice %arg22[%mul3A_129, %dma_wait3A_146] : memref<50000x32xbf16, #tpu.memory_space<vmem_shared>> -> memref<100x32xbf16, #tpu.memory_space<vmem_shared>>
            %dma_wait3A_148 = arith.constant 0 : i32
            %dma_wait3A_149 = tpu.memref_slice %arg22[%mul3A_129, %dma_wait3A_148] : memref<50000x32xbf16, #tpu.memory_space<vmem_shared>> -> memref<100x32xbf16, #tpu.memory_space<vmem_shared>>
            tpu.wait_dma2 semaphore(%run_scoped3A : memref<!tpu.dma_semaphore, #tpu.memory_space<semaphore_mem>>) src(%arg21 : memref<100x32xbf16, #tpu.memory_space<vmem>>) dst(%dma_wait3A_149 : memref<100x32xbf16, #tpu.memory_space<vmem_shared>>)
            tpu.yield
          }) : () -> ()
          %add3A_135 = arith.constant 100 : i32
          %add3A_136 = arith.addi %mul3A_129, %add3A_135 : i32
          "tpu.region"() ({
            %run_scoped3A = tpu.sem_alloc : memref<!tpu.dma_semaphore, #tpu.memory_space<semaphore_mem>>
            %dma_start3A_142 = arith.constant 0 : i32
            %dma_start3A_143 = tpu.memref_slice %arg22[%add3A_136, %dma_start3A_142] : memref<50000x32xbf16, #tpu.memory_space<vmem_shared>> -> memref<100x32xbf16, #tpu.memory_space<vmem_shared>>
            %dma_start3A_144 = arith.constant 0 : i32
            %dma_start3A_145 = tpu.memref_slice %arg22[%add3A_136, %dma_start3A_144] : memref<50000x32xbf16, #tpu.memory_space<vmem_shared>> -> memref<100x32xbf16, #tpu.memory_space<vmem_shared>>
            tpu.enqueue_dma source(%arg21 : memref<100x32xbf16, #tpu.memory_space<vmem>>) target(%dma_start3A_145 : memref<100x32xbf16, #tpu.memory_space<vmem_shared>>) target_semaphore(%run_scoped3A : memref<!tpu.dma_semaphore, #tpu.memory_space<semaphore_mem>>)
            %dma_wait3A_146 = arith.constant 0 : i32
            %dma_wait3A_147 = tpu.memref_slice %arg22[%add3A_136, %dma_wait3A_146] : memref<50000x32xbf16, #tpu.memory_space<vmem_shared>> -> memref<100x32xbf16, #tpu.memory_space<vmem_shared>>
            %dma_wait3A_148 = arith.constant 0 : i32
            %dma_wait3A_149 = tpu.memref_slice %arg22[%add3A_136, %dma_wait3A_148] : memref<50000x32xbf16, #tpu.memory_space<vmem_shared>> -> memref<100x32xbf16, #tpu.memory_space<vmem_shared>>
            tpu.wait_dma2 semaphore(%run_scoped3A : memref<!tpu.dma_semaphore, #tpu.memory_space<semaphore_mem>>) src(%arg21 : memref<100x32xbf16, #tpu.memory_space<vmem>>) dst(%dma_wait3A_149 : memref<100x32xbf16, #tpu.memory_space<vmem_shared>>)
            tpu.yield
          }) : () -> ()
          %eq3A_137 = arith.constant 9 : i32
          %eq3A_138 = arith.cmpi eq, %add3A_35, %eq3A_137 : i32
          %convert_element_type3A_139 = arith.extui %eq3A_138 : i1 to i32
          %cond3A_140 = arith.constant 0 : i32
          %cond3A_141 = arith.cmpi ne, %convert_element_type3A_139, %cond3A_140 : i32
          scf.if %cond3A_141 {
            "tpu.region"() ({
              %run_scoped3A = tpu.sem_alloc : memref<!tpu.dma_semaphore, #tpu.memory_space<semaphore_mem>>
              %dma_start3A_142 = arith.constant 0 : i32
              %dma_start3A_143 = tpu.memref_slice %arg8[%mul3A_129, %dma_start3A_142] : memref<50000x32xbf16, #tpu.memory_space<hbm>> -> memref<200x32xbf16, #tpu.memory_space<hbm>>
              %dma_start3A_144 = arith.constant 0 : i32
              %dma_start3A_145 = tpu.memref_slice %arg8[%mul3A_129, %dma_start3A_144] : memref<50000x32xbf16, #tpu.memory_space<hbm>> -> memref<200x32xbf16, #tpu.memory_space<hbm>>
              tpu.enqueue_dma source(%arg19 : memref<200x32xbf16, #tpu.memory_space<vmem>>) target(%dma_start3A_145 : memref<200x32xbf16, #tpu.memory_space<hbm>>) target_semaphore(%run_scoped3A : memref<!tpu.dma_semaphore, #tpu.memory_space<semaphore_mem>>)
              %dma_wait3A_146 = arith.constant 0 : i32
              %dma_wait3A_147 = tpu.memref_slice %arg8[%mul3A_129, %dma_wait3A_146] : memref<50000x32xbf16, #tpu.memory_space<hbm>> -> memref<200x32xbf16, #tpu.memory_space<hbm>>
              %dma_wait3A_148 = arith.constant 0 : i32
              %dma_wait3A_149 = tpu.memref_slice %arg8[%mul3A_129, %dma_wait3A_148] : memref<50000x32xbf16, #tpu.memory_space<hbm>> -> memref<200x32xbf16, #tpu.memory_space<hbm>>
              tpu.wait_dma2 semaphore(%run_scoped3A : memref<!tpu.dma_semaphore, #tpu.memory_space<semaphore_mem>>) src(%arg19 : memref<200x32xbf16, #tpu.memory_space<vmem>>) dst(%dma_wait3A_149 : memref<200x32xbf16, #tpu.memory_space<hbm>>)
              tpu.yield
            }) : () -> ()
          } else {
          }
        }
        %while3A_123 = arith.constant 1 : i32
        scf.for %while3A_125 = %while3A_121 to %while3A_117 step %while3A_123  : i32 {
          %mul3A_126 = arith.muli %while3A_125, %while3A_114 : i32
          %add3A_127 = arith.addi %arg1, %mul3A_126 : i32
          %mul3A_128 = arith.constant 200 : i32
          %mul3A_129 = arith.muli %add3A_127, %mul3A_128 : i32
          "tpu.region"() ({
            %run_scoped3A = tpu.sem_alloc : memref<!tpu.dma_semaphore, #tpu.memory_space<semaphore_mem>>
            %dma_start3A_142 = arith.constant 0 : i32
            %dma_start3A_143 = tpu.memref_slice %arg22[%mul3A_129, %dma_start3A_142] : memref<50000x32xbf16, #tpu.memory_space<vmem_shared>> -> memref<200x32xbf16, #tpu.memory_space<vmem_shared>>
            %dma_start3A_144 = arith.constant 0 : i32
            %dma_start3A_145 = tpu.memref_slice %arg22[%mul3A_129, %dma_start3A_144] : memref<50000x32xbf16, #tpu.memory_space<vmem_shared>> -> memref<200x32xbf16, #tpu.memory_space<vmem_shared>>
            tpu.enqueue_dma source(%dma_start3A_145 : memref<200x32xbf16, #tpu.memory_space<vmem_shared>>) target(%arg19 : memref<200x32xbf16, #tpu.memory_space<vmem>>) target_semaphore(%run_scoped3A : memref<!tpu.dma_semaphore, #tpu.memory_space<semaphore_mem>>)
            %dma_wait3A_146 = arith.constant 0 : i32
            %dma_wait3A_147 = tpu.memref_slice %arg22[%mul3A_129, %dma_wait3A_146] : memref<50000x32xbf16, #tpu.memory_space<vmem_shared>> -> memref<200x32xbf16, #tpu.memory_space<vmem_shared>>
            %dma_wait3A_148 = arith.constant 0 : i32
            %dma_wait3A_149 = tpu.memref_slice %arg22[%mul3A_129, %dma_wait3A_148] : memref<50000x32xbf16, #tpu.memory_space<vmem_shared>> -> memref<200x32xbf16, #tpu.memory_space<vmem_shared>>
            tpu.wait_dma2 semaphore(%run_scoped3A : memref<!tpu.dma_semaphore, #tpu.memory_space<semaphore_mem>>) src(%dma_wait3A_149 : memref<200x32xbf16, #tpu.memory_space<vmem_shared>>) dst(%arg19 : memref<200x32xbf16, #tpu.memory_space<vmem>>)
            tpu.yield
          }) : () -> ()
          "tpu.region"() ({
            %run_scoped3A = tpu.sem_alloc : memref<!tpu.dma_semaphore, #tpu.memory_space<semaphore_mem>>
            %dma_start3A_142 = arith.constant 0 : i32
            %dma_start3A_143 = tpu.memref_slice %arg3[%mul3A_129, %dma_start3A_142] : memref<50000x32xbf16, #tpu.memory_space<hbm>> -> memref<200x32xbf16, #tpu.memory_space<hbm>>
            %dma_start3A_144 = arith.constant 0 : i32
            %dma_start3A_145 = tpu.memref_slice %arg3[%mul3A_129, %dma_start3A_144] : memref<50000x32xbf16, #tpu.memory_space<hbm>> -> memref<200x32xbf16, #tpu.memory_space<hbm>>
            tpu.enqueue_dma source(%dma_start3A_145 : memref<200x32xbf16, #tpu.memory_space<hbm>>) target(%arg20 : memref<200x32xbf16, #tpu.memory_space<vmem>>) target_semaphore(%run_scoped3A : memref<!tpu.dma_semaphore, #tpu.memory_space<semaphore_mem>>)
            %dma_wait3A_146 = arith.constant 0 : i32
            %dma_wait3A_147 = tpu.memref_slice %arg3[%mul3A_129, %dma_wait3A_146] : memref<50000x32xbf16, #tpu.memory_space<hbm>> -> memref<200x32xbf16, #tpu.memory_space<hbm>>
            %dma_wait3A_148 = arith.constant 0 : i32
            %dma_wait3A_149 = tpu.memref_slice %arg3[%mul3A_129, %dma_wait3A_148] : memref<50000x32xbf16, #tpu.memory_space<hbm>> -> memref<200x32xbf16, #tpu.memory_space<hbm>>
            tpu.wait_dma2 semaphore(%run_scoped3A : memref<!tpu.dma_semaphore, #tpu.memory_space<semaphore_mem>>) src(%dma_wait3A_149 : memref<200x32xbf16, #tpu.memory_space<hbm>>) dst(%arg20 : memref<200x32xbf16, #tpu.memory_space<vmem>>)
            tpu.yield
          }) : () -> ()
          %scan3A_130 = arith.constant 0 : i32
          %scan3A_131 = arith.constant 200 : i32
          %scan3A_132 = arith.addi %scan3A_130, %scan3A_131 : i32
          %scan3A_133 = arith.constant 1 : i32
          scf.for %scan3A_142 = %scan3A_130 to %scan3A_132 step %scan3A_133  : i32 {
            %mul3A_143 = arith.constant 1 : i32
            %mul3A_144 = arith.muli %scan3A_142, %mul3A_143 : i32
            %add3A_145 = arith.constant 0 : i32
            %add3A_146 = arith.addi %add3A_145, %mul3A_144 : i32
            %get3A = arith.index_cast %add3A_146 : i32 to index
            %get3A_147 = arith.constant 0 : index
            %get3A_148 = tpu.vector_load %arg19[%get3A, %get3A_147] {strides = array<i32>} : memref<200x32xbf16, #tpu.memory_space<vmem>>, vector<32xbf16>,
            %mul3A_149 = arith.constant 8.984370e-01 : bf16
            %mul3A_150 = vector.broadcast %mul3A_149 : bf16 to vector<32xbf16>
            %mul3A_151 = arith.mulf %mul3A_150, %get3A_148 : vector<32xbf16>
            %get3A_152 = arith.index_cast %add3A_146 : i32 to index
            %get3A_153 = arith.constant 0 : index
            %get3A_154 = tpu.vector_load %arg20[%get3A_152, %get3A_153] {strides = array<i32>} : memref<200x32xbf16, #tpu.memory_space<vmem>>, vector<32xbf16>,
            %mul3A_155 = arith.constant 1.000980e-01 : bf16
            %mul3A_156 = vector.broadcast %mul3A_155 : bf16 to vector<32xbf16>
            %mul3A_157 = arith.mulf %mul3A_156, %get3A_154 : vector<32xbf16>
            %add3A_158 = arith.addf %mul3A_151, %mul3A_157 : vector<32xbf16>
            %swap3A = arith.index_cast %add3A_146 : i32 to index
            %swap3A_159 = arith.constant 0 : index
            %swap3A_160 = tpu.vector_load %arg19[%swap3A, %swap3A_159] {strides = array<i32>} : memref<200x32xbf16, #tpu.memory_space<vmem>>, vector<32xbf16>,
            tpu.vector_store %arg19[%swap3A, %swap3A_159], %add3A_158 {strides = array<i32>} : memref<200x32xbf16, #tpu.memory_space<vmem>>, vector<32xbf16>,
          }
          %scan3A_134 = arith.constant 200 : i32
          "tpu.region"() ({
            %run_scoped3A = tpu.sem_alloc : memref<!tpu.dma_semaphore, #tpu.memory_space<semaphore_mem>>
            %dma_start3A_142 = arith.constant 0 : i32
            %dma_start3A_143 = tpu.memref_slice %arg23[%mul3A_129, %dma_start3A_142] : memref<50000x32xbf16, #tpu.memory_space<vmem_shared>> -> memref<200x32xbf16, #tpu.memory_space<vmem_shared>>
            %dma_start3A_144 = arith.constant 0 : i32
            %dma_start3A_145 = tpu.memref_slice %arg23[%mul3A_129, %dma_start3A_144] : memref<50000x32xbf16, #tpu.memory_space<vmem_shared>> -> memref<200x32xbf16, #tpu.memory_space<vmem_shared>>
            tpu.enqueue_dma source(%arg19 : memref<200x32xbf16, #tpu.memory_space<vmem>>) target(%dma_start3A_145 : memref<200x32xbf16, #tpu.memory_space<vmem_shared>>) target_semaphore(%run_scoped3A : memref<!tpu.dma_semaphore, #tpu.memory_space<semaphore_mem>>)
            %dma_wait3A_146 = arith.constant 0 : i32
            %dma_wait3A_147 = tpu.memref_slice %arg23[%mul3A_129, %dma_wait3A_146] : memref<50000x32xbf16, #tpu.memory_space<vmem_shared>> -> memref<200x32xbf16, #tpu.memory_space<vmem_shared>>
            %dma_wait3A_148 = arith.constant 0 : i32
            %dma_wait3A_149 = tpu.memref_slice %arg23[%mul3A_129, %dma_wait3A_148] : memref<50000x32xbf16, #tpu.memory_space<vmem_shared>> -> memref<200x32xbf16, #tpu.memory_space<vmem_shared>>
            tpu.wait_dma2 semaphore(%run_scoped3A : memref<!tpu.dma_semaphore, #tpu.memory_space<semaphore_mem>>) src(%arg19 : memref<200x32xbf16, #tpu.memory_space<vmem>>) dst(%dma_wait3A_149 : memref<200x32xbf16, #tpu.memory_space<vmem_shared>>)
            tpu.yield
          }) : () -> ()
          "tpu.region"() ({
            %run_scoped3A = tpu.sem_alloc : memref<!tpu.dma_semaphore, #tpu.memory_space<semaphore_mem>>
            %dma_start3A_142 = arith.constant 0 : i32
            %dma_start3A_143 = tpu.memref_slice %arg22[%mul3A_129, %dma_start3A_142] : memref<50000x32xbf16, #tpu.memory_space<vmem_shared>> -> memref<100x32xbf16, #tpu.memory_space<vmem_shared>>
            %dma_start3A_144 = arith.constant 0 : i32
            %dma_start3A_145 = tpu.memref_slice %arg22[%mul3A_129, %dma_start3A_144] : memref<50000x32xbf16, #tpu.memory_space<vmem_shared>> -> memref<100x32xbf16, #tpu.memory_space<vmem_shared>>
            tpu.enqueue_dma source(%arg21 : memref<100x32xbf16, #tpu.memory_space<vmem>>) target(%dma_start3A_145 : memref<100x32xbf16, #tpu.memory_space<vmem_shared>>) target_semaphore(%run_scoped3A : memref<!tpu.dma_semaphore, #tpu.memory_space<semaphore_mem>>)
            %dma_wait3A_146 = arith.constant 0 : i32
            %dma_wait3A_147 = tpu.memref_slice %arg22[%mul3A_129, %dma_wait3A_146] : memref<50000x32xbf16, #tpu.memory_space<vmem_shared>> -> memref<100x32xbf16, #tpu.memory_space<vmem_shared>>
            %dma_wait3A_148 = arith.constant 0 : i32
            %dma_wait3A_149 = tpu.memref_slice %arg22[%mul3A_129, %dma_wait3A_148] : memref<50000x32xbf16, #tpu.memory_space<vmem_shared>> -> memref<100x32xbf16, #tpu.memory_space<vmem_shared>>
            tpu.wait_dma2 semaphore(%run_scoped3A : memref<!tpu.dma_semaphore, #tpu.memory_space<semaphore_mem>>) src(%arg21 : memref<100x32xbf16, #tpu.memory_space<vmem>>) dst(%dma_wait3A_149 : memref<100x32xbf16, #tpu.memory_space<vmem_shared>>)
            tpu.yield
          }) : () -> ()
          %add3A_135 = arith.constant 100 : i32
          %add3A_136 = arith.addi %mul3A_129, %add3A_135 : i32
          "tpu.region"() ({
            %run_scoped3A = tpu.sem_alloc : memref<!tpu.dma_semaphore, #tpu.memory_space<semaphore_mem>>
            %dma_start3A_142 = arith.constant 0 : i32
            %dma_start3A_143 = tpu.memref_slice %arg22[%add3A_136, %dma_start3A_142] : memref<50000x32xbf16, #tpu.memory_space<vmem_shared>> -> memref<100x32xbf16, #tpu.memory_space<vmem_shared>>
            %dma_start3A_144 = arith.constant 0 : i32
            %dma_start3A_145 = tpu.memref_slice %arg22[%add3A_136, %dma_start3A_144] : memref<50000x32xbf16, #tpu.memory_space<vmem_shared>> -> memref<100x32xbf16, #tpu.memory_space<vmem_shared>>
            tpu.enqueue_dma source(%arg21 : memref<100x32xbf16, #tpu.memory_space<vmem>>) target(%dma_start3A_145 : memref<100x32xbf16, #tpu.memory_space<vmem_shared>>) target_semaphore(%run_scoped3A : memref<!tpu.dma_semaphore, #tpu.memory_space<semaphore_mem>>)
            %dma_wait3A_146 = arith.constant 0 : i32
            %dma_wait3A_147 = tpu.memref_slice %arg22[%add3A_136, %dma_wait3A_146] : memref<50000x32xbf16, #tpu.memory_space<vmem_shared>> -> memref<100x32xbf16, #tpu.memory_space<vmem_shared>>
            %dma_wait3A_148 = arith.constant 0 : i32
            %dma_wait3A_149 = tpu.memref_slice %arg22[%add3A_136, %dma_wait3A_148] : memref<50000x32xbf16, #tpu.memory_space<vmem_shared>> -> memref<100x32xbf16, #tpu.memory_space<vmem_shared>>
            tpu.wait_dma2 semaphore(%run_scoped3A : memref<!tpu.dma_semaphore, #tpu.memory_space<semaphore_mem>>) src(%arg21 : memref<100x32xbf16, #tpu.memory_space<vmem>>) dst(%dma_wait3A_149 : memref<100x32xbf16, #tpu.memory_space<vmem_shared>>)
            tpu.yield
          }) : () -> ()
          %eq3A_137 = arith.constant 9 : i32
          %eq3A_138 = arith.cmpi eq, %add3A_35, %eq3A_137 : i32
          %convert_element_type3A_139 = arith.extui %eq3A_138 : i1 to i32
          %cond3A_140 = arith.constant 0 : i32
          %cond3A_141 = arith.cmpi ne, %convert_element_type3A_139, %cond3A_140 : i32
          scf.if %cond3A_141 {
            "tpu.region"() ({
              %run_scoped3A = tpu.sem_alloc : memref<!tpu.dma_semaphore, #tpu.memory_space<semaphore_mem>>
              %dma_start3A_142 = arith.constant 0 : i32
              %dma_start3A_143 = tpu.memref_slice %arg8[%mul3A_129, %dma_start3A_142] : memref<50000x32xbf16, #tpu.memory_space<hbm>> -> memref<200x32xbf16, #tpu.memory_space<hbm>>
              %dma_start3A_144 = arith.constant 0 : i32
              %dma_start3A_145 = tpu.memref_slice %arg8[%mul3A_129, %dma_start3A_144] : memref<50000x32xbf16, #tpu.memory_space<hbm>> -> memref<200x32xbf16, #tpu.memory_space<hbm>>
              tpu.enqueue_dma source(%arg19 : memref<200x32xbf16, #tpu.memory_space<vmem>>) target(%dma_start3A_145 : memref<200x32xbf16, #tpu.memory_space<hbm>>) target_semaphore(%run_scoped3A : memref<!tpu.dma_semaphore, #tpu.memory_space<semaphore_mem>>)
              %dma_wait3A_146 = arith.constant 0 : i32
              %dma_wait3A_147 = tpu.memref_slice %arg8[%mul3A_129, %dma_wait3A_146] : memref<50000x32xbf16, #tpu.memory_space<hbm>> -> memref<200x32xbf16, #tpu.memory_space<hbm>>
              %dma_wait3A_148 = arith.constant 0 : i32
              %dma_wait3A_149 = tpu.memref_slice %arg8[%mul3A_129, %dma_wait3A_148] : memref<50000x32xbf16, #tpu.memory_space<hbm>> -> memref<200x32xbf16, #tpu.memory_space<hbm>>
              tpu.wait_dma2 semaphore(%run_scoped3A : memref<!tpu.dma_semaphore, #tpu.memory_space<semaphore_mem>>) src(%arg19 : memref<200x32xbf16, #tpu.memory_space<vmem>>) dst(%dma_wait3A_149 : memref<200x32xbf16, #tpu.memory_space<hbm>>)
              tpu.yield
            }) : () -> ()
          } else {
          }
        }
        %barrier3A_124 = arith.constant 0 : index
        tpu.barrier barrier_id(%barrier3A_124)
      }
      %scan3A_30 = arith.constant 10 : i32
    } else {
    }
    return
  }
}

module attributes {stable_mosaic.version = 14 : i64} {
  func.func @body(%arg0: i32, %arg1: memref<2000x128xf32, #tpu.memory_space<vmem>>, %arg2: memref<128x128xf32, #tpu.memory_space<vmem>>, %arg3: memref<1x128xf32, #tpu.memory_space<vmem>>, %arg4: memref<128x64xf32, #tpu.memory_space<vmem>>, %arg5: memref<1x64xf32, #tpu.memory_space<vmem>>, %arg6: memref<2000x32xbf16, #tpu.memory_space<vmem>>, %arg7: memref<2000x32xbf16, #tpu.memory_space<vmem>>) attributes {dimension_semantics = [#tpu.dimension_semantics<arbitrary>], iteration_bounds = array<i64: 25>, scalar_prefetch = 0 : i64, scratch_operands = 0 : i64, tpu.core_type = #tpu.core_type<tc>, window_params = [{transform_indices = @transform_0, window_bounds = array<i64: 2000, 128>}, {pipeline_mode = #tpu.pipeline_mode<synchronous>, transform_indices = @transform_1, window_bounds = array<i64: 128, 128>}, {pipeline_mode = #tpu.pipeline_mode<synchronous>, transform_indices = @transform_2, window_bounds = array<i64: 1, 128>}, {pipeline_mode = #tpu.pipeline_mode<synchronous>, transform_indices = @transform_3, window_bounds = array<i64: 128, 64>}, {pipeline_mode = #tpu.pipeline_mode<synchronous>, transform_indices = @transform_4, window_bounds = array<i64: 1, 64>}, {transform_indices = @transform_5, window_bounds = array<i64: 2000, 32>}, {transform_indices = @transform_6, window_bounds = array<i64: 2000, 32>}]} {
    %get3A = arith.constant 0 : index
    %get3A_0 = arith.constant 0 : index
    %get3A_1 = vector.load %arg1[%get3A, %get3A_0] : memref<2000x128xf32, #tpu.memory_space<vmem>>, vector<2000x128xf32>
    %get3A_2 = arith.constant 0 : index
    %get3A_3 = arith.constant 0 : index
    %get3A_4 = vector.load %arg2[%get3A_2, %get3A_3] : memref<128x128xf32, #tpu.memory_space<vmem>>, vector<128x128xf32>
    %dot_general3A = arith.constant dense<0.000000e+00> : vector<2000x128xf32>
    %dot_general3A_5 = tpu.matmul %get3A_1, %get3A_4, %dot_general3A {dimension_numbers = #tpu.dot_dimension_numbers<[1], [0], [0], [1], [0, 0, 1, 1], [], []>, precision = #tpu.contract_precision<fp32>, transpose_lhs_hint = false} : vector<2000x128xf32>, vector<128x128xf32>, vector<2000x128xf32> -> vector<2000x128xf32>
    %get3A_6 = arith.constant 0 : index
    %get3A_7 = arith.constant 0 : index
    %get3A_8 = vector.load %arg3[%get3A_6, %get3A_7] : memref<1x128xf32, #tpu.memory_space<vmem>>, vector<1x128xf32>
    %add3A = vector.broadcast %get3A_8 : vector<1x128xf32> to vector<2000x128xf32>
    %add3A_9 = arith.addf %dot_general3A_5, %add3A : vector<2000x128xf32>
    %max3A = arith.constant 0.000000e+00 : f32
    %max3A_10 = vector.broadcast %max3A : f32 to vector<2000x128xf32>
    %max3A_11 = arith.maximumf %add3A_9, %max3A_10 : vector<2000x128xf32>
    %get3A_12 = arith.constant 0 : index
    %get3A_13 = arith.constant 0 : index
    %get3A_14 = vector.load %arg4[%get3A_12, %get3A_13] : memref<128x64xf32, #tpu.memory_space<vmem>>, vector<128x64xf32>
    %dot_general3A_15 = arith.constant dense<0.000000e+00> : vector<2000x64xf32>
    %dot_general3A_16 = tpu.matmul %max3A_11, %get3A_14, %dot_general3A_15 {dimension_numbers = #tpu.dot_dimension_numbers<[1], [0], [0], [1], [0, 0, 1, 1], [], []>, precision = #tpu.contract_precision<fp32>, transpose_lhs_hint = false} : vector<2000x128xf32>, vector<128x64xf32>, vector<2000x64xf32> -> vector<2000x64xf32>
    %get3A_17 = arith.constant 0 : index
    %get3A_18 = arith.constant 0 : index
    %get3A_19 = vector.load %arg5[%get3A_17, %get3A_18] : memref<1x64xf32, #tpu.memory_space<vmem>>, vector<1x64xf32>
    %add3A_20 = vector.broadcast %get3A_19 : vector<1x64xf32> to vector<2000x64xf32>
    %add3A_21 = arith.addf %dot_general3A_16, %add3A_20 : vector<2000x64xf32>
    %slice3A = vector.extract_strided_slice %add3A_21 {offsets = [0, 0], sizes = [2000, 32], strides = [1, 1]} : vector<2000x64xf32> to vector<2000x32xf32>
    %convert_element_type3A = arith.truncf %slice3A : vector<2000x32xf32> to vector<2000x32xbf16>
    %swap3A = arith.constant 0 : index
    %swap3A_22 = arith.constant 0 : index
    %swap3A_23 = vector.load %arg6[%swap3A, %swap3A_22] : memref<2000x32xbf16, #tpu.memory_space<vmem>>, vector<2000x32xbf16>
    tpu.vector_store %arg6[%swap3A, %swap3A_22], %convert_element_type3A {strides = array<i32>} : memref<2000x32xbf16, #tpu.memory_space<vmem>>, vector<2000x32xbf16>,
    %slice3A_24 = vector.extract_strided_slice %add3A_21 {offsets = [0, 32], sizes = [2000, 32], strides = [1, 1]} : vector<2000x64xf32> to vector<2000x32xf32>
    %convert_element_type3A_25 = arith.truncf %slice3A_24 : vector<2000x32xf32> to vector<2000x32xbf16>
    %swap3A_26 = arith.constant 0 : index
    %swap3A_27 = arith.constant 0 : index
    %swap3A_28 = vector.load %arg7[%swap3A_26, %swap3A_27] : memref<2000x32xbf16, #tpu.memory_space<vmem>>, vector<2000x32xbf16>
    tpu.vector_store %arg7[%swap3A_26, %swap3A_27], %convert_element_type3A_25 {strides = array<i32>} : memref<2000x32xbf16, #tpu.memory_space<vmem>>, vector<2000x32xbf16>,
    return
  }
  func.func @transform_0(%arg0: i32) -> (i32, i32) {
    %c0_i32 = arith.constant 0 : i32
    %c0_i32_0 = arith.constant 0 : i32
    return %arg0, %c0_i32 : i32, i32
  }
  func.func @transform_1(%arg0: i32) -> (i32, i32) {
    %c0_i32 = arith.constant 0 : i32
    %c0_i32_0 = arith.constant 0 : i32
    %c0_i32_1 = arith.constant 0 : i32
    return %c0_i32, %c0_i32_0 : i32, i32
  }
  func.func @transform_2(%arg0: i32) -> (i32, i32) {
    %c0_i32 = arith.constant 0 : i32
    %c0_i32_0 = arith.constant 0 : i32
    %c0_i32_1 = arith.constant 0 : i32
    return %c0_i32, %c0_i32_0 : i32, i32
  }
  func.func @transform_3(%arg0: i32) -> (i32, i32) {
    %c0_i32 = arith.constant 0 : i32
    %c0_i32_0 = arith.constant 0 : i32
    %c0_i32_1 = arith.constant 0 : i32
    return %c0_i32, %c0_i32_0 : i32, i32
  }
  func.func @transform_4(%arg0: i32) -> (i32, i32) {
    %c0_i32 = arith.constant 0 : i32
    %c0_i32_0 = arith.constant 0 : i32
    %c0_i32_1 = arith.constant 0 : i32
    return %c0_i32, %c0_i32_0 : i32, i32
  }
  func.func @transform_5(%arg0: i32) -> (i32, i32) {
    %c0_i32 = arith.constant 0 : i32
    %c0_i32_0 = arith.constant 0 : i32
    return %arg0, %c0_i32 : i32, i32
  }
  func.func @transform_6(%arg0: i32) -> (i32, i32) {
    %c0_i32 = arith.constant 0 : i32
    %c0_i32_0 = arith.constant 0 : i32
    return %arg0, %c0_i32 : i32, i32
  }
}

module attributes {stable_mosaic.version = 14 : i64} {
  func.func @body(%arg0: i32, %arg1: memref<2000x32xbf16, #tpu.memory_space<vmem>>, %arg2: memref<2000x32xbf16, #tpu.memory_space<vmem>>, %arg3: memref<2000x64xf32, #tpu.memory_space<vmem>>) attributes {dimension_semantics = [#tpu.dimension_semantics<arbitrary>], iteration_bounds = array<i64: 25>, scalar_prefetch = 0 : i64, scratch_operands = 0 : i64, tpu.core_type = #tpu.core_type<tc>, window_params = [{transform_indices = @transform_0, window_bounds = array<i64: 2000, 32>}, {transform_indices = @transform_1, window_bounds = array<i64: 2000, 32>}, {transform_indices = @transform_2, window_bounds = array<i64: 2000, 64>}]} {
    %get3A = arith.constant 0 : index
    %get3A_0 = arith.constant 0 : index
    %get3A_1 = vector.load %arg1[%get3A, %get3A_0] : memref<2000x32xbf16, #tpu.memory_space<vmem>>, vector<2000x32xbf16>
    %get3A_2 = arith.constant 0 : index
    %get3A_3 = arith.constant 0 : index
    %get3A_4 = vector.load %arg2[%get3A_2, %get3A_3] : memref<2000x32xbf16, #tpu.memory_space<vmem>>, vector<2000x32xbf16>
    %concatenate3A = tpu.concatenate %get3A_1, %get3A_4 in 1 : vector<2000x32xbf16>, vector<2000x32xbf16> -> vector<2000x64xbf16>
    %convert_element_type3A = arith.extf %concatenate3A : vector<2000x64xbf16> to vector<2000x64xf32>
    %reduce_max3A = arith.constant dense<0xFF800000> : vector<2000xf32>
    %reduce_max3A_5 = vector.multi_reduction <maximumf>, %convert_element_type3A, %reduce_max3A [1] : vector<2000x64xf32> to vector<2000xf32>
    %broadcast_in_dim3A = vector.shape_cast %reduce_max3A_5 : vector<2000xf32> to vector<2000x1xf32>
    %sub3A = vector.broadcast %broadcast_in_dim3A : vector<2000x1xf32> to vector<2000x64xf32>
    %sub3A_6 = arith.subf %convert_element_type3A, %sub3A : vector<2000x64xf32>
    %exp3A = math.exp %sub3A_6 : vector<2000x64xf32>
    %reduce_sum3A = arith.constant dense<0.000000e+00> : vector<2000xf32>
    %reduce_sum3A_7 = vector.multi_reduction <add>, %exp3A, %reduce_sum3A [1] : vector<2000x64xf32> to vector<2000xf32>
    %broadcast_in_dim3A_8 = vector.shape_cast %reduce_sum3A_7 : vector<2000xf32> to vector<2000x1xf32>
    %log3A = math.log %broadcast_in_dim3A_8 : vector<2000x1xf32>
    %sub3A_9 = vector.broadcast %log3A : vector<2000x1xf32> to vector<2000x64xf32>
    %sub3A_10 = arith.subf %sub3A_6, %sub3A_9 : vector<2000x64xf32>
    %swap3A = arith.constant 0 : index
    %swap3A_11 = arith.constant 0 : index
    %swap3A_12 = vector.load %arg3[%swap3A, %swap3A_11] : memref<2000x64xf32, #tpu.memory_space<vmem>>, vector<2000x64xf32>
    tpu.vector_store %arg3[%swap3A, %swap3A_11], %sub3A_10 {strides = array<i32>} : memref<2000x64xf32, #tpu.memory_space<vmem>>, vector<2000x64xf32>,
    return
  }
  func.func @transform_0(%arg0: i32) -> (i32, i32) {
    %c0_i32 = arith.constant 0 : i32
    %c0_i32_0 = arith.constant 0 : i32
    return %arg0, %c0_i32 : i32, i32
  }
  func.func @transform_1(%arg0: i32) -> (i32, i32) {
    %c0_i32 = arith.constant 0 : i32
    %c0_i32_0 = arith.constant 0 : i32
    return %arg0, %c0_i32 : i32, i32
  }
  func.func @transform_2(%arg0: i32) -> (i32, i32) {
    %c0_i32 = arith.constant 0 : i32
    %c0_i32_0 = arith.constant 0 : i32
    return %arg0, %c0_i32 : i32, i32
  }
}

</mosaic_0001>

<sc_bundles>
// kernel: kernel.6.cloned.1.call-start
scs
__scs_entry_jumppad:
0x0: {  	(pc) =	sbr.rel $0x88, $3  }
0x1: {  	(tag) =	ssettag $0x0;
	lr =	simm.s32 $0x1  }
0x2: {  	[smem:$0x3F99] =	sst lr;
	_ =	strace $0xD0000000  }
0x3: {  	_ = 	snop  }
0x4: {  	_ = 	snop  }
0x5: {  	_ = 	snop  }
0x6: {  	_ = 	snop  }
0x7: {  	_ = 	snop  }
__scs_overlays_trampoline_lowered:
0x8: {  	[smem:$0x3FA8] =	sst s0  }
0x9: {  	[smem:$0x3FA9] =	sst s1  }
0xa: {  	[smem:$0x3FAA] =	sst s2  }
0xb: {  	[smem:$0x3FAB] =	sst s3  }
0xc: {  	[smem:$0x3FAC] =	sst s4  }
0xd: {  	[smem:$0x3FAD] =	sst s5  }
0xe: {  	[smem:$0x3FAE] =	sst s6  }
0xf: {  	[smem:$0x3FAF] =	sst s7  }
0x10: {  	[smem:$0x3FB0] =	sst s8  }
0x11: {  	[smem:$0x3FB1] =	sst s9;
	s0 =	simm.s32 @!p0 $0x0  }
0x12: {  	s1 =	sld [smem:$0x3F97];
	s0 =	simm.s32 @p0 $0x1  }
0x13: {  	[smem:$0x3FB2] =	sst s0;
	s0 =	simm.s32 @!p1 $0x0  }
0x14: {  	s2 =	sld [smem:$0x3F96];
	s0 =	simm.s32 @p1 $0x1  }
0x15: {  	[smem:$0x3FB3] =	sst s0;
	s0 =	simm.s32 @!p2 $0x0  }
0x16: {  	s3 =	sld [smem:$0x3FDB];
	s0 =	simm.s32 @p2 $0x1  }
0x17: {  	s4 =	simm.s32 $0x1BF5;
	[smem:$0x3FB5] =	sst s0  }
0x18: {  	s0 =	sld [smem:$0x3F98];
	_ =	swait.ge [sflag:s4], $0x0  }
0x19: {  	s7 =	sld [smem:$0x3F99]  }
0x1a: {  	s8 =	sadd.s32 $0xFFFFE003, lr  }
0x1b: {  	s9 =	sadd.s32 $0xFFFFFEF7, lr;
	s5 =	simm.s32 $0xFFFFFFFF;
	p2 =	slt.u32 s8, $0xFFFFF086  }
0x1c: {  	p1 =	slt.u32 s9, $0xF7A;
	s5 =	simm.s32 @!p2 $0x0  }
0x1d: {  	s5 =	simm.s32 @p1 $0x1;
	p0 =	seq.s32 s7, s2  }
0x1e: {  	s7 =	smul.u32 @!p0 $0xF7A, s2;
	p2 =	seq.s32 @!p0 s5, $0x0  }
0x1f: {  	s9 =	smul.u32 $0xF7A, s1;
	s8 =	simm.s32 @!p0 $0x1BF5;
	p2 =	por !p2, p0  }
0x20: {  	[sflag:s8] =	ssyncset.s32 @!p0 $0xFFFFF086;
	s6 =	sadd.s32 @!p0 s3, s7;
	s7 =	simm.s32 @!p0 $0x108  }
0x21: {  	s3 =	sadd.s32 s3, s9;
	s6 =	sadd.s32 @!p0 $0x88, s6;
	s7 =	simm.s32 @p2 $0x1082  }
0x22: {  	[simem:s7], [sflag:s8] =	dma.local @!p0 [hbm:s6], $0xF7A  }
0x23: {  	s9 =	sor.u32 $0xD0000000, s2;
	s6 =	simm.s32 $0x108;
	_ =	swait.ge @!p0 [sflag:s8], $0x0  }
0x24: {  	s3 =	sadd.s32 $0x88, s3;
	s6 =	simm.s32 @!p1 $0x1082;
	[sflag:s4] =	ssyncset.s32 $0xFFFFF086  }
0x25: {  	[simem:s6], [sflag:s4] =	dma.local [hbm:s3], $0xF7A  }
0x26: {  	[smem:$0x3F99] =	sst s1;
	(tag) =	ssettag s2;
	_ =	strace s9  }
0x27: {  	s1 =	sld [smem:$0x3FA9]  }
0x28: {  	s2 =	sld [smem:$0x3FAA]  }
0x29: {  	s4 =	sld [smem:$0x3FAC]  }
0x2a: {  	p0 =	seq.s32 s5, $0x0;
	s5 =	sld [smem:$0x3FAD]  }
0x2b: {  	s6 =	sld [smem:$0x3FAE]  }
0x2c: {  	s7 =	sld [smem:$0x3FAF]  }
0x2d: {  	s3 =	simm.s32 $0x108;
	s8 =	sld [smem:$0x3FB0]  }
0x2e: {  	s3 =	simm.s32 @!p0 $0x1082;
	s9 =	sld [smem:$0x3FB1]  }
0x2f: {  	lr =	sadd.s32 s0, s3;
	s0 =	sld [smem:$0x3FA8]  }
0x30: {  	s3 =	sld [smem:$0x3FAB]  }
0x31: {  	[smem:$0x3FB4] =	sst s10  }
0x32: {  	s10 =	sld [smem:$0x3FB2];
	_ =	sdelay $0x3  }
0x33: {  	p0 =	seq.s32 s10, $0x1;
	s10 =	sld [smem:$0x3FB4];
	_ =	sdelay $0x3  }
0x34: {  	[smem:$0x3FB4] =	sst s10  }
0x35: {  	s10 =	sld [smem:$0x3FB3];
	_ =	sdelay $0x3  }
0x36: {  	p1 =	seq.s32 s10, $0x1;
	s10 =	sld [smem:$0x3FB4];
	_ =	sdelay $0x3  }
0x37: {  	[smem:$0x3FB4] =	sst s10  }
0x38: {  	s10 =	sld [smem:$0x3FB5]  }
0x39: {  	_ = 	snop;
	(pc) =	sbr.ind lr, $3  }
0x3a: {  	_ = 	snop  }
0x3b: {  	_ = 	snop  }
0x3c: {  	p2 =	seq.s32 s10, $0x1;
	s10 =	sld [smem:$0x3FB4]  }
0x3d: {  	_ =	shalt  }
0x3e: {  	_ =	shalt  }
0x3f: {  	_ =	shalt  }
0x40: {  	_ =	shalt  }
0x41: {  	_ =	shalt  }
0x42: {  	_ =	shalt  }
0x43: {  	_ =	shalt  }
0x44: {  	_ =	shalt  }
0x45: {  	_ =	shalt  }
0x46: {  	_ =	shalt  }
0x47: {  	_ =	shalt  }
0x48: {  	_ =	shalt  }
0x49: {  	_ =	shalt  }
0x4a: {  	_ =	shalt  }
0x4b: {  	_ =	shalt  }
0x4c: {  	_ =	shalt  }
0x4d: {  	_ =	shalt  }
0x4e: {  	_ =	shalt  }
0x4f: {  	_ =	shalt  }
0x50: {  	_ =	shalt  }
0x51: {  	_ =	shalt  }
0x52: {  	_ =	shalt  }
0x53: {  	_ =	shalt  }
0x54: {  	_ =	shalt  }
0x55: {  	_ =	shalt  }
0x56: {  	_ =	shalt  }
0x57: {  	_ =	shalt  }
0x58: {  	_ =	shalt  }
0x59: {  	_ =	shalt  }
0x5a: {  	_ =	shalt  }
0x5b: {  	_ =	shalt  }
0x5c: {  	_ =	shalt  }
0x5d: {  	_ =	shalt  }
0x5e: {  	_ =	shalt  }
0x5f: {  	_ =	shalt  }
0x60: {  	_ =	shalt  }
0x61: {  	_ =	shalt  }
0x62: {  	_ =	shalt  }
0x63: {  	_ =	shalt  }
0x64: {  	_ =	shalt  }
0x65: {  	_ =	shalt  }
0x66: {  	_ =	shalt  }
0x67: {  	_ =	shalt  }
0x68: {  	_ =	shalt  }
0x69: {  	_ =	shalt  }
0x6a: {  	_ =	shalt  }
0x6b: {  	_ =	shalt  }
0x6c: {  	_ =	shalt  }
0x6d: {  	_ =	shalt  }
0x6e: {  	_ =	shalt  }
0x6f: {  	_ =	shalt  }
0x70: {  	_ =	shalt  }
0x71: {  	_ =	shalt  }
0x72: {  	_ =	shalt  }
0x73: {  	_ =	shalt  }
0x74: {  	_ =	shalt  }
0x75: {  	_ =	shalt  }
0x76: {  	_ =	shalt  }
0x77: {  	_ =	shalt  }
0x78: {  	_ =	shalt  }
0x79: {  	_ =	shalt  }
0x7a: {  	_ =	shalt  }
0x7b: {  	_ =	shalt  }
0x7c: {  	_ =	shalt  }
0x7d: {  	_ =	shalt  }
0x7e: {  	_ =	shalt  }
0x7f: {  	_ =	shalt  }
0x80: {  	_ =	shalt  }
0x81: {  	_ =	shalt  }
0x82: {  	_ =	shalt  }
0x83: {  	_ =	shalt  }
0x84: {  	_ =	shalt  }
0x85: {  	_ =	shalt  }
0x86: {  	_ =	shalt  }
0x87: {  	_ =	shalt  }
.Lfunc_end0:
.L_simem_size_0:
called_computation.1_lowered:
.L_overlay_start_0:
0x88: {  	s2 =	sld [smem:$0x3FD9]  }
0x89: {  	s3 =	sld [smem:$0x3FFE];
	_ =	sdelay $0x1  }
0x8a: {  	s1 =	srdreg.scid  }
0x8b: {  	s0 =	sand.u32 $0x1, s1  }
0x8c: {  	s17 =	sshll.u32 s0, $0xA;
	s2 =	sadd.s32 s3, s2  }
0x8d: {  	s2 =	sadd.s32 s2, s17  }
0x8e: {  	[smem:$0x3FC0] =	sst s2  }
0x8f: {  	_ = 	snop  }
0x90: {  	s2 =	sld [smem:$0x3FD0];
	(tm) =	ssettm $0x1  }
0x91: {  	s18 =	sld [smem:$0x3FFB];
	_ =	sdelay $0x3  }
0x92: {  	_ =	strace s18  }
0x93: {  	s3 =	sld [smem:$0x3FFC];
	_ =	sdelay $0x3  }
0x94: {  	_ =	strace s3  }
0x95: {  	s3 =	sld [smem:$0x3FFD];
	_ =	sdelay $0x3  }
0x96: {  	_ =	strace s3  }
0x97: {  	_ =	strace $0x8FFFFFFF  }
0x98: {  	s19 =	sld [smem:$0x3FDB];
	_ =	sdelay $0x1  }
0x99: {  	s4 =	simm.s32 $_scs_section_size  }
0x9a: {  	s5 =	simm.s32 $_size__tile_overlayer_lowered;
	s6 =	simm.s32 $_tile_overlayer_lowered  }
0x9b: {  	s22 =	simm.s32 $0x1BFF;
	s21 =	sshll.u32 s6, $0x1;
	s3 =	sadd.s32 s4, s19  }
0x9c: {  	s7 =	simm.s32 $0x0;
	s20 =	sshll.u32 s5, $0x1;
	s5 =	sadd.s32 s21, s3  }
0x9d: {  	[timem:s7], [sflag:s22] =	dma.local [hbm:s5], s20  }
0x9e: {  	_ =	swait.ge [sflag:s22], s20  }
0x9f: {  	s4 =	ssub.s32 $0x0, s20;
	[sflag:s22] =	ssyncset.done $0x0  }
0xa0: {  	[sflag:s22] =	ssyncadd.s32 s4;
	_ =	sdelay $0x1  }
0xa1: {  	s23 =	simm.s32 $0x1B8B  }
0xa2: {  	_ =	swait.ge [sflag:s23], $0x1  }
0xa3: {  	[sflag:s23] =	ssyncset.done $0x0  }
0xa4: {  	s25 =	simm.s32 $0x1B8E;
	s24 =	sld [smem:$0x3FFE];
	[sflag:s23] =	ssyncadd.s32 $0xFFFFFFFF  }
0xa5: {  	s26 =	simm.s32 $execute0_lowered;
	[smem:$0x3FD2] =	sst s25  }
0xa6: {  	s5 =	sshll.u32 s26, $0x1;
	_ =	strace $0x80000046;
	[dreg:$0x1] =	wrdreg $0xFFFFFFFF  }
0xa7: {  	s28 =	simm.s32 $_size_execute0_lowered;
	s3 =	sadd.s32 s3, s5;
	[dreg:$0x0] =	wrdreg $0x0  }
0xa8: {  	s5 =	sshll.u32 s28, $0x1;
	[dreg:$0x2] =	wrdreg s3  }
0xa9: {  	[dreg:$0x3] =	wrdreg s5  }
0xaa: {  	[dreg:$0x4] =	wrdreg $0xC0  }
0xab: {  	_ =	task [dreg:s7], $0x5FFFF  }
0xac: {  	[dreg:$0x1] =	wrdreg $0xFFFFFFFF  }
0xad: {  	[dreg:$0x0] =	wrdreg $0x60  }
0xae: {  	[dreg:$0x2] =	wrdreg s24  }
0xaf: {  	[dreg:$0x3] =	wrdreg s2  }
0xb0: {  	[dreg:$0x4] =	wrdreg $0x58000  }
0xb1: {  	[dreg:$0x5] =	wrdreg $0xA  }
0xb2: {  	_ =	task.clear_ibuf [dreg:s7], $0x6FFFF;
	_ =	strace $0x90000046  }
0xb3: {  	s29 =	simm.s32 $0xA;
	_ =	strace $0x80000048  }
0xb4: {  	_ =	swait.ge [sflag:s29], $0x1  }
0xb5: {  	[sflag:s29] =	ssyncadd.s32 $0xFFFFFFFF  }
0xb6: {  	_ =	strace $0x90000048  }
0xb7: {  	_ =	sfence  }
0xb8: {  	s30 =	sld [smem:$0x0];
	_ =	sdelay $0x2  }
0xb9: {  	s31 =	sshll.u32 s1, $0xD;
	s1 =	sshrl.u32 s1, $0x2  }
0xba: {  	s3 =	sand.u32 $0x4000, s31;
	s1 =	sadd.s32 s1, s30  }
0xbb: {  	s0 =	sor.u32 s3, s0;
	s1 =	sshll.u32 s1, $0x11  }
0xbc: {  	s0 =	sor.u32 s1, s0  }
0xbd: {  	s0 =	sadd.s32 $0x8F2B, s0  }
0xbe: {  	[sflag:s0] =	ssyncadd.remote.s32 $0x1  }
0xbf: {  	_ =	sfence.sel $0xFFFF  }
0xc0: {  	[dreg:$0x0] =	wrdreg $0xFFFFFFFF;
	(pc) =	sbr.abs _section_cstart, $3  }
0xc1: {  	[dreg:$0x1] =	wrdreg $0xFFFFFFFF  }
0xc2: {  	_ =	task.clear_ibuf [dreg:s7], $0x2FFFF;
	_ =	strace $0x9FFFFFFF  }
0xc3: {  	(tm) =	ssettm $0x7FFFFFFF  }
tec
execute0_lowered:
.L_overlay_start_1:
0x0: {  	(tag) =	ssettag $0x1  }
0x1: {  	s0 =	rddreg [dreg:$0x0]  }
0x2: {  	s1 =	rddreg [dreg:$0x1]  }
0x3: {  	s2 =	rddreg [dreg:$0x2]  }
0x4: {  	s4 =	simm.s32 $0x0;
	s3 =	srdreg.scid;
	s10 =	stileid.u32  }
0x5: {  	[smem:$0x7FF] =	sst s4;
	s3 =	sand.u32 $0x1, s3;
	s5 =	sadd.s32 $0x22800, s0  }
0x6: {  	s6 =	sadd.s32 $0x2800, s0;
	s0 =	sadd.s32 $0x42800, s0;
	s8 =	sshll.u32 s10, $0xD  }
0x7: {  	_ =	strace $0x80000047;
	[dreg:$0x4] =	wrdreg s0;
	s19 =	sshll.u32 s3, $0x1  }
0x8: {  	s9 =	smul.u32 $0x61A80, s10;
	s20 =	sadd.s32 s5, s8;
	[dreg:$0x5] =	wrdreg s19  }
0x9: {  	s7 =	ssub.s32 $0x2, s3;
	s21 =	sadd.s32 s1, s8;
	[dreg:$0x7] =	wrdreg s20  }
0xa: {  	s22 =	sadd.s32 s6, s8;
	s23 =	sor.u32 $0x100, s8;
	[dreg:$0x8] =	wrdreg s21  }
0xb: {  	s17 =	sshrl.u32 s7, $0x1;
	[dreg:$0x9] =	wrdreg s22;
	s11 =	sadd.s32 s5, s23  }
0xc: {  	s18 =	sshrl.u32 s9, $0x2;
	s24 =	sadd.s32 s1, s23;
	[dreg:$0xa] =	wrdreg s11  }
0xd: {  	s0 =	ssub.s32 s7, s17;
	[dreg:$0xb] =	wrdreg s24;
	s7 =	sadd.s32 s6, s23  }
0xe: {  	s9 =	sadd.s32 s18, s2;
	[dreg:$0xc] =	wrdreg s7  }
0xf: {  	s0 =	smax.u32 s0, $0x1;
	[dreg:$0x6] =	wrdreg s9  }
0x10: {  	s26 =	sadd.s32 $0x1388, s9;
	[dreg:$0xd] =	wrdreg s0  }
0x11: {  	s31 =	sadd.s32 $0x2710, s9;
	[dreg:$0xe] =	wrdreg s26  }
0x12: {  	s25 =	smul.u32 $0x186A0, s10;
	s10 =	sadd.s32 $0x3A98, s9;
	[dreg:$0xf] =	wrdreg s31  }
0x13: {  	s12 =	sadd.s32 $0x4E20, s9;
	[dreg:$0x10] =	wrdreg s10  }
0x14: {  	s13 =	sadd.s32 $0x61A8, s9;
	[dreg:$0x11] =	wrdreg s12  }
0x15: {  	s14 =	sadd.s32 $0x7530, s9;
	[dreg:$0x12] =	wrdreg s13  }
0x16: {  	s15 =	sadd.s32 $0x88B8, s9;
	[dreg:$0x13] =	wrdreg s14  }
0x17: {  	s16 =	sadd.s32 $0x9C40, s9;
	[dreg:$0x15] =	wrdreg s15  }
0x18: {  	s17 =	sadd.s32 $0xAFC8, s9;
	[dreg:$0x16] =	wrdreg s16  }
0x19: {  	s18 =	sadd.s32 $0xC350, s9;
	[dreg:$0x17] =	wrdreg s17  }
0x1a: {  	s19 =	sadd.s32 $0xD6D8, s9;
	[dreg:$0x18] =	wrdreg s18  }
0x1b: {  	s20 =	sadd.s32 $0xEA60, s9;
	[dreg:$0x19] =	wrdreg s19  }
0x1c: {  	s28 =	simm.s32 $0x3;
	s21 =	sadd.s32 $0xFDE8, s9;
	[dreg:$0x1a] =	wrdreg s20  }
0x1d: {  	s29 =	simm.s32 $0x4;
	s22 =	sadd.s32 $0x11170, s9;
	[dreg:$0x1b] =	wrdreg s21  }
0x1e: {  	s11 =	smul.u32 $0x30D400, s3;
	s23 =	sadd.s32 $0x124F8, s9;
	[dreg:$0x1c] =	wrdreg s22  }
0x1f: {  	s30 =	simm.s32 $0x4400;
	s24 =	sadd.s32 $0x13880, s9;
	[dreg:$0x1d] =	wrdreg s23  }
0x20: {  	s3 =	simm.s32 $0x0;
	s0 =	sadd.s32 s25, s11;
	[dreg:$0x1e] =	wrdreg s24  }
0x21: {  	s25 =	sadd.s32 $0x14C08, s9;
	s26 =	sadd.s32 $0x15F90, s9;
	s31 =	sadd.s32 $0x17318, s9  }
0x22: {  	s14 =	simm.s32 $0x5;
	s16 =	simm.s32 $0x1000;
	s18 =	simm.s32 $0x1800  }
0x23: {  	s20 =	simm.s32 $0x2800;
	s21 =	simm.s32 $0x1;
	s22 =	simm.s32 $0x80  }
0x24: {  	s17 =	simm.s32 $0x2;
	s11 =	simm.s32 $0x1D80;
	s12 =	simm.s32 $0x2D80  }
0x25: {  	s10 =	simm.s32 $0x1E00;
	s13 =	simm.s32 $0x2E00;
	[dreg:$0x14] =	wrdreg s0  }
0x26: {  	s15 =	simm.s32 $0x1E80;
	s19 =	simm.s32 $0x2E80;
	[dreg:$0x1f] =	wrdreg s25  }
0x27: {  	s23 =	simm.s32 $0x1F00;
	s24 =	simm.s32 $0x2F00;
	[smem:$0x7FC] =	sst s26  }
0x28: {  	v0 =	vimm.f32 $0.0e+00;
	[smem:$0x7FD] =	sst s31;
	s25 =	simm.s32 $0x1F80;
	s26 =	simm.s32 $0x2F80  }
.LBB2_1:
0x29: {  	[smem:$0x7FB] =	sst s3;
	s0 =	simm.s32 $0x0  }
.LBB2_2:
0x2a: {  	p0 =	sne.s32 s0, $0x4E00  }
.Ltmp0:
0x2b: {  	_ = 	snop;
	(pc) =	sbr.rel @p0 .LBB2_2-.Ltmp0, $3  }
0x2c: {  	_ =	sdelay $0x1  }
0x2d: {  	s3 =	sshra.s32 s0, $0x2  }
0x2e: {  	s0 =	sadd.s32 $0x40, s0;
	[tilespmem:s3+$0x3000] =	vst v0  }
0x2f: {  	p1 =	por $0x1, $0x1;
	s7 =	simm.s32 $0x0  }
.LBB2_4:
0x30: {  	s0 =	rddreg [dreg:$0x6];
	s3 =	simm.s32 $0x3000  }
0x31: {  	[spmem:s0] =	stream.linear.scatter [tilespmem:s3], [sflag:$0x5], $0x1388, $0x38;
	[tilespmem:$0x1DEA8] =	vst v63  }
0x32: {  	_ =	swait.ge [sflag:s14], $0x1388  }
0x33: {  	[sflag:s14] =	ssyncset.done $0x0  }
0x34: {  	s9 =	rddreg [dreg:$0xe];
	[sflag:s14] =	ssyncadd.s32 $0xFFFFEC78  }
0x35: {  	[spmem:s9] =	stream.linear.scatter [tilespmem:s3], [sflag:$0x5], $0x1388, $0x38;
	[tilespmem:$0x1DEA8] =	vst v63  }
0x36: {  	_ =	swait.ge [sflag:s14], $0x1388  }
0x37: {  	[sflag:s14] =	ssyncset.done $0x0  }
0x38: {  	s9 =	rddreg [dreg:$0xf];
	[sflag:s14] =	ssyncadd.s32 $0xFFFFEC78  }
0x39: {  	[spmem:s9] =	stream.linear.scatter [tilespmem:s3], [sflag:$0x5], $0x1388, $0x38;
	[tilespmem:$0x1DEA8] =	vst v63  }
0x3a: {  	_ =	swait.ge [sflag:s14], $0x1388  }
0x3b: {  	[sflag:s14] =	ssyncset.done $0x0  }
0x3c: {  	s9 =	rddreg [dreg:$0x10];
	[sflag:s14] =	ssyncadd.s32 $0xFFFFEC78  }
0x3d: {  	[spmem:s9] =	stream.linear.scatter [tilespmem:s3], [sflag:$0x5], $0x1388, $0x38;
	[tilespmem:$0x1DEA8] =	vst v63  }
0x3e: {  	_ =	swait.ge [sflag:s14], $0x1388  }
0x3f: {  	[sflag:s14] =	ssyncset.done $0x0  }
0x40: {  	s9 =	rddreg [dreg:$0x11];
	[sflag:s14] =	ssyncadd.s32 $0xFFFFEC78  }
0x41: {  	[spmem:s9] =	stream.linear.scatter [tilespmem:s3], [sflag:$0x5], $0x1388, $0x38;
	[tilespmem:$0x1DEA8] =	vst v63  }
0x42: {  	_ =	swait.ge [sflag:s14], $0x1388  }
0x43: {  	[sflag:s14] =	ssyncset.done $0x0  }
0x44: {  	s9 =	rddreg [dreg:$0x12];
	[sflag:s14] =	ssyncadd.s32 $0xFFFFEC78  }
0x45: {  	[spmem:s9] =	stream.linear.scatter [tilespmem:s3], [sflag:$0x5], $0x1388, $0x38;
	[tilespmem:$0x1DEA8] =	vst v63  }
0x46: {  	_ =	swait.ge [sflag:s14], $0x1388  }
0x47: {  	[sflag:s14] =	ssyncset.done $0x0  }
0x48: {  	s9 =	rddreg [dreg:$0x13];
	[sflag:s14] =	ssyncadd.s32 $0xFFFFEC78  }
0x49: {  	[spmem:s9] =	stream.linear.scatter [tilespmem:s3], [sflag:$0x5], $0x1388, $0x38;
	[tilespmem:$0x1DEA8] =	vst v63  }
0x4a: {  	_ =	swait.ge [sflag:s14], $0x1388  }
0x4b: {  	[sflag:s14] =	ssyncset.done $0x0  }
0x4c: {  	s9 =	rddreg [dreg:$0x15];
	[sflag:s14] =	ssyncadd.s32 $0xFFFFEC78  }
0x4d: {  	[spmem:s9] =	stream.linear.scatter [tilespmem:s3], [sflag:$0x5], $0x1388, $0x38;
	[tilespmem:$0x1DEA8] =	vst v63  }
0x4e: {  	_ =	swait.ge [sflag:s14], $0x1388  }
0x4f: {  	[sflag:s14] =	ssyncset.done $0x0  }
0x50: {  	s9 =	rddreg [dreg:$0x16];
	[sflag:s14] =	ssyncadd.s32 $0xFFFFEC78  }
0x51: {  	[spmem:s9] =	stream.linear.scatter [tilespmem:s3], [sflag:$0x5], $0x1388, $0x38;
	[tilespmem:$0x1DEA8] =	vst v63  }
0x52: {  	_ =	swait.ge [sflag:s14], $0x1388  }
0x53: {  	[sflag:s14] =	ssyncset.done $0x0  }
0x54: {  	s9 =	rddreg [dreg:$0x17];
	[sflag:s14] =	ssyncadd.s32 $0xFFFFEC78  }
0x55: {  	[spmem:s9] =	stream.linear.scatter [tilespmem:s3], [sflag:$0x5], $0x1388, $0x38;
	[tilespmem:$0x1DEA8] =	vst v63  }
0x56: {  	_ =	swait.ge [sflag:s14], $0x1388  }
0x57: {  	[sflag:s14] =	ssyncset.done $0x0  }
0x58: {  	s9 =	rddreg [dreg:$0x18];
	[sflag:s14] =	ssyncadd.s32 $0xFFFFEC78  }
0x59: {  	[spmem:s9] =	stream.linear.scatter [tilespmem:s3], [sflag:$0x5], $0x1388, $0x38;
	[tilespmem:$0x1DEA8] =	vst v63  }
0x5a: {  	_ =	swait.ge [sflag:s14], $0x1388  }
0x5b: {  	[sflag:s14] =	ssyncset.done $0x0  }
0x5c: {  	s9 =	rddreg [dreg:$0x19];
	[sflag:s14] =	ssyncadd.s32 $0xFFFFEC78  }
0x5d: {  	[spmem:s9] =	stream.linear.scatter [tilespmem:s3], [sflag:$0x5], $0x1388, $0x38;
	[tilespmem:$0x1DEA8] =	vst v63  }
0x5e: {  	_ =	swait.ge [sflag:s14], $0x1388  }
0x5f: {  	[sflag:s14] =	ssyncset.done $0x0  }
0x60: {  	s9 =	rddreg [dreg:$0x1a];
	[sflag:s14] =	ssyncadd.s32 $0xFFFFEC78  }
0x61: {  	[spmem:s9] =	stream.linear.scatter [tilespmem:s3], [sflag:$0x5], $0x1388, $0x38;
	[tilespmem:$0x1DEA8] =	vst v63  }
0x62: {  	_ =	swait.ge [sflag:s14], $0x1388  }
0x63: {  	[sflag:s14] =	ssyncset.done $0x0  }
0x64: {  	s9 =	rddreg [dreg:$0x1b];
	[sflag:s14] =	ssyncadd.s32 $0xFFFFEC78  }
0x65: {  	[spmem:s9] =	stream.linear.scatter [tilespmem:s3], [sflag:$0x5], $0x1388, $0x38;
	[tilespmem:$0x1DEA8] =	vst v63  }
0x66: {  	_ =	swait.ge [sflag:s14], $0x1388  }
0x67: {  	[sflag:s14] =	ssyncset.done $0x0  }
0x68: {  	s9 =	rddreg [dreg:$0x1c];
	[sflag:s14] =	ssyncadd.s32 $0xFFFFEC78  }
0x69: {  	[spmem:s9] =	stream.linear.scatter [tilespmem:s3], [sflag:$0x5], $0x1388, $0x38;
	[tilespmem:$0x1DEA8] =	vst v63  }
0x6a: {  	_ =	swait.ge [sflag:s14], $0x1388  }
0x6b: {  	[sflag:s14] =	ssyncset.done $0x0  }
0x6c: {  	s9 =	rddreg [dreg:$0x1d];
	[sflag:s14] =	ssyncadd.s32 $0xFFFFEC78  }
0x6d: {  	[spmem:s9] =	stream.linear.scatter [tilespmem:s3], [sflag:$0x5], $0x1388, $0x38;
	[tilespmem:$0x1DEA8] =	vst v63  }
0x6e: {  	_ =	swait.ge [sflag:s14], $0x1388  }
0x6f: {  	[sflag:s14] =	ssyncset.done $0x0  }
0x70: {  	s9 =	rddreg [dreg:$0x1e];
	[sflag:s14] =	ssyncadd.s32 $0xFFFFEC78  }
0x71: {  	[spmem:s9] =	stream.linear.scatter [tilespmem:s3], [sflag:$0x5], $0x1388, $0x38;
	[tilespmem:$0x1DEA8] =	vst v63  }
0x72: {  	_ =	swait.ge [sflag:s14], $0x1388  }
0x73: {  	[sflag:s14] =	ssyncset.done $0x0  }
0x74: {  	s9 =	rddreg [dreg:$0x1f];
	[sflag:s14] =	ssyncadd.s32 $0xFFFFEC78  }
0x75: {  	[spmem:s9] =	stream.linear.scatter [tilespmem:s3], [sflag:$0x5], $0x1388, $0x38;
	[tilespmem:$0x1DEA8] =	vst v63  }
0x76: {  	_ =	swait.ge [sflag:s14], $0x1388  }
0x77: {  	s9 =	sld [smem:$0x7FC]  }
0x78: {  	[sflag:s14] =	ssyncset.done $0x0  }
0x79: {  	[sflag:s14] =	ssyncadd.s32 $0xFFFFEC78  }
0x7a: {  	[spmem:s9] =	stream.linear.scatter [tilespmem:s3], [sflag:$0x5], $0x1388, $0x38;
	[tilespmem:$0x1DEA8] =	vst v63  }
0x7b: {  	_ =	swait.ge [sflag:s14], $0x1388  }
0x7c: {  	s9 =	sld [smem:$0x7FD]  }
0x7d: {  	[sflag:s14] =	ssyncset.done $0x0  }
0x7e: {  	[sflag:s14] =	ssyncadd.s32 $0xFFFFEC78  }
0x7f: {  	[spmem:s9] =	stream.linear.scatter [tilespmem:s3], [sflag:$0x5], $0x1388, $0x38;
	[tilespmem:$0x1DEA8] =	vst v63  }
0x80: {  	_ =	swait.ge [sflag:s14], $0x1388  }
0x81: {  	[sflag:s14] =	ssyncset.done $0x0  }
0x82: {  	[sflag:s14] =	ssyncadd.s32 $0xFFFFEC78  }
0x83: {  	[bflag:$0x0] =	sbarrier.arrive $0xFFFF  }
0x84: {  	s3 =	rddreg [dreg:$0x7]  }
0x85: {  	s9 =	simm.s32 $0x0;
	s0 =	rddreg [dreg:$0x8]  }
0x86: {  	[tilespmem:s9], [sflag:$0x1] =	stream.linear.gather [hbm4b:s3+s9], $0x800, $0x38;
	[tilespmem:$0x1DEA8] =	vst v63  }
0x87: {  	[smem:$0x7FA] =	sst s7;
	s3 =	simm.s32 $0x800  }
0x88: {  	[tilespmem:s3], [sflag:$0x1] =	stream.linear.gather [hbm4b:s0+s9], $0x800, $0x38;
	[tilespmem:$0x1DEA8] =	vst v63  }
0x89: {  	s3 =	rddreg [dreg:$0x9]  }
0x8a: {  	[tilespmem:s16], [sflag:$0x1] =	stream.linear.gather [hbm4b:s3+s9], $0x800, $0x38;
	[tilespmem:$0x1DEA8] =	vst v63  }
0x8b: {  	s3 =	rddreg [dreg:$0xa]  }
0x8c: {  	[tilespmem:s18], [sflag:$0x2] =	stream.linear.gather [hbm4b:s3+s9], $0x800, $0x38;
	[tilespmem:$0x1DEA8] =	vst v63  }
0x8d: {  	s3 =	rddreg [dreg:$0x5]  }
0x8e: {  	s0 =	sor.u32 s3, s7;
	s3 =	rddreg [dreg:$0xb];
	s7 =	simm.s32 $0x2000  }
0x8f: {  	[tilespmem:s7], [sflag:$0x2] =	stream.linear.gather [hbm4b:s3+s9], $0x800, $0x38;
	[tilespmem:$0x1DEA8] =	vst v63  }
0x90: {  	s0 =	smul.u32 $0x30D4, s0  }
0x91: {  	p0 =	por p1, p1;
	s31 =	simm.s32 $0x0;
	s7 =	rddreg [dreg:$0xc]  }
0x92: {  	[tilespmem:s20], [sflag:$0x2] =	stream.linear.gather [hbm4b:s7+s9], $0x800, $0x38;
	v1 =	vmov s0;
	[tilespmem:$0x1DEA8] =	vst v63  }
.LBB2_5:
0x93: {  	_ =	swait.ge [sflag:s21], $0x800  }
0x94: {  	[sflag:s21] =	ssyncset.done $0x0  }
0x95: {  	[sflag:s21] =	ssyncadd.s32 $0xFFFFF800  }
0x96: {  	_ =	swait.ge [sflag:s21], $0x800  }
0x97: {  	[sflag:s21] =	ssyncset.done $0x0  }
0x98: {  	[sflag:s21] =	ssyncadd.s32 $0xFFFFF800  }
0x99: {  	_ =	swait.ge [sflag:s21], $0x800  }
0x9a: {  	[sflag:s21] =	ssyncset.done $0x0  }
0x9b: {  	s0 =	simm.s32 $0x0;
	[sflag:s21] =	ssyncadd.s32 $0xFFFFF800  }
0x9c: {  	v6 =	vld [tilespmem:s0+$0x800]  }
0x9d: {  	v4 =	vld [tilespmem:s0+$0x810]  }
0x9e: {  	v2 =	vld [tilespmem:s0+$0x820]  }
0x9f: {  	v5 =	vld [tilespmem:s0+$0x0]  }
0xa0: {  	v7 =	vld [tilespmem:s0+$0x10]  }
0xa1: {  	v3 =	vld [tilespmem:s0+$0x830]  }
0xa2: {  	v12 =	vld [tilespmem:s0+$0x20]  }
0xa3: {  	v9 =	vld [tilespmem:s0+$0x30]  }
0xa4: {  	v8 =	vld [tilespmem:s0+$0x40];
	v5 =	vsub.s32 v5, v1  }
0xa5: {  	v7 =	vsub.s32 v7, v1;
	v10 =	vmin.u32 v5, $0x30D4;
	v5 =	vld [tilespmem:s0+$0x840]  }
0xa6: {  	v11 =	vmin.u32 v7, $0x30D4;
	v7 =	vld [tilespmem:s0+$0x50];
	v10 =	vshll.u32 v10, $0x7  }
0xa7: {  	s3 =	simm.s32 $0x200;
	v12 =	vsub.s32 v12, v1;
	v11 =	vshll.u32 v11, $0x7;
	v10 =	vadd.s32 v6, v10;
	v6 =	vld [tilespmem:s0+$0x60]  }
.LBB2_6:
0xa8: {  	p1 =	sne.s32 s3, $0x1E00;
	v4 =	vadd.s32 v4, v11;
	v11 =	vmin.u32 v12, $0x30D4;
	v9 =	vsub.s32 v9, v1;
	v12 =	vld [tilespmem:s0+$0x70]  }
0xa9: {  	v11 =	vshll.u32 v11, $0x7;
	v9 =	vmin.u32 v9, $0x30D4;
	v8 =	vsub.s32 v8, v1;
	v13 =	vld [tilespmem:s0+$0x850]  }
0xaa: {  	[tilespmem:s0+$0x0] =	vst v10;
	v2 =	vadd.s32 v2, v11;
	v9 =	vshll.u32 v9, $0x7;
	v8 =	vmin.u32 v8, $0x30D4;
	v10 =	vld [tilespmem:s0+$0x860]  }
0xab: {  	s7 =	sshra.s32 s3, $0x2;
	[tilespmem:s0+$0x10] =	vst v4;
	v3 =	vadd.s32 v3, v9;
	v4 =	vshll.u32 v8, $0x7;
	v7 =	vsub.s32 v7, v1;
	v8 =	vld [tilespmem:s0+$0x870]  }
0xac: {  	v11 =	vld [tilespmem:s7+$0x800];
	[tilespmem:s0+$0x20] =	vst v2;
	v5 =	vadd.s32 v5, v4;
	v2 =	vmin.u32 v7, $0x30D4;
	v6 =	vsub.s32 v6, v1  }
0xad: {  	v4 =	vld [tilespmem:s7+$0x810];
	[tilespmem:s0+$0x30] =	vst v3;
	v3 =	vshll.u32 v2, $0x7;
	v6 =	vmin.u32 v6, $0x30D4;
	v7 =	vsub.s32 v12, v1  }
0xae: {  	v2 =	vld [tilespmem:s7+$0x820];
	[tilespmem:s0+$0x40] =	vst v5;
	v3 =	vadd.s32 v13, v3;
	v5 =	vshll.u32 v6, $0x7;
	v6 =	vmin.u32 v7, $0x30D4  }
0xaf: {  	v7 =	vld [tilespmem:s7+$0x0];
	[tilespmem:s0+$0x50] =	vst v3;
	v3 =	vadd.s32 v10, v5;
	v5 =	vshll.u32 v6, $0x7  }
0xb0: {  	v6 =	vld [tilespmem:s7+$0x10];
	[tilespmem:s0+$0x60] =	vst v3;
	v5 =	vadd.s32 v8, v5  }
0xb1: {  	v3 =	vld [tilespmem:s7+$0x830];
	[tilespmem:s0+$0x70] =	vst v5;
	s0 =	smov.u32 s7  }
0xb2: {  	v12 =	vld [tilespmem:s0+$0x20]  }
.Ltmp1:
0xb3: {  	v9 =	vld [tilespmem:s0+$0x30];
	(pc) =	sbr.rel @p1 .LBB2_6-.Ltmp1, $4  }
0xb4: {  	v5 =	vsub.s32 v7, v1;
	v8 =	vld [tilespmem:s0+$0x40]  }
0xb5: {  	v7 =	vmin.u32 v5, $0x30D4;
	v6 =	vsub.s32 v6, v1;
	v5 =	vld [tilespmem:s0+$0x840]  }
0xb6: {  	v10 =	vshll.u32 v7, $0x7;
	v6 =	vmin.u32 v6, $0x30D4;
	v7 =	vld [tilespmem:s0+$0x50]  }
0xb7: {  	s3 =	sadd.s32 $0x200, s3;
	v10 =	vadd.s32 v11, v10;
	v11 =	vshll.u32 v6, $0x7;
	v12 =	vsub.s32 v12, v1;
	v6 =	vld [tilespmem:s0+$0x60]  }
0xb8: {  	v13 =	vld [tilespmem:s0+$0x70];
	v4 =	vadd.s32 v4, v11;
	v11 =	vmin.u32 v12, $0x30D4;
	v9 =	vsub.s32 v9, v1  }
0xb9: {  	v14 =	vld [tilespmem:s0+$0x850];
	[tilespmem:s0+$0x0] =	vst v10;
	v10 =	vshll.u32 v11, $0x7;
	v9 =	vmin.u32 v9, $0x30D4;
	v8 =	vsub.s32 v8, v1  }
0xba: {  	v11 =	vld [tilespmem:s0+$0x860];
	v2 =	vadd.s32 v2, v10;
	v9 =	vshll.u32 v9, $0x7;
	v8 =	vmin.u32 v8, $0x30D4  }
0xbb: {  	[tilespmem:s0+$0x10] =	vst v4;
	v3 =	vadd.s32 v3, v9;
	v4 =	vshll.u32 v8, $0x7;
	v7 =	vsub.s32 v7, v1;
	v8 =	vld [tilespmem:s0+$0x870]  }
0xbc: {  	[tilespmem:s0+$0x20] =	vst v2;
	v2 =	vadd.s32 v5, v4;
	v4 =	vmin.u32 v7, $0x30D4;
	v5 =	vsub.s32 v6, v1  }
0xbd: {  	[tilespmem:s0+$0x30] =	vst v3;
	v3 =	vshll.u32 v4, $0x7;
	v4 =	vmin.u32 v5, $0x30D4;
	v5 =	vsub.s32 v13, v1  }
0xbe: {  	[tilespmem:s0+$0x40] =	vst v2;
	v2 =	vadd.s32 v14, v3;
	v3 =	vshll.u32 v4, $0x7;
	v4 =	vmin.u32 v5, $0x30D4  }
0xbf: {  	[tilespmem:s0+$0x50] =	vst v2;
	v2 =	vadd.s32 v11, v3;
	v3 =	vshll.u32 v4, $0x7  }
0xc0: {  	[tilespmem:s0+$0x60] =	vst v2;
	v2 =	vadd.s32 v8, v3  }
0xc1: {  	s3 =	simm.s32 $0x0;
	[tilespmem:s0+$0x70] =	vst v2  }
0xc2: {  	[spmem:s2] =	stream.indirect.scatter.add.f32 [tilespmem:s16], [sflag:$0x3], $0x1, s3, s22, $0xb8;
	[tilespmem:$0x1DEA8] =	vst v63  }
0xc3: {  	s7 =	simm.s32 $0x1080  }
0xc4: {  	[spmem:s2] =	stream.indirect.scatter.add.f32 [tilespmem:s7], [sflag:$0x3], $0x1, s22, s22, $0xb8;
	[tilespmem:$0x1DEA8] =	vst v63  }
0xc5: {  	s9 =	simm.s32 $0x100;
	s3 =	simm.s32 $0x1100  }
0xc6: {  	[spmem:s2] =	stream.indirect.scatter.add.f32 [tilespmem:s3], [sflag:$0x3], $0x1, s9, s22, $0xb8;
	[tilespmem:$0x1DEA8] =	vst v63  }
0xc7: {  	s7 =	simm.s32 $0x180;
	s9 =	simm.s32 $0x1180  }
0xc8: {  	[spmem:s2] =	stream.indirect.scatter.add.f32 [tilespmem:s9], [sflag:$0x3], $0x1, s7, s22, $0xb8;
	[tilespmem:$0x1DEA8] =	vst v63  }
0xc9: {  	s7 =	simm.s32 $0x200;
	s9 =	simm.s32 $0x1200  }
0xca: {  	[spmem:s2] =	stream.indirect.scatter.add.f32 [tilespmem:s9], [sflag:$0x3], $0x1, s7, s22, $0xb8;
	[tilespmem:$0x1DEA8] =	vst v63  }
0xcb: {  	s7 =	simm.s32 $0x280;
	s9 =	simm.s32 $0x1280  }
0xcc: {  	[spmem:s2] =	stream.indirect.scatter.add.f32 [tilespmem:s9], [sflag:$0x3], $0x1, s7, s22, $0xb8;
	[tilespmem:$0x1DEA8] =	vst v63  }
0xcd: {  	s7 =	simm.s32 $0x300;
	s9 =	simm.s32 $0x1300  }
0xce: {  	[spmem:s2] =	stream.indirect.scatter.add.f32 [tilespmem:s9], [sflag:$0x3], $0x1, s7, s22, $0xb8;
	[tilespmem:$0x1DEA8] =	vst v63  }
0xcf: {  	s7 =	simm.s32 $0x380;
	s9 =	simm.s32 $0x1380  }
0xd0: {  	[spmem:s2] =	stream.indirect.scatter.add.f32 [tilespmem:s9], [sflag:$0x3], $0x1, s7, s22, $0xb8;
	[tilespmem:$0x1DEA8] =	vst v63  }
0xd1: {  	s7 =	simm.s32 $0x400;
	s9 =	simm.s32 $0x1400  }
0xd2: {  	[spmem:s2] =	stream.indirect.scatter.add.f32 [tilespmem:s9], [sflag:$0x3], $0x1, s7, s22, $0xb8;
	[tilespmem:$0x1DEA8] =	vst v63  }
0xd3: {  	s7 =	simm.s32 $0x480;
	s9 =	simm.s32 $0x1480  }
0xd4: {  	[spmem:s2] =	stream.indirect.scatter.add.f32 [tilespmem:s9], [sflag:$0x3], $0x1, s7, s22, $0xb8;
	[tilespmem:$0x1DEA8] =	vst v63  }
0xd5: {  	s7 =	simm.s32 $0x500;
	s9 =	simm.s32 $0x1500  }
0xd6: {  	[spmem:s2] =	stream.indirect.scatter.add.f32 [tilespmem:s9], [sflag:$0x3], $0x1, s7, s22, $0xb8;
	[tilespmem:$0x1DEA8] =	vst v63  }
0xd7: {  	s7 =	simm.s32 $0x580;
	s9 =	simm.s32 $0x1580  }
0xd8: {  	[spmem:s2] =	stream.indirect.scatter.add.f32 [tilespmem:s9], [sflag:$0x3], $0x1, s7, s22, $0xb8;
	[tilespmem:$0x1DEA8] =	vst v63  }
0xd9: {  	s7 =	simm.s32 $0x600;
	s9 =	simm.s32 $0x1600  }
0xda: {  	[spmem:s2] =	stream.indirect.scatter.add.f32 [tilespmem:s9], [sflag:$0x3], $0x1, s7, s22, $0xb8;
	[tilespmem:$0x1DEA8] =	vst v63  }
0xdb: {  	s7 =	simm.s32 $0x680;
	s9 =	simm.s32 $0x1680  }
0xdc: {  	[spmem:s2] =	stream.indirect.scatter.add.f32 [tilespmem:s9], [sflag:$0x3], $0x1, s7, s22, $0xb8;
	[tilespmem:$0x1DEA8] =	vst v63  }
0xdd: {  	s7 =	simm.s32 $0x700;
	s9 =	simm.s32 $0x1700  }
0xde: {  	[spmem:s2] =	stream.indirect.scatter.add.f32 [tilespmem:s9], [sflag:$0x3], $0x1, s7, s22, $0xb8;
	[tilespmem:$0x1DEA8] =	vst v63  }
0xdf: {  	s7 =	simm.s32 $0x780;
	s9 =	simm.s32 $0x1780  }
0xe0: {  	[spmem:s2] =	stream.indirect.scatter.add.f32 [tilespmem:s9], [sflag:$0x3], $0x1, s7, s22, $0xb8;
	[tilespmem:$0x1DEA8] =	vst v63  }
0xe1: {  	_ =	swait.ge [sflag:s17], $0x800  }
0xe2: {  	[sflag:s17] =	ssyncset.done $0x0  }
0xe3: {  	[sflag:s17] =	ssyncadd.s32 $0xFFFFF800  }
0xe4: {  	_ =	swait.ge [sflag:s17], $0x800  }
0xe5: {  	[sflag:s17] =	ssyncset.done $0x0  }
0xe6: {  	[sflag:s17] =	ssyncadd.s32 $0xFFFFF800  }
0xe7: {  	_ =	swait.ge [sflag:s17], $0x800  }
0xe8: {  	[sflag:s17] =	ssyncset.done $0x0  }
0xe9: {  	s0 =	simm.s32 $0x0;
	[sflag:s17] =	ssyncadd.s32 $0xFFFFF800  }
0xea: {  	v6 =	vld [tilespmem:s0+$0x2000]  }
0xeb: {  	v4 =	vld [tilespmem:s0+$0x2010]  }
0xec: {  	v2 =	vld [tilespmem:s0+$0x2020]  }
0xed: {  	v5 =	vld [tilespmem:s0+$0x1800]  }
0xee: {  	v7 =	vld [tilespmem:s0+$0x1810]  }
0xef: {  	v3 =	vld [tilespmem:s0+$0x2030]  }
0xf0: {  	v12 =	vld [tilespmem:s0+$0x1820]  }
0xf1: {  	v9 =	vld [tilespmem:s0+$0x1830]  }
0xf2: {  	v8 =	vld [tilespmem:s0+$0x1840];
	v5 =	vsub.s32 v5, v1  }
0xf3: {  	v7 =	vsub.s32 v7, v1;
	v10 =	vmin.u32 v5, $0x30D4;
	v5 =	vld [tilespmem:s0+$0x2040]  }
0xf4: {  	v11 =	vmin.u32 v7, $0x30D4;
	v7 =	vld [tilespmem:s0+$0x1850];
	v10 =	vshll.u32 v10, $0x7  }
0xf5: {  	s3 =	simm.s32 $0x200;
	v12 =	vsub.s32 v12, v1;
	v11 =	vshll.u32 v11, $0x7;
	v10 =	vadd.s32 v6, v10;
	v6 =	vld [tilespmem:s0+$0x1860]  }
.LBB2_8:
0xf6: {  	p1 =	sne.s32 s3, $0x1E00;
	v4 =	vadd.s32 v4, v11;
	v11 =	vmin.u32 v12, $0x30D4;
	v9 =	vsub.s32 v9, v1;
	v12 =	vld [tilespmem:s0+$0x1870]  }
0xf7: {  	v11 =	vshll.u32 v11, $0x7;
	v9 =	vmin.u32 v9, $0x30D4;
	v8 =	vsub.s32 v8, v1;
	v13 =	vld [tilespmem:s0+$0x2050]  }
0xf8: {  	[tilespmem:s0+$0x1800] =	vst v10;
	v2 =	vadd.s32 v2, v11;
	v9 =	vshll.u32 v9, $0x7;
	v8 =	vmin.u32 v8, $0x30D4;
	v10 =	vld [tilespmem:s0+$0x2060]  }
0xf9: {  	s7 =	sshra.s32 s3, $0x2;
	[tilespmem:s0+$0x1810] =	vst v4;
	v3 =	vadd.s32 v3, v9;
	v4 =	vshll.u32 v8, $0x7;
	v7 =	vsub.s32 v7, v1;
	v8 =	vld [tilespmem:s0+$0x2070]  }
0xfa: {  	v11 =	vld [tilespmem:s7+$0x2000];
	[tilespmem:s0+$0x1820] =	vst v2;
	v5 =	vadd.s32 v5, v4;
	v2 =	vmin.u32 v7, $0x30D4;
	v6 =	vsub.s32 v6, v1  }
0xfb: {  	v4 =	vld [tilespmem:s7+$0x2010];
	[tilespmem:s0+$0x1830] =	vst v3;
	v3 =	vshll.u32 v2, $0x7;
	v6 =	vmin.u32 v6, $0x30D4;
	v7 =	vsub.s32 v12, v1  }
0xfc: {  	v2 =	vld [tilespmem:s7+$0x2020];
	[tilespmem:s0+$0x1840] =	vst v5;
	v3 =	vadd.s32 v13, v3;
	v5 =	vshll.u32 v6, $0x7;
	v6 =	vmin.u32 v7, $0x30D4  }
0xfd: {  	v7 =	vld [tilespmem:s7+$0x1800];
	[tilespmem:s0+$0x1850] =	vst v3;
	v3 =	vadd.s32 v10, v5;
	v5 =	vshll.u32 v6, $0x7  }
0xfe: {  	v6 =	vld [tilespmem:s7+$0x1810];
	[tilespmem:s0+$0x1860] =	vst v3;
	v5 =	vadd.s32 v8, v5  }
0xff: {  	v3 =	vld [tilespmem:s7+$0x2030];
	[tilespmem:s0+$0x1870] =	vst v5;
	s0 =	smov.u32 s7  }
0x100: {  	v12 =	vld [tilespmem:s0+$0x1820]  }
.Ltmp2:
0x101: {  	v9 =	vld [tilespmem:s0+$0x1830];
	(pc) =	sbr.rel @p1 .LBB2_8-.Ltmp2, $4  }
0x102: {  	v5 =	vsub.s32 v7, v1;
	v8 =	vld [tilespmem:s0+$0x1840]  }
0x103: {  	v7 =	vmin.u32 v5, $0x30D4;
	v6 =	vsub.s32 v6, v1;
	v5 =	vld [tilespmem:s0+$0x2040]  }
0x104: {  	v10 =	vshll.u32 v7, $0x7;
	v6 =	vmin.u32 v6, $0x30D4;
	v7 =	vld [tilespmem:s0+$0x1850]  }
0x105: {  	s3 =	sadd.s32 $0x200, s3;
	v10 =	vadd.s32 v11, v10;
	v11 =	vshll.u32 v6, $0x7;
	v12 =	vsub.s32 v12, v1;
	v6 =	vld [tilespmem:s0+$0x1860]  }
0x106: {  	v13 =	vld [tilespmem:s0+$0x1870];
	v4 =	vadd.s32 v4, v11;
	v54 =	vmin.u32 v12, $0x30D4;
	v9 =	vsub.s32 v9, v1  }
0x107: {  	v14 =	vld [tilespmem:s0+$0x2050];
	v55 =	vshll.u32 v54, $0x7;
	v9 =	vmin.u32 v9, $0x30D4;
	v8 =	vsub.s32 v8, v1  }
0x108: {  	[tilespmem:s0+$0x1800] =	vst v10;
	v56 =	vld [tilespmem:s0+$0x2060];
	v2 =	vadd.s32 v2, v55;
	v9 =	vshll.u32 v9, $0x7;
	v8 =	vmin.u32 v8, $0x30D4  }
0x109: {  	v58 =	vld [tilespmem:s0+$0x2070];
	[tilespmem:s0+$0x1810] =	vst v4;
	v3 =	vadd.s32 v3, v9;
	v57 =	vshll.u32 v8, $0x7;
	v7 =	vsub.s32 v7, v1  }
0x10a: {  	[tilespmem:s0+$0x1820] =	vst v2;
	v2 =	vadd.s32 v5, v57;
	v59 =	vmin.u32 v7, $0x30D4;
	v60 =	vsub.s32 v6, v1  }
0x10b: {  	[tilespmem:s0+$0x1830] =	vst v3;
	v3 =	vshll.u32 v59, $0x7;
	v61 =	vmin.u32 v60, $0x30D4;
	v62 =	vsub.s32 v13, v1  }
0x10c: {  	[tilespmem:s0+$0x1840] =	vst v2;
	v2 =	vadd.s32 v14, v3;
	v3 =	vshll.u32 v61, $0x7;
	v63 =	vmin.u32 v62, $0x30D4  }
0x10d: {  	[tilespmem:s0+$0x1850] =	vst v2;
	v2 =	vadd.s32 v56, v3;
	v3 =	vshll.u32 v63, $0x7  }
0x10e: {  	[tilespmem:s0+$0x1860] =	vst v2;
	v2 =	vadd.s32 v58, v3  }
0x10f: {  	[tilespmem:s0+$0x1870] =	vst v2  }
0x110: {  	[spmem:s2] =	stream.indirect.scatter.add.f32 [tilespmem:s20], [sflag:$0x4], $0x1, s18, s22, $0xb8;
	[tilespmem:$0x1DEA8] =	vst v63  }
0x111: {  	s9 =	simm.s32 $0x1880;
	s3 =	simm.s32 $0x2880  }
0x112: {  	[spmem:s2] =	stream.indirect.scatter.add.f32 [tilespmem:s3], [sflag:$0x4], $0x1, s9, s22, $0xb8;
	[tilespmem:$0x1DEA8] =	vst v63  }
0x113: {  	s7 =	simm.s32 $0x1900;
	s9 =	simm.s32 $0x2900  }
0x114: {  	[spmem:s2] =	stream.indirect.scatter.add.f32 [tilespmem:s9], [sflag:$0x4], $0x1, s7, s22, $0xb8;
	[tilespmem:$0x1DEA8] =	vst v63  }
0x115: {  	s7 =	simm.s32 $0x1980;
	s9 =	simm.s32 $0x2980  }
0x116: {  	[spmem:s2] =	stream.indirect.scatter.add.f32 [tilespmem:s9], [sflag:$0x4], $0x1, s7, s22, $0xb8;
	[tilespmem:$0x1DEA8] =	vst v63  }
0x117: {  	s7 =	simm.s32 $0x1A00;
	s9 =	simm.s32 $0x2A00  }
0x118: {  	[spmem:s2] =	stream.indirect.scatter.add.f32 [tilespmem:s9], [sflag:$0x4], $0x1, s7, s22, $0xb8;
	[tilespmem:$0x1DEA8] =	vst v63  }
0x119: {  	s7 =	simm.s32 $0x1A80;
	s9 =	simm.s32 $0x2A80  }
0x11a: {  	[spmem:s2] =	stream.indirect.scatter.add.f32 [tilespmem:s9], [sflag:$0x4], $0x1, s7, s22, $0xb8;
	[tilespmem:$0x1DEA8] =	vst v63  }
0x11b: {  	s7 =	simm.s32 $0x1B00;
	s9 =	simm.s32 $0x2B00  }
0x11c: {  	[spmem:s2] =	stream.indirect.scatter.add.f32 [tilespmem:s9], [sflag:$0x4], $0x1, s7, s22, $0xb8;
	[tilespmem:$0x1DEA8] =	vst v63  }
0x11d: {  	s7 =	simm.s32 $0x1B80;
	s9 =	simm.s32 $0x2B80  }
0x11e: {  	[spmem:s2] =	stream.indirect.scatter.add.f32 [tilespmem:s9], [sflag:$0x4], $0x1, s7, s22, $0xb8;
	[tilespmem:$0x1DEA8] =	vst v63  }
0x11f: {  	s7 =	simm.s32 $0x1C00;
	s9 =	simm.s32 $0x2C00  }
0x120: {  	[spmem:s2] =	stream.indirect.scatter.add.f32 [tilespmem:s9], [sflag:$0x4], $0x1, s7, s22, $0xb8;
	[tilespmem:$0x1DEA8] =	vst v63  }
0x121: {  	s7 =	simm.s32 $0x1C80;
	s9 =	simm.s32 $0x2C80  }
0x122: {  	[spmem:s2] =	stream.indirect.scatter.add.f32 [tilespmem:s9], [sflag:$0x4], $0x1, s7, s22, $0xb8;
	[tilespmem:$0x1DEA8] =	vst v63  }
0x123: {  	s7 =	simm.s32 $0x1D00;
	s9 =	simm.s32 $0x2D00  }
0x124: {  	[spmem:s2] =	stream.indirect.scatter.add.f32 [tilespmem:s9], [sflag:$0x4], $0x1, s7, s22, $0xb8;
	[tilespmem:$0x1DEA8] =	vst v63  }
0x125: {  	_ = 	snop  }
0x126: {  	[spmem:s2] =	stream.indirect.scatter.add.f32 [tilespmem:s12], [sflag:$0x4], $0x1, s11, s22, $0xb8;
	[tilespmem:$0x1DEA8] =	vst v63  }
0x127: {  	_ = 	snop  }
0x128: {  	[spmem:s2] =	stream.indirect.scatter.add.f32 [tilespmem:s13], [sflag:$0x4], $0x1, s10, s22, $0xb8;
	[tilespmem:$0x1DEA8] =	vst v63  }
0x129: {  	p1 =	seq.s32 s31, $0xF  }
0x12a: {  	[spmem:s2] =	stream.indirect.scatter.add.f32 [tilespmem:s19], [sflag:$0x4], $0x1, s15, s22, $0xb8;
	[tilespmem:$0x1DEA8] =	vst v63  }
.Ltmp3:
0x12b: {  	_ = 	snop;
	(pc) =	sbr.rel @p1 .LBB2_11-.Ltmp3, $4  }
0x12c: {  	_ = 	snop  }
0x12d: {  	[spmem:s2] =	stream.indirect.scatter.add.f32 [tilespmem:s24], [sflag:$0x4], $0x1, s23, s22, $0xb8;
	[tilespmem:$0x1DEA8] =	vst v63  }
0x12e: {  	_ = 	snop  }
0x12f: {  	[spmem:s2] =	stream.indirect.scatter.add.f32 [tilespmem:s26], [sflag:$0x4], $0x1, s25, s22, $0xb8;
	[tilespmem:$0x1DEA8] =	vst v63  }
0x130: {  	_ =	swait.ge [sflag:s28], $0x80  }
0x131: {  	[sflag:s28] =	ssyncset.done $0x0  }
0x132: {  	[sflag:s28] =	ssyncadd.s32 $0xFFFFFF80  }
0x133: {  	_ =	swait.ge [sflag:s28], $0x80  }
0x134: {  	[sflag:s28] =	ssyncset.done $0x0  }
0x135: {  	[sflag:s28] =	ssyncadd.s32 $0xFFFFFF80  }
0x136: {  	_ =	swait.ge [sflag:s28], $0x80  }
0x137: {  	[sflag:s28] =	ssyncset.done $0x0  }
0x138: {  	[sflag:s28] =	ssyncadd.s32 $0xFFFFFF80  }
0x139: {  	_ =	swait.ge [sflag:s28], $0x80  }
0x13a: {  	[sflag:s28] =	ssyncset.done $0x0  }
0x13b: {  	[sflag:s28] =	ssyncadd.s32 $0xFFFFFF80  }
0x13c: {  	_ =	swait.ge [sflag:s28], $0x80  }
0x13d: {  	[sflag:s28] =	ssyncset.done $0x0  }
0x13e: {  	[sflag:s28] =	ssyncadd.s32 $0xFFFFFF80  }
0x13f: {  	_ =	swait.ge [sflag:s28], $0x80  }
0x140: {  	[sflag:s28] =	ssyncset.done $0x0  }
0x141: {  	[sflag:s28] =	ssyncadd.s32 $0xFFFFFF80  }
0x142: {  	_ =	swait.ge [sflag:s28], $0x80  }
0x143: {  	[sflag:s28] =	ssyncset.done $0x0  }
0x144: {  	[sflag:s28] =	ssyncadd.s32 $0xFFFFFF80  }
0x145: {  	_ =	swait.ge [sflag:s28], $0x80  }
0x146: {  	[sflag:s28] =	ssyncset.done $0x0  }
0x147: {  	[sflag:s28] =	ssyncadd.s32 $0xFFFFFF80  }
0x148: {  	_ =	swait.ge [sflag:s28], $0x80  }
0x149: {  	[sflag:s28] =	ssyncset.done $0x0  }
0x14a: {  	[sflag:s28] =	ssyncadd.s32 $0xFFFFFF80  }
0x14b: {  	_ =	swait.ge [sflag:s28], $0x80  }
0x14c: {  	[sflag:s28] =	ssyncset.done $0x0  }
0x14d: {  	[sflag:s28] =	ssyncadd.s32 $0xFFFFFF80  }
0x14e: {  	_ =	swait.ge [sflag:s28], $0x80  }
0x14f: {  	[sflag:s28] =	ssyncset.done $0x0  }
0x150: {  	[sflag:s28] =	ssyncadd.s32 $0xFFFFFF80  }
0x151: {  	_ =	swait.ge [sflag:s28], $0x80  }
0x152: {  	[sflag:s28] =	ssyncset.done $0x0  }
0x153: {  	[sflag:s28] =	ssyncadd.s32 $0xFFFFFF80  }
0x154: {  	_ =	swait.ge [sflag:s28], $0x80  }
0x155: {  	[sflag:s28] =	ssyncset.done $0x0  }
0x156: {  	[sflag:s28] =	ssyncadd.s32 $0xFFFFFF80  }
0x157: {  	_ =	swait.ge [sflag:s28], $0x80  }
0x158: {  	[sflag:s28] =	ssyncset.done $0x0  }
0x159: {  	[sflag:s28] =	ssyncadd.s32 $0xFFFFFF80  }
0x15a: {  	_ =	swait.ge [sflag:s28], $0x80  }
0x15b: {  	[sflag:s28] =	ssyncset.done $0x0  }
0x15c: {  	s0 =	sshll.u32 s31, $0x9;
	[sflag:s28] =	ssyncadd.s32 $0xFFFFFF80  }
0x15d: {  	s0 =	sadd.s32 s8, s0;
	_ =	swait.ge [sflag:s28], $0x80  }
0x15e: {  	s3 =	sadd.s32 $0x200, s0;
	[sflag:s28] =	ssyncset.done $0x0  }
0x15f: {  	s7 =	sadd.s32 s5, s3;
	[sflag:s28] =	ssyncadd.s32 $0xFFFFFF80  }
0x160: {  	[tilespmem:s4], [sflag:$0x1] =	stream.linear.gather [hbm4b:s7+s4], $0x800, $0x38;
	[tilespmem:$0x1DEA8] =	vst v63  }
0x161: {  	s9 =	simm.s32 $0x800;
	s7 =	sadd.s32 s1, s3  }
0x162: {  	[tilespmem:s9], [sflag:$0x1] =	stream.linear.gather [hbm4b:s7+s4], $0x800, $0x38;
	[tilespmem:$0x1DEA8] =	vst v63  }
0x163: {  	s3 =	sadd.s32 s6, s3  }
0x164: {  	[tilespmem:s16], [sflag:$0x1] =	stream.linear.gather [hbm4b:s3+s4], $0x800, $0x38;
	[tilespmem:$0x1DEA8] =	vst v63  }
0x165: {  	_ =	swait.ge [sflag:s29], $0x80  }
0x166: {  	[sflag:s29] =	ssyncset.done $0x0  }
0x167: {  	[sflag:s29] =	ssyncadd.s32 $0xFFFFFF80  }
0x168: {  	_ =	swait.ge [sflag:s29], $0x80  }
0x169: {  	[sflag:s29] =	ssyncset.done $0x0  }
0x16a: {  	[sflag:s29] =	ssyncadd.s32 $0xFFFFFF80  }
0x16b: {  	_ =	swait.ge [sflag:s29], $0x80  }
0x16c: {  	[sflag:s29] =	ssyncset.done $0x0  }
0x16d: {  	[sflag:s29] =	ssyncadd.s32 $0xFFFFFF80  }
0x16e: {  	_ =	swait.ge [sflag:s29], $0x80  }
0x16f: {  	[sflag:s29] =	ssyncset.done $0x0  }
0x170: {  	[sflag:s29] =	ssyncadd.s32 $0xFFFFFF80  }
0x171: {  	_ =	swait.ge [sflag:s29], $0x80  }
0x172: {  	[sflag:s29] =	ssyncset.done $0x0  }
0x173: {  	[sflag:s29] =	ssyncadd.s32 $0xFFFFFF80  }
0x174: {  	_ =	swait.ge [sflag:s29], $0x80  }
0x175: {  	[sflag:s29] =	ssyncset.done $0x0  }
0x176: {  	[sflag:s29] =	ssyncadd.s32 $0xFFFFFF80  }
0x177: {  	_ =	swait.ge [sflag:s29], $0x80  }
0x178: {  	[sflag:s29] =	ssyncset.done $0x0  }
0x179: {  	[sflag:s29] =	ssyncadd.s32 $0xFFFFFF80  }
0x17a: {  	_ =	swait.ge [sflag:s29], $0x80  }
0x17b: {  	[sflag:s29] =	ssyncset.done $0x0  }
0x17c: {  	[sflag:s29] =	ssyncadd.s32 $0xFFFFFF80  }
0x17d: {  	_ =	swait.ge [sflag:s29], $0x80  }
0x17e: {  	[sflag:s29] =	ssyncset.done $0x0  }
0x17f: {  	[sflag:s29] =	ssyncadd.s32 $0xFFFFFF80  }
0x180: {  	_ =	swait.ge [sflag:s29], $0x80  }
0x181: {  	[sflag:s29] =	ssyncset.done $0x0  }
0x182: {  	[sflag:s29] =	ssyncadd.s32 $0xFFFFFF80  }
0x183: {  	_ =	swait.ge [sflag:s29], $0x80  }
0x184: {  	[sflag:s29] =	ssyncset.done $0x0  }
0x185: {  	[sflag:s29] =	ssyncadd.s32 $0xFFFFFF80  }
0x186: {  	_ =	swait.ge [sflag:s29], $0x80  }
0x187: {  	[sflag:s29] =	ssyncset.done $0x0  }
0x188: {  	[sflag:s29] =	ssyncadd.s32 $0xFFFFFF80  }
0x189: {  	_ =	swait.ge [sflag:s29], $0x80  }
0x18a: {  	[sflag:s29] =	ssyncset.done $0x0  }
0x18b: {  	[sflag:s29] =	ssyncadd.s32 $0xFFFFFF80  }
0x18c: {  	_ =	swait.ge [sflag:s29], $0x80  }
0x18d: {  	[sflag:s29] =	ssyncset.done $0x0  }
0x18e: {  	[sflag:s29] =	ssyncadd.s32 $0xFFFFFF80  }
0x18f: {  	_ =	swait.ge [sflag:s29], $0x80  }
0x190: {  	[sflag:s29] =	ssyncset.done $0x0  }
0x191: {  	[sflag:s29] =	ssyncadd.s32 $0xFFFFFF80  }
0x192: {  	_ =	swait.ge [sflag:s29], $0x80  }
0x193: {  	s0 =	sadd.s32 $0x300, s0;
	[sflag:s29] =	ssyncset.done $0x0  }
0x194: {  	s9 =	sadd.s32 s5, s0;
	[sflag:s29] =	ssyncadd.s32 $0xFFFFFF80  }
0x195: {  	[tilespmem:s18], [sflag:$0x2] =	stream.linear.gather [hbm4b:s9+s4], $0x800, $0x38;
	[tilespmem:$0x1DEA8] =	vst v63  }
.Ltmp4:
0x196: {  	_ = 	snop;
	(pc) =	sbr.rel .LBB2_5-.Ltmp4, $4  }
0x197: {  	s7 =	sadd.s32 s1, s0;
	s9 =	simm.s32 $0x2000  }
0x198: {  	[tilespmem:s9], [sflag:$0x2] =	stream.linear.gather [hbm4b:s7+s4], $0x800, $0x38;
	[tilespmem:$0x1DEA8] =	vst v63  }
0x199: {  	s31 =	sadd.s32 $0x1, s31;
	s0 =	sadd.s32 s6, s0  }
0x19a: {  	[tilespmem:s20], [sflag:$0x2] =	stream.linear.gather [hbm4b:s0+s4], $0x800, $0x38;
	[tilespmem:$0x1DEA8] =	vst v63  }
.LBB2_11:
0x19b: {  	_ =	swait.ge [sflag:s28], $0x80  }
0x19c: {  	[sflag:s28] =	ssyncset.done $0x0  }
0x19d: {  	[sflag:s28] =	ssyncadd.s32 $0xFFFFFF80  }
0x19e: {  	_ =	swait.ge [sflag:s28], $0x80  }
0x19f: {  	[sflag:s28] =	ssyncset.done $0x0  }
0x1a0: {  	[sflag:s28] =	ssyncadd.s32 $0xFFFFFF80  }
0x1a1: {  	_ =	swait.ge [sflag:s28], $0x80  }
0x1a2: {  	[sflag:s28] =	ssyncset.done $0x0  }
0x1a3: {  	[sflag:s28] =	ssyncadd.s32 $0xFFFFFF80  }
0x1a4: {  	_ =	swait.ge [sflag:s28], $0x80  }
0x1a5: {  	[sflag:s28] =	ssyncset.done $0x0  }
0x1a6: {  	[sflag:s28] =	ssyncadd.s32 $0xFFFFFF80  }
0x1a7: {  	_ =	swait.ge [sflag:s28], $0x80  }
0x1a8: {  	[sflag:s28] =	ssyncset.done $0x0  }
0x1a9: {  	[sflag:s28] =	ssyncadd.s32 $0xFFFFFF80  }
0x1aa: {  	_ =	swait.ge [sflag:s28], $0x80  }
0x1ab: {  	[sflag:s28] =	ssyncset.done $0x0  }
0x1ac: {  	[sflag:s28] =	ssyncadd.s32 $0xFFFFFF80  }
0x1ad: {  	_ =	swait.ge [sflag:s28], $0x80  }
0x1ae: {  	[sflag:s28] =	ssyncset.done $0x0  }
0x1af: {  	[sflag:s28] =	ssyncadd.s32 $0xFFFFFF80  }
0x1b0: {  	_ =	swait.ge [sflag:s28], $0x80  }
0x1b1: {  	[sflag:s28] =	ssyncset.done $0x0  }
0x1b2: {  	[sflag:s28] =	ssyncadd.s32 $0xFFFFFF80  }
0x1b3: {  	_ =	swait.ge [sflag:s28], $0x80  }
0x1b4: {  	[sflag:s28] =	ssyncset.done $0x0  }
0x1b5: {  	[sflag:s28] =	ssyncadd.s32 $0xFFFFFF80  }
0x1b6: {  	_ =	swait.ge [sflag:s28], $0x80  }
0x1b7: {  	[sflag:s28] =	ssyncset.done $0x0  }
0x1b8: {  	[sflag:s28] =	ssyncadd.s32 $0xFFFFFF80  }
0x1b9: {  	_ =	swait.ge [sflag:s28], $0x80  }
0x1ba: {  	[sflag:s28] =	ssyncset.done $0x0  }
0x1bb: {  	[sflag:s28] =	ssyncadd.s32 $0xFFFFFF80  }
0x1bc: {  	_ =	swait.ge [sflag:s28], $0x80  }
0x1bd: {  	[sflag:s28] =	ssyncset.done $0x0  }
0x1be: {  	[sflag:s28] =	ssyncadd.s32 $0xFFFFFF80  }
0x1bf: {  	_ =	swait.ge [sflag:s28], $0x80  }
0x1c0: {  	[sflag:s28] =	ssyncset.done $0x0  }
0x1c1: {  	[sflag:s28] =	ssyncadd.s32 $0xFFFFFF80  }
0x1c2: {  	_ =	swait.ge [sflag:s28], $0x80  }
0x1c3: {  	[sflag:s28] =	ssyncset.done $0x0  }
0x1c4: {  	[sflag:s28] =	ssyncadd.s32 $0xFFFFFF80  }
0x1c5: {  	_ =	swait.ge [sflag:s28], $0x80  }
0x1c6: {  	[sflag:s28] =	ssyncset.done $0x0  }
0x1c7: {  	[sflag:s28] =	ssyncadd.s32 $0xFFFFFF80  }
0x1c8: {  	_ =	swait.ge [sflag:s28], $0x80  }
0x1c9: {  	[sflag:s28] =	ssyncset.done $0x0  }
0x1ca: {  	[sflag:s28] =	ssyncadd.s32 $0xFFFFFF80  }
0x1cb: {  	_ =	swait.ge [sflag:s29], $0x80  }
0x1cc: {  	[sflag:s29] =	ssyncset.done $0x0  }
0x1cd: {  	[sflag:s29] =	ssyncadd.s32 $0xFFFFFF80  }
0x1ce: {  	_ =	swait.ge [sflag:s29], $0x80  }
0x1cf: {  	[sflag:s29] =	ssyncset.done $0x0  }
0x1d0: {  	[sflag:s29] =	ssyncadd.s32 $0xFFFFFF80  }
0x1d1: {  	_ =	swait.ge [sflag:s29], $0x80  }
0x1d2: {  	[sflag:s29] =	ssyncset.done $0x0  }
0x1d3: {  	[sflag:s29] =	ssyncadd.s32 $0xFFFFFF80  }
0x1d4: {  	_ =	swait.ge [sflag:s29], $0x80  }
0x1d5: {  	[sflag:s29] =	ssyncset.done $0x0  }
0x1d6: {  	[sflag:s29] =	ssyncadd.s32 $0xFFFFFF80  }
0x1d7: {  	_ =	swait.ge [sflag:s29], $0x80  }
0x1d8: {  	[sflag:s29] =	ssyncset.done $0x0  }
0x1d9: {  	[sflag:s29] =	ssyncadd.s32 $0xFFFFFF80  }
0x1da: {  	_ =	swait.ge [sflag:s29], $0x80  }
0x1db: {  	[sflag:s29] =	ssyncset.done $0x0  }
0x1dc: {  	[sflag:s29] =	ssyncadd.s32 $0xFFFFFF80  }
0x1dd: {  	_ =	swait.ge [sflag:s29], $0x80  }
0x1de: {  	[sflag:s29] =	ssyncset.done $0x0  }
0x1df: {  	[sflag:s29] =	ssyncadd.s32 $0xFFFFFF80  }
0x1e0: {  	_ =	swait.ge [sflag:s29], $0x80  }
0x1e1: {  	[sflag:s29] =	ssyncset.done $0x0  }
0x1e2: {  	[sflag:s29] =	ssyncadd.s32 $0xFFFFFF80  }
0x1e3: {  	_ =	swait.ge [sflag:s29], $0x80  }
0x1e4: {  	[sflag:s29] =	ssyncset.done $0x0  }
0x1e5: {  	[sflag:s29] =	ssyncadd.s32 $0xFFFFFF80  }
0x1e6: {  	_ =	swait.ge [sflag:s29], $0x80  }
0x1e7: {  	[sflag:s29] =	ssyncset.done $0x0  }
0x1e8: {  	[sflag:s29] =	ssyncadd.s32 $0xFFFFFF80  }
0x1e9: {  	_ =	swait.ge [sflag:s29], $0x80  }
0x1ea: {  	[sflag:s29] =	ssyncset.done $0x0  }
0x1eb: {  	[sflag:s29] =	ssyncadd.s32 $0xFFFFFF80  }
0x1ec: {  	_ =	swait.ge [sflag:s29], $0x80  }
0x1ed: {  	[sflag:s29] =	ssyncset.done $0x0  }
0x1ee: {  	[sflag:s29] =	ssyncadd.s32 $0xFFFFFF80  }
0x1ef: {  	_ =	swait.ge [sflag:s29], $0x80  }
0x1f0: {  	[sflag:s29] =	ssyncset.done $0x0  }
0x1f1: {  	[sflag:s29] =	ssyncadd.s32 $0xFFFFFF80  }
0x1f2: {  	_ =	swait.ge [sflag:s29], $0x80  }
0x1f3: {  	[sflag:s29] =	ssyncset.done $0x0  }
0x1f4: {  	[sflag:s29] =	ssyncadd.s32 $0xFFFFFF80  }
0x1f5: {  	_ =	swait.ge [sflag:s29], $0x80  }
0x1f6: {  	[sflag:s29] =	ssyncset.done $0x0  }
0x1f7: {  	[sflag:s29] =	ssyncadd.s32 $0xFFFFFF80  }
0x1f8: {  	_ =	swait.ge [sflag:s29], $0x80  }
0x1f9: {  	[sflag:s29] =	ssyncset.done $0x0  }
0x1fa: {  	s0 =	sld [smem:$0x7FA];
	[sflag:s29] =	ssyncadd.s32 $0xFFFFFF80  }
0x1fb: {  	[bflag:$0x0] =	sbarrier.arrive $0xFFFF  }
0x1fc: {  	s3 =	rddreg [dreg:$0x14]  }
0x1fd: {  	s0 =	smul.u32 $0x186A00, s0;
	s31 =	rddreg [dreg:$0x6]  }
0x1fe: {  	[tilespmem:s30], [sflag:$0x5] =	stream.linear.gather [spmem:s31], $0x1388, $0x38;
	[tilespmem:$0x1DEA8] =	vst v63  }
0x1ff: {  	s0 =	sadd.s32 s0, s3;
	_ =	swait.ge [sflag:s14], $0x1388  }
0x200: {  	s0 =	sshrl.u32 s0, $0x3;
	s9 =	rddreg [dreg:$0x4]  }
0x201: {  	[sflag:s14] =	ssyncset.done $0x0;
	s0 =	sadd.s32 s0, s9  }
0x202: {  	[sflag:s14] =	ssyncadd.s32 $0xFFFFEC78;
	s3 =	sadd.s32 $0x0, s0  }
0x203: {  	[hbm4b:s3+s4] =	stream.linear.scatter [tilespmem:s30], [sflag:$0x5], $0x1388, $0x38;
	[tilespmem:$0x1DEA8] =	vst v63  }
0x204: {  	_ =	swait.ge [sflag:s14], $0x1388  }
0x205: {  	s3 =	simm.s32 $0x271;
	[sflag:s14] =	ssyncset.done $0x0  }
.LBB2_12:
0x206: {  	p1 =	sne.s32 s3, $0x2E63;
	[sflag:s14] =	ssyncadd.s32 $0xFFFFEC78;
	s31 =	sadd.s32 $0x1388, s31  }
0x207: {  	[tilespmem:s30], [sflag:$0x5] =	stream.linear.gather [spmem:s31], $0x1388, $0x38;
	[tilespmem:$0x1DEA8] =	vst v63  }
0x208: {  	s7 =	smov.u32 s3;
	s3 =	sadd.s32 $0x271, s3;
	_ =	swait.ge [sflag:s14], $0x1388  }
.Ltmp5:
0x209: {  	[sflag:s14] =	ssyncset.done $0x0;
	(pc) =	sbr.rel @p1 .LBB2_12-.Ltmp5, $4  }
0x20a: {  	s7 =	sadd.s32 s7, s0;
	[sflag:s14] =	ssyncadd.s32 $0xFFFFEC78  }
0x20b: {  	[hbm4b:s7+s4] =	stream.linear.scatter [tilespmem:s30], [sflag:$0x5], $0x1388, $0x38;
	[tilespmem:$0x1DEA8] =	vst v63  }
0x20c: {  	_ =	swait.ge [sflag:s14], $0x1388  }
0x20d: {  	[sflag:s14] =	ssyncset.done $0x0  }
.Ltmp6:
0x20e: {  	(pc) =	sbr.rel @p0 .LBB2_4-.Ltmp6, $2  }
0x20f: {  	_ =	sdelay $0x2  }
0x210: {  	[sflag:s14] =	ssyncadd.s32 $0xFFFFEC78;
	s7 =	simm.s32 $0x1;
	p1 =	por $0x0, $0x0  }
0x211: {  	s3 =	sld [smem:$0x7FB];
	_ =	sdelay $0x2  }
0x212: {  	s0 =	rddreg [dreg:$0xd];
	s3 =	sadd.s32 $0x1, s3  }
0x213: {  	p0 =	sne.s32 s3, s0  }
.Ltmp7:
0x214: {  	_ = 	snop;
	(pc) =	sbr.rel @p0 .LBB2_1-.Ltmp7, $1  }
0x215: {  	_ =	sdelay $0x3  }
0x216: {  	_ =	sfence.sel $0x180000  }
0x217: {  	[bflag:$0x0] =	sbarrier.arrive $0xFFFF  }
0x218: {  	_ =	strace $0x90000047  }
0x219: {  	s0 =	stileid.u32;
	[bflag:$0x2] =	sbarrier.arrive $0xFFFF  }
0x21a: {  	p0 =	sne.s32 s0, $0x0;
	s0 =	rddreg [dreg:$0x3]  }
0x21b: {  	s0 =	sadd.s32 @!p0 $0x100000, s0  }
0x21c: {  	[sflag:s0] =	ssyncadd.tile.s32 @!p0 $0x1;
	_ =	shalt  }
.Lfunc_end2:
_tile_overlayer_lowered:
.L_overlay_start_2:
0x21d: {  	(tag) =	ssettag $0x2  }
0x21e: {  	s0 =	rddreg [dreg:$0x0];
	s2 =	stileid.u32  }
0x21f: {  	s1 =	rddreg [dreg:$0x1];
	p0 =	sne.s32 s2, $0x0  }
0x220: {  	s3 =	rddreg [dreg:$0x2];
	[bflag:$0x3] =	sbarrier.arrive $0xFFFF;
	s2 =	simm.s32 @!p0 $0x1C05  }
0x221: {  	[timem:s3], [sflag:s2] =	dma.local @!p0 [hbm:s0], s1  }
0x222: {  	s0 =	simm.s32 @!p0 $0x5  }
0x223: {  	_ =	swait.ge @!p0 [sflag:s0], s1  }
0x224: {  	s1 =	ssub.s32 @!p0 $0x0, s1;
	[sflag:s0] =	ssyncset.done @!p0 $0x0  }
0x225: {  	[sflag:s0] =	ssyncadd.s32 @!p0 s1  }
0x226: {  	[bflag:$0x3] =	sbarrier.arrive $0xFFFF  }
0x227: {  	_ =	shalt  }

// kernel: kernel.9.cloned.1.call-start
scs
__scs_entry_jumppad:
0x0: {  	(pc) =	sbr.rel $0x88, $3  }
0x1: {  	(tag) =	ssettag $0x0;
	lr =	simm.s32 $0x1  }
0x2: {  	[smem:$0x3F99] =	sst lr;
	_ =	strace $0xD0000000  }
0x3: {  	_ = 	snop  }
0x4: {  	_ = 	snop  }
0x5: {  	_ = 	snop  }
0x6: {  	_ = 	snop  }
0x7: {  	_ = 	snop  }
__scs_overlays_trampoline_lowered:
0x8: {  	[smem:$0x3FA8] =	sst s0  }
0x9: {  	[smem:$0x3FA9] =	sst s1  }
0xa: {  	[smem:$0x3FAA] =	sst s2  }
0xb: {  	[smem:$0x3FAB] =	sst s3  }
0xc: {  	[smem:$0x3FAC] =	sst s4  }
0xd: {  	[smem:$0x3FAD] =	sst s5  }
0xe: {  	[smem:$0x3FAE] =	sst s6  }
0xf: {  	[smem:$0x3FAF] =	sst s7  }
0x10: {  	[smem:$0x3FB0] =	sst s8  }
0x11: {  	[smem:$0x3FB1] =	sst s9;
	s0 =	simm.s32 @!p0 $0x0  }
0x12: {  	s1 =	sld [smem:$0x3F97];
	s0 =	simm.s32 @p0 $0x1  }
0x13: {  	[smem:$0x3FB2] =	sst s0;
	s0 =	simm.s32 @!p1 $0x0  }
0x14: {  	s2 =	sld [smem:$0x3F96];
	s0 =	simm.s32 @p1 $0x1  }
0x15: {  	[smem:$0x3FB3] =	sst s0;
	s0 =	simm.s32 @!p2 $0x0  }
0x16: {  	s3 =	sld [smem:$0x3FDB];
	s0 =	simm.s32 @p2 $0x1  }
0x17: {  	s4 =	simm.s32 $0x1BF5;
	[smem:$0x3FB5] =	sst s0  }
0x18: {  	s0 =	sld [smem:$0x3F98];
	_ =	swait.ge [sflag:s4], $0x0  }
0x19: {  	s7 =	sld [smem:$0x3F99]  }
0x1a: {  	s8 =	sadd.s32 $0xFFFFE003, lr  }
0x1b: {  	s9 =	sadd.s32 $0xFFFFFEF7, lr;
	s5 =	simm.s32 $0xFFFFFFFF;
	p2 =	slt.u32 s8, $0xFFFFF086  }
0x1c: {  	p1 =	slt.u32 s9, $0xF7A;
	s5 =	simm.s32 @!p2 $0x0  }
0x1d: {  	s5 =	simm.s32 @p1 $0x1;
	p0 =	seq.s32 s7, s2  }
0x1e: {  	s7 =	smul.u32 @!p0 $0xF7A, s2;
	p2 =	seq.s32 @!p0 s5, $0x0  }
0x1f: {  	s9 =	smul.u32 $0xF7A, s1;
	s8 =	simm.s32 @!p0 $0x1BF5;
	p2 =	por !p2, p0  }
0x20: {  	[sflag:s8] =	ssyncset.s32 @!p0 $0xFFFFF086;
	s6 =	sadd.s32 @!p0 s3, s7;
	s7 =	simm.s32 @!p0 $0x108  }
0x21: {  	s3 =	sadd.s32 s3, s9;
	s6 =	sadd.s32 @!p0 $0x88, s6;
	s7 =	simm.s32 @p2 $0x1082  }
0x22: {  	[simem:s7], [sflag:s8] =	dma.local @!p0 [hbm:s6], $0xF7A  }
0x23: {  	s9 =	sor.u32 $0xD0000000, s2;
	s6 =	simm.s32 $0x108;
	_ =	swait.ge @!p0 [sflag:s8], $0x0  }
0x24: {  	s3 =	sadd.s32 $0x88, s3;
	s6 =	simm.s32 @!p1 $0x1082;
	[sflag:s4] =	ssyncset.s32 $0xFFFFF086  }
0x25: {  	[simem:s6], [sflag:s4] =	dma.local [hbm:s3], $0xF7A  }
0x26: {  	[smem:$0x3F99] =	sst s1;
	(tag) =	ssettag s2;
	_ =	strace s9  }
0x27: {  	s1 =	sld [smem:$0x3FA9]  }
0x28: {  	s2 =	sld [smem:$0x3FAA]  }
0x29: {  	s4 =	sld [smem:$0x3FAC]  }
0x2a: {  	p0 =	seq.s32 s5, $0x0;
	s5 =	sld [smem:$0x3FAD]  }
0x2b: {  	s6 =	sld [smem:$0x3FAE]  }
0x2c: {  	s7 =	sld [smem:$0x3FAF]  }
0x2d: {  	s3 =	simm.s32 $0x108;
	s8 =	sld [smem:$0x3FB0]  }
0x2e: {  	s3 =	simm.s32 @!p0 $0x1082;
	s9 =	sld [smem:$0x3FB1]  }
0x2f: {  	lr =	sadd.s32 s0, s3;
	s0 =	sld [smem:$0x3FA8]  }
0x30: {  	s3 =	sld [smem:$0x3FAB]  }
0x31: {  	[smem:$0x3FB4] =	sst s10  }
0x32: {  	s10 =	sld [smem:$0x3FB2];
	_ =	sdelay $0x3  }
0x33: {  	p0 =	seq.s32 s10, $0x1;
	s10 =	sld [smem:$0x3FB4];
	_ =	sdelay $0x3  }
0x34: {  	[smem:$0x3FB4] =	sst s10  }
0x35: {  	s10 =	sld [smem:$0x3FB3];
	_ =	sdelay $0x3  }
0x36: {  	p1 =	seq.s32 s10, $0x1;
	s10 =	sld [smem:$0x3FB4];
	_ =	sdelay $0x3  }
0x37: {  	[smem:$0x3FB4] =	sst s10  }
0x38: {  	s10 =	sld [smem:$0x3FB5]  }
0x39: {  	_ = 	snop;
	(pc) =	sbr.ind lr, $3  }
0x3a: {  	_ = 	snop  }
0x3b: {  	_ = 	snop  }
0x3c: {  	p2 =	seq.s32 s10, $0x1;
	s10 =	sld [smem:$0x3FB4]  }
0x3d: {  	_ =	shalt  }
0x3e: {  	_ =	shalt  }
0x3f: {  	_ =	shalt  }
0x40: {  	_ =	shalt  }
0x41: {  	_ =	shalt  }
0x42: {  	_ =	shalt  }
0x43: {  	_ =	shalt  }
0x44: {  	_ =	shalt  }
0x45: {  	_ =	shalt  }
0x46: {  	_ =	shalt  }
0x47: {  	_ =	shalt  }
0x48: {  	_ =	shalt  }
0x49: {  	_ =	shalt  }
0x4a: {  	_ =	shalt  }
0x4b: {  	_ =	shalt  }
0x4c: {  	_ =	shalt  }
0x4d: {  	_ =	shalt  }
0x4e: {  	_ =	shalt  }
0x4f: {  	_ =	shalt  }
0x50: {  	_ =	shalt  }
0x51: {  	_ =	shalt  }
0x52: {  	_ =	shalt  }
0x53: {  	_ =	shalt  }
0x54: {  	_ =	shalt  }
0x55: {  	_ =	shalt  }
0x56: {  	_ =	shalt  }
0x57: {  	_ =	shalt  }
0x58: {  	_ =	shalt  }
0x59: {  	_ =	shalt  }
0x5a: {  	_ =	shalt  }
0x5b: {  	_ =	shalt  }
0x5c: {  	_ =	shalt  }
0x5d: {  	_ =	shalt  }
0x5e: {  	_ =	shalt  }
0x5f: {  	_ =	shalt  }
0x60: {  	_ =	shalt  }
0x61: {  	_ =	shalt  }
0x62: {  	_ =	shalt  }
0x63: {  	_ =	shalt  }
0x64: {  	_ =	shalt  }
0x65: {  	_ =	shalt  }
0x66: {  	_ =	shalt  }
0x67: {  	_ =	shalt  }
0x68: {  	_ =	shalt  }
0x69: {  	_ =	shalt  }
0x6a: {  	_ =	shalt  }
0x6b: {  	_ =	shalt  }
0x6c: {  	_ =	shalt  }
0x6d: {  	_ =	shalt  }
0x6e: {  	_ =	shalt  }
0x6f: {  	_ =	shalt  }
0x70: {  	_ =	shalt  }
0x71: {  	_ =	shalt  }
0x72: {  	_ =	shalt  }
0x73: {  	_ =	shalt  }
0x74: {  	_ =	shalt  }
0x75: {  	_ =	shalt  }
0x76: {  	_ =	shalt  }
0x77: {  	_ =	shalt  }
0x78: {  	_ =	shalt  }
0x79: {  	_ =	shalt  }
0x7a: {  	_ =	shalt  }
0x7b: {  	_ =	shalt  }
0x7c: {  	_ =	shalt  }
0x7d: {  	_ =	shalt  }
0x7e: {  	_ =	shalt  }
0x7f: {  	_ =	shalt  }
0x80: {  	_ =	shalt  }
0x81: {  	_ =	shalt  }
0x82: {  	_ =	shalt  }
0x83: {  	_ =	shalt  }
0x84: {  	_ =	shalt  }
0x85: {  	_ =	shalt  }
0x86: {  	_ =	shalt  }
0x87: {  	_ =	shalt  }
.Lfunc_end0:
.L_simem_size_0:
called_computation.2_lowered:
.L_overlay_start_0:
0x88: {  	s2 =	sld [smem:$0x3FD9]  }
0x89: {  	s3 =	sld [smem:$0x3FFE];
	_ =	sdelay $0x1  }
0x8a: {  	s1 =	srdreg.scid  }
0x8b: {  	s0 =	sand.u32 $0x1, s1  }
0x8c: {  	s17 =	sshll.u32 s0, $0xA;
	s2 =	sadd.s32 s3, s2  }
0x8d: {  	s2 =	sadd.s32 s2, s17  }
0x8e: {  	[smem:$0x3FC0] =	sst s2  }
0x8f: {  	_ = 	snop  }
0x90: {  	s2 =	sld [smem:$0x3FD0];
	(tm) =	ssettm $0x1  }
0x91: {  	s18 =	sld [smem:$0x3FFB];
	_ =	sdelay $0x3  }
0x92: {  	_ =	strace s18  }
0x93: {  	s3 =	sld [smem:$0x3FFC];
	_ =	sdelay $0x3  }
0x94: {  	_ =	strace s3  }
0x95: {  	s3 =	sld [smem:$0x3FFD];
	_ =	sdelay $0x3  }
0x96: {  	_ =	strace s3  }
0x97: {  	_ =	strace $0x8FFFFFFF  }
0x98: {  	s19 =	sld [smem:$0x3FDB];
	_ =	sdelay $0x1  }
0x99: {  	s4 =	simm.s32 $_scs_section_size  }
0x9a: {  	s5 =	simm.s32 $_size__tile_overlayer_lowered;
	s6 =	simm.s32 $_tile_overlayer_lowered  }
0x9b: {  	s22 =	simm.s32 $0x1BFF;
	s21 =	sshll.u32 s6, $0x1;
	s3 =	sadd.s32 s4, s19  }
0x9c: {  	s7 =	simm.s32 $0x0;
	s20 =	sshll.u32 s5, $0x1;
	s5 =	sadd.s32 s21, s3  }
0x9d: {  	[timem:s7], [sflag:s22] =	dma.local [hbm:s5], s20  }
0x9e: {  	_ =	swait.ge [sflag:s22], s20  }
0x9f: {  	s4 =	ssub.s32 $0x0, s20;
	[sflag:s22] =	ssyncset.done $0x0  }
0xa0: {  	[sflag:s22] =	ssyncadd.s32 s4;
	_ =	sdelay $0x1  }
0xa1: {  	s23 =	simm.s32 $0x1B8B  }
0xa2: {  	_ =	swait.ge [sflag:s23], $0x1  }
0xa3: {  	[sflag:s23] =	ssyncset.done $0x0  }
0xa4: {  	s25 =	simm.s32 $0x1B8E;
	s24 =	sld [smem:$0x3FFE];
	[sflag:s23] =	ssyncadd.s32 $0xFFFFFFFF  }
0xa5: {  	s26 =	simm.s32 $execute0_lowered;
	[smem:$0x3FD2] =	sst s25  }
0xa6: {  	s5 =	sshll.u32 s26, $0x1;
	_ =	strace $0x8000004C;
	[dreg:$0x1] =	wrdreg $0xFFFFFFFF  }
0xa7: {  	s28 =	simm.s32 $_size_execute0_lowered;
	s3 =	sadd.s32 s3, s5;
	[dreg:$0x0] =	wrdreg $0x0  }
0xa8: {  	s5 =	sshll.u32 s28, $0x1;
	[dreg:$0x2] =	wrdreg s3  }
0xa9: {  	[dreg:$0x3] =	wrdreg s5  }
0xaa: {  	[dreg:$0x4] =	wrdreg $0xC0  }
0xab: {  	_ =	task [dreg:s7], $0x5FFFF  }
0xac: {  	[dreg:$0x1] =	wrdreg $0xFFFFFFFF  }
0xad: {  	[dreg:$0x0] =	wrdreg $0x60  }
0xae: {  	[dreg:$0x2] =	wrdreg s24  }
0xaf: {  	[dreg:$0x3] =	wrdreg s2  }
0xb0: {  	[dreg:$0x4] =	wrdreg $0x13A100  }
0xb1: {  	[dreg:$0x5] =	wrdreg $0x76C00  }
0xb2: {  	[dreg:$0x6] =	wrdreg $0x9  }
0xb3: {  	_ =	task.clear_ibuf [dreg:s7], $0x7FFFF;
	_ =	strace $0x9000004C  }
0xb4: {  	s29 =	simm.s32 $0x9;
	_ =	strace $0x8000004E  }
0xb5: {  	_ =	swait.ge [sflag:s29], $0x1  }
0xb6: {  	[sflag:s29] =	ssyncadd.s32 $0xFFFFFFFF  }
0xb7: {  	_ =	strace $0x9000004E  }
0xb8: {  	_ =	sfence  }
0xb9: {  	s30 =	sld [smem:$0x0];
	_ =	sdelay $0x2  }
0xba: {  	s31 =	sshll.u32 s1, $0xD;
	s1 =	sshrl.u32 s1, $0x2  }
0xbb: {  	s3 =	sand.u32 $0x4000, s31;
	s1 =	sadd.s32 s1, s30  }
0xbc: {  	s0 =	sor.u32 s3, s0;
	s1 =	sshll.u32 s1, $0x11  }
0xbd: {  	s0 =	sor.u32 s1, s0  }
0xbe: {  	s0 =	sadd.s32 $0x8F2B, s0  }
0xbf: {  	[sflag:s0] =	ssyncadd.remote.s32 $0x1  }
0xc0: {  	_ =	sfence.sel $0xFFFF  }
0xc1: {  	[dreg:$0x0] =	wrdreg $0xFFFFFFFF;
	(pc) =	sbr.abs _section_cstart, $3  }
0xc2: {  	[dreg:$0x1] =	wrdreg $0xFFFFFFFF  }
0xc3: {  	_ =	task.clear_ibuf [dreg:s7], $0x2FFFF;
	_ =	strace $0x9FFFFFFF  }
0xc4: {  	(tm) =	ssettm $0x7FFFFFFF  }
0xc5: {  	_ =	shalt  }
tec
execute0_lowered:
.L_overlay_start_1:
0x0: {  	(tag) =	ssettag $0x1  }
0x1: {  	s0 =	rddreg [dreg:$0x0]  }
0x2: {  	s12 =	rddreg [dreg:$0x1]  }
0x3: {  	s2 =	rddreg [dreg:$0x2]  }
0x4: {  	s3 =	rddreg [dreg:$0x3];
	s4 =	simm.s32 $0x0  }
0x5: {  	s1 =	srdreg.scid;
	s13 =	stileid.u32;
	s29 =	simm.s32 $0x140  }
0x6: {  	s30 =	simm.s32 $0x7;
	s31 =	simm.s32 $0x2D00;
	s28 =	simm.s32 $0x5  }
0x7: {  	[smem:$0x7FF] =	sst s4;
	s7 =	sadd.s32 $0x43EE00, s0;
	s17 =	smul.u32 $0xA0, s13  }
0x8: {  	s14 =	sadd.s32 $0x2800, s0;
	s8 =	sadd.s32 $0x425E00, s0;
	s6 =	smul.u32 $0x19000, s13  }
0x9: {  	s9 =	sadd.s32 $0x295E00, s0;
	s1 =	sand.u32 $0x1, s1;
	s10 =	smul.u32 $0x1900, s13  }
0xa: {  	s5 =	sadd.s32 $0x33800, s0;
	s0 =	sadd.s32 $0x1B000, s0;
	s11 =	smul.u32 $0xC800, s13  }
0xb: {  	s20 =	smul.u32 $0x3200, s13;
	_ =	strace $0x8000004D;
	[dreg:$0x7] =	wrdreg s5  }
0xc: {  	s26 =	ssub.s32 $0x109, s13;
	s22 =	smul.u32 $0x190, s13;
	[dreg:$0x8] =	wrdreg s0  }
0xd: {  	s24 =	ssub.s32 $0x2, s1;
	s5 =	sshrl.u32 s26, $0x4;
	[dreg:$0x5] =	wrdreg s14  }
0xe: {  	p0 =	seq.s32 s1, $0x1;
	s25 =	sshrl.u32 s24, $0x1;
	[dreg:$0x9] =	wrdreg s5  }
0xf: {  	s6 =	sadd.s32 s9, s6;
	s15 =	sadd.s32 s7, s10;
	[dreg:$0x6] =	wrdreg s17  }
0x10: {  	s16 =	sadd.s32 s8, s10;
	s18 =	sor.u32 $0x140, s11;
	[dreg:$0xa] =	wrdreg s6  }
0x11: {  	s23 =	sshrl.u32 s20, $0x2;
	s26 =	sadd.s32 s22, s12;
	[dreg:$0xb] =	wrdreg s15  }
0x12: {  	s20 =	simm.s32 $0x1680;
	s0 =	ssub.s32 s24, s25;
	[dreg:$0xc] =	wrdreg s16  }
0x13: {  	s19 =	sshll.u32 s18, $0x1;
	s1 =	sshrl.u32 s18, $0x3;
	s24 =	sadd.s32 s23, s3  }
0x14: {  	s25 =	sadd.s32 s22, s14;
	[dreg:$0x14] =	wrdreg s26;
	s26 =	simm.s32 $0x7080  }
0x15: {  	s15 =	simm.s32 $0x2;
	s16 =	simm.s32 $0x6;
	[dreg:$0x11] =	wrdreg s24  }
0x16: {  	s18 =	simm.s32 $0x3;
	s5 =	sadd.s32 s9, s19;
	[dreg:$0x12] =	wrdreg s25  }
0x17: {  	s6 =	simm.s32 $0xA;
	s21 =	sadd.s32 s7, s1;
	[dreg:$0xd] =	wrdreg s5  }
.Ltmp0:
0x18: {  	s1 =	sadd.s32 s8, s1;
	[dreg:$0xe] =	wrdreg s21;
	(pc) =	sbr.rel .LBB2_1-.Ltmp0, $4  }
0x19: {  	s0 =	smax.u32 s0, $0x1;
	s25 =	simm.s32 $0x9;
	[dreg:$0xf] =	wrdreg s1  }
0x1a: {  	s24 =	simm.s32 $0x8;
	s19 =	simm.s32 $0x4;
	[dreg:$0x10] =	wrdreg s0  }
0x1b: {  	s0 =	sadd.s32 s23, s2;
	s23 =	simm.s32 $0x4100;
	s21 =	simm.s32 $0x1  }
0x1c: {  	v0 =	vimm.bf16 $0.0e+00;
	v1 =	vimm.bf16 $8.9840e-01;
	v2 =	vimm.bf16 $1.0010e-01;
	s1 =	simm.s32 $0x5780;
	s5 =	simm.s32 $0x0;
	[dreg:$0x13] =	wrdreg s0  }
.LBB2_42:
0x1d: {  	s5 =	rddreg [dreg:$0x15]  }
0x1e: {  	s0 =	rddreg [dreg:$0x10];
	s5 =	sadd.s32 $0x1, s5  }
0x1f: {  	p1 =	sne.s32 s5, s0  }
.Ltmp1:
0x20: {  	_ = 	snop;
	(pc) =	sbr.rel @!p1 .LBB2_43-.Ltmp1, $1  }
0x21: {  	_ =	sdelay $0x3  }
.LBB2_1:
0x22: {  	[dreg:$0x15] =	wrdreg s5;
	s0 =	simm.s32 $0x40;
	s5 =	simm.s32 $0x0  }
.LBB2_2:
0x23: {  	p1 =	sne.s32 s0, $0x18C0;
	[tilespmem:s5+$0x7080] =	vst v0;
	s5 =	smov.u32 s0;
	s0 =	sadd.s32 $0x40, s0  }
.Ltmp2:
0x24: {  	(pc) =	sbr.rel @p1 .LBB2_2-.Ltmp2, $2  }
0x25: {  	_ =	sdelay $0x2  }
0x26: {  	s5 =	sshra.s32 s5, $0x2  }
.Ltmp3:
0x27: {  	(pc) =	sbr.rel @!p0 .LBB2_4-.Ltmp3, $2  }
0x28: {  	_ =	sdelay $0x2  }
0x29: {  	[tilespmem:s5+$0x7080] =	vst v0  }
0x2a: {  	s0 =	rddreg [dreg:$0x9]  }
0x2b: {  	p2 =	sne.s32 s0, $0x1  }
.Ltmp4:
0x2c: {  	_ = 	snop;
	(pc) =	sbr.rel @!p2 .LBB2_24-.Ltmp4, $4  }
0x2d: {  	_ = 	snop  }
0x2e: {  	s5 =	rddreg [dreg:$0x13]  }
0x2f: {  	s22 =	stileid.u32;
	p1 =	por $0x0, $0x0;
	s12 =	sshrl.u32 s5, $0x3  }
0x30: {  	s10 =	sadd.s32 $0xFFFFFFFF, s0;
	s0 =	sshll.u32 s22, $0x6;
	s5 =	sadd.s32 $0xC800, s5  }
0x31: {  	s11 =	sor.u32 $0x1C09, s0;
	s13 =	rddreg [dreg:$0x14]  }
0x32: {  	[spmem:s12], [sflag:s11] =	dma.local [hbm:s13], $0x190  }
0x33: {  	_ =	swait.ge [sflag:s25], $0x190  }
0x34: {  	[sflag:s25] =	ssyncset.done $0x0  }
0x35: {  	s14 =	rddreg [dreg:$0x11];
	[sflag:s25] =	ssyncadd.s32 $0xFFFFFE70  }
0x36: {  	[spmem:s14] =	stream.linear.scatter [tilespmem:s26], [sflag:$0x9], $0x640, $0x38;
	[tilespmem:$0x1FD60] =	vst v63  }
0x37: {  	p2 =	sne.s32 s10, $0x1;
	_ =	swait.ge [sflag:s25], $0x640  }
.Ltmp5:
0x38: {  	s22 =	sadd.s32 $0xFFFFFFFF, s10;
	[sflag:s25] =	ssyncset.done $0x0;
	(pc) =	sbr.rel @!p2 .LBB2_26-.Ltmp5, $4  }
0x39: {  	p1 =	por $0x1, $0x1;
	s17 =	sadd.s32 $0x640, s14;
	[sflag:s25] =	ssyncadd.s32 $0xFFFFF9C0  }
0x3a: {  	[spmem:s17] =	stream.linear.scatter [tilespmem:s26], [sflag:$0x9], $0x640, $0x38;
	[tilespmem:$0x1FD60] =	vst v63  }
0x3b: {  	s12 =	sshrl.u32 s5, $0x3;
	s11 =	sadd.s32 $0xC800, s14;
	_ =	swait.ge [sflag:s25], $0x640  }
0x3c: {  	s14 =	sadd.s32 $0x1900, s13;
	s17 =	sadd.s32 $0xC800, s5;
	[sflag:s25] =	ssyncset.done $0x0  }
.LBB2_27:
0x3d: {  	s5 =	sshrl.u32 s17, $0x3;
	s10 =	sor.u32 $0x1C09, s0;
	[sflag:s25] =	ssyncadd.s32 $0xFFFFF9C0  }
0x3e: {  	[spmem:s12], [sflag:s10] =	dma.local [hbm:s14], $0x190  }
0x3f: {  	p2 =	sne.s32 s22, $0x1;
	s22 =	sadd.s32 $0xFFFFFFFF, s22;
	_ =	swait.ge [sflag:s25], $0x190  }
0x40: {  	s12 =	smov.u32 s5;
	[sflag:s25] =	ssyncset.done $0x0  }
0x41: {  	[sflag:s25] =	ssyncadd.s32 $0xFFFFFE70  }
0x42: {  	[spmem:s11] =	stream.linear.scatter [tilespmem:s26], [sflag:$0x9], $0x640, $0x38;
	[tilespmem:$0x1FD60] =	vst v63  }
0x43: {  	_ =	swait.ge [sflag:s25], $0x640  }
.Ltmp6:
0x44: {  	[sflag:s25] =	ssyncset.done $0x0;
	(pc) =	sbr.rel @p2 .LBB2_27-.Ltmp6, $4  }
0x45: {  	s5 =	sadd.s32 $0x640, s11;
	[sflag:s25] =	ssyncadd.s32 $0xFFFFF9C0  }
0x46: {  	[spmem:s5] =	stream.linear.scatter [tilespmem:s26], [sflag:$0x9], $0x640, $0x38;
	[tilespmem:$0x1FD60] =	vst v63  }
0x47: {  	s14 =	sadd.s32 $0x1900, s14;
	s11 =	sadd.s32 $0xC800, s11;
	_ =	swait.ge [sflag:s25], $0x640  }
0x48: {  	s17 =	sadd.s32 $0xC800, s17;
	[sflag:s25] =	ssyncset.done $0x0  }
0x49: {  	s17 =	rddreg [dreg:$0x6]  }
.LBB2_29:
0x4a: {  	s0 =	sor.u32 $0x1C09, s0;
	[sflag:s25] =	ssyncadd.s32 @p1 $0xFFFFF9C0  }
0x4b: {  	[spmem:s12], [sflag:s0] =	dma.local [hbm:s14], $0x190  }
0x4c: {  	_ =	swait.ge [sflag:s25], $0x190  }
0x4d: {  	[sflag:s25] =	ssyncset.done $0x0  }
0x4e: {  	[sflag:s25] =	ssyncadd.s32 $0xFFFFFE70  }
0x4f: {  	[spmem:s11] =	stream.linear.scatter [tilespmem:s26], [sflag:$0x9], $0x640, $0x38;
	[tilespmem:$0x1FD60] =	vst v63  }
0x50: {  	_ =	swait.ge [sflag:s25], $0x640  }
0x51: {  	[sflag:s25] =	ssyncset.done $0x0  }
0x52: {  	s22 =	sadd.s32 $0x640, s11;
	[sflag:s25] =	ssyncadd.s32 $0xFFFFF9C0  }
0x53: {  	[spmem:s22] =	stream.linear.scatter [tilespmem:s26], [sflag:$0x9], $0x640, $0x38;
	[tilespmem:$0x1FD60] =	vst v63  }
0x54: {  	_ =	swait.ge [sflag:s25], $0x640  }
0x55: {  	[sflag:s25] =	ssyncset.done $0x0  }
0x56: {  	[sflag:s25] =	ssyncadd.s32 $0xFFFFF9C0  }
0x57: {  	s14 =	simm.s32 $0x0;
	[bflag:$0x0] =	sbarrier.arrive $0xFFFF  }
.LBB2_30:
0x58: {  	s0 =	rddreg [dreg:$0xa];
	s5 =	simm.s32 $0x280;
	s10 =	simm.s32 $0x0  }
0x59: {  	[tilespmem:s5], [sflag:$0x5] =	stream.linear.gather [hbm4b:s0+s10], $0x1400, $0x38;
	[tilespmem:$0x1FD60] =	vst v63  }
0x5a: {  	s13 =	rddreg [dreg:$0xb]  }
0x5b: {  	[tilespmem:s10], [sflag:$0x7] =	stream.linear.gather [hbm4b:s13+s10], $0x140, $0x38;
	[tilespmem:$0x1FD60] =	vst v63  }
0x5c: {  	s22 =	rddreg [dreg:$0xc]  }
0x5d: {  	[tilespmem:s29], [sflag:$0x7] =	stream.linear.gather [hbm4b:s22+s10], $0x140, $0x38;
	[tilespmem:$0x1FD60] =	vst v63  }
0x5e: {  	_ =	swait.ge [sflag:s30], $0x140  }
0x5f: {  	[sflag:s30] =	ssyncset.done $0x0  }
0x60: {  	[sflag:s30] =	ssyncadd.s32 $0xFFFFFEC0  }
0x61: {  	_ =	swait.ge [sflag:s30], $0x140  }
0x62: {  	[sflag:s30] =	ssyncset.done $0x0  }
0x63: {  	[sflag:s30] =	ssyncadd.s32 $0xFFFFFEC0  }
0x64: {  	v3 =	vld [tilespmem:$0x140]  }
0x65: {  	v4 =	vld [tilespmem:$0x150]  }
0x66: {  	v5 =	vld [tilespmem:$0x160]  }
0x67: {  	v6 =	vld [tilespmem:$0x170]  }
0x68: {  	v7 =	vld [tilespmem:$0x180]  }
0x69: {  	v36 =	vld [tilespmem:$0x1A0];
	[tilespmem:$0x5500] =	vst v3  }
0x6a: {  	v37 =	vld [tilespmem:$0x1B0];
	[tilespmem:$0x5510] =	vst v4  }
0x6b: {  	v38 =	vld [tilespmem:$0x1C0];
	[tilespmem:$0x5520] =	vst v5  }
0x6c: {  	v39 =	vld [tilespmem:$0x1D0];
	[tilespmem:$0x5530] =	vst v6  }
0x6d: {  	v3 =	vld [tilespmem:$0x190];
	[tilespmem:$0x5540] =	vst v7  }
0x6e: {  	v40 =	vld [tilespmem:$0x1F0];
	[tilespmem:$0x5560] =	vst v36  }
0x6f: {  	v41 =	vld [tilespmem:$0x200];
	[tilespmem:$0x5570] =	vst v37  }
0x70: {  	v42 =	vld [tilespmem:$0x210];
	[tilespmem:$0x5580] =	vst v38  }
0x71: {  	v43 =	vld [tilespmem:$0x220];
	[tilespmem:$0x5590] =	vst v39  }
0x72: {  	[tilespmem:$0x5550] =	vst v3;
	v3 =	vld [tilespmem:$0x1E0]  }
0x73: {  	v44 =	vld [tilespmem:$0x240];
	[tilespmem:$0x55B0] =	vst v40  }
0x74: {  	v45 =	vld [tilespmem:$0x250];
	[tilespmem:$0x55C0] =	vst v41  }
0x75: {  	v46 =	vld [tilespmem:$0x260];
	[tilespmem:$0x55D0] =	vst v42  }
0x76: {  	v47 =	vld [tilespmem:$0x270];
	[tilespmem:$0x55E0] =	vst v43  }
0x77: {  	[tilespmem:$0x55A0] =	vst v3;
	v3 =	vld [tilespmem:$0x230]  }
0x78: {  	[tilespmem:$0x5600] =	vst v44  }
0x79: {  	[tilespmem:$0x5610] =	vst v45  }
0x7a: {  	[tilespmem:$0x5620] =	vst v46  }
0x7b: {  	[tilespmem:$0x5630] =	vst v47  }
0x7c: {  	[tilespmem:$0x55F0] =	vst v3  }
0x7d: {  	[tilespmem:s31], [sflag:$0x1] =	stream.indirect.gather [spmem:s2], $0x10, s10, s29, $0xb8;
	[tilespmem:$0x1FD60] =	vst v63  }
0x7e: {  	s11 =	simm.s32 $0x1900;
	s5 =	rddreg [dreg:$0xd]  }
0x7f: {  	[tilespmem:s11], [sflag:$0x6] =	stream.linear.gather [hbm4b:s5+s10], $0x1400, $0x38;
	[tilespmem:$0x1FD60] =	vst v63  }
0x80: {  	s12 =	rddreg [dreg:$0xe]  }
0x81: {  	[tilespmem:s20], [sflag:$0x8] =	stream.linear.gather [hbm4b:s12+s10], $0x140, $0x38;
	[tilespmem:$0x1FD60] =	vst v63  }
0x82: {  	s22 =	simm.s32 $0x17C0;
	s13 =	rddreg [dreg:$0xf]  }
0x83: {  	[tilespmem:s22], [sflag:$0x8] =	stream.linear.gather [hbm4b:s13+s10], $0x140, $0x38;
	[tilespmem:$0x1FD60] =	vst v63  }
0x84: {  	_ =	swait.ge [sflag:s24], $0x140  }
0x85: {  	[sflag:s24] =	ssyncset.done $0x0  }
0x86: {  	[sflag:s24] =	ssyncadd.s32 $0xFFFFFEC0  }
0x87: {  	_ =	swait.ge [sflag:s24], $0x140  }
0x88: {  	[sflag:s24] =	ssyncset.done $0x0  }
0x89: {  	[sflag:s24] =	ssyncadd.s32 $0xFFFFFEC0  }
0x8a: {  	v3 =	vld [tilespmem:$0x17C0]  }
0x8b: {  	v48 =	vld [tilespmem:$0x17D0]  }
0x8c: {  	v49 =	vld [tilespmem:$0x17E0]  }
0x8d: {  	v50 =	vld [tilespmem:$0x17F0]  }
0x8e: {  	v51 =	vld [tilespmem:$0x1800]  }
0x8f: {  	v52 =	vld [tilespmem:$0x1820];
	[tilespmem:$0x5640] =	vst v3  }
0x90: {  	v53 =	vld [tilespmem:$0x1830];
	[tilespmem:$0x5650] =	vst v48  }
0x91: {  	v54 =	vld [tilespmem:$0x1840];
	[tilespmem:$0x5660] =	vst v49  }
0x92: {  	v55 =	vld [tilespmem:$0x1850];
	[tilespmem:$0x5670] =	vst v50  }
0x93: {  	v3 =	vld [tilespmem:$0x1810];
	[tilespmem:$0x5680] =	vst v51  }
0x94: {  	v56 =	vld [tilespmem:$0x1870];
	[tilespmem:$0x56A0] =	vst v52  }
0x95: {  	v57 =	vld [tilespmem:$0x1880];
	[tilespmem:$0x56B0] =	vst v53  }
0x96: {  	v58 =	vld [tilespmem:$0x1890];
	[tilespmem:$0x56C0] =	vst v54  }
0x97: {  	v59 =	vld [tilespmem:$0x18A0];
	[tilespmem:$0x56D0] =	vst v55  }
0x98: {  	[tilespmem:$0x5690] =	vst v3;
	v3 =	vld [tilespmem:$0x1860]  }
0x99: {  	v60 =	vld [tilespmem:$0x18C0];
	[tilespmem:$0x56F0] =	vst v56  }
0x9a: {  	v61 =	vld [tilespmem:$0x18D0];
	[tilespmem:$0x5700] =	vst v57  }
0x9b: {  	v62 =	vld [tilespmem:$0x18E0];
	[tilespmem:$0x5710] =	vst v58  }
0x9c: {  	v63 =	vld [tilespmem:$0x18F0];
	[tilespmem:$0x5720] =	vst v59  }
0x9d: {  	[tilespmem:$0x56E0] =	vst v3;
	v3 =	vld [tilespmem:$0x18B0]  }
0x9e: {  	[tilespmem:$0x5740] =	vst v60  }
0x9f: {  	[tilespmem:$0x5750] =	vst v61  }
0xa0: {  	[tilespmem:$0x5760] =	vst v62  }
0xa1: {  	[tilespmem:$0x5770] =	vst v63  }
0xa2: {  	s11 =	simm.s32 $0x0;
	[tilespmem:$0x5730] =	vst v3  }
0xa3: {  	[tilespmem:s23], [sflag:$0x2] =	stream.indirect.gather [spmem:s2], $0x10, s20, s29, $0xb8;
	[tilespmem:$0x1FD60] =	vst v63  }
.LBB2_31:
0xa4: {  	_ =	swait.ge [sflag:s21], $0x1400  }
0xa5: {  	[sflag:s21] =	ssyncset.done $0x0  }
0xa6: {  	[sflag:s21] =	ssyncadd.s32 $0xFFFFEC00  }
0xa7: {  	_ =	swait.ge [sflag:s28], $0x1400  }
0xa8: {  	[sflag:s28] =	ssyncset.done $0x0  }
0xa9: {  	s0 =	simm.s32 $0x0;
	[sflag:s28] =	ssyncadd.s32 $0xFFFFEC00  }
0xaa: {  	v10 =	vld [tilespmem:s0+$0x280]  }
0xab: {  	v14 =	vld [tilespmem:s0+$0x290]  }
0xac: {  	v8 =	vld [tilespmem:s0+$0x2A0]  }
0xad: {  	v7 =	vld [tilespmem:s0+$0x2B0]  }
0xae: {  	v6 =	vld [tilespmem:s0+$0x2C0]  }
0xaf: {  	v5 =	vld [tilespmem:s0+$0x2D0]  }
0xb0: {  	v4 =	vld [tilespmem:s0+$0x2E0]  }
0xb1: {  	v3 =	vld [tilespmem:s0+$0x2F0]  }
0xb2: {  	v15 =	vld [tilespmem:s0+$0x2D00]  }
0xb3: {  	v16 =	vld [tilespmem:s0+$0x2D10]  }
0xb4: {  	v13 =	vld [tilespmem:s0+$0x2D20]  }
0xb5: {  	v12 =	vld [tilespmem:s0+$0x2D30]  }
0xb6: {  	v11 =	vld [tilespmem:s0+$0x2D40]  }
0xb7: {  	v9 =	vld [tilespmem:s0+$0x2D50];
	v15 =	vmul.bf16 v10, v15  }
0xb8: {  	s12 =	simm.s32 $0x200;
	v14 =	vmul.bf16 v14, v16;
	v10 =	vld [tilespmem:s0+$0x2D60]  }
.LBB2_32:
0xb9: {  	s5 =	sshra.s32 s12, $0x2;
	p1 =	sne.s32 s12, $0x4E00;
	[tilespmem:s0+$0x2D00] =	vst v15;
	v8 =	vmul.bf16 v8, v13;
	v13 =	vld [tilespmem:s0+$0x2D70]  }
0xba: {  	v15 =	vld [tilespmem:s5+$0x280];
	[tilespmem:s0+$0x2D10] =	vst v14;
	v7 =	vmul.bf16 v7, v12  }
0xbb: {  	v14 =	vld [tilespmem:s5+$0x290];
	[tilespmem:s0+$0x2D20] =	vst v8;
	v6 =	vmul.bf16 v6, v11  }
0xbc: {  	v8 =	vld [tilespmem:s5+$0x2A0];
	[tilespmem:s0+$0x2D30] =	vst v7;
	v5 =	vmul.bf16 v5, v9  }
0xbd: {  	v7 =	vld [tilespmem:s5+$0x2B0];
	[tilespmem:s0+$0x2D40] =	vst v6;
	v4 =	vmul.bf16 v4, v10  }
0xbe: {  	v6 =	vld [tilespmem:s5+$0x2C0];
	[tilespmem:s0+$0x2D50] =	vst v5;
	v3 =	vmul.bf16 v3, v13  }
0xbf: {  	v5 =	vld [tilespmem:s5+$0x2D0];
	[tilespmem:s0+$0x2D60] =	vst v4  }
0xc0: {  	v4 =	vld [tilespmem:s5+$0x2E0];
	[tilespmem:s0+$0x2D70] =	vst v3;
	s0 =	smov.u32 s5  }
0xc1: {  	v3 =	vld [tilespmem:s0+$0x2F0]  }
0xc2: {  	v9 =	vld [tilespmem:s0+$0x2D00]  }
0xc3: {  	v10 =	vld [tilespmem:s0+$0x2D10]  }
.Ltmp7:
0xc4: {  	v13 =	vld [tilespmem:s0+$0x2D20];
	(pc) =	sbr.rel @p1 .LBB2_32-.Ltmp7, $4  }
0xc5: {  	v12 =	vld [tilespmem:s0+$0x2D30]  }
0xc6: {  	v11 =	vld [tilespmem:s0+$0x2D40]  }
0xc7: {  	v15 =	vmul.bf16 v15, v9;
	v9 =	vld [tilespmem:s0+$0x2D50]  }
0xc8: {  	s12 =	sadd.s32 $0x200, s12;
	v14 =	vmul.bf16 v14, v10;
	v10 =	vld [tilespmem:s0+$0x2D60]  }
0xc9: {  	[tilespmem:s0+$0x2D00] =	vst v15;
	v8 =	vmul.bf16 v8, v13;
	v13 =	vld [tilespmem:s0+$0x2D70]  }
0xca: {  	[tilespmem:s0+$0x2D10] =	vst v14;
	v7 =	vmul.bf16 v7, v12  }
0xcb: {  	[tilespmem:s0+$0x2D20] =	vst v8;
	v6 =	vmul.bf16 v6, v11  }
0xcc: {  	[tilespmem:s0+$0x2D30] =	vst v7;
	v5 =	vmul.bf16 v5, v9  }
0xcd: {  	[tilespmem:s0+$0x2D40] =	vst v6;
	v4 =	vmul.bf16 v4, v10  }
0xce: {  	s5 =	sshll.u32 s11, $0x1;
	[tilespmem:s0+$0x2D50] =	vst v5;
	v3 =	vmul.bf16 v3, v13  }
0xcf: {  	p1 =	seq.s32 s11, $0x4F;
	s12 =	sadd.s32 s17, s5;
	[tilespmem:s0+$0x2D60] =	vst v4  }
0xd0: {  	s22 =	simm.s32 $0x5500;
	[tilespmem:s0+$0x2D70] =	vst v3;
	s0 =	smul.u32 @!p1 $0x140, s12  }
0xd1: {  	[spmem:s3] =	stream.indirect.scatter.add.bf16 [tilespmem:s31], [sflag:$0x3], $0x10, s22, s29, $0xb8;
	[tilespmem:$0x1FD60] =	vst v63  }
0xd2: {  	s0 =	sadd.s32 @!p1 $0x280, s0  }
0xd3: {  	s10 =	simm.s32 @!p1 $0x0;
	s5 =	sshll.u32 @!p1 s0, $0x1  }
0xd4: {  	s13 =	simm.s32 @!p1 $0x280;
	s0 =	sshrl.u32 @!p1 s0, $0x3;
	s5 =	sadd.s32 @!p1 s9, s5  }
0xd5: {  	[tilespmem:s13], [sflag:$0x5] =	stream.linear.gather @!p1 [hbm4b:s5+s10], $0x1400, $0x38;
	[tilespmem:$0x1FD60] =	vst v63  }
0xd6: {  	s5 =	sadd.s32 @!p1 s7, s0  }
0xd7: {  	[tilespmem:s10], [sflag:$0x7] =	stream.linear.gather @!p1 [hbm4b:s5+s10], $0x140, $0x38;
	[tilespmem:$0x1FD60] =	vst v63  }
0xd8: {  	s0 =	sadd.s32 @!p1 s8, s0;
	s5 =	simm.s32 @!p1 $0x140  }
0xd9: {  	[tilespmem:s5], [sflag:$0x7] =	stream.linear.gather @!p1 [hbm4b:s0+s10], $0x140, $0x38;
	[tilespmem:$0x1FD60] =	vst v63  }
0xda: {  	_ =	swait.ge [sflag:s15], $0x1400  }
0xdb: {  	[sflag:s15] =	ssyncset.done $0x0  }
0xdc: {  	[sflag:s15] =	ssyncadd.s32 $0xFFFFEC00  }
0xdd: {  	_ =	swait.ge [sflag:s16], $0x1400  }
0xde: {  	[sflag:s16] =	ssyncset.done $0x0  }
0xdf: {  	s0 =	simm.s32 $0x0;
	[sflag:s16] =	ssyncadd.s32 $0xFFFFEC00  }
0xe0: {  	v10 =	vld [tilespmem:s0+$0x1900]  }
0xe1: {  	v14 =	vld [tilespmem:s0+$0x1910]  }
0xe2: {  	v8 =	vld [tilespmem:s0+$0x1920]  }
0xe3: {  	v7 =	vld [tilespmem:s0+$0x1930]  }
0xe4: {  	v6 =	vld [tilespmem:s0+$0x1940]  }
0xe5: {  	v5 =	vld [tilespmem:s0+$0x1950]  }
0xe6: {  	v4 =	vld [tilespmem:s0+$0x1960]  }
0xe7: {  	v3 =	vld [tilespmem:s0+$0x1970]  }
0xe8: {  	v15 =	vld [tilespmem:s0+$0x4100]  }
0xe9: {  	v16 =	vld [tilespmem:s0+$0x4110]  }
0xea: {  	v13 =	vld [tilespmem:s0+$0x4120]  }
0xeb: {  	v12 =	vld [tilespmem:s0+$0x4130]  }
0xec: {  	v11 =	vld [tilespmem:s0+$0x4140]  }
0xed: {  	v9 =	vld [tilespmem:s0+$0x4150];
	v15 =	vmul.bf16 v10, v15  }
0xee: {  	s22 =	simm.s32 $0x200;
	v14 =	vmul.bf16 v14, v16;
	v10 =	vld [tilespmem:s0+$0x4160]  }
.LBB2_34:
0xef: {  	s5 =	sshra.s32 s22, $0x2;
	p2 =	sne.s32 s22, $0x4E00;
	[tilespmem:s0+$0x4100] =	vst v15;
	v8 =	vmul.bf16 v8, v13;
	v13 =	vld [tilespmem:s0+$0x4170]  }
0xf0: {  	v15 =	vld [tilespmem:s5+$0x1900];
	[tilespmem:s0+$0x4110] =	vst v14;
	v7 =	vmul.bf16 v7, v12  }
0xf1: {  	v14 =	vld [tilespmem:s5+$0x1910];
	[tilespmem:s0+$0x4120] =	vst v8;
	v6 =	vmul.bf16 v6, v11  }
0xf2: {  	v8 =	vld [tilespmem:s5+$0x1920];
	[tilespmem:s0+$0x4130] =	vst v7;
	v5 =	vmul.bf16 v5, v9  }
0xf3: {  	v7 =	vld [tilespmem:s5+$0x1930];
	[tilespmem:s0+$0x4140] =	vst v6;
	v4 =	vmul.bf16 v4, v10  }
0xf4: {  	v6 =	vld [tilespmem:s5+$0x1940];
	[tilespmem:s0+$0x4150] =	vst v5;
	v3 =	vmul.bf16 v3, v13  }
0xf5: {  	v5 =	vld [tilespmem:s5+$0x1950];
	[tilespmem:s0+$0x4160] =	vst v4  }
0xf6: {  	v4 =	vld [tilespmem:s5+$0x1960];
	[tilespmem:s0+$0x4170] =	vst v3;
	s0 =	smov.u32 s5  }
0xf7: {  	v3 =	vld [tilespmem:s0+$0x1970]  }
0xf8: {  	v9 =	vld [tilespmem:s0+$0x4100]  }
0xf9: {  	v10 =	vld [tilespmem:s0+$0x4110]  }
.Ltmp8:
0xfa: {  	v13 =	vld [tilespmem:s0+$0x4120];
	(pc) =	sbr.rel @p2 .LBB2_34-.Ltmp8, $4  }
0xfb: {  	v12 =	vld [tilespmem:s0+$0x4130]  }
0xfc: {  	v11 =	vld [tilespmem:s0+$0x4140]  }
0xfd: {  	v15 =	vmul.bf16 v15, v9;
	v9 =	vld [tilespmem:s0+$0x4150]  }
0xfe: {  	s22 =	sadd.s32 $0x200, s22;
	v14 =	vmul.bf16 v14, v10;
	v10 =	vld [tilespmem:s0+$0x4160]  }
0xff: {  	[tilespmem:s0+$0x4100] =	vst v15;
	v8 =	vmul.bf16 v8, v13;
	v63 =	vld [tilespmem:s0+$0x4170]  }
0x100: {  	[tilespmem:s0+$0x4110] =	vst v14;
	v7 =	vmul.bf16 v7, v12  }
0x101: {  	[tilespmem:s0+$0x4120] =	vst v8;
	v6 =	vmul.bf16 v6, v11  }
0x102: {  	[tilespmem:s0+$0x4130] =	vst v7;
	v5 =	vmul.bf16 v5, v9  }
.Ltmp9:
0x103: {  	[tilespmem:s0+$0x4140] =	vst v6;
	v4 =	vmul.bf16 v4, v10;
	(pc) =	sbr.rel @p1 .LBB2_37-.Ltmp9, $4  }
0x104: {  	[tilespmem:s0+$0x4150] =	vst v5;
	v3 =	vmul.bf16 v3, v63  }
0x105: {  	[tilespmem:s0+$0x4160] =	vst v4  }
0x106: {  	s22 =	simm.s32 $0x5640;
	[tilespmem:s0+$0x4170] =	vst v3  }
0x107: {  	[spmem:s3] =	stream.indirect.scatter.add.bf16 [tilespmem:s23], [sflag:$0x4], $0x10, s22, s29, $0xb8;
	[tilespmem:$0x1FD60] =	vst v63  }
0x108: {  	s0 =	smul.u32 $0x140, s12;
	_ =	sdelay $0x1  }
0x109: {  	s0 =	sadd.s32 $0x3C0, s0  }
0x10a: {  	s5 =	sshll.u32 s0, $0x1  }
0x10b: {  	s10 =	simm.s32 $0x1900;
	s0 =	sshrl.u32 s0, $0x3;
	s5 =	sadd.s32 s9, s5  }
0x10c: {  	[tilespmem:s10], [sflag:$0x6] =	stream.linear.gather [hbm4b:s5+s4], $0x1400, $0x38;
	[tilespmem:$0x1FD60] =	vst v63  }
0x10d: {  	s13 =	sadd.s32 s7, s0  }
0x10e: {  	[tilespmem:s20], [sflag:$0x8] =	stream.linear.gather [hbm4b:s13+s4], $0x140, $0x38;
	[tilespmem:$0x1FD60] =	vst v63  }
0x10f: {  	s22 =	simm.s32 $0x17C0;
	s0 =	sadd.s32 s8, s0  }
0x110: {  	[tilespmem:s22], [sflag:$0x8] =	stream.linear.gather [hbm4b:s0+s4], $0x140, $0x38;
	[tilespmem:$0x1FD60] =	vst v63  }
0x111: {  	_ =	swait.ge [sflag:s18], $0x1400  }
0x112: {  	[sflag:s18] =	ssyncset.done $0x0  }
0x113: {  	[sflag:s18] =	ssyncadd.s32 $0xFFFFEC00  }
0x114: {  	_ =	swait.ge [sflag:s30], $0x140  }
0x115: {  	[sflag:s30] =	ssyncset.done $0x0  }
0x116: {  	[sflag:s30] =	ssyncadd.s32 $0xFFFFFEC0  }
0x117: {  	_ =	swait.ge [sflag:s30], $0x140  }
0x118: {  	[sflag:s30] =	ssyncset.done $0x0  }
0x119: {  	[sflag:s30] =	ssyncadd.s32 $0xFFFFFEC0  }
0x11a: {  	v3 =	vld [tilespmem:$0x140]  }
0x11b: {  	v4 =	vld [tilespmem:$0x150]  }
0x11c: {  	v5 =	vld [tilespmem:$0x160]  }
0x11d: {  	v6 =	vld [tilespmem:$0x170]  }
0x11e: {  	v7 =	vld [tilespmem:$0x180]  }
0x11f: {  	v36 =	vld [tilespmem:$0x1A0];
	[tilespmem:$0x5500] =	vst v3  }
0x120: {  	v37 =	vld [tilespmem:$0x1B0];
	[tilespmem:$0x5510] =	vst v4  }
0x121: {  	v38 =	vld [tilespmem:$0x1C0];
	[tilespmem:$0x5520] =	vst v5  }
0x122: {  	v39 =	vld [tilespmem:$0x1D0];
	[tilespmem:$0x5530] =	vst v6  }
0x123: {  	v3 =	vld [tilespmem:$0x190];
	[tilespmem:$0x5540] =	vst v7  }
0x124: {  	v40 =	vld [tilespmem:$0x1F0];
	[tilespmem:$0x5560] =	vst v36  }
0x125: {  	v41 =	vld [tilespmem:$0x200];
	[tilespmem:$0x5570] =	vst v37  }
0x126: {  	v42 =	vld [tilespmem:$0x210];
	[tilespmem:$0x5580] =	vst v38  }
0x127: {  	v43 =	vld [tilespmem:$0x220];
	[tilespmem:$0x5590] =	vst v39  }
0x128: {  	[tilespmem:$0x5550] =	vst v3;
	v3 =	vld [tilespmem:$0x1E0]  }
0x129: {  	v44 =	vld [tilespmem:$0x240];
	[tilespmem:$0x55B0] =	vst v40  }
0x12a: {  	v45 =	vld [tilespmem:$0x250];
	[tilespmem:$0x55C0] =	vst v41  }
0x12b: {  	v46 =	vld [tilespmem:$0x260];
	[tilespmem:$0x55D0] =	vst v42  }
0x12c: {  	v47 =	vld [tilespmem:$0x270];
	[tilespmem:$0x55E0] =	vst v43  }
0x12d: {  	[tilespmem:$0x55A0] =	vst v3;
	v3 =	vld [tilespmem:$0x230]  }
0x12e: {  	[tilespmem:$0x5600] =	vst v44  }
0x12f: {  	[tilespmem:$0x5610] =	vst v45  }
0x130: {  	[tilespmem:$0x5620] =	vst v46  }
0x131: {  	[tilespmem:$0x5630] =	vst v47  }
0x132: {  	[tilespmem:$0x55F0] =	vst v3  }
0x133: {  	[tilespmem:s31], [sflag:$0x1] =	stream.indirect.gather [spmem:s2], $0x10, s4, s29, $0xb8;
	[tilespmem:$0x1FD60] =	vst v63  }
0x134: {  	_ =	swait.ge [sflag:s19], $0x1400  }
0x135: {  	[sflag:s19] =	ssyncset.done $0x0  }
0x136: {  	[sflag:s19] =	ssyncadd.s32 $0xFFFFEC00  }
0x137: {  	_ =	swait.ge [sflag:s24], $0x140  }
0x138: {  	[sflag:s24] =	ssyncset.done $0x0  }
0x139: {  	[sflag:s24] =	ssyncadd.s32 $0xFFFFFEC0  }
0x13a: {  	_ =	swait.ge [sflag:s24], $0x140  }
0x13b: {  	[sflag:s24] =	ssyncset.done $0x0  }
0x13c: {  	[sflag:s24] =	ssyncadd.s32 $0xFFFFFEC0  }
0x13d: {  	v3 =	vld [tilespmem:$0x17C0]  }
0x13e: {  	v48 =	vld [tilespmem:$0x17D0]  }
0x13f: {  	v49 =	vld [tilespmem:$0x17E0]  }
0x140: {  	v50 =	vld [tilespmem:$0x17F0]  }
0x141: {  	v51 =	vld [tilespmem:$0x1800]  }
0x142: {  	v52 =	vld [tilespmem:$0x1820];
	[tilespmem:$0x5640] =	vst v3  }
0x143: {  	v53 =	vld [tilespmem:$0x1830];
	[tilespmem:$0x5650] =	vst v48  }
0x144: {  	v54 =	vld [tilespmem:$0x1840];
	[tilespmem:$0x5660] =	vst v49  }
0x145: {  	v55 =	vld [tilespmem:$0x1850];
	[tilespmem:$0x5670] =	vst v50  }
0x146: {  	v3 =	vld [tilespmem:$0x1810];
	[tilespmem:$0x5680] =	vst v51  }
0x147: {  	v56 =	vld [tilespmem:$0x1870];
	[tilespmem:$0x56A0] =	vst v52  }
0x148: {  	v57 =	vld [tilespmem:$0x1880];
	[tilespmem:$0x56B0] =	vst v53  }
0x149: {  	v58 =	vld [tilespmem:$0x1890];
	[tilespmem:$0x56C0] =	vst v54  }
0x14a: {  	v59 =	vld [tilespmem:$0x18A0];
	[tilespmem:$0x56D0] =	vst v55  }
0x14b: {  	[tilespmem:$0x5690] =	vst v3;
	v3 =	vld [tilespmem:$0x1860]  }
0x14c: {  	v60 =	vld [tilespmem:$0x18C0];
	[tilespmem:$0x56F0] =	vst v56  }
0x14d: {  	v61 =	vld [tilespmem:$0x18D0];
	[tilespmem:$0x5700] =	vst v57  }
0x14e: {  	v62 =	vld [tilespmem:$0x18E0];
	[tilespmem:$0x5710] =	vst v58  }
0x14f: {  	v63 =	vld [tilespmem:$0x18F0];
	[tilespmem:$0x5720] =	vst v59  }
0x150: {  	[tilespmem:$0x56E0] =	vst v3;
	v3 =	vld [tilespmem:$0x18B0]  }
0x151: {  	[tilespmem:$0x5740] =	vst v60  }
.Ltmp10:
0x152: {  	[tilespmem:$0x5750] =	vst v61;
	(pc) =	sbr.rel .LBB2_31-.Ltmp10, $4  }
0x153: {  	[tilespmem:$0x5760] =	vst v62  }
0x154: {  	[tilespmem:$0x5770] =	vst v63  }
0x155: {  	s11 =	sadd.s32 $0x1, s11;
	[tilespmem:$0x5730] =	vst v3  }
0x156: {  	[tilespmem:s23], [sflag:$0x2] =	stream.indirect.gather [spmem:s2], $0x10, s20, s29, $0xb8;
	[tilespmem:$0x1FD60] =	vst v63  }
.LBB2_37:
0x157: {  	_ =	swait.ge [sflag:s18], $0x1400  }
0x158: {  	[sflag:s18] =	ssyncset.done $0x0  }
0x159: {  	[sflag:s18] =	ssyncadd.s32 $0xFFFFEC00  }
0x15a: {  	_ =	swait.ge [sflag:s19], $0x1400  }
0x15b: {  	[sflag:s19] =	ssyncset.done $0x0  }
0x15c: {  	[sflag:s19] =	ssyncadd.s32 $0xFFFFEC00  }
0x15d: {  	s0 =	simm.s32 $0x0;
	[bflag:$0x0] =	sbarrier.arrive $0xFFFF  }
0x15e: {  	p1 =	sne.s32 s14, $0x9;
	s11 =	simm.s32 $0x0;
	[dreg:$0x17] =	wrdreg s14  }
.LBB2_38:
0x15f: {  	s5 =	sshll.u32 s11, $0x4;
	s10 =	stileid.u32  }
0x160: {  	s22 =	sor.u32 s10, s5  }
0x161: {  	s5 =	smul.u32 $0x1900, s22;
	_ =	sdelay $0x1  }
0x162: {  	s17 =	sshra.s32 s5, $0x1  }
0x163: {  	s14 =	sadd.s32 s17, s3  }
0x164: {  	[tilespmem:s1], [sflag:$0xA] =	stream.linear.gather [spmem:s14], $0xC80, $0x38;
	[tilespmem:$0x1FD60] =	vst v63  }
0x165: {  	_ =	swait.ge [sflag:s6], $0xC80  }
0x166: {  	[sflag:s6] =	ssyncset.done $0x0  }
0x167: {  	[sflag:s6] =	ssyncadd.s32 $0xFFFFF380  }
0x168: {  	s12 =	sshrl.u32 s5, $0x4;
	s10 =	rddreg [dreg:$0x1]  }
0x169: {  	s13 =	simm.s32 $0x6400;
	s5 =	sadd.s32 s10, s12  }
0x16a: {  	[tilespmem:s13], [sflag:$0xA] =	stream.linear.gather [hbm4b:s5+s0], $0xC80, $0x38;
	[tilespmem:$0x1FD60] =	vst v63  }
0x16b: {  	_ =	swait.ge [sflag:s6], $0xC80  }
0x16c: {  	[sflag:s6] =	ssyncset.done $0x0  }
0x16d: {  	s5 =	simm.s32 $0x0;
	[sflag:s6] =	ssyncadd.s32 $0xFFFFF380  }
0x16e: {  	s10 =	simm.s32 $0x40;
	v3 =	vld [tilespmem:s5+$0x6400]  }
.LBB2_39:
0x16f: {  	p2 =	sne.s32 s10, $0x31C0;
	v4 =	vld [tilespmem:s5+$0x5780];
	_ =	sdelay $0x4  }
.Ltmp11:
0x170: {  	v3 =	vmul.bf16 v2, v3;
	v4 =	vmul.bf16 v1, v4;
	(pc) =	sbr.rel @p2 .LBB2_39-.Ltmp11, $4  }
0x171: {  	_ = 	snop  }
0x172: {  	v4 =	vadd.bf16 v3, v4  }
0x173: {  	s13 =	sshra.s32 s10, $0x2  }
0x174: {  	s10 =	sadd.s32 $0x40, s10;
	v3 =	vld [tilespmem:s13+$0x6400];
	[tilespmem:s5+$0x5780] =	vst v4;
	s5 =	smov.u32 s13  }
0x175: {  	v4 =	vld [tilespmem:s5+$0x5780];
	_ =	sdelay $0x4  }
0x176: {  	v3 =	vmul.bf16 v2, v3;
	v4 =	vmul.bf16 v1, v4;
	_ =	sdelay $0x1  }
0x177: {  	v3 =	vadd.bf16 v3, v4;
	_ =	sdelay $0x1  }
0x178: {  	s13 =	sadd.s32 s17, s2;
	[tilespmem:s5+$0x5780] =	vst v3  }
0x179: {  	[spmem:s13] =	stream.linear.scatter [tilespmem:s1], [sflag:$0xA], $0xC80, $0x38;
	[tilespmem:$0x1FD60] =	vst v63  }
0x17a: {  	_ =	swait.ge [sflag:s6], $0xC80  }
0x17b: {  	[sflag:s6] =	ssyncset.done $0x0  }
0x17c: {  	s17 =	smul.u32 $0x3200, s22;
	[sflag:s6] =	ssyncadd.s32 $0xFFFFF380  }
0x17d: {  	[spmem:s14] =	stream.linear.scatter [tilespmem:s26], [sflag:$0xA], $0x640, $0x38;
	[tilespmem:$0x1FD60] =	vst v63  }
0x17e: {  	s5 =	sshra.s32 s17, $0x2;
	_ =	swait.ge [sflag:s6], $0x640  }
0x17f: {  	s5 =	sadd.s32 s5, s3;
	[sflag:s6] =	ssyncset.done $0x0  }
0x180: {  	s5 =	sadd.s32 $0x640, s5;
	[sflag:s6] =	ssyncadd.s32 $0xFFFFF9C0  }
0x181: {  	[spmem:s5] =	stream.linear.scatter [tilespmem:s26], [sflag:$0xA], $0x640, $0x38;
	[tilespmem:$0x1FD60] =	vst v63  }
0x182: {  	_ =	swait.ge [sflag:s6], $0x640  }
0x183: {  	s10 =	simm.s32 @!p1 $0x0;
	[sflag:s6] =	ssyncset.done $0x0;
	s5 =	rddreg [dreg:$0x8]  }
0x184: {  	[sflag:s6] =	ssyncadd.s32 $0xFFFFF9C0;
	s5 =	sadd.s32 @!p1 s5, s12;
	s12 =	simm.s32 @!p1 $0x5780  }
0x185: {  	[hbm4b:s5+s10] =	stream.linear.scatter @!p1 [tilespmem:s12], [sflag:$0x9], $0xC80, $0x38;
	[tilespmem:$0x1FD60] =	vst v63  }
0x186: {  	s5 =	simm.s32 @!p1 $0x9  }
0x187: {  	_ =	swait.ge @!p1 [sflag:s5], $0xC80  }
0x188: {  	s11 =	sadd.s32 $0x1, s11;
	s22 =	rddreg [dreg:$0x9]  }
0x189: {  	p2 =	sne.s32 s11, s22  }
.Ltmp12:
0x18a: {  	_ = 	snop;
	(pc) =	sbr.rel @p2 .LBB2_38-.Ltmp12, $3  }
0x18b: {  	_ =	sdelay $0x1  }
0x18c: {  	[sflag:s5] =	ssyncset.done @!p1 $0x0  }
0x18d: {  	[sflag:s5] =	ssyncadd.s32 @!p1 $0xFFFFF380  }
0x18e: {  	s14 =	rddreg [dreg:$0x17]  }
0x18f: {  	s14 =	sadd.s32 $0x1, s14  }
0x190: {  	p1 =	sne.s32 s14, $0xA  }
.Ltmp13:
0x191: {  	_ = 	snop;
	(pc) =	sbr.rel @p1 .LBB2_30-.Ltmp13, $4  }
.Ltmp14:
0x192: {  	_ = 	snop;
	(pc) =	sbr.rel @!p1 .LBB2_42-.Ltmp14, $4  }
0x193: {  	_ = 	snop  }
0x194: {  	[bflag:$0x0] =	sbarrier.arrive $0xFFFF  }
0x195: {  	s17 =	rddreg [dreg:$0x6]  }
0x196: {  	_ = 	snop  }
.LBB2_4:
0x197: {  	s0 =	rddreg [dreg:$0x9]  }
0x198: {  	p2 =	sne.s32 s0, $0x1  }
.Ltmp15:
0x199: {  	_ = 	snop;
	(pc) =	sbr.rel @!p2 .LBB2_5-.Ltmp15, $4  }
0x19a: {  	_ = 	snop  }
0x19b: {  	s5 =	rddreg [dreg:$0x13]  }
0x19c: {  	s22 =	stileid.u32;
	p1 =	por $0x0, $0x0;
	s12 =	sshrl.u32 s5, $0x3  }
0x19d: {  	s10 =	sadd.s32 $0xFFFFFFFF, s0;
	s0 =	sshll.u32 s22, $0x6;
	s5 =	sadd.s32 $0xC800, s5  }
0x19e: {  	s11 =	sor.u32 $0x1C09, s0;
	s13 =	rddreg [dreg:$0x12]  }
0x19f: {  	[spmem:s12], [sflag:s11] =	dma.local [hbm:s13], $0x190  }
0x1a0: {  	_ =	swait.ge [sflag:s25], $0x190  }
0x1a1: {  	[sflag:s25] =	ssyncset.done $0x0  }
0x1a2: {  	s14 =	rddreg [dreg:$0x11];
	[sflag:s25] =	ssyncadd.s32 $0xFFFFFE70  }
0x1a3: {  	[spmem:s14] =	stream.linear.scatter [tilespmem:s26], [sflag:$0x9], $0x640, $0x38;
	[tilespmem:$0x1FD60] =	vst v63  }
0x1a4: {  	p2 =	sne.s32 s10, $0x1;
	_ =	swait.ge [sflag:s25], $0x640  }
.Ltmp16:
0x1a5: {  	s22 =	sadd.s32 $0xFFFFFFFF, s10;
	[sflag:s25] =	ssyncset.done $0x0;
	(pc) =	sbr.rel @!p2 .LBB2_7-.Ltmp16, $4  }
0x1a6: {  	p1 =	por $0x1, $0x1;
	s17 =	sadd.s32 $0x640, s14;
	[sflag:s25] =	ssyncadd.s32 $0xFFFFF9C0  }
0x1a7: {  	[spmem:s17] =	stream.linear.scatter [tilespmem:s26], [sflag:$0x9], $0x640, $0x38;
	[tilespmem:$0x1FD60] =	vst v63  }
0x1a8: {  	s12 =	sshrl.u32 s5, $0x3;
	s11 =	sadd.s32 $0xC800, s14;
	_ =	swait.ge [sflag:s25], $0x640  }
0x1a9: {  	s14 =	sadd.s32 $0x1900, s13;
	s17 =	sadd.s32 $0xC800, s5;
	[sflag:s25] =	ssyncset.done $0x0  }
.LBB2_8:
0x1aa: {  	s5 =	sshrl.u32 s17, $0x3;
	s10 =	sor.u32 $0x1C09, s0;
	[sflag:s25] =	ssyncadd.s32 $0xFFFFF9C0  }
0x1ab: {  	[spmem:s12], [sflag:s10] =	dma.local [hbm:s14], $0x190  }
0x1ac: {  	p2 =	sne.s32 s22, $0x1;
	s22 =	sadd.s32 $0xFFFFFFFF, s22;
	_ =	swait.ge [sflag:s25], $0x190  }
0x1ad: {  	s12 =	smov.u32 s5;
	[sflag:s25] =	ssyncset.done $0x0  }
0x1ae: {  	[sflag:s25] =	ssyncadd.s32 $0xFFFFFE70  }
0x1af: {  	[spmem:s11] =	stream.linear.scatter [tilespmem:s26], [sflag:$0x9], $0x640, $0x38;
	[tilespmem:$0x1FD60] =	vst v63  }
0x1b0: {  	_ =	swait.ge [sflag:s25], $0x640  }
.Ltmp17:
0x1b1: {  	[sflag:s25] =	ssyncset.done $0x0;
	(pc) =	sbr.rel @p2 .LBB2_8-.Ltmp17, $4  }
0x1b2: {  	s5 =	sadd.s32 $0x640, s11;
	[sflag:s25] =	ssyncadd.s32 $0xFFFFF9C0  }
0x1b3: {  	[spmem:s5] =	stream.linear.scatter [tilespmem:s26], [sflag:$0x9], $0x640, $0x38;
	[tilespmem:$0x1FD60] =	vst v63  }
0x1b4: {  	s14 =	sadd.s32 $0x1900, s14;
	s11 =	sadd.s32 $0xC800, s11;
	_ =	swait.ge [sflag:s25], $0x640  }
0x1b5: {  	s17 =	sadd.s32 $0xC800, s17;
	[sflag:s25] =	ssyncset.done $0x0  }
0x1b6: {  	s17 =	rddreg [dreg:$0x6]  }
.LBB2_10:
0x1b7: {  	s0 =	sor.u32 $0x1C09, s0;
	[sflag:s25] =	ssyncadd.s32 @p1 $0xFFFFF9C0  }
0x1b8: {  	[spmem:s12], [sflag:s0] =	dma.local [hbm:s14], $0x190  }
0x1b9: {  	_ =	swait.ge [sflag:s25], $0x190  }
0x1ba: {  	[sflag:s25] =	ssyncset.done $0x0  }
0x1bb: {  	[sflag:s25] =	ssyncadd.s32 $0xFFFFFE70  }
0x1bc: {  	[spmem:s11] =	stream.linear.scatter [tilespmem:s26], [sflag:$0x9], $0x640, $0x38;
	[tilespmem:$0x1FD60] =	vst v63  }
0x1bd: {  	_ =	swait.ge [sflag:s25], $0x640  }
0x1be: {  	[sflag:s25] =	ssyncset.done $0x0  }
0x1bf: {  	s22 =	sadd.s32 $0x640, s11;
	[sflag:s25] =	ssyncadd.s32 $0xFFFFF9C0  }
0x1c0: {  	[spmem:s22] =	stream.linear.scatter [tilespmem:s26], [sflag:$0x9], $0x640, $0x38;
	[tilespmem:$0x1FD60] =	vst v63  }
0x1c1: {  	_ =	swait.ge [sflag:s25], $0x640  }
0x1c2: {  	[sflag:s25] =	ssyncset.done $0x0  }
0x1c3: {  	[sflag:s25] =	ssyncadd.s32 $0xFFFFF9C0  }
0x1c4: {  	s13 =	simm.s32 $0x0;
	[bflag:$0x0] =	sbarrier.arrive $0xFFFF  }
.LBB2_11:
0x1c5: {  	s0 =	rddreg [dreg:$0xa];
	s5 =	simm.s32 $0x280;
	s10 =	simm.s32 $0x0  }
0x1c6: {  	[tilespmem:s5], [sflag:$0x5] =	stream.linear.gather [hbm4b:s0+s10], $0x1400, $0x38;
	[tilespmem:$0x1FD60] =	vst v63  }
0x1c7: {  	s14 =	rddreg [dreg:$0xb]  }
0x1c8: {  	[tilespmem:s10], [sflag:$0x7] =	stream.linear.gather [hbm4b:s14+s10], $0x140, $0x38;
	[tilespmem:$0x1FD60] =	vst v63  }
0x1c9: {  	s22 =	rddreg [dreg:$0xc]  }
0x1ca: {  	[tilespmem:s29], [sflag:$0x7] =	stream.linear.gather [hbm4b:s22+s10], $0x140, $0x38;
	[tilespmem:$0x1FD60] =	vst v63  }
0x1cb: {  	_ =	swait.ge [sflag:s30], $0x140  }
0x1cc: {  	[sflag:s30] =	ssyncset.done $0x0  }
0x1cd: {  	[sflag:s30] =	ssyncadd.s32 $0xFFFFFEC0  }
0x1ce: {  	_ =	swait.ge [sflag:s30], $0x140  }
0x1cf: {  	[sflag:s30] =	ssyncset.done $0x0  }
0x1d0: {  	[sflag:s30] =	ssyncadd.s32 $0xFFFFFEC0  }
0x1d1: {  	v3 =	vld [tilespmem:$0x140]  }
0x1d2: {  	v4 =	vld [tilespmem:$0x150]  }
0x1d3: {  	v5 =	vld [tilespmem:$0x160]  }
0x1d4: {  	v6 =	vld [tilespmem:$0x170]  }
0x1d5: {  	v7 =	vld [tilespmem:$0x180]  }
0x1d6: {  	v36 =	vld [tilespmem:$0x1A0];
	[tilespmem:$0x5500] =	vst v3  }
0x1d7: {  	v37 =	vld [tilespmem:$0x1B0];
	[tilespmem:$0x5510] =	vst v4  }
0x1d8: {  	v38 =	vld [tilespmem:$0x1C0];
	[tilespmem:$0x5520] =	vst v5  }
0x1d9: {  	v39 =	vld [tilespmem:$0x1D0];
	[tilespmem:$0x5530] =	vst v6  }
0x1da: {  	v3 =	vld [tilespmem:$0x190];
	[tilespmem:$0x5540] =	vst v7  }
0x1db: {  	v40 =	vld [tilespmem:$0x1F0];
	[tilespmem:$0x5560] =	vst v36  }
0x1dc: {  	v41 =	vld [tilespmem:$0x200];
	[tilespmem:$0x5570] =	vst v37  }
0x1dd: {  	v42 =	vld [tilespmem:$0x210];
	[tilespmem:$0x5580] =	vst v38  }
0x1de: {  	v43 =	vld [tilespmem:$0x220];
	[tilespmem:$0x5590] =	vst v39  }
0x1df: {  	[tilespmem:$0x5550] =	vst v3;
	v3 =	vld [tilespmem:$0x1E0]  }
0x1e0: {  	v44 =	vld [tilespmem:$0x240];
	[tilespmem:$0x55B0] =	vst v40  }
0x1e1: {  	v45 =	vld [tilespmem:$0x250];
	[tilespmem:$0x55C0] =	vst v41  }
0x1e2: {  	v46 =	vld [tilespmem:$0x260];
	[tilespmem:$0x55D0] =	vst v42  }
0x1e3: {  	v47 =	vld [tilespmem:$0x270];
	[tilespmem:$0x55E0] =	vst v43  }
0x1e4: {  	[tilespmem:$0x55A0] =	vst v3;
	v3 =	vld [tilespmem:$0x230]  }
0x1e5: {  	[tilespmem:$0x5600] =	vst v44  }
0x1e6: {  	[tilespmem:$0x5610] =	vst v45  }
0x1e7: {  	[tilespmem:$0x5620] =	vst v46  }
0x1e8: {  	[tilespmem:$0x5630] =	vst v47  }
0x1e9: {  	[tilespmem:$0x55F0] =	vst v3  }
0x1ea: {  	[tilespmem:s31], [sflag:$0x1] =	stream.indirect.gather [spmem:s2], $0x10, s10, s29, $0xb8;
	[tilespmem:$0x1FD60] =	vst v63  }
0x1eb: {  	s11 =	simm.s32 $0x1900;
	s5 =	rddreg [dreg:$0xd]  }
0x1ec: {  	[tilespmem:s11], [sflag:$0x6] =	stream.linear.gather [hbm4b:s5+s10], $0x1400, $0x38;
	[tilespmem:$0x1FD60] =	vst v63  }
0x1ed: {  	s12 =	rddreg [dreg:$0xe]  }
0x1ee: {  	[tilespmem:s20], [sflag:$0x8] =	stream.linear.gather [hbm4b:s12+s10], $0x140, $0x38;
	[tilespmem:$0x1FD60] =	vst v63  }
0x1ef: {  	s22 =	simm.s32 $0x17C0;
	s14 =	rddreg [dreg:$0xf]  }
0x1f0: {  	[tilespmem:s22], [sflag:$0x8] =	stream.linear.gather [hbm4b:s14+s10], $0x140, $0x38;
	[tilespmem:$0x1FD60] =	vst v63  }
0x1f1: {  	_ =	swait.ge [sflag:s24], $0x140  }
0x1f2: {  	[sflag:s24] =	ssyncset.done $0x0  }
0x1f3: {  	[sflag:s24] =	ssyncadd.s32 $0xFFFFFEC0  }
0x1f4: {  	_ =	swait.ge [sflag:s24], $0x140  }
0x1f5: {  	[sflag:s24] =	ssyncset.done $0x0  }
0x1f6: {  	[sflag:s24] =	ssyncadd.s32 $0xFFFFFEC0  }
0x1f7: {  	v3 =	vld [tilespmem:$0x17C0]  }
0x1f8: {  	v48 =	vld [tilespmem:$0x17D0]  }
0x1f9: {  	v49 =	vld [tilespmem:$0x17E0]  }
0x1fa: {  	v50 =	vld [tilespmem:$0x17F0]  }
0x1fb: {  	v51 =	vld [tilespmem:$0x1800]  }
0x1fc: {  	v52 =	vld [tilespmem:$0x1820];
	[tilespmem:$0x5640] =	vst v3  }
0x1fd: {  	v53 =	vld [tilespmem:$0x1830];
	[tilespmem:$0x5650] =	vst v48  }
0x1fe: {  	v54 =	vld [tilespmem:$0x1840];
	[tilespmem:$0x5660] =	vst v49  }
0x1ff: {  	v55 =	vld [tilespmem:$0x1850];
	[tilespmem:$0x5670] =	vst v50  }
0x200: {  	v3 =	vld [tilespmem:$0x1810];
	[tilespmem:$0x5680] =	vst v51  }
0x201: {  	v56 =	vld [tilespmem:$0x1870];
	[tilespmem:$0x56A0] =	vst v52  }
0x202: {  	v57 =	vld [tilespmem:$0x1880];
	[tilespmem:$0x56B0] =	vst v53  }
0x203: {  	v58 =	vld [tilespmem:$0x1890];
	[tilespmem:$0x56C0] =	vst v54  }
0x204: {  	v59 =	vld [tilespmem:$0x18A0];
	[tilespmem:$0x56D0] =	vst v55  }
0x205: {  	[tilespmem:$0x5690] =	vst v3;
	v3 =	vld [tilespmem:$0x1860]  }
0x206: {  	v60 =	vld [tilespmem:$0x18C0];
	[tilespmem:$0x56F0] =	vst v56  }
0x207: {  	v61 =	vld [tilespmem:$0x18D0];
	[tilespmem:$0x5700] =	vst v57  }
0x208: {  	v62 =	vld [tilespmem:$0x18E0];
	[tilespmem:$0x5710] =	vst v58  }
0x209: {  	v63 =	vld [tilespmem:$0x18F0];
	[tilespmem:$0x5720] =	vst v59  }
0x20a: {  	[tilespmem:$0x56E0] =	vst v3;
	v3 =	vld [tilespmem:$0x18B0]  }
0x20b: {  	[tilespmem:$0x5740] =	vst v60  }
0x20c: {  	[tilespmem:$0x5750] =	vst v61  }
0x20d: {  	[tilespmem:$0x5760] =	vst v62  }
0x20e: {  	[tilespmem:$0x5770] =	vst v63  }
0x20f: {  	s11 =	simm.s32 $0x0;
	[tilespmem:$0x5730] =	vst v3  }
0x210: {  	[tilespmem:s23], [sflag:$0x2] =	stream.indirect.gather [spmem:s2], $0x10, s20, s29, $0xb8;
	[tilespmem:$0x1FD60] =	vst v63  }
.LBB2_12:
0x211: {  	_ =	swait.ge [sflag:s21], $0x1400  }
0x212: {  	[sflag:s21] =	ssyncset.done $0x0  }
0x213: {  	[sflag:s21] =	ssyncadd.s32 $0xFFFFEC00  }
0x214: {  	_ =	swait.ge [sflag:s28], $0x1400  }
0x215: {  	[sflag:s28] =	ssyncset.done $0x0  }
0x216: {  	s0 =	simm.s32 $0x0;
	[sflag:s28] =	ssyncadd.s32 $0xFFFFEC00  }
0x217: {  	v10 =	vld [tilespmem:s0+$0x280]  }
0x218: {  	v14 =	vld [tilespmem:s0+$0x290]  }
0x219: {  	v8 =	vld [tilespmem:s0+$0x2A0]  }
0x21a: {  	v7 =	vld [tilespmem:s0+$0x2B0]  }
0x21b: {  	v6 =	vld [tilespmem:s0+$0x2C0]  }
0x21c: {  	v5 =	vld [tilespmem:s0+$0x2D0]  }
0x21d: {  	v4 =	vld [tilespmem:s0+$0x2E0]  }
0x21e: {  	v3 =	vld [tilespmem:s0+$0x2F0]  }
0x21f: {  	v15 =	vld [tilespmem:s0+$0x2D00]  }
0x220: {  	v16 =	vld [tilespmem:s0+$0x2D10]  }
0x221: {  	v13 =	vld [tilespmem:s0+$0x2D20]  }
0x222: {  	v12 =	vld [tilespmem:s0+$0x2D30]  }
0x223: {  	v11 =	vld [tilespmem:s0+$0x2D40]  }
0x224: {  	v9 =	vld [tilespmem:s0+$0x2D50];
	v15 =	vmul.bf16 v10, v15  }
0x225: {  	s12 =	simm.s32 $0x200;
	v14 =	vmul.bf16 v14, v16;
	v10 =	vld [tilespmem:s0+$0x2D60]  }
.LBB2_13:
0x226: {  	s5 =	sshra.s32 s12, $0x2;
	p1 =	sne.s32 s12, $0x4E00;
	[tilespmem:s0+$0x2D00] =	vst v15;
	v8 =	vmul.bf16 v8, v13;
	v13 =	vld [tilespmem:s0+$0x2D70]  }
0x227: {  	v15 =	vld [tilespmem:s5+$0x280];
	[tilespmem:s0+$0x2D10] =	vst v14;
	v7 =	vmul.bf16 v7, v12  }
0x228: {  	v14 =	vld [tilespmem:s5+$0x290];
	[tilespmem:s0+$0x2D20] =	vst v8;
	v6 =	vmul.bf16 v6, v11  }
0x229: {  	v8 =	vld [tilespmem:s5+$0x2A0];
	[tilespmem:s0+$0x2D30] =	vst v7;
	v5 =	vmul.bf16 v5, v9  }
0x22a: {  	v7 =	vld [tilespmem:s5+$0x2B0];
	[tilespmem:s0+$0x2D40] =	vst v6;
	v4 =	vmul.bf16 v4, v10  }
0x22b: {  	v6 =	vld [tilespmem:s5+$0x2C0];
	[tilespmem:s0+$0x2D50] =	vst v5;
	v3 =	vmul.bf16 v3, v13  }
0x22c: {  	v5 =	vld [tilespmem:s5+$0x2D0];
	[tilespmem:s0+$0x2D60] =	vst v4  }
0x22d: {  	v4 =	vld [tilespmem:s5+$0x2E0];
	[tilespmem:s0+$0x2D70] =	vst v3;
	s0 =	smov.u32 s5  }
0x22e: {  	v3 =	vld [tilespmem:s0+$0x2F0]  }
0x22f: {  	v9 =	vld [tilespmem:s0+$0x2D00]  }
0x230: {  	v10 =	vld [tilespmem:s0+$0x2D10]  }
.Ltmp18:
0x231: {  	v13 =	vld [tilespmem:s0+$0x2D20];
	(pc) =	sbr.rel @p1 .LBB2_13-.Ltmp18, $4  }
0x232: {  	v12 =	vld [tilespmem:s0+$0x2D30]  }
0x233: {  	v11 =	vld [tilespmem:s0+$0x2D40]  }
0x234: {  	v15 =	vmul.bf16 v15, v9;
	v9 =	vld [tilespmem:s0+$0x2D50]  }
0x235: {  	s12 =	sadd.s32 $0x200, s12;
	v14 =	vmul.bf16 v14, v10;
	v10 =	vld [tilespmem:s0+$0x2D60]  }
0x236: {  	[tilespmem:s0+$0x2D00] =	vst v15;
	v8 =	vmul.bf16 v8, v13;
	v13 =	vld [tilespmem:s0+$0x2D70]  }
0x237: {  	[tilespmem:s0+$0x2D10] =	vst v14;
	v7 =	vmul.bf16 v7, v12  }
0x238: {  	[tilespmem:s0+$0x2D20] =	vst v8;
	v6 =	vmul.bf16 v6, v11  }
0x239: {  	[tilespmem:s0+$0x2D30] =	vst v7;
	v5 =	vmul.bf16 v5, v9  }
0x23a: {  	[tilespmem:s0+$0x2D40] =	vst v6;
	v4 =	vmul.bf16 v4, v10  }
0x23b: {  	s5 =	sshll.u32 s11, $0x1;
	[tilespmem:s0+$0x2D50] =	vst v5;
	v3 =	vmul.bf16 v3, v13  }
0x23c: {  	p1 =	seq.s32 s11, $0x4F;
	s12 =	sadd.s32 s17, s5;
	[tilespmem:s0+$0x2D60] =	vst v4  }
0x23d: {  	s22 =	simm.s32 $0x5500;
	[tilespmem:s0+$0x2D70] =	vst v3;
	s0 =	smul.u32 @!p1 $0x140, s12  }
0x23e: {  	[spmem:s3] =	stream.indirect.scatter.add.bf16 [tilespmem:s31], [sflag:$0x3], $0x10, s22, s29, $0xb8;
	[tilespmem:$0x1FD60] =	vst v63  }
0x23f: {  	s0 =	sadd.s32 @!p1 $0x280, s0  }
0x240: {  	s10 =	simm.s32 @!p1 $0x0;
	s5 =	sshll.u32 @!p1 s0, $0x1  }
0x241: {  	s14 =	simm.s32 @!p1 $0x280;
	s0 =	sshrl.u32 @!p1 s0, $0x3;
	s5 =	sadd.s32 @!p1 s9, s5  }
0x242: {  	[tilespmem:s14], [sflag:$0x5] =	stream.linear.gather @!p1 [hbm4b:s5+s10], $0x1400, $0x38;
	[tilespmem:$0x1FD60] =	vst v63  }
0x243: {  	s5 =	sadd.s32 @!p1 s7, s0  }
0x244: {  	[tilespmem:s10], [sflag:$0x7] =	stream.linear.gather @!p1 [hbm4b:s5+s10], $0x140, $0x38;
	[tilespmem:$0x1FD60] =	vst v63  }
0x245: {  	s0 =	sadd.s32 @!p1 s8, s0;
	s5 =	simm.s32 @!p1 $0x140  }
0x246: {  	[tilespmem:s5], [sflag:$0x7] =	stream.linear.gather @!p1 [hbm4b:s0+s10], $0x140, $0x38;
	[tilespmem:$0x1FD60] =	vst v63  }
0x247: {  	_ =	swait.ge [sflag:s15], $0x1400  }
0x248: {  	[sflag:s15] =	ssyncset.done $0x0  }
0x249: {  	[sflag:s15] =	ssyncadd.s32 $0xFFFFEC00  }
0x24a: {  	_ =	swait.ge [sflag:s16], $0x1400  }
0x24b: {  	[sflag:s16] =	ssyncset.done $0x0  }
0x24c: {  	s0 =	simm.s32 $0x0;
	[sflag:s16] =	ssyncadd.s32 $0xFFFFEC00  }
0x24d: {  	v10 =	vld [tilespmem:s0+$0x1900]  }
0x24e: {  	v14 =	vld [tilespmem:s0+$0x1910]  }
0x24f: {  	v8 =	vld [tilespmem:s0+$0x1920]  }
0x250: {  	v7 =	vld [tilespmem:s0+$0x1930]  }
0x251: {  	v6 =	vld [tilespmem:s0+$0x1940]  }
0x252: {  	v5 =	vld [tilespmem:s0+$0x1950]  }
0x253: {  	v4 =	vld [tilespmem:s0+$0x1960]  }
0x254: {  	v3 =	vld [tilespmem:s0+$0x1970]  }
0x255: {  	v15 =	vld [tilespmem:s0+$0x4100]  }
0x256: {  	v16 =	vld [tilespmem:s0+$0x4110]  }
0x257: {  	v13 =	vld [tilespmem:s0+$0x4120]  }
0x258: {  	v12 =	vld [tilespmem:s0+$0x4130]  }
0x259: {  	v11 =	vld [tilespmem:s0+$0x4140]  }
0x25a: {  	v9 =	vld [tilespmem:s0+$0x4150];
	v15 =	vmul.bf16 v10, v15  }
0x25b: {  	s22 =	simm.s32 $0x200;
	v14 =	vmul.bf16 v14, v16;
	v10 =	vld [tilespmem:s0+$0x4160]  }
.LBB2_15:
0x25c: {  	s5 =	sshra.s32 s22, $0x2;
	p2 =	sne.s32 s22, $0x4E00;
	[tilespmem:s0+$0x4100] =	vst v15;
	v8 =	vmul.bf16 v8, v13;
	v13 =	vld [tilespmem:s0+$0x4170]  }
0x25d: {  	v15 =	vld [tilespmem:s5+$0x1900];
	[tilespmem:s0+$0x4110] =	vst v14;
	v7 =	vmul.bf16 v7, v12  }
0x25e: {  	v14 =	vld [tilespmem:s5+$0x1910];
	[tilespmem:s0+$0x4120] =	vst v8;
	v6 =	vmul.bf16 v6, v11  }
0x25f: {  	v8 =	vld [tilespmem:s5+$0x1920];
	[tilespmem:s0+$0x4130] =	vst v7;
	v5 =	vmul.bf16 v5, v9  }
0x260: {  	v7 =	vld [tilespmem:s5+$0x1930];
	[tilespmem:s0+$0x4140] =	vst v6;
	v4 =	vmul.bf16 v4, v10  }
0x261: {  	v6 =	vld [tilespmem:s5+$0x1940];
	[tilespmem:s0+$0x4150] =	vst v5;
	v3 =	vmul.bf16 v3, v13  }
0x262: {  	v5 =	vld [tilespmem:s5+$0x1950];
	[tilespmem:s0+$0x4160] =	vst v4  }
0x263: {  	v4 =	vld [tilespmem:s5+$0x1960];
	[tilespmem:s0+$0x4170] =	vst v3;
	s0 =	smov.u32 s5  }
0x264: {  	v3 =	vld [tilespmem:s0+$0x1970]  }
0x265: {  	v9 =	vld [tilespmem:s0+$0x4100]  }
0x266: {  	v10 =	vld [tilespmem:s0+$0x4110]  }
.Ltmp19:
0x267: {  	v13 =	vld [tilespmem:s0+$0x4120];
	(pc) =	sbr.rel @p2 .LBB2_15-.Ltmp19, $4  }
0x268: {  	v12 =	vld [tilespmem:s0+$0x4130]  }
0x269: {  	v11 =	vld [tilespmem:s0+$0x4140]  }
0x26a: {  	v15 =	vmul.bf16 v15, v9;
	v9 =	vld [tilespmem:s0+$0x4150]  }
0x26b: {  	s22 =	sadd.s32 $0x200, s22;
	v14 =	vmul.bf16 v14, v10;
	v10 =	vld [tilespmem:s0+$0x4160]  }
0x26c: {  	[tilespmem:s0+$0x4100] =	vst v15;
	v8 =	vmul.bf16 v8, v13;
	v63 =	vld [tilespmem:s0+$0x4170]  }
0x26d: {  	[tilespmem:s0+$0x4110] =	vst v14;
	v7 =	vmul.bf16 v7, v12  }
0x26e: {  	[tilespmem:s0+$0x4120] =	vst v8;
	v6 =	vmul.bf16 v6, v11  }
0x26f: {  	[tilespmem:s0+$0x4130] =	vst v7;
	v5 =	vmul.bf16 v5, v9  }
.Ltmp20:
0x270: {  	[tilespmem:s0+$0x4140] =	vst v6;
	v4 =	vmul.bf16 v4, v10;
	(pc) =	sbr.rel @p1 .LBB2_18-.Ltmp20, $4  }
0x271: {  	[tilespmem:s0+$0x4150] =	vst v5;
	v3 =	vmul.bf16 v3, v63  }
0x272: {  	[tilespmem:s0+$0x4160] =	vst v4  }
0x273: {  	s22 =	simm.s32 $0x5640;
	[tilespmem:s0+$0x4170] =	vst v3  }
0x274: {  	[spmem:s3] =	stream.indirect.scatter.add.bf16 [tilespmem:s23], [sflag:$0x4], $0x10, s22, s29, $0xb8;
	[tilespmem:$0x1FD60] =	vst v63  }
0x275: {  	s0 =	smul.u32 $0x140, s12;
	_ =	sdelay $0x1  }
0x276: {  	s0 =	sadd.s32 $0x3C0, s0  }
0x277: {  	s5 =	sshll.u32 s0, $0x1  }
0x278: {  	s10 =	simm.s32 $0x1900;
	s0 =	sshrl.u32 s0, $0x3;
	s5 =	sadd.s32 s9, s5  }
0x279: {  	[tilespmem:s10], [sflag:$0x6] =	stream.linear.gather [hbm4b:s5+s4], $0x1400, $0x38;
	[tilespmem:$0x1FD60] =	vst v63  }
0x27a: {  	s14 =	sadd.s32 s7, s0  }
0x27b: {  	[tilespmem:s20], [sflag:$0x8] =	stream.linear.gather [hbm4b:s14+s4], $0x140, $0x38;
	[tilespmem:$0x1FD60] =	vst v63  }
0x27c: {  	s22 =	simm.s32 $0x17C0;
	s0 =	sadd.s32 s8, s0  }
0x27d: {  	[tilespmem:s22], [sflag:$0x8] =	stream.linear.gather [hbm4b:s0+s4], $0x140, $0x38;
	[tilespmem:$0x1FD60] =	vst v63  }
0x27e: {  	_ =	swait.ge [sflag:s18], $0x1400  }
0x27f: {  	[sflag:s18] =	ssyncset.done $0x0  }
0x280: {  	[sflag:s18] =	ssyncadd.s32 $0xFFFFEC00  }
0x281: {  	_ =	swait.ge [sflag:s30], $0x140  }
0x282: {  	[sflag:s30] =	ssyncset.done $0x0  }
0x283: {  	[sflag:s30] =	ssyncadd.s32 $0xFFFFFEC0  }
0x284: {  	_ =	swait.ge [sflag:s30], $0x140  }
0x285: {  	[sflag:s30] =	ssyncset.done $0x0  }
0x286: {  	[sflag:s30] =	ssyncadd.s32 $0xFFFFFEC0  }
0x287: {  	v3 =	vld [tilespmem:$0x140]  }
0x288: {  	v4 =	vld [tilespmem:$0x150]  }
0x289: {  	v5 =	vld [tilespmem:$0x160]  }
0x28a: {  	v6 =	vld [tilespmem:$0x170]  }
0x28b: {  	v7 =	vld [tilespmem:$0x180]  }
0x28c: {  	v36 =	vld [tilespmem:$0x1A0];
	[tilespmem:$0x5500] =	vst v3  }
0x28d: {  	v37 =	vld [tilespmem:$0x1B0];
	[tilespmem:$0x5510] =	vst v4  }
0x28e: {  	v38 =	vld [tilespmem:$0x1C0];
	[tilespmem:$0x5520] =	vst v5  }
0x28f: {  	v39 =	vld [tilespmem:$0x1D0];
	[tilespmem:$0x5530] =	vst v6  }
0x290: {  	v3 =	vld [tilespmem:$0x190];
	[tilespmem:$0x5540] =	vst v7  }
0x291: {  	v40 =	vld [tilespmem:$0x1F0];
	[tilespmem:$0x5560] =	vst v36  }
0x292: {  	v41 =	vld [tilespmem:$0x200];
	[tilespmem:$0x5570] =	vst v37  }
0x293: {  	v42 =	vld [tilespmem:$0x210];
	[tilespmem:$0x5580] =	vst v38  }
0x294: {  	v43 =	vld [tilespmem:$0x220];
	[tilespmem:$0x5590] =	vst v39  }
0x295: {  	[tilespmem:$0x5550] =	vst v3;
	v3 =	vld [tilespmem:$0x1E0]  }
0x296: {  	v44 =	vld [tilespmem:$0x240];
	[tilespmem:$0x55B0] =	vst v40  }
0x297: {  	v45 =	vld [tilespmem:$0x250];
	[tilespmem:$0x55C0] =	vst v41  }
0x298: {  	v46 =	vld [tilespmem:$0x260];
	[tilespmem:$0x55D0] =	vst v42  }
0x299: {  	v47 =	vld [tilespmem:$0x270];
	[tilespmem:$0x55E0] =	vst v43  }
0x29a: {  	[tilespmem:$0x55A0] =	vst v3;
	v3 =	vld [tilespmem:$0x230]  }
0x29b: {  	[tilespmem:$0x5600] =	vst v44  }
0x29c: {  	[tilespmem:$0x5610] =	vst v45  }
0x29d: {  	[tilespmem:$0x5620] =	vst v46  }
0x29e: {  	[tilespmem:$0x5630] =	vst v47  }
0x29f: {  	[tilespmem:$0x55F0] =	vst v3  }
0x2a0: {  	[tilespmem:s31], [sflag:$0x1] =	stream.indirect.gather [spmem:s2], $0x10, s4, s29, $0xb8;
	[tilespmem:$0x1FD60] =	vst v63  }
0x2a1: {  	_ =	swait.ge [sflag:s19], $0x1400  }
0x2a2: {  	[sflag:s19] =	ssyncset.done $0x0  }
0x2a3: {  	[sflag:s19] =	ssyncadd.s32 $0xFFFFEC00  }
0x2a4: {  	_ =	swait.ge [sflag:s24], $0x140  }
0x2a5: {  	[sflag:s24] =	ssyncset.done $0x0  }
0x2a6: {  	[sflag:s24] =	ssyncadd.s32 $0xFFFFFEC0  }
0x2a7: {  	_ =	swait.ge [sflag:s24], $0x140  }
0x2a8: {  	[sflag:s24] =	ssyncset.done $0x0  }
0x2a9: {  	[sflag:s24] =	ssyncadd.s32 $0xFFFFFEC0  }
0x2aa: {  	v3 =	vld [tilespmem:$0x17C0]  }
0x2ab: {  	v48 =	vld [tilespmem:$0x17D0]  }
0x2ac: {  	v49 =	vld [tilespmem:$0x17E0]  }
0x2ad: {  	v50 =	vld [tilespmem:$0x17F0]  }
0x2ae: {  	v51 =	vld [tilespmem:$0x1800]  }
0x2af: {  	v52 =	vld [tilespmem:$0x1820];
	[tilespmem:$0x5640] =	vst v3  }
0x2b0: {  	v53 =	vld [tilespmem:$0x1830];
	[tilespmem:$0x5650] =	vst v48  }
0x2b1: {  	v54 =	vld [tilespmem:$0x1840];
	[tilespmem:$0x5660] =	vst v49  }
0x2b2: {  	v55 =	vld [tilespmem:$0x1850];
	[tilespmem:$0x5670] =	vst v50  }
0x2b3: {  	v3 =	vld [tilespmem:$0x1810];
	[tilespmem:$0x5680] =	vst v51  }
0x2b4: {  	v56 =	vld [tilespmem:$0x1870];
	[tilespmem:$0x56A0] =	vst v52  }
0x2b5: {  	v57 =	vld [tilespmem:$0x1880];
	[tilespmem:$0x56B0] =	vst v53  }
0x2b6: {  	v58 =	vld [tilespmem:$0x1890];
	[tilespmem:$0x56C0] =	vst v54  }
0x2b7: {  	v59 =	vld [tilespmem:$0x18A0];
	[tilespmem:$0x56D0] =	vst v55  }
0x2b8: {  	[tilespmem:$0x5690] =	vst v3;
	v3 =	vld [tilespmem:$0x1860]  }
0x2b9: {  	v60 =	vld [tilespmem:$0x18C0];
	[tilespmem:$0x56F0] =	vst v56  }
0x2ba: {  	v61 =	vld [tilespmem:$0x18D0];
	[tilespmem:$0x5700] =	vst v57  }
0x2bb: {  	v62 =	vld [tilespmem:$0x18E0];
	[tilespmem:$0x5710] =	vst v58  }
0x2bc: {  	v63 =	vld [tilespmem:$0x18F0];
	[tilespmem:$0x5720] =	vst v59  }
0x2bd: {  	[tilespmem:$0x56E0] =	vst v3;
	v3 =	vld [tilespmem:$0x18B0]  }
0x2be: {  	[tilespmem:$0x5740] =	vst v60  }
.Ltmp21:
0x2bf: {  	[tilespmem:$0x5750] =	vst v61;
	(pc) =	sbr.rel .LBB2_12-.Ltmp21, $4  }
0x2c0: {  	[tilespmem:$0x5760] =	vst v62  }
0x2c1: {  	[tilespmem:$0x5770] =	vst v63  }
0x2c2: {  	s11 =	sadd.s32 $0x1, s11;
	[tilespmem:$0x5730] =	vst v3  }
0x2c3: {  	[tilespmem:s23], [sflag:$0x2] =	stream.indirect.gather [spmem:s2], $0x10, s20, s29, $0xb8;
	[tilespmem:$0x1FD60] =	vst v63  }
.LBB2_18:
0x2c4: {  	_ =	swait.ge [sflag:s18], $0x1400  }
0x2c5: {  	[sflag:s18] =	ssyncset.done $0x0  }
0x2c6: {  	[sflag:s18] =	ssyncadd.s32 $0xFFFFEC00  }
0x2c7: {  	_ =	swait.ge [sflag:s19], $0x1400  }
0x2c8: {  	[sflag:s19] =	ssyncset.done $0x0  }
0x2c9: {  	[sflag:s19] =	ssyncadd.s32 $0xFFFFEC00  }
0x2ca: {  	s0 =	simm.s32 $0x0;
	[bflag:$0x0] =	sbarrier.arrive $0xFFFF  }
0x2cb: {  	p1 =	sne.s32 s13, $0x9;
	s11 =	simm.s32 $0x0;
	[dreg:$0x16] =	wrdreg s13  }
.LBB2_19:
0x2cc: {  	s5 =	sshll.u32 s11, $0x4;
	s10 =	stileid.u32  }
0x2cd: {  	s22 =	sor.u32 s10, s5  }
0x2ce: {  	s5 =	smul.u32 $0x1900, s22;
	_ =	sdelay $0x1  }
0x2cf: {  	s17 =	sshra.s32 s5, $0x1  }
0x2d0: {  	s14 =	sadd.s32 s17, s3  }
0x2d1: {  	[tilespmem:s1], [sflag:$0xA] =	stream.linear.gather [spmem:s14], $0xC80, $0x38;
	[tilespmem:$0x1FD60] =	vst v63  }
0x2d2: {  	_ =	swait.ge [sflag:s6], $0xC80  }
0x2d3: {  	s12 =	sshrl.u32 s5, $0x4;
	[sflag:s6] =	ssyncset.done $0x0;
	s10 =	rddreg [dreg:$0x5]  }
0x2d4: {  	s13 =	simm.s32 $0x6400;
	[sflag:s6] =	ssyncadd.s32 $0xFFFFF380;
	s5 =	sadd.s32 s10, s12  }
0x2d5: {  	[tilespmem:s13], [sflag:$0xA] =	stream.linear.gather [hbm4b:s5+s0], $0xC80, $0x38;
	[tilespmem:$0x1FD60] =	vst v63  }
0x2d6: {  	_ =	swait.ge [sflag:s6], $0xC80  }
0x2d7: {  	[sflag:s6] =	ssyncset.done $0x0  }
0x2d8: {  	s5 =	simm.s32 $0x0;
	[sflag:s6] =	ssyncadd.s32 $0xFFFFF380  }
0x2d9: {  	s10 =	simm.s32 $0x40;
	v3 =	vld [tilespmem:s5+$0x6400]  }
.LBB2_20:
0x2da: {  	p2 =	sne.s32 s10, $0x31C0;
	v4 =	vld [tilespmem:s5+$0x5780];
	_ =	sdelay $0x4  }
.Ltmp22:
0x2db: {  	v3 =	vmul.bf16 v2, v3;
	v4 =	vmul.bf16 v1, v4;
	(pc) =	sbr.rel @p2 .LBB2_20-.Ltmp22, $4  }
0x2dc: {  	_ = 	snop  }
0x2dd: {  	v4 =	vadd.bf16 v3, v4  }
0x2de: {  	s13 =	sshra.s32 s10, $0x2  }
0x2df: {  	s10 =	sadd.s32 $0x40, s10;
	v3 =	vld [tilespmem:s13+$0x6400];
	[tilespmem:s5+$0x5780] =	vst v4;
	s5 =	smov.u32 s13  }
0x2e0: {  	v4 =	vld [tilespmem:s5+$0x5780];
	_ =	sdelay $0x4  }
0x2e1: {  	v3 =	vmul.bf16 v2, v3;
	v4 =	vmul.bf16 v1, v4;
	_ =	sdelay $0x1  }
0x2e2: {  	v3 =	vadd.bf16 v3, v4;
	_ =	sdelay $0x1  }
0x2e3: {  	s13 =	sadd.s32 s17, s2;
	[tilespmem:s5+$0x5780] =	vst v3  }
0x2e4: {  	[spmem:s13] =	stream.linear.scatter [tilespmem:s1], [sflag:$0xA], $0xC80, $0x38;
	[tilespmem:$0x1FD60] =	vst v63  }
0x2e5: {  	_ =	swait.ge [sflag:s6], $0xC80  }
0x2e6: {  	[sflag:s6] =	ssyncset.done $0x0  }
0x2e7: {  	s17 =	smul.u32 $0x3200, s22;
	[sflag:s6] =	ssyncadd.s32 $0xFFFFF380  }
0x2e8: {  	[spmem:s14] =	stream.linear.scatter [tilespmem:s26], [sflag:$0xA], $0x640, $0x38;
	[tilespmem:$0x1FD60] =	vst v63  }
0x2e9: {  	s5 =	sshra.s32 s17, $0x2;
	_ =	swait.ge [sflag:s6], $0x640  }
0x2ea: {  	s5 =	sadd.s32 s5, s3;
	[sflag:s6] =	ssyncset.done $0x0  }
0x2eb: {  	s5 =	sadd.s32 $0x640, s5;
	[sflag:s6] =	ssyncadd.s32 $0xFFFFF9C0  }
0x2ec: {  	[spmem:s5] =	stream.linear.scatter [tilespmem:s26], [sflag:$0xA], $0x640, $0x38;
	[tilespmem:$0x1FD60] =	vst v63  }
0x2ed: {  	_ =	swait.ge [sflag:s6], $0x640  }
0x2ee: {  	s10 =	simm.s32 @!p1 $0x0;
	[sflag:s6] =	ssyncset.done $0x0;
	s5 =	rddreg [dreg:$0x7]  }
0x2ef: {  	[sflag:s6] =	ssyncadd.s32 $0xFFFFF9C0;
	s5 =	sadd.s32 @!p1 s5, s12;
	s12 =	simm.s32 @!p1 $0x5780  }
0x2f0: {  	[hbm4b:s5+s10] =	stream.linear.scatter @!p1 [tilespmem:s12], [sflag:$0x9], $0xC80, $0x38;
	[tilespmem:$0x1FD60] =	vst v63  }
0x2f1: {  	s5 =	simm.s32 @!p1 $0x9  }
0x2f2: {  	_ =	swait.ge @!p1 [sflag:s5], $0xC80  }
0x2f3: {  	s11 =	sadd.s32 $0x1, s11;
	s22 =	rddreg [dreg:$0x9]  }
0x2f4: {  	p2 =	sne.s32 s11, s22  }
.Ltmp23:
0x2f5: {  	_ = 	snop;
	(pc) =	sbr.rel @p2 .LBB2_19-.Ltmp23, $3  }
0x2f6: {  	_ =	sdelay $0x1  }
0x2f7: {  	[sflag:s5] =	ssyncset.done @!p1 $0x0  }
0x2f8: {  	[sflag:s5] =	ssyncadd.s32 @!p1 $0xFFFFF380  }
0x2f9: {  	s13 =	rddreg [dreg:$0x16]  }
0x2fa: {  	s13 =	sadd.s32 $0x1, s13  }
0x2fb: {  	p1 =	seq.s32 s13, $0xA  }
.Ltmp24:
0x2fc: {  	_ = 	snop;
	(pc) =	sbr.rel @!p1 .LBB2_11-.Ltmp24, $4  }
.Ltmp25:
0x2fd: {  	_ = 	snop;
	(pc) =	sbr.rel @p1 .LBB2_42-.Ltmp25, $4  }
0x2fe: {  	_ = 	snop  }
0x2ff: {  	[bflag:$0x0] =	sbarrier.arrive $0xFFFF  }
0x300: {  	s17 =	rddreg [dreg:$0x6]  }
0x301: {  	_ = 	snop  }
.LBB2_24:
.Ltmp26:
0x302: {  	(pc) =	sbr.rel .LBB2_29-.Ltmp26, $3  }
0x303: {  	_ =	sdelay $0x1  }
0x304: {  	s14 =	rddreg [dreg:$0x14]  }
0x305: {  	s11 =	rddreg [dreg:$0x11]  }
.LBB2_5:
.Ltmp27:
0x306: {  	(pc) =	sbr.rel .LBB2_10-.Ltmp27, $3  }
0x307: {  	_ =	sdelay $0x1  }
0x308: {  	s14 =	rddreg [dreg:$0x12]  }
0x309: {  	s11 =	rddreg [dreg:$0x11]  }
.LBB2_26:
.Ltmp28:
0x30a: {  	(pc) =	sbr.rel .LBB2_29-.Ltmp28, $2  }
0x30b: {  	_ =	sdelay $0x2  }
0x30c: {  	s17 =	rddreg [dreg:$0x6]  }
.LBB2_7:
.Ltmp29:
0x30d: {  	(pc) =	sbr.rel .LBB2_10-.Ltmp29, $2  }
0x30e: {  	_ =	sdelay $0x2  }
0x30f: {  	s17 =	rddreg [dreg:$0x6]  }
.LBB2_43:
0x310: {  	_ =	sfence.sel $0x180000  }
0x311: {  	[bflag:$0x0] =	sbarrier.arrive $0xFFFF  }
0x312: {  	_ =	strace $0x9000004D  }
0x313: {  	s0 =	stileid.u32;
	[bflag:$0x2] =	sbarrier.arrive $0xFFFF  }
0x314: {  	p0 =	sne.s32 s0, $0x0;
	s0 =	rddreg [dreg:$0x4]  }
0x315: {  	s0 =	sadd.s32 @!p0 $0x100000, s0  }
0x316: {  	[sflag:s0] =	ssyncadd.tile.s32 @!p0 $0x1;
	_ =	shalt  }
.Lfunc_end2:
_tile_overlayer_lowered:
.L_overlay_start_2:
0x317: {  	(tag) =	ssettag $0x2  }
0x318: {  	s0 =	rddreg [dreg:$0x0];
	s2 =	stileid.u32  }
0x319: {  	s1 =	rddreg [dreg:$0x1];
	p0 =	sne.s32 s2, $0x0  }
0x31a: {  	s3 =	rddreg [dreg:$0x2];
	[bflag:$0x3] =	sbarrier.arrive $0xFFFF;
	s2 =	simm.s32 @!p0 $0x1C09  }
0x31b: {  	[timem:s3], [sflag:s2] =	dma.local @!p0 [hbm:s0], s1  }
0x31c: {  	s0 =	simm.s32 @!p0 $0x9  }
0x31d: {  	_ =	swait.ge @!p0 [sflag:s0], s1  }
0x31e: {  	s1 =	ssub.s32 @!p0 $0x0, s1;
	[sflag:s0] =	ssyncset.done @!p0 $0x0  }
0x31f: {  	[sflag:s0] =	ssyncadd.s32 @!p0 s1  }
0x320: {  	[bflag:$0x3] =	sbarrier.arrive $0xFFFF  }
0x321: {  	_ =	shalt  }

// kernel: sparse-core-data-format-call.cloned.1.call-start
scs
called_computation_lowered:
.L_overlay_start_0:
0x0: {  	s2 =	sld [smem:$0x3FD9]  }
0x1: {  	s3 =	sld [smem:$0x3FFE];
	_ =	sdelay $0x1  }
0x2: {  	s1 =	srdreg.scid  }
0x3: {  	s0 =	sand.u32 $0x1, s1  }
0x4: {  	s18 =	sshll.u32 s0, $0xA;
	s2 =	sadd.s32 s3, s2  }
0x5: {  	s2 =	sadd.s32 s2, s18  }
0x6: {  	[smem:$0x3FC0] =	sst s2  }
0x7: {  	_ = 	snop  }
0x8: {  	(tm) =	ssettm $0x1  }
0x9: {  	s19 =	sld [smem:$0x3FFB];
	_ =	sdelay $0x3  }
0xa: {  	_ =	strace s19  }
0xb: {  	s2 =	sld [smem:$0x3FFC];
	_ =	sdelay $0x3  }
0xc: {  	_ =	strace s2  }
0xd: {  	s2 =	sld [smem:$0x3FFD];
	_ =	sdelay $0x3  }
0xe: {  	_ =	strace s2  }
0xf: {  	_ =	strace $0x8FFFFFFF  }
0x10: {  	s20 =	sld [smem:$0x3FDB];
	_ =	sdelay $0x1  }
0x11: {  	s21 =	simm.s32 $_scs_section_size  }
0x12: {  	s4 =	simm.s32 $_size__tile_overlayer_lowered;
	s5 =	simm.s32 $_tile_overlayer_lowered  }
0x13: {  	s6 =	simm.s32 $0x1BFF;
	s22 =	sshll.u32 s5, $0x1;
	s3 =	sadd.s32 s21, s20  }
0x14: {  	s23 =	simm.s32 $0x0;
	s4 =	sshll.u32 s4, $0x1;
	s5 =	sadd.s32 s22, s3  }
0x15: {  	[timem:s23], [sflag:s6] =	dma.local [hbm:s5], s4  }
0x16: {  	_ =	swait.ge [sflag:s6], s4  }
0x17: {  	s4 =	ssub.s32 $0x0, s4;
	[sflag:s6] =	ssyncset.done $0x0  }
0x18: {  	[sflag:s6] =	ssyncadd.s32 s4;
	_ =	sdelay $0x1  }
0x19: {  	s24 =	simm.s32 $0x1B8B  }
0x1a: {  	_ =	swait.ge [sflag:s24], $0x1  }
0x1b: {  	[sflag:s24] =	ssyncset.done $0x0  }
0x1c: {  	[sflag:s24] =	ssyncadd.s32 $0xFFFFFFFF  }
0x1d: {  	s4 =	sld [smem:$0x0]  }
0x1e: {  	s5 =	sand.u32 $0xFFFFFFFE, s1  }
0x1f: {  	p0 =	sne.s32 s1, s5  }
0x20: {  	s5 =	sshll.u32 @p0 s5, $0xE  }
0x21: {  	s5 =	sadd.s32 @p0 $0x11B8D, s5;
	s6 =	sshll.u32 @p0 s4, $0x11  }
0x22: {  	s5 =	sor.u32 @p0 s6, s5  }
0x23: {  	[sflag:s5] =	ssyncadd.remote.s32 @p0 $0x1;
	_ =	sdelay $0x1  }
0x24: {  	s5 =	simm.s32 @p0 $0x1B8D  }
0x25: {  	_ =	swait.eq @p0 [sflag:s5], $0x1  }
0x26: {  	[sflag:s5] =	ssyncadd.s32 @p0 $0xFFFFFFFF  }
0x27: {  	s6 =	sshll.u32 @!p0 s1, $0xE  }
0x28: {  	s6 =	sor.u32 @!p0 $0x4000, s6;
	s5 =	simm.s32 @!p0 $0x1B8D  }
0x29: {  	s4 =	sshll.u32 @!p0 s4, $0x11;
	s6 =	sadd.s32 @!p0 $0x11B8D, s6;
	_ =	swait.eq @!p0 [sflag:s5], $0x1  }
0x2a: {  	s4 =	sor.u32 @!p0 s4, s6;
	[sflag:s5] =	ssyncadd.s32 @!p0 $0xFFFFFFFF  }
0x2b: {  	s26 =	simm.s32 $0x1B8E;
	s25 =	sld [smem:$0x3FFE];
	[sflag:s4] =	ssyncadd.remote.s32 @!p0 $0x1  }
0x2c: {  	s27 =	simm.s32 $execute0_lowered;
	[smem:$0x3FD2] =	sst s26  }
0x2d: {  	s5 =	sshll.u32 s27, $0x1;
	_ =	strace $0x80000049;
	[dreg:$0x1] =	wrdreg $0xFFFFFFFF  }
0x2e: {  	s28 =	simm.s32 $_size_execute0_lowered;
	s3 =	sadd.s32 s3, s5;
	[dreg:$0x0] =	wrdreg $0x0  }
0x2f: {  	s5 =	sshll.u32 s28, $0x1;
	[dreg:$0x2] =	wrdreg s3  }
0x30: {  	[dreg:$0x3] =	wrdreg s5  }
0x31: {  	[dreg:$0x4] =	wrdreg $0xC0  }
0x32: {  	_ =	task [dreg:s23], $0x5FFFF  }
0x33: {  	[dreg:$0x1] =	wrdreg $0xFFFFFFFF  }
0x34: {  	[dreg:$0x0] =	wrdreg $0x60  }
0x35: {  	[dreg:$0x2] =	wrdreg s25  }
0x36: {  	[dreg:$0x3] =	wrdreg $0x9  }
0x37: {  	_ =	task.clear_ibuf [dreg:s23], $0x4FFFF;
	_ =	strace $0x90000049  }
0x38: {  	s29 =	simm.s32 $0x9;
	_ =	strace $0x8000004B  }
0x39: {  	_ =	swait.ge [sflag:s29], $0x1  }
0x3a: {  	[sflag:s29] =	ssyncadd.s32 $0xFFFFFFFF  }
0x3b: {  	_ =	strace $0x9000004B  }
0x3c: {  	_ =	sfence  }
0x3d: {  	s30 =	sld [smem:$0x0];
	_ =	sdelay $0x2  }
0x3e: {  	s31 =	sshll.u32 s1, $0xD;
	s1 =	sshrl.u32 s1, $0x2  }
0x3f: {  	s4 =	sand.u32 $0x4000, s31;
	s1 =	sadd.s32 s1, s30  }
0x40: {  	s0 =	sor.u32 s4, s0;
	s1 =	sshll.u32 s1, $0x11  }
0x41: {  	s0 =	sor.u32 s1, s0  }
0x42: {  	s0 =	sadd.s32 $0x8F2B, s0  }
0x43: {  	[sflag:s0] =	ssyncadd.remote.s32 $0x1  }
0x44: {  	_ =	sfence.sel $0xFFFF  }
0x45: {  	[dreg:$0x0] =	wrdreg $0xFFFFFFFF;
	(pc) =	sbr.abs _section_cstart, $3  }
0x46: {  	[dreg:$0x1] =	wrdreg $0xFFFFFFFF  }
0x47: {  	_ =	task.clear_ibuf [dreg:s23], $0x2FFFF;
	_ =	strace $0x9FFFFFFF  }
0x48: {  	(tm) =	ssettm $0x7FFFFFFF  }
0x49: {  	_ =	shalt  }
tec
execute0_lowered:
.L_overlay_start_1:
0x0: {  	(tag) =	ssettag $0x1  }
0x1: {  	s0 =	srdreg.scid  }
0x2: {  	s1 =	sshll.u32 s0, $0x4  }
0x3: {  	s4 =	rddreg [dreg:$0x0];
	s0 =	stileid.u32;
	s1 =	sand.u32 $0x10, s1  }
0x4: {  	s7 =	simm.s32 $0x1;
	s8 =	simm.s32 $0x2;
	s2 =	sor.u32 s0, s1  }
0x5: {  	s9 =	simm.s32 $0x0;
	s12 =	simm.s32 $0x0;
	s2 =	sshll.u32 s2, $0x4  }
0x6: {  	s11 =	simm.s32 $0x0;
	s3 =	sadd.s32 $0x105E00, s4;
	s6 =	ssub.s32 $0x3200, s2  }
.Ltmp0:
0x7: {  	s4 =	sadd.s32 $0x295E00, s4;
	s5 =	sand.u32 $0x1F0, s6;
	(pc) =	sbr.rel .LBB1_1-.Ltmp0, $4  }
0x8: {  	s1 =	rddreg [dreg:$0x1];
	_ =	strace $0x8000004A;
	p0 =	sne.s32 s5, $0x0  }
0x9: {  	s6 =	sshrl.u32 s6, $0x9;
	s5 =	simm.s32 $0x1;
	s7 =	simm.s32 @!p0 $0x0  }
0xa: {  	s10 =	smov.u32 s2;
	[sflag:s5] =	ssyncpa.u1 $0x0;
	s6 =	sadd.s32 s7, s6  }
0xb: {  	[sflag:s8] =	ssyncpa.u1 $0x0;
	s8 =	simm.s32 $0x0;
	s7 =	sadd.s32 $0x1, s6  }
.LBB1_7:
0xc: {  	s14 =	sadd.s32 $0x200, s10  }
0xd: {  	p1 =	sgt.s32 s14, $0x31FF  }
0xe: {  	s14 =	smov.u32 @p1 s2;
	p1 =	sne.s32 s11, s7  }
.Ltmp1:
0xf: {  	p0 =	slt.u32 s11, $0x2;
	(pc) =	sbr.rel @!p1 .LBB1_8-.Ltmp1, $4  }
0x10: {  	s13 =	simm.s32 @!p0 $0x2  }
0x11: {  	s15 =	sadd.s32 $0x1, s11;
	_ =	swait.ge @!p0 [sflag:s13], $0x4000  }
0x12: {  	s12 =	smov.u32 s10;
	s9 =	sadd.s32 $0x8000, s9;
	[sflag:s13] =	ssyncset.done @!p0 $0x0  }
0x13: {  	s11 =	smov.u32 s15;
	s10 =	smov.u32 s14;
	[sflag:s13] =	ssyncadd.s32 @!p0 $0xFFFFC000  }
.LBB1_1:
0x14: {  	p0 =	sge.u32 s11, s6  }
0x15: {  	s13 =	sxor.u32 @!p0 $0xFFFFFFFF, s11  }
0x16: {  	s31 =	sadd.s32 $0xFFFFFFFF, s11;
	s14 =	sshll.u32 @!p0 s10, $0x7;
	s13 =	sshll.u32 @!p0 s13, $0xE  }
0x17: {  	s15 =	simm.s32 @!p0 $0x0;
	s14 =	sadd.s32 @!p0 s3, s14;
	s13 =	sand.u32 @!p0 $0x4000, s13  }
0x18: {  	[tilespmem:s13], [sflag:$0x1] =	stream.linear.gather @!p0 [hbm4b:s14+s15], $0x4000, $0x38;
	[tilespmem:$0x10000] =	vst v63  }
0x19: {  	p0 =	sge.u32 s31, s6  }
.Ltmp2:
0x1a: {  	_ = 	snop;
	(pc) =	sbr.rel @p0 .LBB1_7-.Ltmp2, $1  }
0x1b: {  	_ =	sdelay $0x3  }
0x1c: {  	s13 =	sshrl.u32 s9, $0x1;
	_ =	swait.ge [sflag:s5], $0x4000  }
0x1d: {  	s15 =	sshll.u32 s11, $0xE;
	s16 =	simm.s32 $0x0;
	s14 =	sand.u32 $0x4000, s13  }
0x1e: {  	[sflag:s5] =	ssyncset.done $0x0;
	s15 =	sand.u32 $0x4000, s15;
	s13 =	sor.u32 $0x200, s14  }
0x1f: {  	s14 =	sor.u32 $0x8080, s14;
	[sflag:s5] =	ssyncadd.s32 $0xFFFFC000;
	s15 =	sor.u32 $0x8000, s15  }
.LBB1_3:
0x20: {  	v0 =	vld [tilespmem:s13+$0xFFFFFE70]  }
0x21: {  	v1 =	vld [tilespmem:s13+$0x70]  }
0x22: {  	v2 =	vld [tilespmem:s13+$0x0]  }
0x23: {  	v3 =	vld [tilespmem:s13+$0xFFFFFE10]  }
0x24: {  	v4 =	vld [tilespmem:s13+$0x10]  }
0x25: {  	v5 =	vld [tilespmem:s13+$0xFFFFFE20]  }
0x26: {  	v7 =	vld [tilespmem:s13+$0x20]  }
0x27: {  	v11 =	vld [tilespmem:s13+$0x30];
	v6 =	vunpack.i.l.s16.s32 v0;
	v8 =	vunpack.i.u.s16.s32 v0;
	v9 =	vunpack.i.u.s16.s32 v1  }
0x28: {  	v10 =	vunpack.i.l.s16.s32 v1;
	v0 =	vunpack.i.u.s16.s32 v2;
	v1 =	vunpack.i.l.s16.s32 v2;
	v2 =	vld [tilespmem:s13+$0xFFFFFE30]  }
0x29: {  	v8 =	vpack.i.b32.b16 v9, v8;
	v9 =	vunpack.i.u.s16.s32 v3;
	v3 =	vunpack.i.l.s16.s32 v3  }
0x2a: {  	v12 =	vld [tilespmem:s13+$0xFFFFFE40];
	v6 =	vpack.i.b32.b16 v10, v6;
	[tilespmem:s14+$0x70] =	vst v8;
	v8 =	vunpack.i.u.s16.s32 v4;
	v4 =	vunpack.i.l.s16.s32 v4  }
0x2b: {  	v13 =	vld [tilespmem:s13+$0x40];
	v10 =	vunpack.i.u.s16.s32 v5;
	v5 =	vunpack.i.l.s16.s32 v5;
	[tilespmem:s14+$0xFFFFFFF0] =	vst v6;
	v3 =	vpack.i.b32.b16 v4, v3  }
0x2c: {  	v6 =	vunpack.i.l.s16.s32 v7;
	v4 =	vld [tilespmem:s13+$0xFFFFFE50];
	[tilespmem:s14+$0xFFFFFF90] =	vst v3;
	v3 =	vpack.i.b32.b16 v8, v9;
	v8 =	vunpack.i.u.s16.s32 v7  }
0x2d: {  	v7 =	vunpack.i.l.s16.s32 v11;
	[tilespmem:s14+$0x10] =	vst v3;
	v3 =	vpack.i.b32.b16 v6, v5;
	v9 =	vunpack.i.u.s16.s32 v2;
	v6 =	vld [tilespmem:s13+$0x50]  }
0x2e: {  	v5 =	vunpack.i.l.s16.s32 v2;
	v2 =	vld [tilespmem:s13+$0xFFFFFE60];
	[tilespmem:s14+$0xFFFFFFA0] =	vst v3;
	v3 =	vpack.i.b32.b16 v8, v10;
	v10 =	vunpack.i.u.s16.s32 v11  }
0x2f: {  	s19 =	simm.s32 $0x0;
	v11 =	vpack.i.b32.b16 v7, v5;
	v7 =	vunpack.i.u.s16.s32 v12;
	v8 =	vunpack.i.l.s16.s32 v12;
	[tilespmem:s14+$0x20] =	vst v3;
	v3 =	vld [tilespmem:s13+$0x60]  }
0x30: {  	s20 =	sadd.s32 $0x80, s13;
	s18 =	smov.u32 s14;
	s17 =	smov.u32 s14;
	v5 =	vld [tilespmem:s13+$0xFFFFFE00];
	[tilespmem:s14+$0xFFFFFFB0] =	vst v11;
	v10 =	vpack.i.b32.b16 v10, v9;
	v9 =	vunpack.i.u.s16.s32 v13;
	v11 =	vunpack.i.l.s16.s32 v13  }
.LBB1_4:
0x31: {  	v12 =	vld [tilespmem:s20+$0xFFFFFE70];
	[tilespmem:s18+$0x30] =	vst v10;
	v8 =	vpack.i.b32.b16 v11, v8;
	v10 =	vunpack.i.u.s16.s32 v4;
	v4 =	vunpack.i.l.s16.s32 v4  }
0x32: {  	s19 =	sadd.s32 $0x2, s19;
	v7 =	vpack.i.b32.b16 v9, v7;
	v11 =	vld [tilespmem:s20+$0x70];
	[tilespmem:s18+$0xFFFFFFC0] =	vst v8;
	v8 =	vunpack.i.u.s16.s32 v6;
	v6 =	vunpack.i.l.s16.s32 v6  }
0x33: {  	p0 =	slt.u32 s19, $0x6;
	v9 =	vld [tilespmem:s20+$0x0];
	[tilespmem:s18+$0x40] =	vst v7;
	v4 =	vpack.i.b32.b16 v6, v4;
	v6 =	vunpack.i.u.s16.s32 v2;
	v2 =	vunpack.i.l.s16.s32 v2  }
0x34: {  	v7 =	vld [tilespmem:s20+$0xFFFFFE10];
	[tilespmem:s18+$0xFFFFFFD0] =	vst v4;
	v4 =	vpack.i.b32.b16 v8, v10;
	v8 =	vunpack.i.u.s16.s32 v3;
	v3 =	vunpack.i.l.s16.s32 v3  }
0x35: {  	v10 =	vld [tilespmem:s20+$0x10];
	v13 =	vunpack.i.u.s16.s32 v5;
	v5 =	vunpack.i.l.s16.s32 v5;
	[tilespmem:s18+$0x50] =	vst v4;
	v2 =	vpack.i.b32.b16 v3, v2  }
0x36: {  	v3 =	vld [tilespmem:s20+$0xFFFFFE20];
	v4 =	vunpack.i.l.s16.s32 v12;
	v1 =	vpack.i.b32.b16 v1, v5;
	v5 =	vpack.i.b32.b16 v0, v13;
	[tilespmem:s18+$0xFFFFFFE0] =	vst v2  }
0x37: {  	v12 =	vunpack.i.u.s16.s32 v12;
	v2 =	vld [tilespmem:s20+$0x20];
	v13 =	vunpack.i.u.s16.s32 v11;
	v11 =	vunpack.i.l.s16.s32 v11;
	[tilespmem:s18+$0xFFFFFF80] =	vst v1  }
0x38: {  	s18 =	sadd.s32 $0x100, s18;
	v0 =	vunpack.i.u.s16.s32 v9;
	v1 =	vunpack.i.l.s16.s32 v9;
	v9 =	vld [tilespmem:s20+$0xFFFFFE30];
	v12 =	vpack.i.b32.b16 v13, v12;
	[tilespmem:s17+$0x0] =	vst v5  }
0x39: {  	v6 =	vpack.i.b32.b16 v8, v6;
	v5 =	vunpack.i.u.s16.s32 v7;
	v7 =	vunpack.i.l.s16.s32 v7;
	v13 =	vld [tilespmem:s20+$0x30];
	[tilespmem:s18+$0x70] =	vst v12  }
0x3a: {  	v4 =	vpack.i.b32.b16 v11, v4;
	v8 =	vunpack.i.u.s16.s32 v10;
	v10 =	vunpack.i.l.s16.s32 v10;
	v12 =	vld [tilespmem:s20+$0xFFFFFE40];
	[tilespmem:s17+$0x60] =	vst v6;
	s17 =	smov.u32 s18  }
0x3b: {  	v6 =	vpack.i.b32.b16 v10, v7;
	v7 =	vunpack.i.u.s16.s32 v3;
	v3 =	vunpack.i.l.s16.s32 v3;
	v11 =	vld [tilespmem:s20+$0x40];
	[tilespmem:s18+$0xFFFFFFF0] =	vst v4  }
.Ltmp3:
0x3c: {  	v5 =	vpack.i.b32.b16 v8, v5;
	[tilespmem:s18+$0xFFFFFF90] =	vst v6;
	v8 =	vunpack.i.u.s16.s32 v2;
	v2 =	vunpack.i.l.s16.s32 v2;
	v4 =	vld [tilespmem:s20+$0xFFFFFE50];
	(pc) =	sbr.rel @p0 .LBB1_4-.Ltmp3, $4  }
0x3d: {  	[tilespmem:s18+$0x10] =	vst v5;
	v2 =	vpack.i.b32.b16 v2, v3;
	v10 =	vunpack.i.u.s16.s32 v9;
	v3 =	vunpack.i.l.s16.s32 v9;
	v6 =	vld [tilespmem:s20+$0x50]  }
0x3e: {  	v5 =	vpack.i.b32.b16 v8, v7;
	[tilespmem:s18+$0xFFFFFFA0] =	vst v2;
	v9 =	vunpack.i.u.s16.s32 v13;
	v7 =	vunpack.i.l.s16.s32 v13;
	v2 =	vld [tilespmem:s20+$0xFFFFFE60]  }
0x3f: {  	[tilespmem:s18+$0x20] =	vst v5;
	v13 =	vpack.i.b32.b16 v7, v3;
	v7 =	vunpack.i.u.s16.s32 v12;
	v8 =	vunpack.i.l.s16.s32 v12;
	v3 =	vld [tilespmem:s20+$0x60]  }
0x40: {  	v10 =	vpack.i.b32.b16 v9, v10;
	v5 =	vld [tilespmem:s20+$0xFFFFFE00];
	[tilespmem:s18+$0xFFFFFFB0] =	vst v13;
	v9 =	vunpack.i.u.s16.s32 v11;
	v11 =	vunpack.i.l.s16.s32 v11;
	s20 =	sadd.s32 $0x80, s20  }
0x41: {  	[tilespmem:s18+$0x30] =	vst v10;
	v8 =	vpack.i.b32.b16 v11, v8  }
0x42: {  	v51 =	vunpack.i.l.s16.s32 v4;
	v7 =	vpack.i.b32.b16 v9, v7;
	[tilespmem:s18+$0xFFFFFFC0] =	vst v8;
	v52 =	vunpack.i.l.s16.s32 v6  }
0x43: {  	v53 =	vunpack.i.u.s16.s32 v4;
	s16 =	sadd.s32 $0x1, s16;
	v54 =	vunpack.i.u.s16.s32 v6;
	[tilespmem:s18+$0x40] =	vst v7;
	v55 =	vpack.i.b32.b16 v52, v51  }
0x44: {  	p0 =	sne.s32 s16, $0x10;
	v56 =	vunpack.i.l.s16.s32 v2;
	v4 =	vpack.i.b32.b16 v54, v53;
	[tilespmem:s18+$0xFFFFFFD0] =	vst v55;
	v57 =	vunpack.i.l.s16.s32 v3  }
.Ltmp4:
0x45: {  	[tilespmem:s18+$0x50] =	vst v4;
	v58 =	vunpack.i.l.s16.s32 v5;
	v59 =	vpack.i.b32.b16 v57, v56;
	(pc) =	sbr.rel @p0 .LBB1_3-.Ltmp4, $4  }
0x46: {  	v61 =	vunpack.i.u.s16.s32 v2;
	v62 =	vunpack.i.u.s16.s32 v3;
	v1 =	vpack.i.b32.b16 v1, v58;
	[tilespmem:s18+$0xFFFFFFE0] =	vst v59  }
0x47: {  	v60 =	vunpack.i.u.s16.s32 v5;
	v63 =	vpack.i.b32.b16 v62, v61;
	[tilespmem:s18+$0xFFFFFF80] =	vst v1  }
0x48: {  	v0 =	vpack.i.b32.b16 v0, v60;
	[tilespmem:s17+$0x60] =	vst v63  }
0x49: {  	s13 =	sadd.s32 $0x400, s13;
	s14 =	sadd.s32 $0x400, s14;
	[tilespmem:s17+$0x0] =	vst v0  }
.Ltmp5:
0x4a: {  	(pc) =	sbr.rel .LBB1_7-.Ltmp5, $4  }
0x4b: {  	_ = 	snop  }
0x4c: {  	s12 =	sshll.u32 s12, $0x7  }
0x4d: {  	s12 =	sadd.s32 s4, s12  }
0x4e: {  	[hbm4b:s12+s8] =	stream.linear.scatter [tilespmem:s15], [sflag:$0x2], $0x4000, $0x38;
	[tilespmem:$0x10000] =	vst v63  }
.LBB1_8:
0x4f: {  	_ =	sfence.sel $0x180000  }
0x50: {  	s2 =	simm.s32 $0x1;
	[bflag:$0x0] =	sbarrier.arrive $0xFFFF  }
0x51: {  	s31 =	simm.s32 $0x2;
	[sflag:s2] =	ssyncpa.u1 $0x1  }
0x52: {  	[sflag:s31] =	ssyncpa.u1 $0x1  }
0x53: {  	p0 =	sne.s32 s0, $0x0;
	_ =	strace $0x9000004A  }
0x54: {  	s0 =	sadd.s32 @!p0 $0x100000, s1;
	[bflag:$0x2] =	sbarrier.arrive $0xFFFF  }
0x55: {  	[sflag:s0] =	ssyncadd.tile.s32 @!p0 $0x1;
	_ =	shalt  }
.Lfunc_end1:
_tile_overlayer_lowered:
.L_overlay_start_2:
0x56: {  	(tag) =	ssettag $0x2  }
0x57: {  	s0 =	rddreg [dreg:$0x0];
	s2 =	stileid.u32  }
0x58: {  	s1 =	rddreg [dreg:$0x1];
	p0 =	sne.s32 s2, $0x0  }
0x59: {  	s3 =	rddreg [dreg:$0x2];
	[bflag:$0x3] =	sbarrier.arrive $0xFFFF;
	s2 =	simm.s32 @!p0 $0x1C01  }
0x5a: {  	[timem:s3], [sflag:s2] =	dma.local @!p0 [hbm:s0], s1  }
0x5b: {  	s0 =	simm.s32 @!p0 $0x1  }
0x5c: {  	_ =	swait.ge @!p0 [sflag:s0], s1  }
0x5d: {  	s1 =	ssub.s32 @!p0 $0x0, s1;
	[sflag:s0] =	ssyncset.done @!p0 $0x0  }
0x5e: {  	[sflag:s0] =	ssyncadd.s32 @!p0 s1  }
0x5f: {  	[bflag:$0x3] =	sbarrier.arrive $0xFFFF  }
0x60: {  	_ =	shalt  }

</sc_bundles>
